<compile_context>
chip_gen: v7x
topology: tpu7x:2x2x1
jax: 0.10.2.dev20260603
libtpu: 0.0.44.dev20260713+nightly
codegen_flags: <defaults>
</compile_context>

<pallas_src>
import functools

import jax
import jax.numpy as jnp
from jax import lax
from jax.experimental import pallas as pl
from jax.experimental.pallas import tpu as pltpu
from jax.experimental.pallas import tpu_sc as plsc

_LANES = 16
_NW = 32
_WIN = 112


def _vlog(x):
    bits = plsc.bitcast(x, jnp.int32)
    e = lax.shift_right_logical(bits, 23) - 127
    mbits = jnp.bitwise_or(jnp.bitwise_and(bits, 0x007FFFFF), 0x3F800000)
    m = plsc.bitcast(mbits, jnp.float32)
    big = m > 1.4142135
    e = jnp.where(big, e + 1, e)
    m = jnp.where(big, m * 0.5, m)
    s = (m - 1.0) / (m + 1.0)
    t = s * s
    p = s * (2.0 + t * (0.66666667 + t * (0.4 + t * 0.2857143)))
    return e.astype(jnp.float32) * 0.6931471805599453 + p


def _lse_rows(ref, rows16, p16, n):

    def max_body(i, m):
        return jnp.maximum(m, plsc.load_gather(ref, [rows16, p16 + i]))

    m = lax.fori_loop(0, n, max_body, jnp.full((_LANES,), -jnp.inf, jnp.float32))
    m0 = jnp.maximum(m, 0.0)

    def sum_body(i, s):
        return s + jnp.exp(plsc.load_gather(ref, [rows16, p16 + i]) - m0)

    s = lax.fori_loop(0, n, sum_body, jnp.exp(-m0))
    return m0 + _vlog(s)


def _build_sc_call(T, v1, n_chunks, chunk, n_cluster, cs, v_rows):
    tpw = T // _NW
    groups = tpw // _LANES
    mesh = plsc.VectorSubcoreMesh(core_axis_name="c", subcore_axis_name="s")

    @functools.partial(
        pl.kernel,
        mesh=mesh,
        compiler_params=pltpu.CompilerParams(
            needs_layout_passes=False, use_tc_tiling_on_sc=False,
            skip_device_barrier=True,
        ),
        out_type=(
            jax.ShapeDtypeStruct((_NW, _LANES), jnp.float32),
            jax.ShapeDtypeStruct((_NW, _LANES), jnp.float32),
        ),
        scratch_types=[
            pltpu.VMEM((tpw,), jnp.int32),
            pltpu.VMEM((tpw,), jnp.float32),
            pltpu.VMEM((2 * v_rows,), jnp.int32),
            pltpu.VMEM((tpw,), jnp.int32),
            pltpu.VMEM((tpw,), jnp.int32),
            pltpu.VMEM((tpw, _WIN), jnp.float32),
            pltpu.VMEM((tpw, _WIN), jnp.float32),
            pltpu.VMEM((_LANES,), jnp.float32),
            pltpu.VMEM((_LANES,), jnp.float32),
            pltpu.SemaphoreType.DMA,
            pltpu.SemaphoreType.DMA,
        ],
    )
    def sc_kern(logits_hbm, tgt_hbm, v2c_hbm, mask_hbm, out_loss, out_mask,
                tgt_v, mask_v, v2c_v, c_v, k_v, rows1_v, rows2_v,
                accl_v, accm_v, sem1, sem2):
        wid = lax.axis_index("s") * 2 + lax.axis_index("c")
        base = wid * tpw

        cp1 = pltpu.async_copy(
            logits_hbm.at[pl.ds(base, tpw), pl.ds(0, _WIN)], rows1_v, sem1)

        pltpu.sync_copy(tgt_hbm.at[pl.ds(base, tpw)], tgt_v)
        pltpu.sync_copy(mask_hbm.at[pl.ds(base, tpw)], mask_v)
        pltpu.sync_copy(v2c_hbm, v2c_v)

        iota = lax.iota(jnp.int32, _LANES)
        zeros16 = jnp.zeros((_LANES,), jnp.int32)
        ones16 = jnp.full((_LANES,), 1, jnp.int32)

        for g in range(groups):
            sl = pl.ds(g * _LANES, _LANES)
            tgt16 = jnp.clip(tgt_v[sl], 0, v_rows - 1) * 2
            c = plsc.load_gather(v2c_v, [tgt16])
            k = plsc.load_gather(v2c_v, [tgt16 + 1])
            c_v[sl] = jnp.clip(c, 0, n_cluster - 1)
            k_v[sl] = k

        limit = (v1 + 7) // 8 * 8 - _WIN
        copies = []
        for g in range(groups):
            c16 = c_v[pl.ds(g * _LANES, _LANES)]
            start16 = chunk + chunk * c16
            al16 = jnp.minimum(jnp.bitwise_and(start16, ~7), limit)
            for l in range(_LANES):
                j = g * _LANES + l
                start_sc = pl.multiple_of(al16[l], 8)
                copies.append(pltpu.async_copy(
                    logits_hbm.at[base + j, pl.ds(start_sc, _WIN)],
                    rows2_v.at[j], sem2))
        cp1.wait()
        accl = jnp.zeros((_LANES,), jnp.float32)
        accm = jnp.zeros((_LANES,), jnp.float32)
        part1 = []
        for g in range(groups):
            sl = pl.ds(g * _LANES, _LANES)
            rows16 = g * _LANES + iota
            c = c_v[sl]
            lse1 = _lse_rows(rows1_v, rows16, zeros16, chunk)
            sel1 = c < chunk
            g1 = plsc.load_gather(rows1_v, [rows16, jnp.where(sel1, c, 0)])
            part1.append(lse1 - jnp.where(sel1, g1, 0.0))
        for cp in copies:
            cp.wait()
        for g in range(groups):
            sl = pl.ds(g * _LANES, _LANES)
            rows16 = g * _LANES + iota
            c = c_v[sl]
            k = k_v[sl]
            start16 = chunk + chunk * c
            p2 = start16 - jnp.minimum(jnp.bitwise_and(start16, ~7), limit)
            lse2 = _lse_rows(rows2_v, rows16, p2, chunk)
            kc = jnp.clip(k, 0, cs - 1)
            sel2 = kc < chunk
            g2 = plsc.load_gather(
                rows2_v, [rows16, p2 + jnp.where(sel2, kc, 0)])
            val2 = jnp.where(sel2, g2, 0.0)
            mask16 = mask_v[sl]
            accl = accl + mask16 * (part1[g] + lse2 - val2)
            accm = accm + mask16
        accl_v[...] = accl
        accm_v[...] = accm
        pltpu.sync_copy(accl_v, out_loss.at[wid])
        pltpu.sync_copy(accm_v, out_mask.at[wid])

    return sc_kern


def kernel(input, target, mask, depth, vocab2code, phi_list, cluster_size):
    B, L, v1 = input.shape
    n_cluster = int(cluster_size.shape[0])
    cs = (v1 - (n_cluster - 1)) // n_cluster + 1
    chunk = cs - 1
    n_chunks = v1 // chunk
    T = B * L
    v_rows = int(vocab2code.shape[0])

    logits = input.reshape(T, v1)
    tgt = target.reshape(T).astype(jnp.int32)
    msk = mask.reshape(T).astype(jnp.float32)
    v2c = vocab2code.astype(jnp.int32).reshape(2 * v_rows)

    sc_call = _build_sc_call(T, v1, n_chunks, chunk, n_cluster, cs, v_rows)
    loss_p, mask_p = sc_call(logits, tgt, v2c, msk)
    return jnp.sum(loss_p) / jnp.sum(mask_p)

# --- scband reference (transcript-rebuilt; emitter-appended) ---
"""Pipeline reference for scband-language-model-criterion-binary-2-layer-22067541967244 (READ-ONLY COPY).

The authoritative reference and input builder live on the scoring server;
editing this copy changes nothing except your own understanding.
"""

import jax, jax.numpy as jnp
import numpy as np

B, L, VOCAB, N_CLUSTER, CS = 64, 32, 10000, 100, 100


def setup_inputs(seed: int = 0) -> dict:
    key = jax.random.key(seed)
    k1, k2, k3 = jax.random.split(key, 3)
    vocab_1 = VOCAB - 1
    inp = jax.random.normal(k1, (B, L, vocab_1), dtype=jnp.float32)
    target = jax.random.randint(k2, (B, L), 0, VOCAB)
    mask = jnp.ones((B, L), dtype=jnp.float32)
    # word -> (cluster_id, within-cluster code); all 100 clusters have size 100
    vocab2code = jax.random.randint(k3, (VOCAB, 2), 0, CS)
    cluster_size = np.full((N_CLUSTER,), CS, dtype=np.int64)
    return {
        'input': inp,
        'target': target,
        'mask': mask,
        'depth': 2,
        'vocab2code': vocab2code,
        'phi_list': 0,
        'cluster_size': cluster_size,
    }


def reference(input, target, mask, depth, vocab2code, phi_list, cluster_size):
    batch_size, length, vocab_1 = input.shape
    n_cluster = int(cluster_size.shape[0])
    cs_static = (vocab_1 - (n_cluster - 1)) // n_cluster + 1
    target = target[:, :length]
    mask = mask[:, :length]
    # code[b, l, :] = (cluster_id, within_cluster_code) of target word
    code = jnp.take(vocab2code, target, axis=0)  # [B, L, 2]
    # --- first level: softmax over n_cluster logits (last logit fixed at 0) ---
    zeros_col = jnp.zeros((batch_size, length, 1), dtype=jnp.float32)
    logits_step_1 = jax.nn.log_softmax(
        jnp.concatenate([input[:, :, 0:n_cluster - 1], zeros_col], axis=2), axis=2)
    loss = -(jnp.take_along_axis(logits_step_1, code[:, :, 0:1], axis=2) * mask[:, :, None]).sum()
    # --- second level: per-cluster softmax over cluster_size[i] logits ---
    code_step_1 = code[:, :, 0].reshape(-1)
    code_step_2 = code[:, :, 1].reshape(-1)
    input_reshape = input.reshape(-1, vocab_1)
    mask_reshape = mask.reshape(-1)
    T = input_reshape.shape[0]
    start = n_cluster - 1
    for i in range(n_cluster):
        cs = cs_static
        if cs != 1:
            logits = jax.nn.log_softmax(
                jnp.concatenate([input_reshape[:, start:start + (cs - 1)],
                                 jnp.zeros((T, 1), dtype=jnp.float32)], axis=1), axis=1)
            idx = jnp.clip(code_step_2, 0, cluster_size[i] - 1)
            gathered = jnp.take_along_axis(logits, idx[:, None], axis=1)[:, 0]
            sel = (code_step_1 == i).astype(jnp.float32)
            loss = loss - (gathered * mask_reshape * sel).sum()
        start += cs - 1
    return loss / mask.sum()

if __name__ == "__main__":
    import jax
    _d = setup_inputs()
    print(jax.jit(kernel)(*tuple(_d.values())))

</pallas_src>

<mosaic_0001>
#map = affine_map<(d0, d1) -> (0, 0)>
#map1 = affine_map<(d0, d1) -> (0)>
module attributes {stable_mosaic.version = 14 : i64} {
  func.func @sc_kern(%arg0: i32, %arg1: i32, %arg2: memref<2048x9999xf32, #tpu.memory_space<hbm>>, %arg3: memref<2048xi32, #tpu.memory_space<hbm>>, %arg4: memref<20000xi32, #tpu.memory_space<hbm>>, %arg5: memref<2048xf32, #tpu.memory_space<hbm>>, %arg6: memref<32x16xf32, #tpu.memory_space<hbm>>, %arg7: memref<32x16xf32, #tpu.memory_space<hbm>>, %arg8: memref<64xi32, #tpu.memory_space<vmem>>, %arg9: memref<64xf32, #tpu.memory_space<vmem>>, %arg10: memref<20000xi32, #tpu.memory_space<vmem>>, %arg11: memref<64xi32, #tpu.memory_space<vmem>>, %arg12: memref<64xi32, #tpu.memory_space<vmem>>, %arg13: memref<64x112xf32, #tpu.memory_space<vmem>>, %arg14: memref<64x112xf32, #tpu.memory_space<vmem>>, %arg15: memref<16xf32, #tpu.memory_space<vmem>>, %arg16: memref<16xf32, #tpu.memory_space<vmem>>, %arg17: memref<!tpu.dma_semaphore, #tpu.memory_space<semaphore_mem>>, %arg18: memref<!tpu.dma_semaphore, #tpu.memory_space<semaphore_mem>>) attributes {dimension_semantics = [#tpu.dimension_semantics<core_parallel>, #tpu.dimension_semantics<subcore_parallel>], iteration_bounds = array<i64: 2, 16>, scalar_prefetch = 0 : i64, scratch_operands = 11 : i64, tpu.core_type = #tpu.core_type<sc_vector_subcore>, window_params = [{transform_indices = #map}, {transform_indices = #map1}, {transform_indices = #map1}, {transform_indices = #map1}, {transform_indices = #map}, {transform_indices = #map}]} {
    %mul3A = arith.constant 2 : i32
    %mul3A_0 = arith.muli %arg1, %mul3A : i32
    %add3A = arith.addi %mul3A_0, %arg0 : i32
    %mul3A_1 = arith.constant 64 : i32
    %mul3A_2 = arith.muli %add3A, %mul3A_1 : i32
    %dma_start3A = arith.constant 0 : i32
    %dma_start3A_3 = tpu.memref_slice %arg2[%mul3A_2, %dma_start3A] : memref<2048x9999xf32, #tpu.memory_space<hbm>> -> memref<64x112xf32, #tpu.memory_space<hbm>>
    %dma_start3A_4 = arith.constant 0 : i32
    %dma_start3A_5 = tpu.memref_slice %arg2[%mul3A_2, %dma_start3A_4] : memref<2048x9999xf32, #tpu.memory_space<hbm>> -> memref<64x112xf32, #tpu.memory_space<hbm>>
    tpu.enqueue_dma source(%dma_start3A_5 : memref<64x112xf32, #tpu.memory_space<hbm>>) target(%arg13 : memref<64x112xf32, #tpu.memory_space<vmem>>) target_semaphore(%arg17 : memref<!tpu.dma_semaphore, #tpu.memory_space<semaphore_mem>>)
    "tpu.region"() ({
      %run_scoped3A = tpu.sem_alloc : memref<!tpu.dma_semaphore, #tpu.memory_space<semaphore_mem>>
      %dma_start3A_2726 = tpu.memref_slice %arg3[%mul3A_2] : memref<2048xi32, #tpu.memory_space<hbm>> -> memref<64xi32, #tpu.memory_space<hbm>>
      %dma_start3A_2727 = tpu.memref_slice %arg3[%mul3A_2] : memref<2048xi32, #tpu.memory_space<hbm>> -> memref<64xi32, #tpu.memory_space<hbm>>
      tpu.enqueue_dma source(%dma_start3A_2727 : memref<64xi32, #tpu.memory_space<hbm>>) target(%arg8 : memref<64xi32, #tpu.memory_space<vmem>>) target_semaphore(%run_scoped3A : memref<!tpu.dma_semaphore, #tpu.memory_space<semaphore_mem>>)
      %dma_wait3A_2728 = tpu.memref_slice %arg3[%mul3A_2] : memref<2048xi32, #tpu.memory_space<hbm>> -> memref<64xi32, #tpu.memory_space<hbm>>
      %dma_wait3A_2729 = tpu.memref_slice %arg3[%mul3A_2] : memref<2048xi32, #tpu.memory_space<hbm>> -> memref<64xi32, #tpu.memory_space<hbm>>
      tpu.wait_dma2 semaphore(%run_scoped3A : memref<!tpu.dma_semaphore, #tpu.memory_space<semaphore_mem>>) src(%dma_wait3A_2729 : memref<64xi32, #tpu.memory_space<hbm>>) dst(%arg8 : memref<64xi32, #tpu.memory_space<vmem>>)
      tpu.yield
    }) : () -> ()
    "tpu.region"() ({
      %run_scoped3A = tpu.sem_alloc : memref<!tpu.dma_semaphore, #tpu.memory_space<semaphore_mem>>
      %dma_start3A_2726 = tpu.memref_slice %arg5[%mul3A_2] : memref<2048xf32, #tpu.memory_space<hbm>> -> memref<64xf32, #tpu.memory_space<hbm>>
      %dma_start3A_2727 = tpu.memref_slice %arg5[%mul3A_2] : memref<2048xf32, #tpu.memory_space<hbm>> -> memref<64xf32, #tpu.memory_space<hbm>>
      tpu.enqueue_dma source(%dma_start3A_2727 : memref<64xf32, #tpu.memory_space<hbm>>) target(%arg9 : memref<64xf32, #tpu.memory_space<vmem>>) target_semaphore(%run_scoped3A : memref<!tpu.dma_semaphore, #tpu.memory_space<semaphore_mem>>)
      %dma_wait3A_2728 = tpu.memref_slice %arg5[%mul3A_2] : memref<2048xf32, #tpu.memory_space<hbm>> -> memref<64xf32, #tpu.memory_space<hbm>>
      %dma_wait3A_2729 = tpu.memref_slice %arg5[%mul3A_2] : memref<2048xf32, #tpu.memory_space<hbm>> -> memref<64xf32, #tpu.memory_space<hbm>>
      tpu.wait_dma2 semaphore(%run_scoped3A : memref<!tpu.dma_semaphore, #tpu.memory_space<semaphore_mem>>) src(%dma_wait3A_2729 : memref<64xf32, #tpu.memory_space<hbm>>) dst(%arg9 : memref<64xf32, #tpu.memory_space<vmem>>)
      tpu.yield
    }) : () -> ()
    "tpu.region"() ({
      %run_scoped3A = tpu.sem_alloc : memref<!tpu.dma_semaphore, #tpu.memory_space<semaphore_mem>>
      tpu.enqueue_dma source(%arg4 : memref<20000xi32, #tpu.memory_space<hbm>>) target(%arg10 : memref<20000xi32, #tpu.memory_space<vmem>>) target_semaphore(%run_scoped3A : memref<!tpu.dma_semaphore, #tpu.memory_space<semaphore_mem>>)
      tpu.wait_dma2 semaphore(%run_scoped3A : memref<!tpu.dma_semaphore, #tpu.memory_space<semaphore_mem>>) src(%arg4 : memref<20000xi32, #tpu.memory_space<hbm>>) dst(%arg10 : memref<20000xi32, #tpu.memory_space<vmem>>)
      tpu.yield
    }) : () -> ()
    %iota3A = tpu.iota {dimensions = array<i32: 0>} : vector<16xi32>
    %broadcast_in_dim3A = arith.constant 0 : i32
    %broadcast_in_dim3A_6 = vector.broadcast %broadcast_in_dim3A : i32 to vector<16xi32>
    %broadcast_in_dim3A_7 = arith.constant 1 : i32
    %broadcast_in_dim3A_8 = vector.broadcast %broadcast_in_dim3A_7 : i32 to vector<16xi32>
    %get3A = arith.constant 0 : index
    %get3A_9 = tpu.vector_load %arg8[%get3A] {strides = array<i32>} : memref<64xi32, #tpu.memory_space<vmem>>, vector<16xi32>,
    %jit3A = arith.constant 0 : i32
    %jit3A_10 = arith.constant 9999 : i32
    %max3A = vector.broadcast %jit3A : i32 to vector<16xi32>
    %max3A_11 = arith.maxsi %max3A, %get3A_9 : vector<16xi32>
    %min3A = vector.broadcast %jit3A_10 : i32 to vector<16xi32>
    %min3A_12 = arith.minsi %min3A, %max3A_11 : vector<16xi32>
    %mul3A_13 = arith.constant 2 : i32
    %mul3A_14 = vector.broadcast %mul3A_13 : i32 to vector<16xi32>
    %mul3A_15 = arith.muli %min3A_12, %mul3A_14 : vector<16xi32>
    %gather3A = tpu.vector_load_idx %arg10[%mul3A_15] : memref<20000xi32, #tpu.memory_space<vmem>>[vector<16xi32>], vector<16xi32>,
    %add3A_16 = arith.constant 1 : i32
    %add3A_17 = vector.broadcast %add3A_16 : i32 to vector<16xi32>
    %add3A_18 = arith.addi %mul3A_15, %add3A_17 : vector<16xi32>
    %gather3A_19 = tpu.vector_load_idx %arg10[%add3A_18] : memref<20000xi32, #tpu.memory_space<vmem>>[vector<16xi32>], vector<16xi32>,
    %jit3A_20 = arith.constant 0 : i32
    %jit3A_21 = arith.constant 99 : i32
    %max3A_22 = vector.broadcast %jit3A_20 : i32 to vector<16xi32>
    %max3A_23 = arith.maxsi %max3A_22, %gather3A : vector<16xi32>
    %min3A_24 = vector.broadcast %jit3A_21 : i32 to vector<16xi32>
    %min3A_25 = arith.minsi %min3A_24, %max3A_23 : vector<16xi32>
    %swap3A = arith.constant 0 : index
    %swap3A_26 = tpu.vector_load %arg11[%swap3A] {strides = array<i32>} : memref<64xi32, #tpu.memory_space<vmem>>, vector<16xi32>,
    tpu.vector_store %arg11[%swap3A], %min3A_25 {strides = array<i32>} : memref<64xi32, #tpu.memory_space<vmem>>, vector<16xi32>,
    %swap3A_27 = arith.constant 0 : index
    %swap3A_28 = tpu.vector_load %arg12[%swap3A_27] {strides = array<i32>} : memref<64xi32, #tpu.memory_space<vmem>>, vector<16xi32>,
    tpu.vector_store %arg12[%swap3A_27], %gather3A_19 {strides = array<i32>} : memref<64xi32, #tpu.memory_space<vmem>>, vector<16xi32>,
    %get3A_29 = arith.constant 16 : index
    %get3A_30 = tpu.vector_load %arg8[%get3A_29] {strides = array<i32>} : memref<64xi32, #tpu.memory_space<vmem>>, vector<16xi32>,
    %jit3A_31 = arith.constant 0 : i32
    %jit3A_32 = arith.constant 9999 : i32
    %max3A_33 = vector.broadcast %jit3A_31 : i32 to vector<16xi32>
    %max3A_34 = arith.maxsi %max3A_33, %get3A_30 : vector<16xi32>
    %min3A_35 = vector.broadcast %jit3A_32 : i32 to vector<16xi32>
    %min3A_36 = arith.minsi %min3A_35, %max3A_34 : vector<16xi32>
    %mul3A_37 = arith.constant 2 : i32
    %mul3A_38 = vector.broadcast %mul3A_37 : i32 to vector<16xi32>
    %mul3A_39 = arith.muli %min3A_36, %mul3A_38 : vector<16xi32>
    %gather3A_40 = tpu.vector_load_idx %arg10[%mul3A_39] : memref<20000xi32, #tpu.memory_space<vmem>>[vector<16xi32>], vector<16xi32>,
    %add3A_41 = arith.constant 1 : i32
    %add3A_42 = vector.broadcast %add3A_41 : i32 to vector<16xi32>
    %add3A_43 = arith.addi %mul3A_39, %add3A_42 : vector<16xi32>
    %gather3A_44 = tpu.vector_load_idx %arg10[%add3A_43] : memref<20000xi32, #tpu.memory_space<vmem>>[vector<16xi32>], vector<16xi32>,
    %jit3A_45 = arith.constant 0 : i32
    %jit3A_46 = arith.constant 99 : i32
    %max3A_47 = vector.broadcast %jit3A_45 : i32 to vector<16xi32>
    %max3A_48 = arith.maxsi %max3A_47, %gather3A_40 : vector<16xi32>
    %min3A_49 = vector.broadcast %jit3A_46 : i32 to vector<16xi32>
    %min3A_50 = arith.minsi %min3A_49, %max3A_48 : vector<16xi32>
    %swap3A_51 = arith.constant 16 : index
    %swap3A_52 = tpu.vector_load %arg11[%swap3A_51] {strides = array<i32>} : memref<64xi32, #tpu.memory_space<vmem>>, vector<16xi32>,
    tpu.vector_store %arg11[%swap3A_51], %min3A_50 {strides = array<i32>} : memref<64xi32, #tpu.memory_space<vmem>>, vector<16xi32>,
    %swap3A_53 = arith.constant 16 : index
    %swap3A_54 = tpu.vector_load %arg12[%swap3A_53] {strides = array<i32>} : memref<64xi32, #tpu.memory_space<vmem>>, vector<16xi32>,
    tpu.vector_store %arg12[%swap3A_53], %gather3A_44 {strides = array<i32>} : memref<64xi32, #tpu.memory_space<vmem>>, vector<16xi32>,
    %get3A_55 = arith.constant 32 : index
    %get3A_56 = tpu.vector_load %arg8[%get3A_55] {strides = array<i32>} : memref<64xi32, #tpu.memory_space<vmem>>, vector<16xi32>,
    %jit3A_57 = arith.constant 0 : i32
    %jit3A_58 = arith.constant 9999 : i32
    %max3A_59 = vector.broadcast %jit3A_57 : i32 to vector<16xi32>
    %max3A_60 = arith.maxsi %max3A_59, %get3A_56 : vector<16xi32>
    %min3A_61 = vector.broadcast %jit3A_58 : i32 to vector<16xi32>
    %min3A_62 = arith.minsi %min3A_61, %max3A_60 : vector<16xi32>
    %mul3A_63 = arith.constant 2 : i32
    %mul3A_64 = vector.broadcast %mul3A_63 : i32 to vector<16xi32>
    %mul3A_65 = arith.muli %min3A_62, %mul3A_64 : vector<16xi32>
    %gather3A_66 = tpu.vector_load_idx %arg10[%mul3A_65] : memref<20000xi32, #tpu.memory_space<vmem>>[vector<16xi32>], vector<16xi32>,
    %add3A_67 = arith.constant 1 : i32
    %add3A_68 = vector.broadcast %add3A_67 : i32 to vector<16xi32>
    %add3A_69 = arith.addi %mul3A_65, %add3A_68 : vector<16xi32>
    %gather3A_70 = tpu.vector_load_idx %arg10[%add3A_69] : memref<20000xi32, #tpu.memory_space<vmem>>[vector<16xi32>], vector<16xi32>,
    %jit3A_71 = arith.constant 0 : i32
    %jit3A_72 = arith.constant 99 : i32
    %max3A_73 = vector.broadcast %jit3A_71 : i32 to vector<16xi32>
    %max3A_74 = arith.maxsi %max3A_73, %gather3A_66 : vector<16xi32>
    %min3A_75 = vector.broadcast %jit3A_72 : i32 to vector<16xi32>
    %min3A_76 = arith.minsi %min3A_75, %max3A_74 : vector<16xi32>
    %swap3A_77 = arith.constant 32 : index
    %swap3A_78 = tpu.vector_load %arg11[%swap3A_77] {strides = array<i32>} : memref<64xi32, #tpu.memory_space<vmem>>, vector<16xi32>,
    tpu.vector_store %arg11[%swap3A_77], %min3A_76 {strides = array<i32>} : memref<64xi32, #tpu.memory_space<vmem>>, vector<16xi32>,
    %swap3A_79 = arith.constant 32 : index
    %swap3A_80 = tpu.vector_load %arg12[%swap3A_79] {strides = array<i32>} : memref<64xi32, #tpu.memory_space<vmem>>, vector<16xi32>,
    tpu.vector_store %arg12[%swap3A_79], %gather3A_70 {strides = array<i32>} : memref<64xi32, #tpu.memory_space<vmem>>, vector<16xi32>,
    %get3A_81 = arith.constant 48 : index
    %get3A_82 = tpu.vector_load %arg8[%get3A_81] {strides = array<i32>} : memref<64xi32, #tpu.memory_space<vmem>>, vector<16xi32>,
    %jit3A_83 = arith.constant 0 : i32
    %jit3A_84 = arith.constant 9999 : i32
    %max3A_85 = vector.broadcast %jit3A_83 : i32 to vector<16xi32>
    %max3A_86 = arith.maxsi %max3A_85, %get3A_82 : vector<16xi32>
    %min3A_87 = vector.broadcast %jit3A_84 : i32 to vector<16xi32>
    %min3A_88 = arith.minsi %min3A_87, %max3A_86 : vector<16xi32>
    %mul3A_89 = arith.constant 2 : i32
    %mul3A_90 = vector.broadcast %mul3A_89 : i32 to vector<16xi32>
    %mul3A_91 = arith.muli %min3A_88, %mul3A_90 : vector<16xi32>
    %gather3A_92 = tpu.vector_load_idx %arg10[%mul3A_91] : memref<20000xi32, #tpu.memory_space<vmem>>[vector<16xi32>], vector<16xi32>,
    %add3A_93 = arith.constant 1 : i32
    %add3A_94 = vector.broadcast %add3A_93 : i32 to vector<16xi32>
    %add3A_95 = arith.addi %mul3A_91, %add3A_94 : vector<16xi32>
    %gather3A_96 = tpu.vector_load_idx %arg10[%add3A_95] : memref<20000xi32, #tpu.memory_space<vmem>>[vector<16xi32>], vector<16xi32>,
    %jit3A_97 = arith.constant 0 : i32
    %jit3A_98 = arith.constant 99 : i32
    %max3A_99 = vector.broadcast %jit3A_97 : i32 to vector<16xi32>
    %max3A_100 = arith.maxsi %max3A_99, %gather3A_92 : vector<16xi32>
    %min3A_101 = vector.broadcast %jit3A_98 : i32 to vector<16xi32>
    %min3A_102 = arith.minsi %min3A_101, %max3A_100 : vector<16xi32>
    %swap3A_103 = arith.constant 48 : index
    %swap3A_104 = tpu.vector_load %arg11[%swap3A_103] {strides = array<i32>} : memref<64xi32, #tpu.memory_space<vmem>>, vector<16xi32>,
    tpu.vector_store %arg11[%swap3A_103], %min3A_102 {strides = array<i32>} : memref<64xi32, #tpu.memory_space<vmem>>, vector<16xi32>,
    %swap3A_105 = arith.constant 48 : index
    %swap3A_106 = tpu.vector_load %arg12[%swap3A_105] {strides = array<i32>} : memref<64xi32, #tpu.memory_space<vmem>>, vector<16xi32>,
    tpu.vector_store %arg12[%swap3A_105], %gather3A_96 {strides = array<i32>} : memref<64xi32, #tpu.memory_space<vmem>>, vector<16xi32>,
    %get3A_107 = arith.constant 0 : index
    %get3A_108 = tpu.vector_load %arg11[%get3A_107] {strides = array<i32>} : memref<64xi32, #tpu.memory_space<vmem>>, vector<16xi32>,
    %mul3A_109 = arith.constant 99 : i32
    %mul3A_110 = vector.broadcast %mul3A_109 : i32 to vector<16xi32>
    %mul3A_111 = arith.muli %mul3A_110, %get3A_108 : vector<16xi32>
    %add3A_112 = arith.constant 99 : i32
    %add3A_113 = vector.broadcast %add3A_112 : i32 to vector<16xi32>
    %add3A_114 = arith.addi %add3A_113, %mul3A_111 : vector<16xi32>
    %and3A = arith.constant -8 : i32
    %and3A_115 = vector.broadcast %and3A : i32 to vector<16xi32>
    %and3A_116 = arith.andi %add3A_114, %and3A_115 : vector<16xi32>
    %min3A_117 = arith.constant 9888 : i32
    %min3A_118 = vector.broadcast %min3A_117 : i32 to vector<16xi32>
    %min3A_119 = arith.minsi %and3A_116, %min3A_118 : vector<16xi32>
    %slice3A = vector.extract_strided_slice %min3A_119 {offsets = [0], sizes = [1], strides = [1]} : vector<16xi32> to vector<1xi32>
    %squeeze3A = vector.extract %slice3A[0] : i32 from vector<1xi32>
    %multiple_of3A = tpu.assume_multiple %squeeze3A, 8 : i32
    %add3A_120 = arith.constant 0 : i32
    %add3A_121 = arith.addi %mul3A_2, %add3A_120 : i32
    %dma_start3A_122 = arith.constant 0 : i32
    %dma_start3A_123 = arith.constant 0 : i32
    %dma_start3A_124 = tpu.memref_slice %arg14[%dma_start3A_122, %dma_start3A_123] : memref<64x112xf32, #tpu.memory_space<vmem>> -> memref<1x112xf32, #tpu.memory_space<vmem>>
    %dma_start3A_125 = tpu.memref_squeeze %dma_start3A_124 : memref<1x112xf32, #tpu.memory_space<vmem>> -> memref<112xf32, #tpu.memory_space<vmem>>
    %dma_start3A_126 = tpu.memref_slice %arg2[%add3A_121, %multiple_of3A] : memref<2048x9999xf32, #tpu.memory_space<hbm>> -> memref<1x112xf32, #tpu.memory_space<hbm>>
    %dma_start3A_127 = tpu.memref_squeeze %dma_start3A_126 : memref<1x112xf32, #tpu.memory_space<hbm>> -> memref<112xf32, #tpu.memory_space<hbm>>
    %dma_start3A_128 = arith.constant 0 : i32
    %dma_start3A_129 = tpu.memref_slice %arg14[%dma_start3A_122, %dma_start3A_128] : memref<64x112xf32, #tpu.memory_space<vmem>> -> memref<1x112xf32, #tpu.memory_space<vmem>>
    %dma_start3A_130 = tpu.memref_squeeze %dma_start3A_129 : memref<1x112xf32, #tpu.memory_space<vmem>> -> memref<112xf32, #tpu.memory_space<vmem>>
    %dma_start3A_131 = tpu.memref_slice %arg2[%add3A_121, %multiple_of3A] : memref<2048x9999xf32, #tpu.memory_space<hbm>> -> memref<1x112xf32, #tpu.memory_space<hbm>>
    %dma_start3A_132 = tpu.memref_squeeze %dma_start3A_131 : memref<1x112xf32, #tpu.memory_space<hbm>> -> memref<112xf32, #tpu.memory_space<hbm>>
    tpu.enqueue_dma source(%dma_start3A_132 : memref<112xf32, #tpu.memory_space<hbm>>) target(%dma_start3A_130 : memref<112xf32, #tpu.memory_space<vmem>>) target_semaphore(%arg18 : memref<!tpu.dma_semaphore, #tpu.memory_space<semaphore_mem>>)
    %slice3A_133 = vector.extract_strided_slice %min3A_119 {offsets = [1], sizes = [1], strides = [1]} : vector<16xi32> to vector<1xi32>
    %squeeze3A_134 = vector.extract %slice3A_133[0] : i32 from vector<1xi32>
    %multiple_of3A_135 = tpu.assume_multiple %squeeze3A_134, 8 : i32
    %add3A_136 = arith.constant 1 : i32
    %add3A_137 = arith.addi %mul3A_2, %add3A_136 : i32
    %dma_start3A_138 = arith.constant 1 : i32
    %dma_start3A_139 = arith.constant 0 : i32
    %dma_start3A_140 = tpu.memref_slice %arg14[%dma_start3A_138, %dma_start3A_139] : memref<64x112xf32, #tpu.memory_space<vmem>> -> memref<1x112xf32, #tpu.memory_space<vmem>>
    %dma_start3A_141 = tpu.memref_squeeze %dma_start3A_140 : memref<1x112xf32, #tpu.memory_space<vmem>> -> memref<112xf32, #tpu.memory_space<vmem>>
    %dma_start3A_142 = tpu.memref_slice %arg2[%add3A_137, %multiple_of3A_135] : memref<2048x9999xf32, #tpu.memory_space<hbm>> -> memref<1x112xf32, #tpu.memory_space<hbm>>
    %dma_start3A_143 = tpu.memref_squeeze %dma_start3A_142 : memref<1x112xf32, #tpu.memory_space<hbm>> -> memref<112xf32, #tpu.memory_space<hbm>>
    %dma_start3A_144 = arith.constant 0 : i32
    %dma_start3A_145 = tpu.memref_slice %arg14[%dma_start3A_138, %dma_start3A_144] : memref<64x112xf32, #tpu.memory_space<vmem>> -> memref<1x112xf32, #tpu.memory_space<vmem>>
    %dma_start3A_146 = tpu.memref_squeeze %dma_start3A_145 : memref<1x112xf32, #tpu.memory_space<vmem>> -> memref<112xf32, #tpu.memory_space<vmem>>
    %dma_start3A_147 = tpu.memref_slice %arg2[%add3A_137, %multiple_of3A_135] : memref<2048x9999xf32, #tpu.memory_space<hbm>> -> memref<1x112xf32, #tpu.memory_space<hbm>>
    %dma_start3A_148 = tpu.memref_squeeze %dma_start3A_147 : memref<1x112xf32, #tpu.memory_space<hbm>> -> memref<112xf32, #tpu.memory_space<hbm>>
    tpu.enqueue_dma source(%dma_start3A_148 : memref<112xf32, #tpu.memory_space<hbm>>) target(%dma_start3A_146 : memref<112xf32, #tpu.memory_space<vmem>>) target_semaphore(%arg18 : memref<!tpu.dma_semaphore, #tpu.memory_space<semaphore_mem>>)
    %slice3A_149 = vector.extract_strided_slice %min3A_119 {offsets = [2], sizes = [1], strides = [1]} : vector<16xi32> to vector<1xi32>
    %squeeze3A_150 = vector.extract %slice3A_149[0] : i32 from vector<1xi32>
    %multiple_of3A_151 = tpu.assume_multiple %squeeze3A_150, 8 : i32
    %add3A_152 = arith.constant 2 : i32
    %add3A_153 = arith.addi %mul3A_2, %add3A_152 : i32
    %dma_start3A_154 = arith.constant 2 : i32
    %dma_start3A_155 = arith.constant 0 : i32
    %dma_start3A_156 = tpu.memref_slice %arg14[%dma_start3A_154, %dma_start3A_155] : memref<64x112xf32, #tpu.memory_space<vmem>> -> memref<1x112xf32, #tpu.memory_space<vmem>>
    %dma_start3A_157 = tpu.memref_squeeze %dma_start3A_156 : memref<1x112xf32, #tpu.memory_space<vmem>> -> memref<112xf32, #tpu.memory_space<vmem>>
    %dma_start3A_158 = tpu.memref_slice %arg2[%add3A_153, %multiple_of3A_151] : memref<2048x9999xf32, #tpu.memory_space<hbm>> -> memref<1x112xf32, #tpu.memory_space<hbm>>
    %dma_start3A_159 = tpu.memref_squeeze %dma_start3A_158 : memref<1x112xf32, #tpu.memory_space<hbm>> -> memref<112xf32, #tpu.memory_space<hbm>>
    %dma_start3A_160 = arith.constant 0 : i32
    %dma_start3A_161 = tpu.memref_slice %arg14[%dma_start3A_154, %dma_start3A_160] : memref<64x112xf32, #tpu.memory_space<vmem>> -> memref<1x112xf32, #tpu.memory_space<vmem>>
    %dma_start3A_162 = tpu.memref_squeeze %dma_start3A_161 : memref<1x112xf32, #tpu.memory_space<vmem>> -> memref<112xf32, #tpu.memory_space<vmem>>
    %dma_start3A_163 = tpu.memref_slice %arg2[%add3A_153, %multiple_of3A_151] : memref<2048x9999xf32, #tpu.memory_space<hbm>> -> memref<1x112xf32, #tpu.memory_space<hbm>>
    %dma_start3A_164 = tpu.memref_squeeze %dma_start3A_163 : memref<1x112xf32, #tpu.memory_space<hbm>> -> memref<112xf32, #tpu.memory_space<hbm>>
    tpu.enqueue_dma source(%dma_start3A_164 : memref<112xf32, #tpu.memory_space<hbm>>) target(%dma_start3A_162 : memref<112xf32, #tpu.memory_space<vmem>>) target_semaphore(%arg18 : memref<!tpu.dma_semaphore, #tpu.memory_space<semaphore_mem>>)
    %slice3A_165 = vector.extract_strided_slice %min3A_119 {offsets = [3], sizes = [1], strides = [1]} : vector<16xi32> to vector<1xi32>
    %squeeze3A_166 = vector.extract %slice3A_165[0] : i32 from vector<1xi32>
    %multiple_of3A_167 = tpu.assume_multiple %squeeze3A_166, 8 : i32
    %add3A_168 = arith.constant 3 : i32
    %add3A_169 = arith.addi %mul3A_2, %add3A_168 : i32
    %dma_start3A_170 = arith.constant 3 : i32
    %dma_start3A_171 = arith.constant 0 : i32
    %dma_start3A_172 = tpu.memref_slice %arg14[%dma_start3A_170, %dma_start3A_171] : memref<64x112xf32, #tpu.memory_space<vmem>> -> memref<1x112xf32, #tpu.memory_space<vmem>>
    %dma_start3A_173 = tpu.memref_squeeze %dma_start3A_172 : memref<1x112xf32, #tpu.memory_space<vmem>> -> memref<112xf32, #tpu.memory_space<vmem>>
    %dma_start3A_174 = tpu.memref_slice %arg2[%add3A_169, %multiple_of3A_167] : memref<2048x9999xf32, #tpu.memory_space<hbm>> -> memref<1x112xf32, #tpu.memory_space<hbm>>
    %dma_start3A_175 = tpu.memref_squeeze %dma_start3A_174 : memref<1x112xf32, #tpu.memory_space<hbm>> -> memref<112xf32, #tpu.memory_space<hbm>>
    %dma_start3A_176 = arith.constant 0 : i32
    %dma_start3A_177 = tpu.memref_slice %arg14[%dma_start3A_170, %dma_start3A_176] : memref<64x112xf32, #tpu.memory_space<vmem>> -> memref<1x112xf32, #tpu.memory_space<vmem>>
    %dma_start3A_178 = tpu.memref_squeeze %dma_start3A_177 : memref<1x112xf32, #tpu.memory_space<vmem>> -> memref<112xf32, #tpu.memory_space<vmem>>
    %dma_start3A_179 = tpu.memref_slice %arg2[%add3A_169, %multiple_of3A_167] : memref<2048x9999xf32, #tpu.memory_space<hbm>> -> memref<1x112xf32, #tpu.memory_space<hbm>>
    %dma_start3A_180 = tpu.memref_squeeze %dma_start3A_179 : memref<1x112xf32, #tpu.memory_space<hbm>> -> memref<112xf32, #tpu.memory_space<hbm>>
    tpu.enqueue_dma source(%dma_start3A_180 : memref<112xf32, #tpu.memory_space<hbm>>) target(%dma_start3A_178 : memref<112xf32, #tpu.memory_space<vmem>>) target_semaphore(%arg18 : memref<!tpu.dma_semaphore, #tpu.memory_space<semaphore_mem>>)
    %slice3A_181 = vector.extract_strided_slice %min3A_119 {offsets = [4], sizes = [1], strides = [1]} : vector<16xi32> to vector<1xi32>
    %squeeze3A_182 = vector.extract %slice3A_181[0] : i32 from vector<1xi32>
    %multiple_of3A_183 = tpu.assume_multiple %squeeze3A_182, 8 : i32
    %add3A_184 = arith.constant 4 : i32
    %add3A_185 = arith.addi %mul3A_2, %add3A_184 : i32
    %dma_start3A_186 = arith.constant 4 : i32
    %dma_start3A_187 = arith.constant 0 : i32
    %dma_start3A_188 = tpu.memref_slice %arg14[%dma_start3A_186, %dma_start3A_187] : memref<64x112xf32, #tpu.memory_space<vmem>> -> memref<1x112xf32, #tpu.memory_space<vmem>>
    %dma_start3A_189 = tpu.memref_squeeze %dma_start3A_188 : memref<1x112xf32, #tpu.memory_space<vmem>> -> memref<112xf32, #tpu.memory_space<vmem>>
    %dma_start3A_190 = tpu.memref_slice %arg2[%add3A_185, %multiple_of3A_183] : memref<2048x9999xf32, #tpu.memory_space<hbm>> -> memref<1x112xf32, #tpu.memory_space<hbm>>
    %dma_start3A_191 = tpu.memref_squeeze %dma_start3A_190 : memref<1x112xf32, #tpu.memory_space<hbm>> -> memref<112xf32, #tpu.memory_space<hbm>>
    %dma_start3A_192 = arith.constant 0 : i32
    %dma_start3A_193 = tpu.memref_slice %arg14[%dma_start3A_186, %dma_start3A_192] : memref<64x112xf32, #tpu.memory_space<vmem>> -> memref<1x112xf32, #tpu.memory_space<vmem>>
    %dma_start3A_194 = tpu.memref_squeeze %dma_start3A_193 : memref<1x112xf32, #tpu.memory_space<vmem>> -> memref<112xf32, #tpu.memory_space<vmem>>
    %dma_start3A_195 = tpu.memref_slice %arg2[%add3A_185, %multiple_of3A_183] : memref<2048x9999xf32, #tpu.memory_space<hbm>> -> memref<1x112xf32, #tpu.memory_space<hbm>>
    %dma_start3A_196 = tpu.memref_squeeze %dma_start3A_195 : memref<1x112xf32, #tpu.memory_space<hbm>> -> memref<112xf32, #tpu.memory_space<hbm>>
    tpu.enqueue_dma source(%dma_start3A_196 : memref<112xf32, #tpu.memory_space<hbm>>) target(%dma_start3A_194 : memref<112xf32, #tpu.memory_space<vmem>>) target_semaphore(%arg18 : memref<!tpu.dma_semaphore, #tpu.memory_space<semaphore_mem>>)
    %slice3A_197 = vector.extract_strided_slice %min3A_119 {offsets = [5], sizes = [1], strides = [1]} : vector<16xi32> to vector<1xi32>
    %squeeze3A_198 = vector.extract %slice3A_197[0] : i32 from vector<1xi32>
    %multiple_of3A_199 = tpu.assume_multiple %squeeze3A_198, 8 : i32
    %add3A_200 = arith.constant 5 : i32
    %add3A_201 = arith.addi %mul3A_2, %add3A_200 : i32
    %dma_start3A_202 = arith.constant 5 : i32
    %dma_start3A_203 = arith.constant 0 : i32
    %dma_start3A_204 = tpu.memref_slice %arg14[%dma_start3A_202, %dma_start3A_203] : memref<64x112xf32, #tpu.memory_space<vmem>> -> memref<1x112xf32, #tpu.memory_space<vmem>>
    %dma_start3A_205 = tpu.memref_squeeze %dma_start3A_204 : memref<1x112xf32, #tpu.memory_space<vmem>> -> memref<112xf32, #tpu.memory_space<vmem>>
    %dma_start3A_206 = tpu.memref_slice %arg2[%add3A_201, %multiple_of3A_199] : memref<2048x9999xf32, #tpu.memory_space<hbm>> -> memref<1x112xf32, #tpu.memory_space<hbm>>
    %dma_start3A_207 = tpu.memref_squeeze %dma_start3A_206 : memref<1x112xf32, #tpu.memory_space<hbm>> -> memref<112xf32, #tpu.memory_space<hbm>>
    %dma_start3A_208 = arith.constant 0 : i32
    %dma_start3A_209 = tpu.memref_slice %arg14[%dma_start3A_202, %dma_start3A_208] : memref<64x112xf32, #tpu.memory_space<vmem>> -> memref<1x112xf32, #tpu.memory_space<vmem>>
    %dma_start3A_210 = tpu.memref_squeeze %dma_start3A_209 : memref<1x112xf32, #tpu.memory_space<vmem>> -> memref<112xf32, #tpu.memory_space<vmem>>
    %dma_start3A_211 = tpu.memref_slice %arg2[%add3A_201, %multiple_of3A_199] : memref<2048x9999xf32, #tpu.memory_space<hbm>> -> memref<1x112xf32, #tpu.memory_space<hbm>>
    %dma_start3A_212 = tpu.memref_squeeze %dma_start3A_211 : memref<1x112xf32, #tpu.memory_space<hbm>> -> memref<112xf32, #tpu.memory_space<hbm>>
    tpu.enqueue_dma source(%dma_start3A_212 : memref<112xf32, #tpu.memory_space<hbm>>) target(%dma_start3A_210 : memref<112xf32, #tpu.memory_space<vmem>>) target_semaphore(%arg18 : memref<!tpu.dma_semaphore, #tpu.memory_space<semaphore_mem>>)
    %slice3A_213 = vector.extract_strided_slice %min3A_119 {offsets = [6], sizes = [1], strides = [1]} : vector<16xi32> to vector<1xi32>
    %squeeze3A_214 = vector.extract %slice3A_213[0] : i32 from vector<1xi32>
    %multiple_of3A_215 = tpu.assume_multiple %squeeze3A_214, 8 : i32
    %add3A_216 = arith.constant 6 : i32
    %add3A_217 = arith.addi %mul3A_2, %add3A_216 : i32
    %dma_start3A_218 = arith.constant 6 : i32
    %dma_start3A_219 = arith.constant 0 : i32
    %dma_start3A_220 = tpu.memref_slice %arg14[%dma_start3A_218, %dma_start3A_219] : memref<64x112xf32, #tpu.memory_space<vmem>> -> memref<1x112xf32, #tpu.memory_space<vmem>>
    %dma_start3A_221 = tpu.memref_squeeze %dma_start3A_220 : memref<1x112xf32, #tpu.memory_space<vmem>> -> memref<112xf32, #tpu.memory_space<vmem>>
    %dma_start3A_222 = tpu.memref_slice %arg2[%add3A_217, %multiple_of3A_215] : memref<2048x9999xf32, #tpu.memory_space<hbm>> -> memref<1x112xf32, #tpu.memory_space<hbm>>
    %dma_start3A_223 = tpu.memref_squeeze %dma_start3A_222 : memref<1x112xf32, #tpu.memory_space<hbm>> -> memref<112xf32, #tpu.memory_space<hbm>>
    %dma_start3A_224 = arith.constant 0 : i32
    %dma_start3A_225 = tpu.memref_slice %arg14[%dma_start3A_218, %dma_start3A_224] : memref<64x112xf32, #tpu.memory_space<vmem>> -> memref<1x112xf32, #tpu.memory_space<vmem>>
    %dma_start3A_226 = tpu.memref_squeeze %dma_start3A_225 : memref<1x112xf32, #tpu.memory_space<vmem>> -> memref<112xf32, #tpu.memory_space<vmem>>
    %dma_start3A_227 = tpu.memref_slice %arg2[%add3A_217, %multiple_of3A_215] : memref<2048x9999xf32, #tpu.memory_space<hbm>> -> memref<1x112xf32, #tpu.memory_space<hbm>>
    %dma_start3A_228 = tpu.memref_squeeze %dma_start3A_227 : memref<1x112xf32, #tpu.memory_space<hbm>> -> memref<112xf32, #tpu.memory_space<hbm>>
    tpu.enqueue_dma source(%dma_start3A_228 : memref<112xf32, #tpu.memory_space<hbm>>) target(%dma_start3A_226 : memref<112xf32, #tpu.memory_space<vmem>>) target_semaphore(%arg18 : memref<!tpu.dma_semaphore, #tpu.memory_space<semaphore_mem>>)
    %slice3A_229 = vector.extract_strided_slice %min3A_119 {offsets = [7], sizes = [1], strides = [1]} : vector<16xi32> to vector<1xi32>
    %squeeze3A_230 = vector.extract %slice3A_229[0] : i32 from vector<1xi32>
    %multiple_of3A_231 = tpu.assume_multiple %squeeze3A_230, 8 : i32
    %add3A_232 = arith.constant 7 : i32
    %add3A_233 = arith.addi %mul3A_2, %add3A_232 : i32
    %dma_start3A_234 = arith.constant 7 : i32
    %dma_start3A_235 = arith.constant 0 : i32
    %dma_start3A_236 = tpu.memref_slice %arg14[%dma_start3A_234, %dma_start3A_235] : memref<64x112xf32, #tpu.memory_space<vmem>> -> memref<1x112xf32, #tpu.memory_space<vmem>>
    %dma_start3A_237 = tpu.memref_squeeze %dma_start3A_236 : memref<1x112xf32, #tpu.memory_space<vmem>> -> memref<112xf32, #tpu.memory_space<vmem>>
    %dma_start3A_238 = tpu.memref_slice %arg2[%add3A_233, %multiple_of3A_231] : memref<2048x9999xf32, #tpu.memory_space<hbm>> -> memref<1x112xf32, #tpu.memory_space<hbm>>
    %dma_start3A_239 = tpu.memref_squeeze %dma_start3A_238 : memref<1x112xf32, #tpu.memory_space<hbm>> -> memref<112xf32, #tpu.memory_space<hbm>>
    %dma_start3A_240 = arith.constant 0 : i32
    %dma_start3A_241 = tpu.memref_slice %arg14[%dma_start3A_234, %dma_start3A_240] : memref<64x112xf32, #tpu.memory_space<vmem>> -> memref<1x112xf32, #tpu.memory_space<vmem>>
    %dma_start3A_242 = tpu.memref_squeeze %dma_start3A_241 : memref<1x112xf32, #tpu.memory_space<vmem>> -> memref<112xf32, #tpu.memory_space<vmem>>
    %dma_start3A_243 = tpu.memref_slice %arg2[%add3A_233, %multiple_of3A_231] : memref<2048x9999xf32, #tpu.memory_space<hbm>> -> memref<1x112xf32, #tpu.memory_space<hbm>>
    %dma_start3A_244 = tpu.memref_squeeze %dma_start3A_243 : memref<1x112xf32, #tpu.memory_space<hbm>> -> memref<112xf32, #tpu.memory_space<hbm>>
    tpu.enqueue_dma source(%dma_start3A_244 : memref<112xf32, #tpu.memory_space<hbm>>) target(%dma_start3A_242 : memref<112xf32, #tpu.memory_space<vmem>>) target_semaphore(%arg18 : memref<!tpu.dma_semaphore, #tpu.memory_space<semaphore_mem>>)
    %slice3A_245 = vector.extract_strided_slice %min3A_119 {offsets = [8], sizes = [1], strides = [1]} : vector<16xi32> to vector<1xi32>
    %squeeze3A_246 = vector.extract %slice3A_245[0] : i32 from vector<1xi32>
    %multiple_of3A_247 = tpu.assume_multiple %squeeze3A_246, 8 : i32
    %add3A_248 = arith.constant 8 : i32
    %add3A_249 = arith.addi %mul3A_2, %add3A_248 : i32
    %dma_start3A_250 = arith.constant 8 : i32
    %dma_start3A_251 = arith.constant 0 : i32
    %dma_start3A_252 = tpu.memref_slice %arg14[%dma_start3A_250, %dma_start3A_251] : memref<64x112xf32, #tpu.memory_space<vmem>> -> memref<1x112xf32, #tpu.memory_space<vmem>>
    %dma_start3A_253 = tpu.memref_squeeze %dma_start3A_252 : memref<1x112xf32, #tpu.memory_space<vmem>> -> memref<112xf32, #tpu.memory_space<vmem>>
    %dma_start3A_254 = tpu.memref_slice %arg2[%add3A_249, %multiple_of3A_247] : memref<2048x9999xf32, #tpu.memory_space<hbm>> -> memref<1x112xf32, #tpu.memory_space<hbm>>
    %dma_start3A_255 = tpu.memref_squeeze %dma_start3A_254 : memref<1x112xf32, #tpu.memory_space<hbm>> -> memref<112xf32, #tpu.memory_space<hbm>>
    %dma_start3A_256 = arith.constant 0 : i32
    %dma_start3A_257 = tpu.memref_slice %arg14[%dma_start3A_250, %dma_start3A_256] : memref<64x112xf32, #tpu.memory_space<vmem>> -> memref<1x112xf32, #tpu.memory_space<vmem>>
    %dma_start3A_258 = tpu.memref_squeeze %dma_start3A_257 : memref<1x112xf32, #tpu.memory_space<vmem>> -> memref<112xf32, #tpu.memory_space<vmem>>
    %dma_start3A_259 = tpu.memref_slice %arg2[%add3A_249, %multiple_of3A_247] : memref<2048x9999xf32, #tpu.memory_space<hbm>> -> memref<1x112xf32, #tpu.memory_space<hbm>>
    %dma_start3A_260 = tpu.memref_squeeze %dma_start3A_259 : memref<1x112xf32, #tpu.memory_space<hbm>> -> memref<112xf32, #tpu.memory_space<hbm>>
    tpu.enqueue_dma source(%dma_start3A_260 : memref<112xf32, #tpu.memory_space<hbm>>) target(%dma_start3A_258 : memref<112xf32, #tpu.memory_space<vmem>>) target_semaphore(%arg18 : memref<!tpu.dma_semaphore, #tpu.memory_space<semaphore_mem>>)
    %slice3A_261 = vector.extract_strided_slice %min3A_119 {offsets = [9], sizes = [1], strides = [1]} : vector<16xi32> to vector<1xi32>
    %squeeze3A_262 = vector.extract %slice3A_261[0] : i32 from vector<1xi32>
    %multiple_of3A_263 = tpu.assume_multiple %squeeze3A_262, 8 : i32
    %add3A_264 = arith.constant 9 : i32
    %add3A_265 = arith.addi %mul3A_2, %add3A_264 : i32
    %dma_start3A_266 = arith.constant 9 : i32
    %dma_start3A_267 = arith.constant 0 : i32
    %dma_start3A_268 = tpu.memref_slice %arg14[%dma_start3A_266, %dma_start3A_267] : memref<64x112xf32, #tpu.memory_space<vmem>> -> memref<1x112xf32, #tpu.memory_space<vmem>>
    %dma_start3A_269 = tpu.memref_squeeze %dma_start3A_268 : memref<1x112xf32, #tpu.memory_space<vmem>> -> memref<112xf32, #tpu.memory_space<vmem>>
    %dma_start3A_270 = tpu.memref_slice %arg2[%add3A_265, %multiple_of3A_263] : memref<2048x9999xf32, #tpu.memory_space<hbm>> -> memref<1x112xf32, #tpu.memory_space<hbm>>
    %dma_start3A_271 = tpu.memref_squeeze %dma_start3A_270 : memref<1x112xf32, #tpu.memory_space<hbm>> -> memref<112xf32, #tpu.memory_space<hbm>>
    %dma_start3A_272 = arith.constant 0 : i32
    %dma_start3A_273 = tpu.memref_slice %arg14[%dma_start3A_266, %dma_start3A_272] : memref<64x112xf32, #tpu.memory_space<vmem>> -> memref<1x112xf32, #tpu.memory_space<vmem>>
    %dma_start3A_274 = tpu.memref_squeeze %dma_start3A_273 : memref<1x112xf32, #tpu.memory_space<vmem>> -> memref<112xf32, #tpu.memory_space<vmem>>
    %dma_start3A_275 = tpu.memref_slice %arg2[%add3A_265, %multiple_of3A_263] : memref<2048x9999xf32, #tpu.memory_space<hbm>> -> memref<1x112xf32, #tpu.memory_space<hbm>>
    %dma_start3A_276 = tpu.memref_squeeze %dma_start3A_275 : memref<1x112xf32, #tpu.memory_space<hbm>> -> memref<112xf32, #tpu.memory_space<hbm>>
    tpu.enqueue_dma source(%dma_start3A_276 : memref<112xf32, #tpu.memory_space<hbm>>) target(%dma_start3A_274 : memref<112xf32, #tpu.memory_space<vmem>>) target_semaphore(%arg18 : memref<!tpu.dma_semaphore, #tpu.memory_space<semaphore_mem>>)
    %slice3A_277 = vector.extract_strided_slice %min3A_119 {offsets = [10], sizes = [1], strides = [1]} : vector<16xi32> to vector<1xi32>
    %squeeze3A_278 = vector.extract %slice3A_277[0] : i32 from vector<1xi32>
    %multiple_of3A_279 = tpu.assume_multiple %squeeze3A_278, 8 : i32
    %add3A_280 = arith.constant 10 : i32
    %add3A_281 = arith.addi %mul3A_2, %add3A_280 : i32
    %dma_start3A_282 = arith.constant 10 : i32
    %dma_start3A_283 = arith.constant 0 : i32
    %dma_start3A_284 = tpu.memref_slice %arg14[%dma_start3A_282, %dma_start3A_283] : memref<64x112xf32, #tpu.memory_space<vmem>> -> memref<1x112xf32, #tpu.memory_space<vmem>>
    %dma_start3A_285 = tpu.memref_squeeze %dma_start3A_284 : memref<1x112xf32, #tpu.memory_space<vmem>> -> memref<112xf32, #tpu.memory_space<vmem>>
    %dma_start3A_286 = tpu.memref_slice %arg2[%add3A_281, %multiple_of3A_279] : memref<2048x9999xf32, #tpu.memory_space<hbm>> -> memref<1x112xf32, #tpu.memory_space<hbm>>
    %dma_start3A_287 = tpu.memref_squeeze %dma_start3A_286 : memref<1x112xf32, #tpu.memory_space<hbm>> -> memref<112xf32, #tpu.memory_space<hbm>>
    %dma_start3A_288 = arith.constant 0 : i32
    %dma_start3A_289 = tpu.memref_slice %arg14[%dma_start3A_282, %dma_start3A_288] : memref<64x112xf32, #tpu.memory_space<vmem>> -> memref<1x112xf32, #tpu.memory_space<vmem>>
    %dma_start3A_290 = tpu.memref_squeeze %dma_start3A_289 : memref<1x112xf32, #tpu.memory_space<vmem>> -> memref<112xf32, #tpu.memory_space<vmem>>
    %dma_start3A_291 = tpu.memref_slice %arg2[%add3A_281, %multiple_of3A_279] : memref<2048x9999xf32, #tpu.memory_space<hbm>> -> memref<1x112xf32, #tpu.memory_space<hbm>>
    %dma_start3A_292 = tpu.memref_squeeze %dma_start3A_291 : memref<1x112xf32, #tpu.memory_space<hbm>> -> memref<112xf32, #tpu.memory_space<hbm>>
    tpu.enqueue_dma source(%dma_start3A_292 : memref<112xf32, #tpu.memory_space<hbm>>) target(%dma_start3A_290 : memref<112xf32, #tpu.memory_space<vmem>>) target_semaphore(%arg18 : memref<!tpu.dma_semaphore, #tpu.memory_space<semaphore_mem>>)
    %slice3A_293 = vector.extract_strided_slice %min3A_119 {offsets = [11], sizes = [1], strides = [1]} : vector<16xi32> to vector<1xi32>
    %squeeze3A_294 = vector.extract %slice3A_293[0] : i32 from vector<1xi32>
    %multiple_of3A_295 = tpu.assume_multiple %squeeze3A_294, 8 : i32
    %add3A_296 = arith.constant 11 : i32
    %add3A_297 = arith.addi %mul3A_2, %add3A_296 : i32
    %dma_start3A_298 = arith.constant 11 : i32
    %dma_start3A_299 = arith.constant 0 : i32
    %dma_start3A_300 = tpu.memref_slice %arg14[%dma_start3A_298, %dma_start3A_299] : memref<64x112xf32, #tpu.memory_space<vmem>> -> memref<1x112xf32, #tpu.memory_space<vmem>>
    %dma_start3A_301 = tpu.memref_squeeze %dma_start3A_300 : memref<1x112xf32, #tpu.memory_space<vmem>> -> memref<112xf32, #tpu.memory_space<vmem>>
    %dma_start3A_302 = tpu.memref_slice %arg2[%add3A_297, %multiple_of3A_295] : memref<2048x9999xf32, #tpu.memory_space<hbm>> -> memref<1x112xf32, #tpu.memory_space<hbm>>
    %dma_start3A_303 = tpu.memref_squeeze %dma_start3A_302 : memref<1x112xf32, #tpu.memory_space<hbm>> -> memref<112xf32, #tpu.memory_space<hbm>>
    %dma_start3A_304 = arith.constant 0 : i32
    %dma_start3A_305 = tpu.memref_slice %arg14[%dma_start3A_298, %dma_start3A_304] : memref<64x112xf32, #tpu.memory_space<vmem>> -> memref<1x112xf32, #tpu.memory_space<vmem>>
    %dma_start3A_306 = tpu.memref_squeeze %dma_start3A_305 : memref<1x112xf32, #tpu.memory_space<vmem>> -> memref<112xf32, #tpu.memory_space<vmem>>
    %dma_start3A_307 = tpu.memref_slice %arg2[%add3A_297, %multiple_of3A_295] : memref<2048x9999xf32, #tpu.memory_space<hbm>> -> memref<1x112xf32, #tpu.memory_space<hbm>>
    %dma_start3A_308 = tpu.memref_squeeze %dma_start3A_307 : memref<1x112xf32, #tpu.memory_space<hbm>> -> memref<112xf32, #tpu.memory_space<hbm>>
    tpu.enqueue_dma source(%dma_start3A_308 : memref<112xf32, #tpu.memory_space<hbm>>) target(%dma_start3A_306 : memref<112xf32, #tpu.memory_space<vmem>>) target_semaphore(%arg18 : memref<!tpu.dma_semaphore, #tpu.memory_space<semaphore_mem>>)
    %slice3A_309 = vector.extract_strided_slice %min3A_119 {offsets = [12], sizes = [1], strides = [1]} : vector<16xi32> to vector<1xi32>
    %squeeze3A_310 = vector.extract %slice3A_309[0] : i32 from vector<1xi32>
    %multiple_of3A_311 = tpu.assume_multiple %squeeze3A_310, 8 : i32
    %add3A_312 = arith.constant 12 : i32
    %add3A_313 = arith.addi %mul3A_2, %add3A_312 : i32
    %dma_start3A_314 = arith.constant 12 : i32
    %dma_start3A_315 = arith.constant 0 : i32
    %dma_start3A_316 = tpu.memref_slice %arg14[%dma_start3A_314, %dma_start3A_315] : memref<64x112xf32, #tpu.memory_space<vmem>> -> memref<1x112xf32, #tpu.memory_space<vmem>>
    %dma_start3A_317 = tpu.memref_squeeze %dma_start3A_316 : memref<1x112xf32, #tpu.memory_space<vmem>> -> memref<112xf32, #tpu.memory_space<vmem>>
    %dma_start3A_318 = tpu.memref_slice %arg2[%add3A_313, %multiple_of3A_311] : memref<2048x9999xf32, #tpu.memory_space<hbm>> -> memref<1x112xf32, #tpu.memory_space<hbm>>
    %dma_start3A_319 = tpu.memref_squeeze %dma_start3A_318 : memref<1x112xf32, #tpu.memory_space<hbm>> -> memref<112xf32, #tpu.memory_space<hbm>>
    %dma_start3A_320 = arith.constant 0 : i32
    %dma_start3A_321 = tpu.memref_slice %arg14[%dma_start3A_314, %dma_start3A_320] : memref<64x112xf32, #tpu.memory_space<vmem>> -> memref<1x112xf32, #tpu.memory_space<vmem>>
    %dma_start3A_322 = tpu.memref_squeeze %dma_start3A_321 : memref<1x112xf32, #tpu.memory_space<vmem>> -> memref<112xf32, #tpu.memory_space<vmem>>
    %dma_start3A_323 = tpu.memref_slice %arg2[%add3A_313, %multiple_of3A_311] : memref<2048x9999xf32, #tpu.memory_space<hbm>> -> memref<1x112xf32, #tpu.memory_space<hbm>>
    %dma_start3A_324 = tpu.memref_squeeze %dma_start3A_323 : memref<1x112xf32, #tpu.memory_space<hbm>> -> memref<112xf32, #tpu.memory_space<hbm>>
    tpu.enqueue_dma source(%dma_start3A_324 : memref<112xf32, #tpu.memory_space<hbm>>) target(%dma_start3A_322 : memref<112xf32, #tpu.memory_space<vmem>>) target_semaphore(%arg18 : memref<!tpu.dma_semaphore, #tpu.memory_space<semaphore_mem>>)
    %slice3A_325 = vector.extract_strided_slice %min3A_119 {offsets = [13], sizes = [1], strides = [1]} : vector<16xi32> to vector<1xi32>
    %squeeze3A_326 = vector.extract %slice3A_325[0] : i32 from vector<1xi32>
    %multiple_of3A_327 = tpu.assume_multiple %squeeze3A_326, 8 : i32
    %add3A_328 = arith.constant 13 : i32
    %add3A_329 = arith.addi %mul3A_2, %add3A_328 : i32
    %dma_start3A_330 = arith.constant 13 : i32
    %dma_start3A_331 = arith.constant 0 : i32
    %dma_start3A_332 = tpu.memref_slice %arg14[%dma_start3A_330, %dma_start3A_331] : memref<64x112xf32, #tpu.memory_space<vmem>> -> memref<1x112xf32, #tpu.memory_space<vmem>>
    %dma_start3A_333 = tpu.memref_squeeze %dma_start3A_332 : memref<1x112xf32, #tpu.memory_space<vmem>> -> memref<112xf32, #tpu.memory_space<vmem>>
    %dma_start3A_334 = tpu.memref_slice %arg2[%add3A_329, %multiple_of3A_327] : memref<2048x9999xf32, #tpu.memory_space<hbm>> -> memref<1x112xf32, #tpu.memory_space<hbm>>
    %dma_start3A_335 = tpu.memref_squeeze %dma_start3A_334 : memref<1x112xf32, #tpu.memory_space<hbm>> -> memref<112xf32, #tpu.memory_space<hbm>>
    %dma_start3A_336 = arith.constant 0 : i32
    %dma_start3A_337 = tpu.memref_slice %arg14[%dma_start3A_330, %dma_start3A_336] : memref<64x112xf32, #tpu.memory_space<vmem>> -> memref<1x112xf32, #tpu.memory_space<vmem>>
    %dma_start3A_338 = tpu.memref_squeeze %dma_start3A_337 : memref<1x112xf32, #tpu.memory_space<vmem>> -> memref<112xf32, #tpu.memory_space<vmem>>
    %dma_start3A_339 = tpu.memref_slice %arg2[%add3A_329, %multiple_of3A_327] : memref<2048x9999xf32, #tpu.memory_space<hbm>> -> memref<1x112xf32, #tpu.memory_space<hbm>>
    %dma_start3A_340 = tpu.memref_squeeze %dma_start3A_339 : memref<1x112xf32, #tpu.memory_space<hbm>> -> memref<112xf32, #tpu.memory_space<hbm>>
    tpu.enqueue_dma source(%dma_start3A_340 : memref<112xf32, #tpu.memory_space<hbm>>) target(%dma_start3A_338 : memref<112xf32, #tpu.memory_space<vmem>>) target_semaphore(%arg18 : memref<!tpu.dma_semaphore, #tpu.memory_space<semaphore_mem>>)
    %slice3A_341 = vector.extract_strided_slice %min3A_119 {offsets = [14], sizes = [1], strides = [1]} : vector<16xi32> to vector<1xi32>
    %squeeze3A_342 = vector.extract %slice3A_341[0] : i32 from vector<1xi32>
    %multiple_of3A_343 = tpu.assume_multiple %squeeze3A_342, 8 : i32
    %add3A_344 = arith.constant 14 : i32
    %add3A_345 = arith.addi %mul3A_2, %add3A_344 : i32
    %dma_start3A_346 = arith.constant 14 : i32
    %dma_start3A_347 = arith.constant 0 : i32
    %dma_start3A_348 = tpu.memref_slice %arg14[%dma_start3A_346, %dma_start3A_347] : memref<64x112xf32, #tpu.memory_space<vmem>> -> memref<1x112xf32, #tpu.memory_space<vmem>>
    %dma_start3A_349 = tpu.memref_squeeze %dma_start3A_348 : memref<1x112xf32, #tpu.memory_space<vmem>> -> memref<112xf32, #tpu.memory_space<vmem>>
    %dma_start3A_350 = tpu.memref_slice %arg2[%add3A_345, %multiple_of3A_343] : memref<2048x9999xf32, #tpu.memory_space<hbm>> -> memref<1x112xf32, #tpu.memory_space<hbm>>
    %dma_start3A_351 = tpu.memref_squeeze %dma_start3A_350 : memref<1x112xf32, #tpu.memory_space<hbm>> -> memref<112xf32, #tpu.memory_space<hbm>>
    %dma_start3A_352 = arith.constant 0 : i32
    %dma_start3A_353 = tpu.memref_slice %arg14[%dma_start3A_346, %dma_start3A_352] : memref<64x112xf32, #tpu.memory_space<vmem>> -> memref<1x112xf32, #tpu.memory_space<vmem>>
    %dma_start3A_354 = tpu.memref_squeeze %dma_start3A_353 : memref<1x112xf32, #tpu.memory_space<vmem>> -> memref<112xf32, #tpu.memory_space<vmem>>
    %dma_start3A_355 = tpu.memref_slice %arg2[%add3A_345, %multiple_of3A_343] : memref<2048x9999xf32, #tpu.memory_space<hbm>> -> memref<1x112xf32, #tpu.memory_space<hbm>>
    %dma_start3A_356 = tpu.memref_squeeze %dma_start3A_355 : memref<1x112xf32, #tpu.memory_space<hbm>> -> memref<112xf32, #tpu.memory_space<hbm>>
    tpu.enqueue_dma source(%dma_start3A_356 : memref<112xf32, #tpu.memory_space<hbm>>) target(%dma_start3A_354 : memref<112xf32, #tpu.memory_space<vmem>>) target_semaphore(%arg18 : memref<!tpu.dma_semaphore, #tpu.memory_space<semaphore_mem>>)
    %slice3A_357 = vector.extract_strided_slice %min3A_119 {offsets = [15], sizes = [1], strides = [1]} : vector<16xi32> to vector<1xi32>
    %squeeze3A_358 = vector.extract %slice3A_357[0] : i32 from vector<1xi32>
    %multiple_of3A_359 = tpu.assume_multiple %squeeze3A_358, 8 : i32
    %add3A_360 = arith.constant 15 : i32
    %add3A_361 = arith.addi %mul3A_2, %add3A_360 : i32
    %dma_start3A_362 = arith.constant 15 : i32
    %dma_start3A_363 = arith.constant 0 : i32
    %dma_start3A_364 = tpu.memref_slice %arg14[%dma_start3A_362, %dma_start3A_363] : memref<64x112xf32, #tpu.memory_space<vmem>> -> memref<1x112xf32, #tpu.memory_space<vmem>>
    %dma_start3A_365 = tpu.memref_squeeze %dma_start3A_364 : memref<1x112xf32, #tpu.memory_space<vmem>> -> memref<112xf32, #tpu.memory_space<vmem>>
    %dma_start3A_366 = tpu.memref_slice %arg2[%add3A_361, %multiple_of3A_359] : memref<2048x9999xf32, #tpu.memory_space<hbm>> -> memref<1x112xf32, #tpu.memory_space<hbm>>
    %dma_start3A_367 = tpu.memref_squeeze %dma_start3A_366 : memref<1x112xf32, #tpu.memory_space<hbm>> -> memref<112xf32, #tpu.memory_space<hbm>>
    %dma_start3A_368 = arith.constant 0 : i32
    %dma_start3A_369 = tpu.memref_slice %arg14[%dma_start3A_362, %dma_start3A_368] : memref<64x112xf32, #tpu.memory_space<vmem>> -> memref<1x112xf32, #tpu.memory_space<vmem>>
    %dma_start3A_370 = tpu.memref_squeeze %dma_start3A_369 : memref<1x112xf32, #tpu.memory_space<vmem>> -> memref<112xf32, #tpu.memory_space<vmem>>
    %dma_start3A_371 = tpu.memref_slice %arg2[%add3A_361, %multiple_of3A_359] : memref<2048x9999xf32, #tpu.memory_space<hbm>> -> memref<1x112xf32, #tpu.memory_space<hbm>>
    %dma_start3A_372 = tpu.memref_squeeze %dma_start3A_371 : memref<1x112xf32, #tpu.memory_space<hbm>> -> memref<112xf32, #tpu.memory_space<hbm>>
    tpu.enqueue_dma source(%dma_start3A_372 : memref<112xf32, #tpu.memory_space<hbm>>) target(%dma_start3A_370 : memref<112xf32, #tpu.memory_space<vmem>>) target_semaphore(%arg18 : memref<!tpu.dma_semaphore, #tpu.memory_space<semaphore_mem>>)
    %get3A_373 = arith.constant 16 : index
    %get3A_374 = tpu.vector_load %arg11[%get3A_373] {strides = array<i32>} : memref<64xi32, #tpu.memory_space<vmem>>, vector<16xi32>,
    %mul3A_375 = arith.constant 99 : i32
    %mul3A_376 = vector.broadcast %mul3A_375 : i32 to vector<16xi32>
    %mul3A_377 = arith.muli %mul3A_376, %get3A_374 : vector<16xi32>
    %add3A_378 = arith.constant 99 : i32
    %add3A_379 = vector.broadcast %add3A_378 : i32 to vector<16xi32>
    %add3A_380 = arith.addi %add3A_379, %mul3A_377 : vector<16xi32>
    %and3A_381 = arith.constant -8 : i32
    %and3A_382 = vector.broadcast %and3A_381 : i32 to vector<16xi32>
    %and3A_383 = arith.andi %add3A_380, %and3A_382 : vector<16xi32>
    %min3A_384 = arith.constant 9888 : i32
    %min3A_385 = vector.broadcast %min3A_384 : i32 to vector<16xi32>
    %min3A_386 = arith.minsi %and3A_383, %min3A_385 : vector<16xi32>
    %slice3A_387 = vector.extract_strided_slice %min3A_386 {offsets = [0], sizes = [1], strides = [1]} : vector<16xi32> to vector<1xi32>
    %squeeze3A_388 = vector.extract %slice3A_387[0] : i32 from vector<1xi32>
    %multiple_of3A_389 = tpu.assume_multiple %squeeze3A_388, 8 : i32
    %add3A_390 = arith.constant 16 : i32
    %add3A_391 = arith.addi %mul3A_2, %add3A_390 : i32
    %dma_start3A_392 = arith.constant 16 : i32
    %dma_start3A_393 = arith.constant 0 : i32
    %dma_start3A_394 = tpu.memref_slice %arg14[%dma_start3A_392, %dma_start3A_393] : memref<64x112xf32, #tpu.memory_space<vmem>> -> memref<1x112xf32, #tpu.memory_space<vmem>>
    %dma_start3A_395 = tpu.memref_squeeze %dma_start3A_394 : memref<1x112xf32, #tpu.memory_space<vmem>> -> memref<112xf32, #tpu.memory_space<vmem>>
    %dma_start3A_396 = tpu.memref_slice %arg2[%add3A_391, %multiple_of3A_389] : memref<2048x9999xf32, #tpu.memory_space<hbm>> -> memref<1x112xf32, #tpu.memory_space<hbm>>
    %dma_start3A_397 = tpu.memref_squeeze %dma_start3A_396 : memref<1x112xf32, #tpu.memory_space<hbm>> -> memref<112xf32, #tpu.memory_space<hbm>>
    %dma_start3A_398 = arith.constant 0 : i32
    %dma_start3A_399 = tpu.memref_slice %arg14[%dma_start3A_392, %dma_start3A_398] : memref<64x112xf32, #tpu.memory_space<vmem>> -> memref<1x112xf32, #tpu.memory_space<vmem>>
    %dma_start3A_400 = tpu.memref_squeeze %dma_start3A_399 : memref<1x112xf32, #tpu.memory_space<vmem>> -> memref<112xf32, #tpu.memory_space<vmem>>
    %dma_start3A_401 = tpu.memref_slice %arg2[%add3A_391, %multiple_of3A_389] : memref<2048x9999xf32, #tpu.memory_space<hbm>> -> memref<1x112xf32, #tpu.memory_space<hbm>>
    %dma_start3A_402 = tpu.memref_squeeze %dma_start3A_401 : memref<1x112xf32, #tpu.memory_space<hbm>> -> memref<112xf32, #tpu.memory_space<hbm>>
    tpu.enqueue_dma source(%dma_start3A_402 : memref<112xf32, #tpu.memory_space<hbm>>) target(%dma_start3A_400 : memref<112xf32, #tpu.memory_space<vmem>>) target_semaphore(%arg18 : memref<!tpu.dma_semaphore, #tpu.memory_space<semaphore_mem>>)
    %slice3A_403 = vector.extract_strided_slice %min3A_386 {offsets = [1], sizes = [1], strides = [1]} : vector<16xi32> to vector<1xi32>
    %squeeze3A_404 = vector.extract %slice3A_403[0] : i32 from vector<1xi32>
    %multiple_of3A_405 = tpu.assume_multiple %squeeze3A_404, 8 : i32
    %add3A_406 = arith.constant 17 : i32
    %add3A_407 = arith.addi %mul3A_2, %add3A_406 : i32
    %dma_start3A_408 = arith.constant 17 : i32
    %dma_start3A_409 = arith.constant 0 : i32
    %dma_start3A_410 = tpu.memref_slice %arg14[%dma_start3A_408, %dma_start3A_409] : memref<64x112xf32, #tpu.memory_space<vmem>> -> memref<1x112xf32, #tpu.memory_space<vmem>>
    %dma_start3A_411 = tpu.memref_squeeze %dma_start3A_410 : memref<1x112xf32, #tpu.memory_space<vmem>> -> memref<112xf32, #tpu.memory_space<vmem>>
    %dma_start3A_412 = tpu.memref_slice %arg2[%add3A_407, %multiple_of3A_405] : memref<2048x9999xf32, #tpu.memory_space<hbm>> -> memref<1x112xf32, #tpu.memory_space<hbm>>
    %dma_start3A_413 = tpu.memref_squeeze %dma_start3A_412 : memref<1x112xf32, #tpu.memory_space<hbm>> -> memref<112xf32, #tpu.memory_space<hbm>>
    %dma_start3A_414 = arith.constant 0 : i32
    %dma_start3A_415 = tpu.memref_slice %arg14[%dma_start3A_408, %dma_start3A_414] : memref<64x112xf32, #tpu.memory_space<vmem>> -> memref<1x112xf32, #tpu.memory_space<vmem>>
    %dma_start3A_416 = tpu.memref_squeeze %dma_start3A_415 : memref<1x112xf32, #tpu.memory_space<vmem>> -> memref<112xf32, #tpu.memory_space<vmem>>
    %dma_start3A_417 = tpu.memref_slice %arg2[%add3A_407, %multiple_of3A_405] : memref<2048x9999xf32, #tpu.memory_space<hbm>> -> memref<1x112xf32, #tpu.memory_space<hbm>>
    %dma_start3A_418 = tpu.memref_squeeze %dma_start3A_417 : memref<1x112xf32, #tpu.memory_space<hbm>> -> memref<112xf32, #tpu.memory_space<hbm>>
    tpu.enqueue_dma source(%dma_start3A_418 : memref<112xf32, #tpu.memory_space<hbm>>) target(%dma_start3A_416 : memref<112xf32, #tpu.memory_space<vmem>>) target_semaphore(%arg18 : memref<!tpu.dma_semaphore, #tpu.memory_space<semaphore_mem>>)
    %slice3A_419 = vector.extract_strided_slice %min3A_386 {offsets = [2], sizes = [1], strides = [1]} : vector<16xi32> to vector<1xi32>
    %squeeze3A_420 = vector.extract %slice3A_419[0] : i32 from vector<1xi32>
    %multiple_of3A_421 = tpu.assume_multiple %squeeze3A_420, 8 : i32
    %add3A_422 = arith.constant 18 : i32
    %add3A_423 = arith.addi %mul3A_2, %add3A_422 : i32
    %dma_start3A_424 = arith.constant 18 : i32
    %dma_start3A_425 = arith.constant 0 : i32
    %dma_start3A_426 = tpu.memref_slice %arg14[%dma_start3A_424, %dma_start3A_425] : memref<64x112xf32, #tpu.memory_space<vmem>> -> memref<1x112xf32, #tpu.memory_space<vmem>>
    %dma_start3A_427 = tpu.memref_squeeze %dma_start3A_426 : memref<1x112xf32, #tpu.memory_space<vmem>> -> memref<112xf32, #tpu.memory_space<vmem>>
    %dma_start3A_428 = tpu.memref_slice %arg2[%add3A_423, %multiple_of3A_421] : memref<2048x9999xf32, #tpu.memory_space<hbm>> -> memref<1x112xf32, #tpu.memory_space<hbm>>
    %dma_start3A_429 = tpu.memref_squeeze %dma_start3A_428 : memref<1x112xf32, #tpu.memory_space<hbm>> -> memref<112xf32, #tpu.memory_space<hbm>>
    %dma_start3A_430 = arith.constant 0 : i32
    %dma_start3A_431 = tpu.memref_slice %arg14[%dma_start3A_424, %dma_start3A_430] : memref<64x112xf32, #tpu.memory_space<vmem>> -> memref<1x112xf32, #tpu.memory_space<vmem>>
    %dma_start3A_432 = tpu.memref_squeeze %dma_start3A_431 : memref<1x112xf32, #tpu.memory_space<vmem>> -> memref<112xf32, #tpu.memory_space<vmem>>
    %dma_start3A_433 = tpu.memref_slice %arg2[%add3A_423, %multiple_of3A_421] : memref<2048x9999xf32, #tpu.memory_space<hbm>> -> memref<1x112xf32, #tpu.memory_space<hbm>>
    %dma_start3A_434 = tpu.memref_squeeze %dma_start3A_433 : memref<1x112xf32, #tpu.memory_space<hbm>> -> memref<112xf32, #tpu.memory_space<hbm>>
    tpu.enqueue_dma source(%dma_start3A_434 : memref<112xf32, #tpu.memory_space<hbm>>) target(%dma_start3A_432 : memref<112xf32, #tpu.memory_space<vmem>>) target_semaphore(%arg18 : memref<!tpu.dma_semaphore, #tpu.memory_space<semaphore_mem>>)
    %slice3A_435 = vector.extract_strided_slice %min3A_386 {offsets = [3], sizes = [1], strides = [1]} : vector<16xi32> to vector<1xi32>
    %squeeze3A_436 = vector.extract %slice3A_435[0] : i32 from vector<1xi32>
    %multiple_of3A_437 = tpu.assume_multiple %squeeze3A_436, 8 : i32
    %add3A_438 = arith.constant 19 : i32
    %add3A_439 = arith.addi %mul3A_2, %add3A_438 : i32
    %dma_start3A_440 = arith.constant 19 : i32
    %dma_start3A_441 = arith.constant 0 : i32
    %dma_start3A_442 = tpu.memref_slice %arg14[%dma_start3A_440, %dma_start3A_441] : memref<64x112xf32, #tpu.memory_space<vmem>> -> memref<1x112xf32, #tpu.memory_space<vmem>>
    %dma_start3A_443 = tpu.memref_squeeze %dma_start3A_442 : memref<1x112xf32, #tpu.memory_space<vmem>> -> memref<112xf32, #tpu.memory_space<vmem>>
    %dma_start3A_444 = tpu.memref_slice %arg2[%add3A_439, %multiple_of3A_437] : memref<2048x9999xf32, #tpu.memory_space<hbm>> -> memref<1x112xf32, #tpu.memory_space<hbm>>
    %dma_start3A_445 = tpu.memref_squeeze %dma_start3A_444 : memref<1x112xf32, #tpu.memory_space<hbm>> -> memref<112xf32, #tpu.memory_space<hbm>>
    %dma_start3A_446 = arith.constant 0 : i32
    %dma_start3A_447 = tpu.memref_slice %arg14[%dma_start3A_440, %dma_start3A_446] : memref<64x112xf32, #tpu.memory_space<vmem>> -> memref<1x112xf32, #tpu.memory_space<vmem>>
    %dma_start3A_448 = tpu.memref_squeeze %dma_start3A_447 : memref<1x112xf32, #tpu.memory_space<vmem>> -> memref<112xf32, #tpu.memory_space<vmem>>
    %dma_start3A_449 = tpu.memref_slice %arg2[%add3A_439, %multiple_of3A_437] : memref<2048x9999xf32, #tpu.memory_space<hbm>> -> memref<1x112xf32, #tpu.memory_space<hbm>>
    %dma_start3A_450 = tpu.memref_squeeze %dma_start3A_449 : memref<1x112xf32, #tpu.memory_space<hbm>> -> memref<112xf32, #tpu.memory_space<hbm>>
    tpu.enqueue_dma source(%dma_start3A_450 : memref<112xf32, #tpu.memory_space<hbm>>) target(%dma_start3A_448 : memref<112xf32, #tpu.memory_space<vmem>>) target_semaphore(%arg18 : memref<!tpu.dma_semaphore, #tpu.memory_space<semaphore_mem>>)
    %slice3A_451 = vector.extract_strided_slice %min3A_386 {offsets = [4], sizes = [1], strides = [1]} : vector<16xi32> to vector<1xi32>
    %squeeze3A_452 = vector.extract %slice3A_451[0] : i32 from vector<1xi32>
    %multiple_of3A_453 = tpu.assume_multiple %squeeze3A_452, 8 : i32
    %add3A_454 = arith.constant 20 : i32
    %add3A_455 = arith.addi %mul3A_2, %add3A_454 : i32
    %dma_start3A_456 = arith.constant 20 : i32
    %dma_start3A_457 = arith.constant 0 : i32
    %dma_start3A_458 = tpu.memref_slice %arg14[%dma_start3A_456, %dma_start3A_457] : memref<64x112xf32, #tpu.memory_space<vmem>> -> memref<1x112xf32, #tpu.memory_space<vmem>>
    %dma_start3A_459 = tpu.memref_squeeze %dma_start3A_458 : memref<1x112xf32, #tpu.memory_space<vmem>> -> memref<112xf32, #tpu.memory_space<vmem>>
    %dma_start3A_460 = tpu.memref_slice %arg2[%add3A_455, %multiple_of3A_453] : memref<2048x9999xf32, #tpu.memory_space<hbm>> -> memref<1x112xf32, #tpu.memory_space<hbm>>
    %dma_start3A_461 = tpu.memref_squeeze %dma_start3A_460 : memref<1x112xf32, #tpu.memory_space<hbm>> -> memref<112xf32, #tpu.memory_space<hbm>>
    %dma_start3A_462 = arith.constant 0 : i32
    %dma_start3A_463 = tpu.memref_slice %arg14[%dma_start3A_456, %dma_start3A_462] : memref<64x112xf32, #tpu.memory_space<vmem>> -> memref<1x112xf32, #tpu.memory_space<vmem>>
    %dma_start3A_464 = tpu.memref_squeeze %dma_start3A_463 : memref<1x112xf32, #tpu.memory_space<vmem>> -> memref<112xf32, #tpu.memory_space<vmem>>
    %dma_start3A_465 = tpu.memref_slice %arg2[%add3A_455, %multiple_of3A_453] : memref<2048x9999xf32, #tpu.memory_space<hbm>> -> memref<1x112xf32, #tpu.memory_space<hbm>>
    %dma_start3A_466 = tpu.memref_squeeze %dma_start3A_465 : memref<1x112xf32, #tpu.memory_space<hbm>> -> memref<112xf32, #tpu.memory_space<hbm>>
    tpu.enqueue_dma source(%dma_start3A_466 : memref<112xf32, #tpu.memory_space<hbm>>) target(%dma_start3A_464 : memref<112xf32, #tpu.memory_space<vmem>>) target_semaphore(%arg18 : memref<!tpu.dma_semaphore, #tpu.memory_space<semaphore_mem>>)
    %slice3A_467 = vector.extract_strided_slice %min3A_386 {offsets = [5], sizes = [1], strides = [1]} : vector<16xi32> to vector<1xi32>
    %squeeze3A_468 = vector.extract %slice3A_467[0] : i32 from vector<1xi32>
    %multiple_of3A_469 = tpu.assume_multiple %squeeze3A_468, 8 : i32
    %add3A_470 = arith.constant 21 : i32
    %add3A_471 = arith.addi %mul3A_2, %add3A_470 : i32
    %dma_start3A_472 = arith.constant 21 : i32
    %dma_start3A_473 = arith.constant 0 : i32
    %dma_start3A_474 = tpu.memref_slice %arg14[%dma_start3A_472, %dma_start3A_473] : memref<64x112xf32, #tpu.memory_space<vmem>> -> memref<1x112xf32, #tpu.memory_space<vmem>>
    %dma_start3A_475 = tpu.memref_squeeze %dma_start3A_474 : memref<1x112xf32, #tpu.memory_space<vmem>> -> memref<112xf32, #tpu.memory_space<vmem>>
    %dma_start3A_476 = tpu.memref_slice %arg2[%add3A_471, %multiple_of3A_469] : memref<2048x9999xf32, #tpu.memory_space<hbm>> -> memref<1x112xf32, #tpu.memory_space<hbm>>
    %dma_start3A_477 = tpu.memref_squeeze %dma_start3A_476 : memref<1x112xf32, #tpu.memory_space<hbm>> -> memref<112xf32, #tpu.memory_space<hbm>>
    %dma_start3A_478 = arith.constant 0 : i32
    %dma_start3A_479 = tpu.memref_slice %arg14[%dma_start3A_472, %dma_start3A_478] : memref<64x112xf32, #tpu.memory_space<vmem>> -> memref<1x112xf32, #tpu.memory_space<vmem>>
    %dma_start3A_480 = tpu.memref_squeeze %dma_start3A_479 : memref<1x112xf32, #tpu.memory_space<vmem>> -> memref<112xf32, #tpu.memory_space<vmem>>
    %dma_start3A_481 = tpu.memref_slice %arg2[%add3A_471, %multiple_of3A_469] : memref<2048x9999xf32, #tpu.memory_space<hbm>> -> memref<1x112xf32, #tpu.memory_space<hbm>>
    %dma_start3A_482 = tpu.memref_squeeze %dma_start3A_481 : memref<1x112xf32, #tpu.memory_space<hbm>> -> memref<112xf32, #tpu.memory_space<hbm>>
    tpu.enqueue_dma source(%dma_start3A_482 : memref<112xf32, #tpu.memory_space<hbm>>) target(%dma_start3A_480 : memref<112xf32, #tpu.memory_space<vmem>>) target_semaphore(%arg18 : memref<!tpu.dma_semaphore, #tpu.memory_space<semaphore_mem>>)
    %slice3A_483 = vector.extract_strided_slice %min3A_386 {offsets = [6], sizes = [1], strides = [1]} : vector<16xi32> to vector<1xi32>
    %squeeze3A_484 = vector.extract %slice3A_483[0] : i32 from vector<1xi32>
    %multiple_of3A_485 = tpu.assume_multiple %squeeze3A_484, 8 : i32
    %add3A_486 = arith.constant 22 : i32
    %add3A_487 = arith.addi %mul3A_2, %add3A_486 : i32
    %dma_start3A_488 = arith.constant 22 : i32
    %dma_start3A_489 = arith.constant 0 : i32
    %dma_start3A_490 = tpu.memref_slice %arg14[%dma_start3A_488, %dma_start3A_489] : memref<64x112xf32, #tpu.memory_space<vmem>> -> memref<1x112xf32, #tpu.memory_space<vmem>>
    %dma_start3A_491 = tpu.memref_squeeze %dma_start3A_490 : memref<1x112xf32, #tpu.memory_space<vmem>> -> memref<112xf32, #tpu.memory_space<vmem>>
    %dma_start3A_492 = tpu.memref_slice %arg2[%add3A_487, %multiple_of3A_485] : memref<2048x9999xf32, #tpu.memory_space<hbm>> -> memref<1x112xf32, #tpu.memory_space<hbm>>
    %dma_start3A_493 = tpu.memref_squeeze %dma_start3A_492 : memref<1x112xf32, #tpu.memory_space<hbm>> -> memref<112xf32, #tpu.memory_space<hbm>>
    %dma_start3A_494 = arith.constant 0 : i32
    %dma_start3A_495 = tpu.memref_slice %arg14[%dma_start3A_488, %dma_start3A_494] : memref<64x112xf32, #tpu.memory_space<vmem>> -> memref<1x112xf32, #tpu.memory_space<vmem>>
    %dma_start3A_496 = tpu.memref_squeeze %dma_start3A_495 : memref<1x112xf32, #tpu.memory_space<vmem>> -> memref<112xf32, #tpu.memory_space<vmem>>
    %dma_start3A_497 = tpu.memref_slice %arg2[%add3A_487, %multiple_of3A_485] : memref<2048x9999xf32, #tpu.memory_space<hbm>> -> memref<1x112xf32, #tpu.memory_space<hbm>>
    %dma_start3A_498 = tpu.memref_squeeze %dma_start3A_497 : memref<1x112xf32, #tpu.memory_space<hbm>> -> memref<112xf32, #tpu.memory_space<hbm>>
    tpu.enqueue_dma source(%dma_start3A_498 : memref<112xf32, #tpu.memory_space<hbm>>) target(%dma_start3A_496 : memref<112xf32, #tpu.memory_space<vmem>>) target_semaphore(%arg18 : memref<!tpu.dma_semaphore, #tpu.memory_space<semaphore_mem>>)
    %slice3A_499 = vector.extract_strided_slice %min3A_386 {offsets = [7], sizes = [1], strides = [1]} : vector<16xi32> to vector<1xi32>
    %squeeze3A_500 = vector.extract %slice3A_499[0] : i32 from vector<1xi32>
    %multiple_of3A_501 = tpu.assume_multiple %squeeze3A_500, 8 : i32
    %add3A_502 = arith.constant 23 : i32
    %add3A_503 = arith.addi %mul3A_2, %add3A_502 : i32
    %dma_start3A_504 = arith.constant 23 : i32
    %dma_start3A_505 = arith.constant 0 : i32
    %dma_start3A_506 = tpu.memref_slice %arg14[%dma_start3A_504, %dma_start3A_505] : memref<64x112xf32, #tpu.memory_space<vmem>> -> memref<1x112xf32, #tpu.memory_space<vmem>>
    %dma_start3A_507 = tpu.memref_squeeze %dma_start3A_506 : memref<1x112xf32, #tpu.memory_space<vmem>> -> memref<112xf32, #tpu.memory_space<vmem>>
    %dma_start3A_508 = tpu.memref_slice %arg2[%add3A_503, %multiple_of3A_501] : memref<2048x9999xf32, #tpu.memory_space<hbm>> -> memref<1x112xf32, #tpu.memory_space<hbm>>
    %dma_start3A_509 = tpu.memref_squeeze %dma_start3A_508 : memref<1x112xf32, #tpu.memory_space<hbm>> -> memref<112xf32, #tpu.memory_space<hbm>>
    %dma_start3A_510 = arith.constant 0 : i32
    %dma_start3A_511 = tpu.memref_slice %arg14[%dma_start3A_504, %dma_start3A_510] : memref<64x112xf32, #tpu.memory_space<vmem>> -> memref<1x112xf32, #tpu.memory_space<vmem>>
    %dma_start3A_512 = tpu.memref_squeeze %dma_start3A_511 : memref<1x112xf32, #tpu.memory_space<vmem>> -> memref<112xf32, #tpu.memory_space<vmem>>
    %dma_start3A_513 = tpu.memref_slice %arg2[%add3A_503, %multiple_of3A_501] : memref<2048x9999xf32, #tpu.memory_space<hbm>> -> memref<1x112xf32, #tpu.memory_space<hbm>>
    %dma_start3A_514 = tpu.memref_squeeze %dma_start3A_513 : memref<1x112xf32, #tpu.memory_space<hbm>> -> memref<112xf32, #tpu.memory_space<hbm>>
    tpu.enqueue_dma source(%dma_start3A_514 : memref<112xf32, #tpu.memory_space<hbm>>) target(%dma_start3A_512 : memref<112xf32, #tpu.memory_space<vmem>>) target_semaphore(%arg18 : memref<!tpu.dma_semaphore, #tpu.memory_space<semaphore_mem>>)
    %slice3A_515 = vector.extract_strided_slice %min3A_386 {offsets = [8], sizes = [1], strides = [1]} : vector<16xi32> to vector<1xi32>
    %squeeze3A_516 = vector.extract %slice3A_515[0] : i32 from vector<1xi32>
    %multiple_of3A_517 = tpu.assume_multiple %squeeze3A_516, 8 : i32
    %add3A_518 = arith.constant 24 : i32
    %add3A_519 = arith.addi %mul3A_2, %add3A_518 : i32
    %dma_start3A_520 = arith.constant 24 : i32
    %dma_start3A_521 = arith.constant 0 : i32
    %dma_start3A_522 = tpu.memref_slice %arg14[%dma_start3A_520, %dma_start3A_521] : memref<64x112xf32, #tpu.memory_space<vmem>> -> memref<1x112xf32, #tpu.memory_space<vmem>>
    %dma_start3A_523 = tpu.memref_squeeze %dma_start3A_522 : memref<1x112xf32, #tpu.memory_space<vmem>> -> memref<112xf32, #tpu.memory_space<vmem>>
    %dma_start3A_524 = tpu.memref_slice %arg2[%add3A_519, %multiple_of3A_517] : memref<2048x9999xf32, #tpu.memory_space<hbm>> -> memref<1x112xf32, #tpu.memory_space<hbm>>
    %dma_start3A_525 = tpu.memref_squeeze %dma_start3A_524 : memref<1x112xf32, #tpu.memory_space<hbm>> -> memref<112xf32, #tpu.memory_space<hbm>>
    %dma_start3A_526 = arith.constant 0 : i32
    %dma_start3A_527 = tpu.memref_slice %arg14[%dma_start3A_520, %dma_start3A_526] : memref<64x112xf32, #tpu.memory_space<vmem>> -> memref<1x112xf32, #tpu.memory_space<vmem>>
    %dma_start3A_528 = tpu.memref_squeeze %dma_start3A_527 : memref<1x112xf32, #tpu.memory_space<vmem>> -> memref<112xf32, #tpu.memory_space<vmem>>
    %dma_start3A_529 = tpu.memref_slice %arg2[%add3A_519, %multiple_of3A_517] : memref<2048x9999xf32, #tpu.memory_space<hbm>> -> memref<1x112xf32, #tpu.memory_space<hbm>>
    %dma_start3A_530 = tpu.memref_squeeze %dma_start3A_529 : memref<1x112xf32, #tpu.memory_space<hbm>> -> memref<112xf32, #tpu.memory_space<hbm>>
    tpu.enqueue_dma source(%dma_start3A_530 : memref<112xf32, #tpu.memory_space<hbm>>) target(%dma_start3A_528 : memref<112xf32, #tpu.memory_space<vmem>>) target_semaphore(%arg18 : memref<!tpu.dma_semaphore, #tpu.memory_space<semaphore_mem>>)
    %slice3A_531 = vector.extract_strided_slice %min3A_386 {offsets = [9], sizes = [1], strides = [1]} : vector<16xi32> to vector<1xi32>
    %squeeze3A_532 = vector.extract %slice3A_531[0] : i32 from vector<1xi32>
    %multiple_of3A_533 = tpu.assume_multiple %squeeze3A_532, 8 : i32
    %add3A_534 = arith.constant 25 : i32
    %add3A_535 = arith.addi %mul3A_2, %add3A_534 : i32
    %dma_start3A_536 = arith.constant 25 : i32
    %dma_start3A_537 = arith.constant 0 : i32
    %dma_start3A_538 = tpu.memref_slice %arg14[%dma_start3A_536, %dma_start3A_537] : memref<64x112xf32, #tpu.memory_space<vmem>> -> memref<1x112xf32, #tpu.memory_space<vmem>>
    %dma_start3A_539 = tpu.memref_squeeze %dma_start3A_538 : memref<1x112xf32, #tpu.memory_space<vmem>> -> memref<112xf32, #tpu.memory_space<vmem>>
    %dma_start3A_540 = tpu.memref_slice %arg2[%add3A_535, %multiple_of3A_533] : memref<2048x9999xf32, #tpu.memory_space<hbm>> -> memref<1x112xf32, #tpu.memory_space<hbm>>
    %dma_start3A_541 = tpu.memref_squeeze %dma_start3A_540 : memref<1x112xf32, #tpu.memory_space<hbm>> -> memref<112xf32, #tpu.memory_space<hbm>>
    %dma_start3A_542 = arith.constant 0 : i32
    %dma_start3A_543 = tpu.memref_slice %arg14[%dma_start3A_536, %dma_start3A_542] : memref<64x112xf32, #tpu.memory_space<vmem>> -> memref<1x112xf32, #tpu.memory_space<vmem>>
    %dma_start3A_544 = tpu.memref_squeeze %dma_start3A_543 : memref<1x112xf32, #tpu.memory_space<vmem>> -> memref<112xf32, #tpu.memory_space<vmem>>
    %dma_start3A_545 = tpu.memref_slice %arg2[%add3A_535, %multiple_of3A_533] : memref<2048x9999xf32, #tpu.memory_space<hbm>> -> memref<1x112xf32, #tpu.memory_space<hbm>>
    %dma_start3A_546 = tpu.memref_squeeze %dma_start3A_545 : memref<1x112xf32, #tpu.memory_space<hbm>> -> memref<112xf32, #tpu.memory_space<hbm>>
    tpu.enqueue_dma source(%dma_start3A_546 : memref<112xf32, #tpu.memory_space<hbm>>) target(%dma_start3A_544 : memref<112xf32, #tpu.memory_space<vmem>>) target_semaphore(%arg18 : memref<!tpu.dma_semaphore, #tpu.memory_space<semaphore_mem>>)
    %slice3A_547 = vector.extract_strided_slice %min3A_386 {offsets = [10], sizes = [1], strides = [1]} : vector<16xi32> to vector<1xi32>
    %squeeze3A_548 = vector.extract %slice3A_547[0] : i32 from vector<1xi32>
    %multiple_of3A_549 = tpu.assume_multiple %squeeze3A_548, 8 : i32
    %add3A_550 = arith.constant 26 : i32
    %add3A_551 = arith.addi %mul3A_2, %add3A_550 : i32
    %dma_start3A_552 = arith.constant 26 : i32
    %dma_start3A_553 = arith.constant 0 : i32
    %dma_start3A_554 = tpu.memref_slice %arg14[%dma_start3A_552, %dma_start3A_553] : memref<64x112xf32, #tpu.memory_space<vmem>> -> memref<1x112xf32, #tpu.memory_space<vmem>>
    %dma_start3A_555 = tpu.memref_squeeze %dma_start3A_554 : memref<1x112xf32, #tpu.memory_space<vmem>> -> memref<112xf32, #tpu.memory_space<vmem>>
    %dma_start3A_556 = tpu.memref_slice %arg2[%add3A_551, %multiple_of3A_549] : memref<2048x9999xf32, #tpu.memory_space<hbm>> -> memref<1x112xf32, #tpu.memory_space<hbm>>
    %dma_start3A_557 = tpu.memref_squeeze %dma_start3A_556 : memref<1x112xf32, #tpu.memory_space<hbm>> -> memref<112xf32, #tpu.memory_space<hbm>>
    %dma_start3A_558 = arith.constant 0 : i32
    %dma_start3A_559 = tpu.memref_slice %arg14[%dma_start3A_552, %dma_start3A_558] : memref<64x112xf32, #tpu.memory_space<vmem>> -> memref<1x112xf32, #tpu.memory_space<vmem>>
    %dma_start3A_560 = tpu.memref_squeeze %dma_start3A_559 : memref<1x112xf32, #tpu.memory_space<vmem>> -> memref<112xf32, #tpu.memory_space<vmem>>
    %dma_start3A_561 = tpu.memref_slice %arg2[%add3A_551, %multiple_of3A_549] : memref<2048x9999xf32, #tpu.memory_space<hbm>> -> memref<1x112xf32, #tpu.memory_space<hbm>>
    %dma_start3A_562 = tpu.memref_squeeze %dma_start3A_561 : memref<1x112xf32, #tpu.memory_space<hbm>> -> memref<112xf32, #tpu.memory_space<hbm>>
    tpu.enqueue_dma source(%dma_start3A_562 : memref<112xf32, #tpu.memory_space<hbm>>) target(%dma_start3A_560 : memref<112xf32, #tpu.memory_space<vmem>>) target_semaphore(%arg18 : memref<!tpu.dma_semaphore, #tpu.memory_space<semaphore_mem>>)
    %slice3A_563 = vector.extract_strided_slice %min3A_386 {offsets = [11], sizes = [1], strides = [1]} : vector<16xi32> to vector<1xi32>
    %squeeze3A_564 = vector.extract %slice3A_563[0] : i32 from vector<1xi32>
    %multiple_of3A_565 = tpu.assume_multiple %squeeze3A_564, 8 : i32
    %add3A_566 = arith.constant 27 : i32
    %add3A_567 = arith.addi %mul3A_2, %add3A_566 : i32
    %dma_start3A_568 = arith.constant 27 : i32
    %dma_start3A_569 = arith.constant 0 : i32
    %dma_start3A_570 = tpu.memref_slice %arg14[%dma_start3A_568, %dma_start3A_569] : memref<64x112xf32, #tpu.memory_space<vmem>> -> memref<1x112xf32, #tpu.memory_space<vmem>>
    %dma_start3A_571 = tpu.memref_squeeze %dma_start3A_570 : memref<1x112xf32, #tpu.memory_space<vmem>> -> memref<112xf32, #tpu.memory_space<vmem>>
    %dma_start3A_572 = tpu.memref_slice %arg2[%add3A_567, %multiple_of3A_565] : memref<2048x9999xf32, #tpu.memory_space<hbm>> -> memref<1x112xf32, #tpu.memory_space<hbm>>
    %dma_start3A_573 = tpu.memref_squeeze %dma_start3A_572 : memref<1x112xf32, #tpu.memory_space<hbm>> -> memref<112xf32, #tpu.memory_space<hbm>>
    %dma_start3A_574 = arith.constant 0 : i32
    %dma_start3A_575 = tpu.memref_slice %arg14[%dma_start3A_568, %dma_start3A_574] : memref<64x112xf32, #tpu.memory_space<vmem>> -> memref<1x112xf32, #tpu.memory_space<vmem>>
    %dma_start3A_576 = tpu.memref_squeeze %dma_start3A_575 : memref<1x112xf32, #tpu.memory_space<vmem>> -> memref<112xf32, #tpu.memory_space<vmem>>
    %dma_start3A_577 = tpu.memref_slice %arg2[%add3A_567, %multiple_of3A_565] : memref<2048x9999xf32, #tpu.memory_space<hbm>> -> memref<1x112xf32, #tpu.memory_space<hbm>>
    %dma_start3A_578 = tpu.memref_squeeze %dma_start3A_577 : memref<1x112xf32, #tpu.memory_space<hbm>> -> memref<112xf32, #tpu.memory_space<hbm>>
    tpu.enqueue_dma source(%dma_start3A_578 : memref<112xf32, #tpu.memory_space<hbm>>) target(%dma_start3A_576 : memref<112xf32, #tpu.memory_space<vmem>>) target_semaphore(%arg18 : memref<!tpu.dma_semaphore, #tpu.memory_space<semaphore_mem>>)
    %slice3A_579 = vector.extract_strided_slice %min3A_386 {offsets = [12], sizes = [1], strides = [1]} : vector<16xi32> to vector<1xi32>
    %squeeze3A_580 = vector.extract %slice3A_579[0] : i32 from vector<1xi32>
    %multiple_of3A_581 = tpu.assume_multiple %squeeze3A_580, 8 : i32
    %add3A_582 = arith.constant 28 : i32
    %add3A_583 = arith.addi %mul3A_2, %add3A_582 : i32
    %dma_start3A_584 = arith.constant 28 : i32
    %dma_start3A_585 = arith.constant 0 : i32
    %dma_start3A_586 = tpu.memref_slice %arg14[%dma_start3A_584, %dma_start3A_585] : memref<64x112xf32, #tpu.memory_space<vmem>> -> memref<1x112xf32, #tpu.memory_space<vmem>>
    %dma_start3A_587 = tpu.memref_squeeze %dma_start3A_586 : memref<1x112xf32, #tpu.memory_space<vmem>> -> memref<112xf32, #tpu.memory_space<vmem>>
    %dma_start3A_588 = tpu.memref_slice %arg2[%add3A_583, %multiple_of3A_581] : memref<2048x9999xf32, #tpu.memory_space<hbm>> -> memref<1x112xf32, #tpu.memory_space<hbm>>
    %dma_start3A_589 = tpu.memref_squeeze %dma_start3A_588 : memref<1x112xf32, #tpu.memory_space<hbm>> -> memref<112xf32, #tpu.memory_space<hbm>>
    %dma_start3A_590 = arith.constant 0 : i32
    %dma_start3A_591 = tpu.memref_slice %arg14[%dma_start3A_584, %dma_start3A_590] : memref<64x112xf32, #tpu.memory_space<vmem>> -> memref<1x112xf32, #tpu.memory_space<vmem>>
    %dma_start3A_592 = tpu.memref_squeeze %dma_start3A_591 : memref<1x112xf32, #tpu.memory_space<vmem>> -> memref<112xf32, #tpu.memory_space<vmem>>
    %dma_start3A_593 = tpu.memref_slice %arg2[%add3A_583, %multiple_of3A_581] : memref<2048x9999xf32, #tpu.memory_space<hbm>> -> memref<1x112xf32, #tpu.memory_space<hbm>>
    %dma_start3A_594 = tpu.memref_squeeze %dma_start3A_593 : memref<1x112xf32, #tpu.memory_space<hbm>> -> memref<112xf32, #tpu.memory_space<hbm>>
    tpu.enqueue_dma source(%dma_start3A_594 : memref<112xf32, #tpu.memory_space<hbm>>) target(%dma_start3A_592 : memref<112xf32, #tpu.memory_space<vmem>>) target_semaphore(%arg18 : memref<!tpu.dma_semaphore, #tpu.memory_space<semaphore_mem>>)
    %slice3A_595 = vector.extract_strided_slice %min3A_386 {offsets = [13], sizes = [1], strides = [1]} : vector<16xi32> to vector<1xi32>
    %squeeze3A_596 = vector.extract %slice3A_595[0] : i32 from vector<1xi32>
    %multiple_of3A_597 = tpu.assume_multiple %squeeze3A_596, 8 : i32
    %add3A_598 = arith.constant 29 : i32
    %add3A_599 = arith.addi %mul3A_2, %add3A_598 : i32
    %dma_start3A_600 = arith.constant 29 : i32
    %dma_start3A_601 = arith.constant 0 : i32
    %dma_start3A_602 = tpu.memref_slice %arg14[%dma_start3A_600, %dma_start3A_601] : memref<64x112xf32, #tpu.memory_space<vmem>> -> memref<1x112xf32, #tpu.memory_space<vmem>>
    %dma_start3A_603 = tpu.memref_squeeze %dma_start3A_602 : memref<1x112xf32, #tpu.memory_space<vmem>> -> memref<112xf32, #tpu.memory_space<vmem>>
    %dma_start3A_604 = tpu.memref_slice %arg2[%add3A_599, %multiple_of3A_597] : memref<2048x9999xf32, #tpu.memory_space<hbm>> -> memref<1x112xf32, #tpu.memory_space<hbm>>
    %dma_start3A_605 = tpu.memref_squeeze %dma_start3A_604 : memref<1x112xf32, #tpu.memory_space<hbm>> -> memref<112xf32, #tpu.memory_space<hbm>>
    %dma_start3A_606 = arith.constant 0 : i32
    %dma_start3A_607 = tpu.memref_slice %arg14[%dma_start3A_600, %dma_start3A_606] : memref<64x112xf32, #tpu.memory_space<vmem>> -> memref<1x112xf32, #tpu.memory_space<vmem>>
    %dma_start3A_608 = tpu.memref_squeeze %dma_start3A_607 : memref<1x112xf32, #tpu.memory_space<vmem>> -> memref<112xf32, #tpu.memory_space<vmem>>
    %dma_start3A_609 = tpu.memref_slice %arg2[%add3A_599, %multiple_of3A_597] : memref<2048x9999xf32, #tpu.memory_space<hbm>> -> memref<1x112xf32, #tpu.memory_space<hbm>>
    %dma_start3A_610 = tpu.memref_squeeze %dma_start3A_609 : memref<1x112xf32, #tpu.memory_space<hbm>> -> memref<112xf32, #tpu.memory_space<hbm>>
    tpu.enqueue_dma source(%dma_start3A_610 : memref<112xf32, #tpu.memory_space<hbm>>) target(%dma_start3A_608 : memref<112xf32, #tpu.memory_space<vmem>>) target_semaphore(%arg18 : memref<!tpu.dma_semaphore, #tpu.memory_space<semaphore_mem>>)
    %slice3A_611 = vector.extract_strided_slice %min3A_386 {offsets = [14], sizes = [1], strides = [1]} : vector<16xi32> to vector<1xi32>
    %squeeze3A_612 = vector.extract %slice3A_611[0] : i32 from vector<1xi32>
    %multiple_of3A_613 = tpu.assume_multiple %squeeze3A_612, 8 : i32
    %add3A_614 = arith.constant 30 : i32
    %add3A_615 = arith.addi %mul3A_2, %add3A_614 : i32
    %dma_start3A_616 = arith.constant 30 : i32
    %dma_start3A_617 = arith.constant 0 : i32
    %dma_start3A_618 = tpu.memref_slice %arg14[%dma_start3A_616, %dma_start3A_617] : memref<64x112xf32, #tpu.memory_space<vmem>> -> memref<1x112xf32, #tpu.memory_space<vmem>>
    %dma_start3A_619 = tpu.memref_squeeze %dma_start3A_618 : memref<1x112xf32, #tpu.memory_space<vmem>> -> memref<112xf32, #tpu.memory_space<vmem>>
    %dma_start3A_620 = tpu.memref_slice %arg2[%add3A_615, %multiple_of3A_613] : memref<2048x9999xf32, #tpu.memory_space<hbm>> -> memref<1x112xf32, #tpu.memory_space<hbm>>
    %dma_start3A_621 = tpu.memref_squeeze %dma_start3A_620 : memref<1x112xf32, #tpu.memory_space<hbm>> -> memref<112xf32, #tpu.memory_space<hbm>>
    %dma_start3A_622 = arith.constant 0 : i32
    %dma_start3A_623 = tpu.memref_slice %arg14[%dma_start3A_616, %dma_start3A_622] : memref<64x112xf32, #tpu.memory_space<vmem>> -> memref<1x112xf32, #tpu.memory_space<vmem>>
    %dma_start3A_624 = tpu.memref_squeeze %dma_start3A_623 : memref<1x112xf32, #tpu.memory_space<vmem>> -> memref<112xf32, #tpu.memory_space<vmem>>
    %dma_start3A_625 = tpu.memref_slice %arg2[%add3A_615, %multiple_of3A_613] : memref<2048x9999xf32, #tpu.memory_space<hbm>> -> memref<1x112xf32, #tpu.memory_space<hbm>>
    %dma_start3A_626 = tpu.memref_squeeze %dma_start3A_625 : memref<1x112xf32, #tpu.memory_space<hbm>> -> memref<112xf32, #tpu.memory_space<hbm>>
    tpu.enqueue_dma source(%dma_start3A_626 : memref<112xf32, #tpu.memory_space<hbm>>) target(%dma_start3A_624 : memref<112xf32, #tpu.memory_space<vmem>>) target_semaphore(%arg18 : memref<!tpu.dma_semaphore, #tpu.memory_space<semaphore_mem>>)
    %slice3A_627 = vector.extract_strided_slice %min3A_386 {offsets = [15], sizes = [1], strides = [1]} : vector<16xi32> to vector<1xi32>
    %squeeze3A_628 = vector.extract %slice3A_627[0] : i32 from vector<1xi32>
    %multiple_of3A_629 = tpu.assume_multiple %squeeze3A_628, 8 : i32
    %add3A_630 = arith.constant 31 : i32
    %add3A_631 = arith.addi %mul3A_2, %add3A_630 : i32
    %dma_start3A_632 = arith.constant 31 : i32
    %dma_start3A_633 = arith.constant 0 : i32
    %dma_start3A_634 = tpu.memref_slice %arg14[%dma_start3A_632, %dma_start3A_633] : memref<64x112xf32, #tpu.memory_space<vmem>> -> memref<1x112xf32, #tpu.memory_space<vmem>>
    %dma_start3A_635 = tpu.memref_squeeze %dma_start3A_634 : memref<1x112xf32, #tpu.memory_space<vmem>> -> memref<112xf32, #tpu.memory_space<vmem>>
    %dma_start3A_636 = tpu.memref_slice %arg2[%add3A_631, %multiple_of3A_629] : memref<2048x9999xf32, #tpu.memory_space<hbm>> -> memref<1x112xf32, #tpu.memory_space<hbm>>
    %dma_start3A_637 = tpu.memref_squeeze %dma_start3A_636 : memref<1x112xf32, #tpu.memory_space<hbm>> -> memref<112xf32, #tpu.memory_space<hbm>>
    %dma_start3A_638 = arith.constant 0 : i32
    %dma_start3A_639 = tpu.memref_slice %arg14[%dma_start3A_632, %dma_start3A_638] : memref<64x112xf32, #tpu.memory_space<vmem>> -> memref<1x112xf32, #tpu.memory_space<vmem>>
    %dma_start3A_640 = tpu.memref_squeeze %dma_start3A_639 : memref<1x112xf32, #tpu.memory_space<vmem>> -> memref<112xf32, #tpu.memory_space<vmem>>
    %dma_start3A_641 = tpu.memref_slice %arg2[%add3A_631, %multiple_of3A_629] : memref<2048x9999xf32, #tpu.memory_space<hbm>> -> memref<1x112xf32, #tpu.memory_space<hbm>>
    %dma_start3A_642 = tpu.memref_squeeze %dma_start3A_641 : memref<1x112xf32, #tpu.memory_space<hbm>> -> memref<112xf32, #tpu.memory_space<hbm>>
    tpu.enqueue_dma source(%dma_start3A_642 : memref<112xf32, #tpu.memory_space<hbm>>) target(%dma_start3A_640 : memref<112xf32, #tpu.memory_space<vmem>>) target_semaphore(%arg18 : memref<!tpu.dma_semaphore, #tpu.memory_space<semaphore_mem>>)
    %get3A_643 = arith.constant 32 : index
    %get3A_644 = tpu.vector_load %arg11[%get3A_643] {strides = array<i32>} : memref<64xi32, #tpu.memory_space<vmem>>, vector<16xi32>,
    %mul3A_645 = arith.constant 99 : i32
    %mul3A_646 = vector.broadcast %mul3A_645 : i32 to vector<16xi32>
    %mul3A_647 = arith.muli %mul3A_646, %get3A_644 : vector<16xi32>
    %add3A_648 = arith.constant 99 : i32
    %add3A_649 = vector.broadcast %add3A_648 : i32 to vector<16xi32>
    %add3A_650 = arith.addi %add3A_649, %mul3A_647 : vector<16xi32>
    %and3A_651 = arith.constant -8 : i32
    %and3A_652 = vector.broadcast %and3A_651 : i32 to vector<16xi32>
    %and3A_653 = arith.andi %add3A_650, %and3A_652 : vector<16xi32>
    %min3A_654 = arith.constant 9888 : i32
    %min3A_655 = vector.broadcast %min3A_654 : i32 to vector<16xi32>
    %min3A_656 = arith.minsi %and3A_653, %min3A_655 : vector<16xi32>
    %slice3A_657 = vector.extract_strided_slice %min3A_656 {offsets = [0], sizes = [1], strides = [1]} : vector<16xi32> to vector<1xi32>
    %squeeze3A_658 = vector.extract %slice3A_657[0] : i32 from vector<1xi32>
    %multiple_of3A_659 = tpu.assume_multiple %squeeze3A_658, 8 : i32
    %add3A_660 = arith.constant 32 : i32
    %add3A_661 = arith.addi %mul3A_2, %add3A_660 : i32
    %dma_start3A_662 = arith.constant 32 : i32
    %dma_start3A_663 = arith.constant 0 : i32
    %dma_start3A_664 = tpu.memref_slice %arg14[%dma_start3A_662, %dma_start3A_663] : memref<64x112xf32, #tpu.memory_space<vmem>> -> memref<1x112xf32, #tpu.memory_space<vmem>>
    %dma_start3A_665 = tpu.memref_squeeze %dma_start3A_664 : memref<1x112xf32, #tpu.memory_space<vmem>> -> memref<112xf32, #tpu.memory_space<vmem>>
    %dma_start3A_666 = tpu.memref_slice %arg2[%add3A_661, %multiple_of3A_659] : memref<2048x9999xf32, #tpu.memory_space<hbm>> -> memref<1x112xf32, #tpu.memory_space<hbm>>
    %dma_start3A_667 = tpu.memref_squeeze %dma_start3A_666 : memref<1x112xf32, #tpu.memory_space<hbm>> -> memref<112xf32, #tpu.memory_space<hbm>>
    %dma_start3A_668 = arith.constant 0 : i32
    %dma_start3A_669 = tpu.memref_slice %arg14[%dma_start3A_662, %dma_start3A_668] : memref<64x112xf32, #tpu.memory_space<vmem>> -> memref<1x112xf32, #tpu.memory_space<vmem>>
    %dma_start3A_670 = tpu.memref_squeeze %dma_start3A_669 : memref<1x112xf32, #tpu.memory_space<vmem>> -> memref<112xf32, #tpu.memory_space<vmem>>
    %dma_start3A_671 = tpu.memref_slice %arg2[%add3A_661, %multiple_of3A_659] : memref<2048x9999xf32, #tpu.memory_space<hbm>> -> memref<1x112xf32, #tpu.memory_space<hbm>>
    %dma_start3A_672 = tpu.memref_squeeze %dma_start3A_671 : memref<1x112xf32, #tpu.memory_space<hbm>> -> memref<112xf32, #tpu.memory_space<hbm>>
    tpu.enqueue_dma source(%dma_start3A_672 : memref<112xf32, #tpu.memory_space<hbm>>) target(%dma_start3A_670 : memref<112xf32, #tpu.memory_space<vmem>>) target_semaphore(%arg18 : memref<!tpu.dma_semaphore, #tpu.memory_space<semaphore_mem>>)
    %slice3A_673 = vector.extract_strided_slice %min3A_656 {offsets = [1], sizes = [1], strides = [1]} : vector<16xi32> to vector<1xi32>
    %squeeze3A_674 = vector.extract %slice3A_673[0] : i32 from vector<1xi32>
    %multiple_of3A_675 = tpu.assume_multiple %squeeze3A_674, 8 : i32
    %add3A_676 = arith.constant 33 : i32
    %add3A_677 = arith.addi %mul3A_2, %add3A_676 : i32
    %dma_start3A_678 = arith.constant 33 : i32
    %dma_start3A_679 = arith.constant 0 : i32
    %dma_start3A_680 = tpu.memref_slice %arg14[%dma_start3A_678, %dma_start3A_679] : memref<64x112xf32, #tpu.memory_space<vmem>> -> memref<1x112xf32, #tpu.memory_space<vmem>>
    %dma_start3A_681 = tpu.memref_squeeze %dma_start3A_680 : memref<1x112xf32, #tpu.memory_space<vmem>> -> memref<112xf32, #tpu.memory_space<vmem>>
    %dma_start3A_682 = tpu.memref_slice %arg2[%add3A_677, %multiple_of3A_675] : memref<2048x9999xf32, #tpu.memory_space<hbm>> -> memref<1x112xf32, #tpu.memory_space<hbm>>
    %dma_start3A_683 = tpu.memref_squeeze %dma_start3A_682 : memref<1x112xf32, #tpu.memory_space<hbm>> -> memref<112xf32, #tpu.memory_space<hbm>>
    %dma_start3A_684 = arith.constant 0 : i32
    %dma_start3A_685 = tpu.memref_slice %arg14[%dma_start3A_678, %dma_start3A_684] : memref<64x112xf32, #tpu.memory_space<vmem>> -> memref<1x112xf32, #tpu.memory_space<vmem>>
    %dma_start3A_686 = tpu.memref_squeeze %dma_start3A_685 : memref<1x112xf32, #tpu.memory_space<vmem>> -> memref<112xf32, #tpu.memory_space<vmem>>
    %dma_start3A_687 = tpu.memref_slice %arg2[%add3A_677, %multiple_of3A_675] : memref<2048x9999xf32, #tpu.memory_space<hbm>> -> memref<1x112xf32, #tpu.memory_space<hbm>>
    %dma_start3A_688 = tpu.memref_squeeze %dma_start3A_687 : memref<1x112xf32, #tpu.memory_space<hbm>> -> memref<112xf32, #tpu.memory_space<hbm>>
    tpu.enqueue_dma source(%dma_start3A_688 : memref<112xf32, #tpu.memory_space<hbm>>) target(%dma_start3A_686 : memref<112xf32, #tpu.memory_space<vmem>>) target_semaphore(%arg18 : memref<!tpu.dma_semaphore, #tpu.memory_space<semaphore_mem>>)
    %slice3A_689 = vector.extract_strided_slice %min3A_656 {offsets = [2], sizes = [1], strides = [1]} : vector<16xi32> to vector<1xi32>
    %squeeze3A_690 = vector.extract %slice3A_689[0] : i32 from vector<1xi32>
    %multiple_of3A_691 = tpu.assume_multiple %squeeze3A_690, 8 : i32
    %add3A_692 = arith.constant 34 : i32
    %add3A_693 = arith.addi %mul3A_2, %add3A_692 : i32
    %dma_start3A_694 = arith.constant 34 : i32
    %dma_start3A_695 = arith.constant 0 : i32
    %dma_start3A_696 = tpu.memref_slice %arg14[%dma_start3A_694, %dma_start3A_695] : memref<64x112xf32, #tpu.memory_space<vmem>> -> memref<1x112xf32, #tpu.memory_space<vmem>>
    %dma_start3A_697 = tpu.memref_squeeze %dma_start3A_696 : memref<1x112xf32, #tpu.memory_space<vmem>> -> memref<112xf32, #tpu.memory_space<vmem>>
    %dma_start3A_698 = tpu.memref_slice %arg2[%add3A_693, %multiple_of3A_691] : memref<2048x9999xf32, #tpu.memory_space<hbm>> -> memref<1x112xf32, #tpu.memory_space<hbm>>
    %dma_start3A_699 = tpu.memref_squeeze %dma_start3A_698 : memref<1x112xf32, #tpu.memory_space<hbm>> -> memref<112xf32, #tpu.memory_space<hbm>>
    %dma_start3A_700 = arith.constant 0 : i32
    %dma_start3A_701 = tpu.memref_slice %arg14[%dma_start3A_694, %dma_start3A_700] : memref<64x112xf32, #tpu.memory_space<vmem>> -> memref<1x112xf32, #tpu.memory_space<vmem>>
    %dma_start3A_702 = tpu.memref_squeeze %dma_start3A_701 : memref<1x112xf32, #tpu.memory_space<vmem>> -> memref<112xf32, #tpu.memory_space<vmem>>
    %dma_start3A_703 = tpu.memref_slice %arg2[%add3A_693, %multiple_of3A_691] : memref<2048x9999xf32, #tpu.memory_space<hbm>> -> memref<1x112xf32, #tpu.memory_space<hbm>>
    %dma_start3A_704 = tpu.memref_squeeze %dma_start3A_703 : memref<1x112xf32, #tpu.memory_space<hbm>> -> memref<112xf32, #tpu.memory_space<hbm>>
    tpu.enqueue_dma source(%dma_start3A_704 : memref<112xf32, #tpu.memory_space<hbm>>) target(%dma_start3A_702 : memref<112xf32, #tpu.memory_space<vmem>>) target_semaphore(%arg18 : memref<!tpu.dma_semaphore, #tpu.memory_space<semaphore_mem>>)
    %slice3A_705 = vector.extract_strided_slice %min3A_656 {offsets = [3], sizes = [1], strides = [1]} : vector<16xi32> to vector<1xi32>
    %squeeze3A_706 = vector.extract %slice3A_705[0] : i32 from vector<1xi32>
    %multiple_of3A_707 = tpu.assume_multiple %squeeze3A_706, 8 : i32
    %add3A_708 = arith.constant 35 : i32
    %add3A_709 = arith.addi %mul3A_2, %add3A_708 : i32
    %dma_start3A_710 = arith.constant 35 : i32
    %dma_start3A_711 = arith.constant 0 : i32
    %dma_start3A_712 = tpu.memref_slice %arg14[%dma_start3A_710, %dma_start3A_711] : memref<64x112xf32, #tpu.memory_space<vmem>> -> memref<1x112xf32, #tpu.memory_space<vmem>>
    %dma_start3A_713 = tpu.memref_squeeze %dma_start3A_712 : memref<1x112xf32, #tpu.memory_space<vmem>> -> memref<112xf32, #tpu.memory_space<vmem>>
    %dma_start3A_714 = tpu.memref_slice %arg2[%add3A_709, %multiple_of3A_707] : memref<2048x9999xf32, #tpu.memory_space<hbm>> -> memref<1x112xf32, #tpu.memory_space<hbm>>
    %dma_start3A_715 = tpu.memref_squeeze %dma_start3A_714 : memref<1x112xf32, #tpu.memory_space<hbm>> -> memref<112xf32, #tpu.memory_space<hbm>>
    %dma_start3A_716 = arith.constant 0 : i32
    %dma_start3A_717 = tpu.memref_slice %arg14[%dma_start3A_710, %dma_start3A_716] : memref<64x112xf32, #tpu.memory_space<vmem>> -> memref<1x112xf32, #tpu.memory_space<vmem>>
    %dma_start3A_718 = tpu.memref_squeeze %dma_start3A_717 : memref<1x112xf32, #tpu.memory_space<vmem>> -> memref<112xf32, #tpu.memory_space<vmem>>
    %dma_start3A_719 = tpu.memref_slice %arg2[%add3A_709, %multiple_of3A_707] : memref<2048x9999xf32, #tpu.memory_space<hbm>> -> memref<1x112xf32, #tpu.memory_space<hbm>>
    %dma_start3A_720 = tpu.memref_squeeze %dma_start3A_719 : memref<1x112xf32, #tpu.memory_space<hbm>> -> memref<112xf32, #tpu.memory_space<hbm>>
    tpu.enqueue_dma source(%dma_start3A_720 : memref<112xf32, #tpu.memory_space<hbm>>) target(%dma_start3A_718 : memref<112xf32, #tpu.memory_space<vmem>>) target_semaphore(%arg18 : memref<!tpu.dma_semaphore, #tpu.memory_space<semaphore_mem>>)
    %slice3A_721 = vector.extract_strided_slice %min3A_656 {offsets = [4], sizes = [1], strides = [1]} : vector<16xi32> to vector<1xi32>
    %squeeze3A_722 = vector.extract %slice3A_721[0] : i32 from vector<1xi32>
    %multiple_of3A_723 = tpu.assume_multiple %squeeze3A_722, 8 : i32
    %add3A_724 = arith.constant 36 : i32
    %add3A_725 = arith.addi %mul3A_2, %add3A_724 : i32
    %dma_start3A_726 = arith.constant 36 : i32
    %dma_start3A_727 = arith.constant 0 : i32
    %dma_start3A_728 = tpu.memref_slice %arg14[%dma_start3A_726, %dma_start3A_727] : memref<64x112xf32, #tpu.memory_space<vmem>> -> memref<1x112xf32, #tpu.memory_space<vmem>>
    %dma_start3A_729 = tpu.memref_squeeze %dma_start3A_728 : memref<1x112xf32, #tpu.memory_space<vmem>> -> memref<112xf32, #tpu.memory_space<vmem>>
    %dma_start3A_730 = tpu.memref_slice %arg2[%add3A_725, %multiple_of3A_723] : memref<2048x9999xf32, #tpu.memory_space<hbm>> -> memref<1x112xf32, #tpu.memory_space<hbm>>
    %dma_start3A_731 = tpu.memref_squeeze %dma_start3A_730 : memref<1x112xf32, #tpu.memory_space<hbm>> -> memref<112xf32, #tpu.memory_space<hbm>>
    %dma_start3A_732 = arith.constant 0 : i32
    %dma_start3A_733 = tpu.memref_slice %arg14[%dma_start3A_726, %dma_start3A_732] : memref<64x112xf32, #tpu.memory_space<vmem>> -> memref<1x112xf32, #tpu.memory_space<vmem>>
    %dma_start3A_734 = tpu.memref_squeeze %dma_start3A_733 : memref<1x112xf32, #tpu.memory_space<vmem>> -> memref<112xf32, #tpu.memory_space<vmem>>
    %dma_start3A_735 = tpu.memref_slice %arg2[%add3A_725, %multiple_of3A_723] : memref<2048x9999xf32, #tpu.memory_space<hbm>> -> memref<1x112xf32, #tpu.memory_space<hbm>>
    %dma_start3A_736 = tpu.memref_squeeze %dma_start3A_735 : memref<1x112xf32, #tpu.memory_space<hbm>> -> memref<112xf32, #tpu.memory_space<hbm>>
    tpu.enqueue_dma source(%dma_start3A_736 : memref<112xf32, #tpu.memory_space<hbm>>) target(%dma_start3A_734 : memref<112xf32, #tpu.memory_space<vmem>>) target_semaphore(%arg18 : memref<!tpu.dma_semaphore, #tpu.memory_space<semaphore_mem>>)
    %slice3A_737 = vector.extract_strided_slice %min3A_656 {offsets = [5], sizes = [1], strides = [1]} : vector<16xi32> to vector<1xi32>
    %squeeze3A_738 = vector.extract %slice3A_737[0] : i32 from vector<1xi32>
    %multiple_of3A_739 = tpu.assume_multiple %squeeze3A_738, 8 : i32
    %add3A_740 = arith.constant 37 : i32
    %add3A_741 = arith.addi %mul3A_2, %add3A_740 : i32
    %dma_start3A_742 = arith.constant 37 : i32
    %dma_start3A_743 = arith.constant 0 : i32
    %dma_start3A_744 = tpu.memref_slice %arg14[%dma_start3A_742, %dma_start3A_743] : memref<64x112xf32, #tpu.memory_space<vmem>> -> memref<1x112xf32, #tpu.memory_space<vmem>>
    %dma_start3A_745 = tpu.memref_squeeze %dma_start3A_744 : memref<1x112xf32, #tpu.memory_space<vmem>> -> memref<112xf32, #tpu.memory_space<vmem>>
    %dma_start3A_746 = tpu.memref_slice %arg2[%add3A_741, %multiple_of3A_739] : memref<2048x9999xf32, #tpu.memory_space<hbm>> -> memref<1x112xf32, #tpu.memory_space<hbm>>
    %dma_start3A_747 = tpu.memref_squeeze %dma_start3A_746 : memref<1x112xf32, #tpu.memory_space<hbm>> -> memref<112xf32, #tpu.memory_space<hbm>>
    %dma_start3A_748 = arith.constant 0 : i32
    %dma_start3A_749 = tpu.memref_slice %arg14[%dma_start3A_742, %dma_start3A_748] : memref<64x112xf32, #tpu.memory_space<vmem>> -> memref<1x112xf32, #tpu.memory_space<vmem>>
    %dma_start3A_750 = tpu.memref_squeeze %dma_start3A_749 : memref<1x112xf32, #tpu.memory_space<vmem>> -> memref<112xf32, #tpu.memory_space<vmem>>
    %dma_start3A_751 = tpu.memref_slice %arg2[%add3A_741, %multiple_of3A_739] : memref<2048x9999xf32, #tpu.memory_space<hbm>> -> memref<1x112xf32, #tpu.memory_space<hbm>>
    %dma_start3A_752 = tpu.memref_squeeze %dma_start3A_751 : memref<1x112xf32, #tpu.memory_space<hbm>> -> memref<112xf32, #tpu.memory_space<hbm>>
    tpu.enqueue_dma source(%dma_start3A_752 : memref<112xf32, #tpu.memory_space<hbm>>) target(%dma_start3A_750 : memref<112xf32, #tpu.memory_space<vmem>>) target_semaphore(%arg18 : memref<!tpu.dma_semaphore, #tpu.memory_space<semaphore_mem>>)
    %slice3A_753 = vector.extract_strided_slice %min3A_656 {offsets = [6], sizes = [1], strides = [1]} : vector<16xi32> to vector<1xi32>
    %squeeze3A_754 = vector.extract %slice3A_753[0] : i32 from vector<1xi32>
    %multiple_of3A_755 = tpu.assume_multiple %squeeze3A_754, 8 : i32
    %add3A_756 = arith.constant 38 : i32
    %add3A_757 = arith.addi %mul3A_2, %add3A_756 : i32
    %dma_start3A_758 = arith.constant 38 : i32
    %dma_start3A_759 = arith.constant 0 : i32
    %dma_start3A_760 = tpu.memref_slice %arg14[%dma_start3A_758, %dma_start3A_759] : memref<64x112xf32, #tpu.memory_space<vmem>> -> memref<1x112xf32, #tpu.memory_space<vmem>>
    %dma_start3A_761 = tpu.memref_squeeze %dma_start3A_760 : memref<1x112xf32, #tpu.memory_space<vmem>> -> memref<112xf32, #tpu.memory_space<vmem>>
    %dma_start3A_762 = tpu.memref_slice %arg2[%add3A_757, %multiple_of3A_755] : memref<2048x9999xf32, #tpu.memory_space<hbm>> -> memref<1x112xf32, #tpu.memory_space<hbm>>
    %dma_start3A_763 = tpu.memref_squeeze %dma_start3A_762 : memref<1x112xf32, #tpu.memory_space<hbm>> -> memref<112xf32, #tpu.memory_space<hbm>>
    %dma_start3A_764 = arith.constant 0 : i32
    %dma_start3A_765 = tpu.memref_slice %arg14[%dma_start3A_758, %dma_start3A_764] : memref<64x112xf32, #tpu.memory_space<vmem>> -> memref<1x112xf32, #tpu.memory_space<vmem>>
    %dma_start3A_766 = tpu.memref_squeeze %dma_start3A_765 : memref<1x112xf32, #tpu.memory_space<vmem>> -> memref<112xf32, #tpu.memory_space<vmem>>
    %dma_start3A_767 = tpu.memref_slice %arg2[%add3A_757, %multiple_of3A_755] : memref<2048x9999xf32, #tpu.memory_space<hbm>> -> memref<1x112xf32, #tpu.memory_space<hbm>>
    %dma_start3A_768 = tpu.memref_squeeze %dma_start3A_767 : memref<1x112xf32, #tpu.memory_space<hbm>> -> memref<112xf32, #tpu.memory_space<hbm>>
    tpu.enqueue_dma source(%dma_start3A_768 : memref<112xf32, #tpu.memory_space<hbm>>) target(%dma_start3A_766 : memref<112xf32, #tpu.memory_space<vmem>>) target_semaphore(%arg18 : memref<!tpu.dma_semaphore, #tpu.memory_space<semaphore_mem>>)
    %slice3A_769 = vector.extract_strided_slice %min3A_656 {offsets = [7], sizes = [1], strides = [1]} : vector<16xi32> to vector<1xi32>
    %squeeze3A_770 = vector.extract %slice3A_769[0] : i32 from vector<1xi32>
    %multiple_of3A_771 = tpu.assume_multiple %squeeze3A_770, 8 : i32
    %add3A_772 = arith.constant 39 : i32
    %add3A_773 = arith.addi %mul3A_2, %add3A_772 : i32
    %dma_start3A_774 = arith.constant 39 : i32
    %dma_start3A_775 = arith.constant 0 : i32
    %dma_start3A_776 = tpu.memref_slice %arg14[%dma_start3A_774, %dma_start3A_775] : memref<64x112xf32, #tpu.memory_space<vmem>> -> memref<1x112xf32, #tpu.memory_space<vmem>>
    %dma_start3A_777 = tpu.memref_squeeze %dma_start3A_776 : memref<1x112xf32, #tpu.memory_space<vmem>> -> memref<112xf32, #tpu.memory_space<vmem>>
    %dma_start3A_778 = tpu.memref_slice %arg2[%add3A_773, %multiple_of3A_771] : memref<2048x9999xf32, #tpu.memory_space<hbm>> -> memref<1x112xf32, #tpu.memory_space<hbm>>
    %dma_start3A_779 = tpu.memref_squeeze %dma_start3A_778 : memref<1x112xf32, #tpu.memory_space<hbm>> -> memref<112xf32, #tpu.memory_space<hbm>>
    %dma_start3A_780 = arith.constant 0 : i32
    %dma_start3A_781 = tpu.memref_slice %arg14[%dma_start3A_774, %dma_start3A_780] : memref<64x112xf32, #tpu.memory_space<vmem>> -> memref<1x112xf32, #tpu.memory_space<vmem>>
    %dma_start3A_782 = tpu.memref_squeeze %dma_start3A_781 : memref<1x112xf32, #tpu.memory_space<vmem>> -> memref<112xf32, #tpu.memory_space<vmem>>
    %dma_start3A_783 = tpu.memref_slice %arg2[%add3A_773, %multiple_of3A_771] : memref<2048x9999xf32, #tpu.memory_space<hbm>> -> memref<1x112xf32, #tpu.memory_space<hbm>>
    %dma_start3A_784 = tpu.memref_squeeze %dma_start3A_783 : memref<1x112xf32, #tpu.memory_space<hbm>> -> memref<112xf32, #tpu.memory_space<hbm>>
    tpu.enqueue_dma source(%dma_start3A_784 : memref<112xf32, #tpu.memory_space<hbm>>) target(%dma_start3A_782 : memref<112xf32, #tpu.memory_space<vmem>>) target_semaphore(%arg18 : memref<!tpu.dma_semaphore, #tpu.memory_space<semaphore_mem>>)
    %slice3A_785 = vector.extract_strided_slice %min3A_656 {offsets = [8], sizes = [1], strides = [1]} : vector<16xi32> to vector<1xi32>
    %squeeze3A_786 = vector.extract %slice3A_785[0] : i32 from vector<1xi32>
    %multiple_of3A_787 = tpu.assume_multiple %squeeze3A_786, 8 : i32
    %add3A_788 = arith.constant 40 : i32
    %add3A_789 = arith.addi %mul3A_2, %add3A_788 : i32
    %dma_start3A_790 = arith.constant 40 : i32
    %dma_start3A_791 = arith.constant 0 : i32
    %dma_start3A_792 = tpu.memref_slice %arg14[%dma_start3A_790, %dma_start3A_791] : memref<64x112xf32, #tpu.memory_space<vmem>> -> memref<1x112xf32, #tpu.memory_space<vmem>>
    %dma_start3A_793 = tpu.memref_squeeze %dma_start3A_792 : memref<1x112xf32, #tpu.memory_space<vmem>> -> memref<112xf32, #tpu.memory_space<vmem>>
    %dma_start3A_794 = tpu.memref_slice %arg2[%add3A_789, %multiple_of3A_787] : memref<2048x9999xf32, #tpu.memory_space<hbm>> -> memref<1x112xf32, #tpu.memory_space<hbm>>
    %dma_start3A_795 = tpu.memref_squeeze %dma_start3A_794 : memref<1x112xf32, #tpu.memory_space<hbm>> -> memref<112xf32, #tpu.memory_space<hbm>>
    %dma_start3A_796 = arith.constant 0 : i32
    %dma_start3A_797 = tpu.memref_slice %arg14[%dma_start3A_790, %dma_start3A_796] : memref<64x112xf32, #tpu.memory_space<vmem>> -> memref<1x112xf32, #tpu.memory_space<vmem>>
    %dma_start3A_798 = tpu.memref_squeeze %dma_start3A_797 : memref<1x112xf32, #tpu.memory_space<vmem>> -> memref<112xf32, #tpu.memory_space<vmem>>
    %dma_start3A_799 = tpu.memref_slice %arg2[%add3A_789, %multiple_of3A_787] : memref<2048x9999xf32, #tpu.memory_space<hbm>> -> memref<1x112xf32, #tpu.memory_space<hbm>>
    %dma_start3A_800 = tpu.memref_squeeze %dma_start3A_799 : memref<1x112xf32, #tpu.memory_space<hbm>> -> memref<112xf32, #tpu.memory_space<hbm>>
    tpu.enqueue_dma source(%dma_start3A_800 : memref<112xf32, #tpu.memory_space<hbm>>) target(%dma_start3A_798 : memref<112xf32, #tpu.memory_space<vmem>>) target_semaphore(%arg18 : memref<!tpu.dma_semaphore, #tpu.memory_space<semaphore_mem>>)
    %slice3A_801 = vector.extract_strided_slice %min3A_656 {offsets = [9], sizes = [1], strides = [1]} : vector<16xi32> to vector<1xi32>
    %squeeze3A_802 = vector.extract %slice3A_801[0] : i32 from vector<1xi32>
    %multiple_of3A_803 = tpu.assume_multiple %squeeze3A_802, 8 : i32
    %add3A_804 = arith.constant 41 : i32
    %add3A_805 = arith.addi %mul3A_2, %add3A_804 : i32
    %dma_start3A_806 = arith.constant 41 : i32
    %dma_start3A_807 = arith.constant 0 : i32
    %dma_start3A_808 = tpu.memref_slice %arg14[%dma_start3A_806, %dma_start3A_807] : memref<64x112xf32, #tpu.memory_space<vmem>> -> memref<1x112xf32, #tpu.memory_space<vmem>>
    %dma_start3A_809 = tpu.memref_squeeze %dma_start3A_808 : memref<1x112xf32, #tpu.memory_space<vmem>> -> memref<112xf32, #tpu.memory_space<vmem>>
    %dma_start3A_810 = tpu.memref_slice %arg2[%add3A_805, %multiple_of3A_803] : memref<2048x9999xf32, #tpu.memory_space<hbm>> -> memref<1x112xf32, #tpu.memory_space<hbm>>
    %dma_start3A_811 = tpu.memref_squeeze %dma_start3A_810 : memref<1x112xf32, #tpu.memory_space<hbm>> -> memref<112xf32, #tpu.memory_space<hbm>>
    %dma_start3A_812 = arith.constant 0 : i32
    %dma_start3A_813 = tpu.memref_slice %arg14[%dma_start3A_806, %dma_start3A_812] : memref<64x112xf32, #tpu.memory_space<vmem>> -> memref<1x112xf32, #tpu.memory_space<vmem>>
    %dma_start3A_814 = tpu.memref_squeeze %dma_start3A_813 : memref<1x112xf32, #tpu.memory_space<vmem>> -> memref<112xf32, #tpu.memory_space<vmem>>
    %dma_start3A_815 = tpu.memref_slice %arg2[%add3A_805, %multiple_of3A_803] : memref<2048x9999xf32, #tpu.memory_space<hbm>> -> memref<1x112xf32, #tpu.memory_space<hbm>>
    %dma_start3A_816 = tpu.memref_squeeze %dma_start3A_815 : memref<1x112xf32, #tpu.memory_space<hbm>> -> memref<112xf32, #tpu.memory_space<hbm>>
    tpu.enqueue_dma source(%dma_start3A_816 : memref<112xf32, #tpu.memory_space<hbm>>) target(%dma_start3A_814 : memref<112xf32, #tpu.memory_space<vmem>>) target_semaphore(%arg18 : memref<!tpu.dma_semaphore, #tpu.memory_space<semaphore_mem>>)
    %slice3A_817 = vector.extract_strided_slice %min3A_656 {offsets = [10], sizes = [1], strides = [1]} : vector<16xi32> to vector<1xi32>
    %squeeze3A_818 = vector.extract %slice3A_817[0] : i32 from vector<1xi32>
    %multiple_of3A_819 = tpu.assume_multiple %squeeze3A_818, 8 : i32
    %add3A_820 = arith.constant 42 : i32
    %add3A_821 = arith.addi %mul3A_2, %add3A_820 : i32
    %dma_start3A_822 = arith.constant 42 : i32
    %dma_start3A_823 = arith.constant 0 : i32
    %dma_start3A_824 = tpu.memref_slice %arg14[%dma_start3A_822, %dma_start3A_823] : memref<64x112xf32, #tpu.memory_space<vmem>> -> memref<1x112xf32, #tpu.memory_space<vmem>>
    %dma_start3A_825 = tpu.memref_squeeze %dma_start3A_824 : memref<1x112xf32, #tpu.memory_space<vmem>> -> memref<112xf32, #tpu.memory_space<vmem>>
    %dma_start3A_826 = tpu.memref_slice %arg2[%add3A_821, %multiple_of3A_819] : memref<2048x9999xf32, #tpu.memory_space<hbm>> -> memref<1x112xf32, #tpu.memory_space<hbm>>
    %dma_start3A_827 = tpu.memref_squeeze %dma_start3A_826 : memref<1x112xf32, #tpu.memory_space<hbm>> -> memref<112xf32, #tpu.memory_space<hbm>>
    %dma_start3A_828 = arith.constant 0 : i32
    %dma_start3A_829 = tpu.memref_slice %arg14[%dma_start3A_822, %dma_start3A_828] : memref<64x112xf32, #tpu.memory_space<vmem>> -> memref<1x112xf32, #tpu.memory_space<vmem>>
    %dma_start3A_830 = tpu.memref_squeeze %dma_start3A_829 : memref<1x112xf32, #tpu.memory_space<vmem>> -> memref<112xf32, #tpu.memory_space<vmem>>
    %dma_start3A_831 = tpu.memref_slice %arg2[%add3A_821, %multiple_of3A_819] : memref<2048x9999xf32, #tpu.memory_space<hbm>> -> memref<1x112xf32, #tpu.memory_space<hbm>>
    %dma_start3A_832 = tpu.memref_squeeze %dma_start3A_831 : memref<1x112xf32, #tpu.memory_space<hbm>> -> memref<112xf32, #tpu.memory_space<hbm>>
    tpu.enqueue_dma source(%dma_start3A_832 : memref<112xf32, #tpu.memory_space<hbm>>) target(%dma_start3A_830 : memref<112xf32, #tpu.memory_space<vmem>>) target_semaphore(%arg18 : memref<!tpu.dma_semaphore, #tpu.memory_space<semaphore_mem>>)
    %slice3A_833 = vector.extract_strided_slice %min3A_656 {offsets = [11], sizes = [1], strides = [1]} : vector<16xi32> to vector<1xi32>
    %squeeze3A_834 = vector.extract %slice3A_833[0] : i32 from vector<1xi32>
    %multiple_of3A_835 = tpu.assume_multiple %squeeze3A_834, 8 : i32
    %add3A_836 = arith.constant 43 : i32
    %add3A_837 = arith.addi %mul3A_2, %add3A_836 : i32
    %dma_start3A_838 = arith.constant 43 : i32
    %dma_start3A_839 = arith.constant 0 : i32
    %dma_start3A_840 = tpu.memref_slice %arg14[%dma_start3A_838, %dma_start3A_839] : memref<64x112xf32, #tpu.memory_space<vmem>> -> memref<1x112xf32, #tpu.memory_space<vmem>>
    %dma_start3A_841 = tpu.memref_squeeze %dma_start3A_840 : memref<1x112xf32, #tpu.memory_space<vmem>> -> memref<112xf32, #tpu.memory_space<vmem>>
    %dma_start3A_842 = tpu.memref_slice %arg2[%add3A_837, %multiple_of3A_835] : memref<2048x9999xf32, #tpu.memory_space<hbm>> -> memref<1x112xf32, #tpu.memory_space<hbm>>
    %dma_start3A_843 = tpu.memref_squeeze %dma_start3A_842 : memref<1x112xf32, #tpu.memory_space<hbm>> -> memref<112xf32, #tpu.memory_space<hbm>>
    %dma_start3A_844 = arith.constant 0 : i32
    %dma_start3A_845 = tpu.memref_slice %arg14[%dma_start3A_838, %dma_start3A_844] : memref<64x112xf32, #tpu.memory_space<vmem>> -> memref<1x112xf32, #tpu.memory_space<vmem>>
    %dma_start3A_846 = tpu.memref_squeeze %dma_start3A_845 : memref<1x112xf32, #tpu.memory_space<vmem>> -> memref<112xf32, #tpu.memory_space<vmem>>
    %dma_start3A_847 = tpu.memref_slice %arg2[%add3A_837, %multiple_of3A_835] : memref<2048x9999xf32, #tpu.memory_space<hbm>> -> memref<1x112xf32, #tpu.memory_space<hbm>>
    %dma_start3A_848 = tpu.memref_squeeze %dma_start3A_847 : memref<1x112xf32, #tpu.memory_space<hbm>> -> memref<112xf32, #tpu.memory_space<hbm>>
    tpu.enqueue_dma source(%dma_start3A_848 : memref<112xf32, #tpu.memory_space<hbm>>) target(%dma_start3A_846 : memref<112xf32, #tpu.memory_space<vmem>>) target_semaphore(%arg18 : memref<!tpu.dma_semaphore, #tpu.memory_space<semaphore_mem>>)
    %slice3A_849 = vector.extract_strided_slice %min3A_656 {offsets = [12], sizes = [1], strides = [1]} : vector<16xi32> to vector<1xi32>
    %squeeze3A_850 = vector.extract %slice3A_849[0] : i32 from vector<1xi32>
    %multiple_of3A_851 = tpu.assume_multiple %squeeze3A_850, 8 : i32
    %add3A_852 = arith.constant 44 : i32
    %add3A_853 = arith.addi %mul3A_2, %add3A_852 : i32
    %dma_start3A_854 = arith.constant 44 : i32
    %dma_start3A_855 = arith.constant 0 : i32
    %dma_start3A_856 = tpu.memref_slice %arg14[%dma_start3A_854, %dma_start3A_855] : memref<64x112xf32, #tpu.memory_space<vmem>> -> memref<1x112xf32, #tpu.memory_space<vmem>>
    %dma_start3A_857 = tpu.memref_squeeze %dma_start3A_856 : memref<1x112xf32, #tpu.memory_space<vmem>> -> memref<112xf32, #tpu.memory_space<vmem>>
    %dma_start3A_858 = tpu.memref_slice %arg2[%add3A_853, %multiple_of3A_851] : memref<2048x9999xf32, #tpu.memory_space<hbm>> -> memref<1x112xf32, #tpu.memory_space<hbm>>
    %dma_start3A_859 = tpu.memref_squeeze %dma_start3A_858 : memref<1x112xf32, #tpu.memory_space<hbm>> -> memref<112xf32, #tpu.memory_space<hbm>>
    %dma_start3A_860 = arith.constant 0 : i32
    %dma_start3A_861 = tpu.memref_slice %arg14[%dma_start3A_854, %dma_start3A_860] : memref<64x112xf32, #tpu.memory_space<vmem>> -> memref<1x112xf32, #tpu.memory_space<vmem>>
    %dma_start3A_862 = tpu.memref_squeeze %dma_start3A_861 : memref<1x112xf32, #tpu.memory_space<vmem>> -> memref<112xf32, #tpu.memory_space<vmem>>
    %dma_start3A_863 = tpu.memref_slice %arg2[%add3A_853, %multiple_of3A_851] : memref<2048x9999xf32, #tpu.memory_space<hbm>> -> memref<1x112xf32, #tpu.memory_space<hbm>>
    %dma_start3A_864 = tpu.memref_squeeze %dma_start3A_863 : memref<1x112xf32, #tpu.memory_space<hbm>> -> memref<112xf32, #tpu.memory_space<hbm>>
    tpu.enqueue_dma source(%dma_start3A_864 : memref<112xf32, #tpu.memory_space<hbm>>) target(%dma_start3A_862 : memref<112xf32, #tpu.memory_space<vmem>>) target_semaphore(%arg18 : memref<!tpu.dma_semaphore, #tpu.memory_space<semaphore_mem>>)
    %slice3A_865 = vector.extract_strided_slice %min3A_656 {offsets = [13], sizes = [1], strides = [1]} : vector<16xi32> to vector<1xi32>
    %squeeze3A_866 = vector.extract %slice3A_865[0] : i32 from vector<1xi32>
    %multiple_of3A_867 = tpu.assume_multiple %squeeze3A_866, 8 : i32
    %add3A_868 = arith.constant 45 : i32
    %add3A_869 = arith.addi %mul3A_2, %add3A_868 : i32
    %dma_start3A_870 = arith.constant 45 : i32
    %dma_start3A_871 = arith.constant 0 : i32
    %dma_start3A_872 = tpu.memref_slice %arg14[%dma_start3A_870, %dma_start3A_871] : memref<64x112xf32, #tpu.memory_space<vmem>> -> memref<1x112xf32, #tpu.memory_space<vmem>>
    %dma_start3A_873 = tpu.memref_squeeze %dma_start3A_872 : memref<1x112xf32, #tpu.memory_space<vmem>> -> memref<112xf32, #tpu.memory_space<vmem>>
    %dma_start3A_874 = tpu.memref_slice %arg2[%add3A_869, %multiple_of3A_867] : memref<2048x9999xf32, #tpu.memory_space<hbm>> -> memref<1x112xf32, #tpu.memory_space<hbm>>
    %dma_start3A_875 = tpu.memref_squeeze %dma_start3A_874 : memref<1x112xf32, #tpu.memory_space<hbm>> -> memref<112xf32, #tpu.memory_space<hbm>>
    %dma_start3A_876 = arith.constant 0 : i32
    %dma_start3A_877 = tpu.memref_slice %arg14[%dma_start3A_870, %dma_start3A_876] : memref<64x112xf32, #tpu.memory_space<vmem>> -> memref<1x112xf32, #tpu.memory_space<vmem>>
    %dma_start3A_878 = tpu.memref_squeeze %dma_start3A_877 : memref<1x112xf32, #tpu.memory_space<vmem>> -> memref<112xf32, #tpu.memory_space<vmem>>
    %dma_start3A_879 = tpu.memref_slice %arg2[%add3A_869, %multiple_of3A_867] : memref<2048x9999xf32, #tpu.memory_space<hbm>> -> memref<1x112xf32, #tpu.memory_space<hbm>>
    %dma_start3A_880 = tpu.memref_squeeze %dma_start3A_879 : memref<1x112xf32, #tpu.memory_space<hbm>> -> memref<112xf32, #tpu.memory_space<hbm>>
    tpu.enqueue_dma source(%dma_start3A_880 : memref<112xf32, #tpu.memory_space<hbm>>) target(%dma_start3A_878 : memref<112xf32, #tpu.memory_space<vmem>>) target_semaphore(%arg18 : memref<!tpu.dma_semaphore, #tpu.memory_space<semaphore_mem>>)
    %slice3A_881 = vector.extract_strided_slice %min3A_656 {offsets = [14], sizes = [1], strides = [1]} : vector<16xi32> to vector<1xi32>
    %squeeze3A_882 = vector.extract %slice3A_881[0] : i32 from vector<1xi32>
    %multiple_of3A_883 = tpu.assume_multiple %squeeze3A_882, 8 : i32
    %add3A_884 = arith.constant 46 : i32
    %add3A_885 = arith.addi %mul3A_2, %add3A_884 : i32
    %dma_start3A_886 = arith.constant 46 : i32
    %dma_start3A_887 = arith.constant 0 : i32
    %dma_start3A_888 = tpu.memref_slice %arg14[%dma_start3A_886, %dma_start3A_887] : memref<64x112xf32, #tpu.memory_space<vmem>> -> memref<1x112xf32, #tpu.memory_space<vmem>>
    %dma_start3A_889 = tpu.memref_squeeze %dma_start3A_888 : memref<1x112xf32, #tpu.memory_space<vmem>> -> memref<112xf32, #tpu.memory_space<vmem>>
    %dma_start3A_890 = tpu.memref_slice %arg2[%add3A_885, %multiple_of3A_883] : memref<2048x9999xf32, #tpu.memory_space<hbm>> -> memref<1x112xf32, #tpu.memory_space<hbm>>
    %dma_start3A_891 = tpu.memref_squeeze %dma_start3A_890 : memref<1x112xf32, #tpu.memory_space<hbm>> -> memref<112xf32, #tpu.memory_space<hbm>>
    %dma_start3A_892 = arith.constant 0 : i32
    %dma_start3A_893 = tpu.memref_slice %arg14[%dma_start3A_886, %dma_start3A_892] : memref<64x112xf32, #tpu.memory_space<vmem>> -> memref<1x112xf32, #tpu.memory_space<vmem>>
    %dma_start3A_894 = tpu.memref_squeeze %dma_start3A_893 : memref<1x112xf32, #tpu.memory_space<vmem>> -> memref<112xf32, #tpu.memory_space<vmem>>
    %dma_start3A_895 = tpu.memref_slice %arg2[%add3A_885, %multiple_of3A_883] : memref<2048x9999xf32, #tpu.memory_space<hbm>> -> memref<1x112xf32, #tpu.memory_space<hbm>>
    %dma_start3A_896 = tpu.memref_squeeze %dma_start3A_895 : memref<1x112xf32, #tpu.memory_space<hbm>> -> memref<112xf32, #tpu.memory_space<hbm>>
    tpu.enqueue_dma source(%dma_start3A_896 : memref<112xf32, #tpu.memory_space<hbm>>) target(%dma_start3A_894 : memref<112xf32, #tpu.memory_space<vmem>>) target_semaphore(%arg18 : memref<!tpu.dma_semaphore, #tpu.memory_space<semaphore_mem>>)
    %slice3A_897 = vector.extract_strided_slice %min3A_656 {offsets = [15], sizes = [1], strides = [1]} : vector<16xi32> to vector<1xi32>
    %squeeze3A_898 = vector.extract %slice3A_897[0] : i32 from vector<1xi32>
    %multiple_of3A_899 = tpu.assume_multiple %squeeze3A_898, 8 : i32
    %add3A_900 = arith.constant 47 : i32
    %add3A_901 = arith.addi %mul3A_2, %add3A_900 : i32
    %dma_start3A_902 = arith.constant 47 : i32
    %dma_start3A_903 = arith.constant 0 : i32
    %dma_start3A_904 = tpu.memref_slice %arg14[%dma_start3A_902, %dma_start3A_903] : memref<64x112xf32, #tpu.memory_space<vmem>> -> memref<1x112xf32, #tpu.memory_space<vmem>>
    %dma_start3A_905 = tpu.memref_squeeze %dma_start3A_904 : memref<1x112xf32, #tpu.memory_space<vmem>> -> memref<112xf32, #tpu.memory_space<vmem>>
    %dma_start3A_906 = tpu.memref_slice %arg2[%add3A_901, %multiple_of3A_899] : memref<2048x9999xf32, #tpu.memory_space<hbm>> -> memref<1x112xf32, #tpu.memory_space<hbm>>
    %dma_start3A_907 = tpu.memref_squeeze %dma_start3A_906 : memref<1x112xf32, #tpu.memory_space<hbm>> -> memref<112xf32, #tpu.memory_space<hbm>>
    %dma_start3A_908 = arith.constant 0 : i32
    %dma_start3A_909 = tpu.memref_slice %arg14[%dma_start3A_902, %dma_start3A_908] : memref<64x112xf32, #tpu.memory_space<vmem>> -> memref<1x112xf32, #tpu.memory_space<vmem>>
    %dma_start3A_910 = tpu.memref_squeeze %dma_start3A_909 : memref<1x112xf32, #tpu.memory_space<vmem>> -> memref<112xf32, #tpu.memory_space<vmem>>
    %dma_start3A_911 = tpu.memref_slice %arg2[%add3A_901, %multiple_of3A_899] : memref<2048x9999xf32, #tpu.memory_space<hbm>> -> memref<1x112xf32, #tpu.memory_space<hbm>>
    %dma_start3A_912 = tpu.memref_squeeze %dma_start3A_911 : memref<1x112xf32, #tpu.memory_space<hbm>> -> memref<112xf32, #tpu.memory_space<hbm>>
    tpu.enqueue_dma source(%dma_start3A_912 : memref<112xf32, #tpu.memory_space<hbm>>) target(%dma_start3A_910 : memref<112xf32, #tpu.memory_space<vmem>>) target_semaphore(%arg18 : memref<!tpu.dma_semaphore, #tpu.memory_space<semaphore_mem>>)
    %get3A_913 = arith.constant 48 : index
    %get3A_914 = tpu.vector_load %arg11[%get3A_913] {strides = array<i32>} : memref<64xi32, #tpu.memory_space<vmem>>, vector<16xi32>,
    %mul3A_915 = arith.constant 99 : i32
    %mul3A_916 = vector.broadcast %mul3A_915 : i32 to vector<16xi32>
    %mul3A_917 = arith.muli %mul3A_916, %get3A_914 : vector<16xi32>
    %add3A_918 = arith.constant 99 : i32
    %add3A_919 = vector.broadcast %add3A_918 : i32 to vector<16xi32>
    %add3A_920 = arith.addi %add3A_919, %mul3A_917 : vector<16xi32>
    %and3A_921 = arith.constant -8 : i32
    %and3A_922 = vector.broadcast %and3A_921 : i32 to vector<16xi32>
    %and3A_923 = arith.andi %add3A_920, %and3A_922 : vector<16xi32>
    %min3A_924 = arith.constant 9888 : i32
    %min3A_925 = vector.broadcast %min3A_924 : i32 to vector<16xi32>
    %min3A_926 = arith.minsi %and3A_923, %min3A_925 : vector<16xi32>
    %slice3A_927 = vector.extract_strided_slice %min3A_926 {offsets = [0], sizes = [1], strides = [1]} : vector<16xi32> to vector<1xi32>
    %squeeze3A_928 = vector.extract %slice3A_927[0] : i32 from vector<1xi32>
    %multiple_of3A_929 = tpu.assume_multiple %squeeze3A_928, 8 : i32
    %add3A_930 = arith.constant 48 : i32
    %add3A_931 = arith.addi %mul3A_2, %add3A_930 : i32
    %dma_start3A_932 = arith.constant 48 : i32
    %dma_start3A_933 = arith.constant 0 : i32
    %dma_start3A_934 = tpu.memref_slice %arg14[%dma_start3A_932, %dma_start3A_933] : memref<64x112xf32, #tpu.memory_space<vmem>> -> memref<1x112xf32, #tpu.memory_space<vmem>>
    %dma_start3A_935 = tpu.memref_squeeze %dma_start3A_934 : memref<1x112xf32, #tpu.memory_space<vmem>> -> memref<112xf32, #tpu.memory_space<vmem>>
    %dma_start3A_936 = tpu.memref_slice %arg2[%add3A_931, %multiple_of3A_929] : memref<2048x9999xf32, #tpu.memory_space<hbm>> -> memref<1x112xf32, #tpu.memory_space<hbm>>
    %dma_start3A_937 = tpu.memref_squeeze %dma_start3A_936 : memref<1x112xf32, #tpu.memory_space<hbm>> -> memref<112xf32, #tpu.memory_space<hbm>>
    %dma_start3A_938 = arith.constant 0 : i32
    %dma_start3A_939 = tpu.memref_slice %arg14[%dma_start3A_932, %dma_start3A_938] : memref<64x112xf32, #tpu.memory_space<vmem>> -> memref<1x112xf32, #tpu.memory_space<vmem>>
    %dma_start3A_940 = tpu.memref_squeeze %dma_start3A_939 : memref<1x112xf32, #tpu.memory_space<vmem>> -> memref<112xf32, #tpu.memory_space<vmem>>
    %dma_start3A_941 = tpu.memref_slice %arg2[%add3A_931, %multiple_of3A_929] : memref<2048x9999xf32, #tpu.memory_space<hbm>> -> memref<1x112xf32, #tpu.memory_space<hbm>>
    %dma_start3A_942 = tpu.memref_squeeze %dma_start3A_941 : memref<1x112xf32, #tpu.memory_space<hbm>> -> memref<112xf32, #tpu.memory_space<hbm>>
    tpu.enqueue_dma source(%dma_start3A_942 : memref<112xf32, #tpu.memory_space<hbm>>) target(%dma_start3A_940 : memref<112xf32, #tpu.memory_space<vmem>>) target_semaphore(%arg18 : memref<!tpu.dma_semaphore, #tpu.memory_space<semaphore_mem>>)
    %slice3A_943 = vector.extract_strided_slice %min3A_926 {offsets = [1], sizes = [1], strides = [1]} : vector<16xi32> to vector<1xi32>
    %squeeze3A_944 = vector.extract %slice3A_943[0] : i32 from vector<1xi32>
    %multiple_of3A_945 = tpu.assume_multiple %squeeze3A_944, 8 : i32
    %add3A_946 = arith.constant 49 : i32
    %add3A_947 = arith.addi %mul3A_2, %add3A_946 : i32
    %dma_start3A_948 = arith.constant 49 : i32
    %dma_start3A_949 = arith.constant 0 : i32
    %dma_start3A_950 = tpu.memref_slice %arg14[%dma_start3A_948, %dma_start3A_949] : memref<64x112xf32, #tpu.memory_space<vmem>> -> memref<1x112xf32, #tpu.memory_space<vmem>>
    %dma_start3A_951 = tpu.memref_squeeze %dma_start3A_950 : memref<1x112xf32, #tpu.memory_space<vmem>> -> memref<112xf32, #tpu.memory_space<vmem>>
    %dma_start3A_952 = tpu.memref_slice %arg2[%add3A_947, %multiple_of3A_945] : memref<2048x9999xf32, #tpu.memory_space<hbm>> -> memref<1x112xf32, #tpu.memory_space<hbm>>
    %dma_start3A_953 = tpu.memref_squeeze %dma_start3A_952 : memref<1x112xf32, #tpu.memory_space<hbm>> -> memref<112xf32, #tpu.memory_space<hbm>>
    %dma_start3A_954 = arith.constant 0 : i32
    %dma_start3A_955 = tpu.memref_slice %arg14[%dma_start3A_948, %dma_start3A_954] : memref<64x112xf32, #tpu.memory_space<vmem>> -> memref<1x112xf32, #tpu.memory_space<vmem>>
    %dma_start3A_956 = tpu.memref_squeeze %dma_start3A_955 : memref<1x112xf32, #tpu.memory_space<vmem>> -> memref<112xf32, #tpu.memory_space<vmem>>
    %dma_start3A_957 = tpu.memref_slice %arg2[%add3A_947, %multiple_of3A_945] : memref<2048x9999xf32, #tpu.memory_space<hbm>> -> memref<1x112xf32, #tpu.memory_space<hbm>>
    %dma_start3A_958 = tpu.memref_squeeze %dma_start3A_957 : memref<1x112xf32, #tpu.memory_space<hbm>> -> memref<112xf32, #tpu.memory_space<hbm>>
    tpu.enqueue_dma source(%dma_start3A_958 : memref<112xf32, #tpu.memory_space<hbm>>) target(%dma_start3A_956 : memref<112xf32, #tpu.memory_space<vmem>>) target_semaphore(%arg18 : memref<!tpu.dma_semaphore, #tpu.memory_space<semaphore_mem>>)
    %slice3A_959 = vector.extract_strided_slice %min3A_926 {offsets = [2], sizes = [1], strides = [1]} : vector<16xi32> to vector<1xi32>
    %squeeze3A_960 = vector.extract %slice3A_959[0] : i32 from vector<1xi32>
    %multiple_of3A_961 = tpu.assume_multiple %squeeze3A_960, 8 : i32
    %add3A_962 = arith.constant 50 : i32
    %add3A_963 = arith.addi %mul3A_2, %add3A_962 : i32
    %dma_start3A_964 = arith.constant 50 : i32
    %dma_start3A_965 = arith.constant 0 : i32
    %dma_start3A_966 = tpu.memref_slice %arg14[%dma_start3A_964, %dma_start3A_965] : memref<64x112xf32, #tpu.memory_space<vmem>> -> memref<1x112xf32, #tpu.memory_space<vmem>>
    %dma_start3A_967 = tpu.memref_squeeze %dma_start3A_966 : memref<1x112xf32, #tpu.memory_space<vmem>> -> memref<112xf32, #tpu.memory_space<vmem>>
    %dma_start3A_968 = tpu.memref_slice %arg2[%add3A_963, %multiple_of3A_961] : memref<2048x9999xf32, #tpu.memory_space<hbm>> -> memref<1x112xf32, #tpu.memory_space<hbm>>
    %dma_start3A_969 = tpu.memref_squeeze %dma_start3A_968 : memref<1x112xf32, #tpu.memory_space<hbm>> -> memref<112xf32, #tpu.memory_space<hbm>>
    %dma_start3A_970 = arith.constant 0 : i32
    %dma_start3A_971 = tpu.memref_slice %arg14[%dma_start3A_964, %dma_start3A_970] : memref<64x112xf32, #tpu.memory_space<vmem>> -> memref<1x112xf32, #tpu.memory_space<vmem>>
    %dma_start3A_972 = tpu.memref_squeeze %dma_start3A_971 : memref<1x112xf32, #tpu.memory_space<vmem>> -> memref<112xf32, #tpu.memory_space<vmem>>
    %dma_start3A_973 = tpu.memref_slice %arg2[%add3A_963, %multiple_of3A_961] : memref<2048x9999xf32, #tpu.memory_space<hbm>> -> memref<1x112xf32, #tpu.memory_space<hbm>>
    %dma_start3A_974 = tpu.memref_squeeze %dma_start3A_973 : memref<1x112xf32, #tpu.memory_space<hbm>> -> memref<112xf32, #tpu.memory_space<hbm>>
    tpu.enqueue_dma source(%dma_start3A_974 : memref<112xf32, #tpu.memory_space<hbm>>) target(%dma_start3A_972 : memref<112xf32, #tpu.memory_space<vmem>>) target_semaphore(%arg18 : memref<!tpu.dma_semaphore, #tpu.memory_space<semaphore_mem>>)
    %slice3A_975 = vector.extract_strided_slice %min3A_926 {offsets = [3], sizes = [1], strides = [1]} : vector<16xi32> to vector<1xi32>
    %squeeze3A_976 = vector.extract %slice3A_975[0] : i32 from vector<1xi32>
    %multiple_of3A_977 = tpu.assume_multiple %squeeze3A_976, 8 : i32
    %add3A_978 = arith.constant 51 : i32
    %add3A_979 = arith.addi %mul3A_2, %add3A_978 : i32
    %dma_start3A_980 = arith.constant 51 : i32
    %dma_start3A_981 = arith.constant 0 : i32
    %dma_start3A_982 = tpu.memref_slice %arg14[%dma_start3A_980, %dma_start3A_981] : memref<64x112xf32, #tpu.memory_space<vmem>> -> memref<1x112xf32, #tpu.memory_space<vmem>>
    %dma_start3A_983 = tpu.memref_squeeze %dma_start3A_982 : memref<1x112xf32, #tpu.memory_space<vmem>> -> memref<112xf32, #tpu.memory_space<vmem>>
    %dma_start3A_984 = tpu.memref_slice %arg2[%add3A_979, %multiple_of3A_977] : memref<2048x9999xf32, #tpu.memory_space<hbm>> -> memref<1x112xf32, #tpu.memory_space<hbm>>
    %dma_start3A_985 = tpu.memref_squeeze %dma_start3A_984 : memref<1x112xf32, #tpu.memory_space<hbm>> -> memref<112xf32, #tpu.memory_space<hbm>>
    %dma_start3A_986 = arith.constant 0 : i32
    %dma_start3A_987 = tpu.memref_slice %arg14[%dma_start3A_980, %dma_start3A_986] : memref<64x112xf32, #tpu.memory_space<vmem>> -> memref<1x112xf32, #tpu.memory_space<vmem>>
    %dma_start3A_988 = tpu.memref_squeeze %dma_start3A_987 : memref<1x112xf32, #tpu.memory_space<vmem>> -> memref<112xf32, #tpu.memory_space<vmem>>
    %dma_start3A_989 = tpu.memref_slice %arg2[%add3A_979, %multiple_of3A_977] : memref<2048x9999xf32, #tpu.memory_space<hbm>> -> memref<1x112xf32, #tpu.memory_space<hbm>>
    %dma_start3A_990 = tpu.memref_squeeze %dma_start3A_989 : memref<1x112xf32, #tpu.memory_space<hbm>> -> memref<112xf32, #tpu.memory_space<hbm>>
    tpu.enqueue_dma source(%dma_start3A_990 : memref<112xf32, #tpu.memory_space<hbm>>) target(%dma_start3A_988 : memref<112xf32, #tpu.memory_space<vmem>>) target_semaphore(%arg18 : memref<!tpu.dma_semaphore, #tpu.memory_space<semaphore_mem>>)
    %slice3A_991 = vector.extract_strided_slice %min3A_926 {offsets = [4], sizes = [1], strides = [1]} : vector<16xi32> to vector<1xi32>
    %squeeze3A_992 = vector.extract %slice3A_991[0] : i32 from vector<1xi32>
    %multiple_of3A_993 = tpu.assume_multiple %squeeze3A_992, 8 : i32
    %add3A_994 = arith.constant 52 : i32
    %add3A_995 = arith.addi %mul3A_2, %add3A_994 : i32
    %dma_start3A_996 = arith.constant 52 : i32
    %dma_start3A_997 = arith.constant 0 : i32
    %dma_start3A_998 = tpu.memref_slice %arg14[%dma_start3A_996, %dma_start3A_997] : memref<64x112xf32, #tpu.memory_space<vmem>> -> memref<1x112xf32, #tpu.memory_space<vmem>>
    %dma_start3A_999 = tpu.memref_squeeze %dma_start3A_998 : memref<1x112xf32, #tpu.memory_space<vmem>> -> memref<112xf32, #tpu.memory_space<vmem>>
    %dma_start3A_1000 = tpu.memref_slice %arg2[%add3A_995, %multiple_of3A_993] : memref<2048x9999xf32, #tpu.memory_space<hbm>> -> memref<1x112xf32, #tpu.memory_space<hbm>>
    %dma_start3A_1001 = tpu.memref_squeeze %dma_start3A_1000 : memref<1x112xf32, #tpu.memory_space<hbm>> -> memref<112xf32, #tpu.memory_space<hbm>>
    %dma_start3A_1002 = arith.constant 0 : i32
    %dma_start3A_1003 = tpu.memref_slice %arg14[%dma_start3A_996, %dma_start3A_1002] : memref<64x112xf32, #tpu.memory_space<vmem>> -> memref<1x112xf32, #tpu.memory_space<vmem>>
    %dma_start3A_1004 = tpu.memref_squeeze %dma_start3A_1003 : memref<1x112xf32, #tpu.memory_space<vmem>> -> memref<112xf32, #tpu.memory_space<vmem>>
    %dma_start3A_1005 = tpu.memref_slice %arg2[%add3A_995, %multiple_of3A_993] : memref<2048x9999xf32, #tpu.memory_space<hbm>> -> memref<1x112xf32, #tpu.memory_space<hbm>>
    %dma_start3A_1006 = tpu.memref_squeeze %dma_start3A_1005 : memref<1x112xf32, #tpu.memory_space<hbm>> -> memref<112xf32, #tpu.memory_space<hbm>>
    tpu.enqueue_dma source(%dma_start3A_1006 : memref<112xf32, #tpu.memory_space<hbm>>) target(%dma_start3A_1004 : memref<112xf32, #tpu.memory_space<vmem>>) target_semaphore(%arg18 : memref<!tpu.dma_semaphore, #tpu.memory_space<semaphore_mem>>)
    %slice3A_1007 = vector.extract_strided_slice %min3A_926 {offsets = [5], sizes = [1], strides = [1]} : vector<16xi32> to vector<1xi32>
    %squeeze3A_1008 = vector.extract %slice3A_1007[0] : i32 from vector<1xi32>
    %multiple_of3A_1009 = tpu.assume_multiple %squeeze3A_1008, 8 : i32
    %add3A_1010 = arith.constant 53 : i32
    %add3A_1011 = arith.addi %mul3A_2, %add3A_1010 : i32
    %dma_start3A_1012 = arith.constant 53 : i32
    %dma_start3A_1013 = arith.constant 0 : i32
    %dma_start3A_1014 = tpu.memref_slice %arg14[%dma_start3A_1012, %dma_start3A_1013] : memref<64x112xf32, #tpu.memory_space<vmem>> -> memref<1x112xf32, #tpu.memory_space<vmem>>
    %dma_start3A_1015 = tpu.memref_squeeze %dma_start3A_1014 : memref<1x112xf32, #tpu.memory_space<vmem>> -> memref<112xf32, #tpu.memory_space<vmem>>
    %dma_start3A_1016 = tpu.memref_slice %arg2[%add3A_1011, %multiple_of3A_1009] : memref<2048x9999xf32, #tpu.memory_space<hbm>> -> memref<1x112xf32, #tpu.memory_space<hbm>>
    %dma_start3A_1017 = tpu.memref_squeeze %dma_start3A_1016 : memref<1x112xf32, #tpu.memory_space<hbm>> -> memref<112xf32, #tpu.memory_space<hbm>>
    %dma_start3A_1018 = arith.constant 0 : i32
    %dma_start3A_1019 = tpu.memref_slice %arg14[%dma_start3A_1012, %dma_start3A_1018] : memref<64x112xf32, #tpu.memory_space<vmem>> -> memref<1x112xf32, #tpu.memory_space<vmem>>
    %dma_start3A_1020 = tpu.memref_squeeze %dma_start3A_1019 : memref<1x112xf32, #tpu.memory_space<vmem>> -> memref<112xf32, #tpu.memory_space<vmem>>
    %dma_start3A_1021 = tpu.memref_slice %arg2[%add3A_1011, %multiple_of3A_1009] : memref<2048x9999xf32, #tpu.memory_space<hbm>> -> memref<1x112xf32, #tpu.memory_space<hbm>>
    %dma_start3A_1022 = tpu.memref_squeeze %dma_start3A_1021 : memref<1x112xf32, #tpu.memory_space<hbm>> -> memref<112xf32, #tpu.memory_space<hbm>>
    tpu.enqueue_dma source(%dma_start3A_1022 : memref<112xf32, #tpu.memory_space<hbm>>) target(%dma_start3A_1020 : memref<112xf32, #tpu.memory_space<vmem>>) target_semaphore(%arg18 : memref<!tpu.dma_semaphore, #tpu.memory_space<semaphore_mem>>)
    %slice3A_1023 = vector.extract_strided_slice %min3A_926 {offsets = [6], sizes = [1], strides = [1]} : vector<16xi32> to vector<1xi32>
    %squeeze3A_1024 = vector.extract %slice3A_1023[0] : i32 from vector<1xi32>
    %multiple_of3A_1025 = tpu.assume_multiple %squeeze3A_1024, 8 : i32
    %add3A_1026 = arith.constant 54 : i32
    %add3A_1027 = arith.addi %mul3A_2, %add3A_1026 : i32
    %dma_start3A_1028 = arith.constant 54 : i32
    %dma_start3A_1029 = arith.constant 0 : i32
    %dma_start3A_1030 = tpu.memref_slice %arg14[%dma_start3A_1028, %dma_start3A_1029] : memref<64x112xf32, #tpu.memory_space<vmem>> -> memref<1x112xf32, #tpu.memory_space<vmem>>
    %dma_start3A_1031 = tpu.memref_squeeze %dma_start3A_1030 : memref<1x112xf32, #tpu.memory_space<vmem>> -> memref<112xf32, #tpu.memory_space<vmem>>
    %dma_start3A_1032 = tpu.memref_slice %arg2[%add3A_1027, %multiple_of3A_1025] : memref<2048x9999xf32, #tpu.memory_space<hbm>> -> memref<1x112xf32, #tpu.memory_space<hbm>>
    %dma_start3A_1033 = tpu.memref_squeeze %dma_start3A_1032 : memref<1x112xf32, #tpu.memory_space<hbm>> -> memref<112xf32, #tpu.memory_space<hbm>>
    %dma_start3A_1034 = arith.constant 0 : i32
    %dma_start3A_1035 = tpu.memref_slice %arg14[%dma_start3A_1028, %dma_start3A_1034] : memref<64x112xf32, #tpu.memory_space<vmem>> -> memref<1x112xf32, #tpu.memory_space<vmem>>
    %dma_start3A_1036 = tpu.memref_squeeze %dma_start3A_1035 : memref<1x112xf32, #tpu.memory_space<vmem>> -> memref<112xf32, #tpu.memory_space<vmem>>
    %dma_start3A_1037 = tpu.memref_slice %arg2[%add3A_1027, %multiple_of3A_1025] : memref<2048x9999xf32, #tpu.memory_space<hbm>> -> memref<1x112xf32, #tpu.memory_space<hbm>>
    %dma_start3A_1038 = tpu.memref_squeeze %dma_start3A_1037 : memref<1x112xf32, #tpu.memory_space<hbm>> -> memref<112xf32, #tpu.memory_space<hbm>>
    tpu.enqueue_dma source(%dma_start3A_1038 : memref<112xf32, #tpu.memory_space<hbm>>) target(%dma_start3A_1036 : memref<112xf32, #tpu.memory_space<vmem>>) target_semaphore(%arg18 : memref<!tpu.dma_semaphore, #tpu.memory_space<semaphore_mem>>)
    %slice3A_1039 = vector.extract_strided_slice %min3A_926 {offsets = [7], sizes = [1], strides = [1]} : vector<16xi32> to vector<1xi32>
    %squeeze3A_1040 = vector.extract %slice3A_1039[0] : i32 from vector<1xi32>
    %multiple_of3A_1041 = tpu.assume_multiple %squeeze3A_1040, 8 : i32
    %add3A_1042 = arith.constant 55 : i32
    %add3A_1043 = arith.addi %mul3A_2, %add3A_1042 : i32
    %dma_start3A_1044 = arith.constant 55 : i32
    %dma_start3A_1045 = arith.constant 0 : i32
    %dma_start3A_1046 = tpu.memref_slice %arg14[%dma_start3A_1044, %dma_start3A_1045] : memref<64x112xf32, #tpu.memory_space<vmem>> -> memref<1x112xf32, #tpu.memory_space<vmem>>
    %dma_start3A_1047 = tpu.memref_squeeze %dma_start3A_1046 : memref<1x112xf32, #tpu.memory_space<vmem>> -> memref<112xf32, #tpu.memory_space<vmem>>
    %dma_start3A_1048 = tpu.memref_slice %arg2[%add3A_1043, %multiple_of3A_1041] : memref<2048x9999xf32, #tpu.memory_space<hbm>> -> memref<1x112xf32, #tpu.memory_space<hbm>>
    %dma_start3A_1049 = tpu.memref_squeeze %dma_start3A_1048 : memref<1x112xf32, #tpu.memory_space<hbm>> -> memref<112xf32, #tpu.memory_space<hbm>>
    %dma_start3A_1050 = arith.constant 0 : i32
    %dma_start3A_1051 = tpu.memref_slice %arg14[%dma_start3A_1044, %dma_start3A_1050] : memref<64x112xf32, #tpu.memory_space<vmem>> -> memref<1x112xf32, #tpu.memory_space<vmem>>
    %dma_start3A_1052 = tpu.memref_squeeze %dma_start3A_1051 : memref<1x112xf32, #tpu.memory_space<vmem>> -> memref<112xf32, #tpu.memory_space<vmem>>
    %dma_start3A_1053 = tpu.memref_slice %arg2[%add3A_1043, %multiple_of3A_1041] : memref<2048x9999xf32, #tpu.memory_space<hbm>> -> memref<1x112xf32, #tpu.memory_space<hbm>>
    %dma_start3A_1054 = tpu.memref_squeeze %dma_start3A_1053 : memref<1x112xf32, #tpu.memory_space<hbm>> -> memref<112xf32, #tpu.memory_space<hbm>>
    tpu.enqueue_dma source(%dma_start3A_1054 : memref<112xf32, #tpu.memory_space<hbm>>) target(%dma_start3A_1052 : memref<112xf32, #tpu.memory_space<vmem>>) target_semaphore(%arg18 : memref<!tpu.dma_semaphore, #tpu.memory_space<semaphore_mem>>)
    %slice3A_1055 = vector.extract_strided_slice %min3A_926 {offsets = [8], sizes = [1], strides = [1]} : vector<16xi32> to vector<1xi32>
    %squeeze3A_1056 = vector.extract %slice3A_1055[0] : i32 from vector<1xi32>
    %multiple_of3A_1057 = tpu.assume_multiple %squeeze3A_1056, 8 : i32
    %add3A_1058 = arith.constant 56 : i32
    %add3A_1059 = arith.addi %mul3A_2, %add3A_1058 : i32
    %dma_start3A_1060 = arith.constant 56 : i32
    %dma_start3A_1061 = arith.constant 0 : i32
    %dma_start3A_1062 = tpu.memref_slice %arg14[%dma_start3A_1060, %dma_start3A_1061] : memref<64x112xf32, #tpu.memory_space<vmem>> -> memref<1x112xf32, #tpu.memory_space<vmem>>
    %dma_start3A_1063 = tpu.memref_squeeze %dma_start3A_1062 : memref<1x112xf32, #tpu.memory_space<vmem>> -> memref<112xf32, #tpu.memory_space<vmem>>
    %dma_start3A_1064 = tpu.memref_slice %arg2[%add3A_1059, %multiple_of3A_1057] : memref<2048x9999xf32, #tpu.memory_space<hbm>> -> memref<1x112xf32, #tpu.memory_space<hbm>>
    %dma_start3A_1065 = tpu.memref_squeeze %dma_start3A_1064 : memref<1x112xf32, #tpu.memory_space<hbm>> -> memref<112xf32, #tpu.memory_space<hbm>>
    %dma_start3A_1066 = arith.constant 0 : i32
    %dma_start3A_1067 = tpu.memref_slice %arg14[%dma_start3A_1060, %dma_start3A_1066] : memref<64x112xf32, #tpu.memory_space<vmem>> -> memref<1x112xf32, #tpu.memory_space<vmem>>
    %dma_start3A_1068 = tpu.memref_squeeze %dma_start3A_1067 : memref<1x112xf32, #tpu.memory_space<vmem>> -> memref<112xf32, #tpu.memory_space<vmem>>
    %dma_start3A_1069 = tpu.memref_slice %arg2[%add3A_1059, %multiple_of3A_1057] : memref<2048x9999xf32, #tpu.memory_space<hbm>> -> memref<1x112xf32, #tpu.memory_space<hbm>>
    %dma_start3A_1070 = tpu.memref_squeeze %dma_start3A_1069 : memref<1x112xf32, #tpu.memory_space<hbm>> -> memref<112xf32, #tpu.memory_space<hbm>>
    tpu.enqueue_dma source(%dma_start3A_1070 : memref<112xf32, #tpu.memory_space<hbm>>) target(%dma_start3A_1068 : memref<112xf32, #tpu.memory_space<vmem>>) target_semaphore(%arg18 : memref<!tpu.dma_semaphore, #tpu.memory_space<semaphore_mem>>)
    %slice3A_1071 = vector.extract_strided_slice %min3A_926 {offsets = [9], sizes = [1], strides = [1]} : vector<16xi32> to vector<1xi32>
    %squeeze3A_1072 = vector.extract %slice3A_1071[0] : i32 from vector<1xi32>
    %multiple_of3A_1073 = tpu.assume_multiple %squeeze3A_1072, 8 : i32
    %add3A_1074 = arith.constant 57 : i32
    %add3A_1075 = arith.addi %mul3A_2, %add3A_1074 : i32
    %dma_start3A_1076 = arith.constant 57 : i32
    %dma_start3A_1077 = arith.constant 0 : i32
    %dma_start3A_1078 = tpu.memref_slice %arg14[%dma_start3A_1076, %dma_start3A_1077] : memref<64x112xf32, #tpu.memory_space<vmem>> -> memref<1x112xf32, #tpu.memory_space<vmem>>
    %dma_start3A_1079 = tpu.memref_squeeze %dma_start3A_1078 : memref<1x112xf32, #tpu.memory_space<vmem>> -> memref<112xf32, #tpu.memory_space<vmem>>
    %dma_start3A_1080 = tpu.memref_slice %arg2[%add3A_1075, %multiple_of3A_1073] : memref<2048x9999xf32, #tpu.memory_space<hbm>> -> memref<1x112xf32, #tpu.memory_space<hbm>>
    %dma_start3A_1081 = tpu.memref_squeeze %dma_start3A_1080 : memref<1x112xf32, #tpu.memory_space<hbm>> -> memref<112xf32, #tpu.memory_space<hbm>>
    %dma_start3A_1082 = arith.constant 0 : i32
    %dma_start3A_1083 = tpu.memref_slice %arg14[%dma_start3A_1076, %dma_start3A_1082] : memref<64x112xf32, #tpu.memory_space<vmem>> -> memref<1x112xf32, #tpu.memory_space<vmem>>
    %dma_start3A_1084 = tpu.memref_squeeze %dma_start3A_1083 : memref<1x112xf32, #tpu.memory_space<vmem>> -> memref<112xf32, #tpu.memory_space<vmem>>
    %dma_start3A_1085 = tpu.memref_slice %arg2[%add3A_1075, %multiple_of3A_1073] : memref<2048x9999xf32, #tpu.memory_space<hbm>> -> memref<1x112xf32, #tpu.memory_space<hbm>>
    %dma_start3A_1086 = tpu.memref_squeeze %dma_start3A_1085 : memref<1x112xf32, #tpu.memory_space<hbm>> -> memref<112xf32, #tpu.memory_space<hbm>>
    tpu.enqueue_dma source(%dma_start3A_1086 : memref<112xf32, #tpu.memory_space<hbm>>) target(%dma_start3A_1084 : memref<112xf32, #tpu.memory_space<vmem>>) target_semaphore(%arg18 : memref<!tpu.dma_semaphore, #tpu.memory_space<semaphore_mem>>)
    %slice3A_1087 = vector.extract_strided_slice %min3A_926 {offsets = [10], sizes = [1], strides = [1]} : vector<16xi32> to vector<1xi32>
    %squeeze3A_1088 = vector.extract %slice3A_1087[0] : i32 from vector<1xi32>
    %multiple_of3A_1089 = tpu.assume_multiple %squeeze3A_1088, 8 : i32
    %add3A_1090 = arith.constant 58 : i32
    %add3A_1091 = arith.addi %mul3A_2, %add3A_1090 : i32
    %dma_start3A_1092 = arith.constant 58 : i32
    %dma_start3A_1093 = arith.constant 0 : i32
    %dma_start3A_1094 = tpu.memref_slice %arg14[%dma_start3A_1092, %dma_start3A_1093] : memref<64x112xf32, #tpu.memory_space<vmem>> -> memref<1x112xf32, #tpu.memory_space<vmem>>
    %dma_start3A_1095 = tpu.memref_squeeze %dma_start3A_1094 : memref<1x112xf32, #tpu.memory_space<vmem>> -> memref<112xf32, #tpu.memory_space<vmem>>
    %dma_start3A_1096 = tpu.memref_slice %arg2[%add3A_1091, %multiple_of3A_1089] : memref<2048x9999xf32, #tpu.memory_space<hbm>> -> memref<1x112xf32, #tpu.memory_space<hbm>>
    %dma_start3A_1097 = tpu.memref_squeeze %dma_start3A_1096 : memref<1x112xf32, #tpu.memory_space<hbm>> -> memref<112xf32, #tpu.memory_space<hbm>>
    %dma_start3A_1098 = arith.constant 0 : i32
    %dma_start3A_1099 = tpu.memref_slice %arg14[%dma_start3A_1092, %dma_start3A_1098] : memref<64x112xf32, #tpu.memory_space<vmem>> -> memref<1x112xf32, #tpu.memory_space<vmem>>
    %dma_start3A_1100 = tpu.memref_squeeze %dma_start3A_1099 : memref<1x112xf32, #tpu.memory_space<vmem>> -> memref<112xf32, #tpu.memory_space<vmem>>
    %dma_start3A_1101 = tpu.memref_slice %arg2[%add3A_1091, %multiple_of3A_1089] : memref<2048x9999xf32, #tpu.memory_space<hbm>> -> memref<1x112xf32, #tpu.memory_space<hbm>>
    %dma_start3A_1102 = tpu.memref_squeeze %dma_start3A_1101 : memref<1x112xf32, #tpu.memory_space<hbm>> -> memref<112xf32, #tpu.memory_space<hbm>>
    tpu.enqueue_dma source(%dma_start3A_1102 : memref<112xf32, #tpu.memory_space<hbm>>) target(%dma_start3A_1100 : memref<112xf32, #tpu.memory_space<vmem>>) target_semaphore(%arg18 : memref<!tpu.dma_semaphore, #tpu.memory_space<semaphore_mem>>)
    %slice3A_1103 = vector.extract_strided_slice %min3A_926 {offsets = [11], sizes = [1], strides = [1]} : vector<16xi32> to vector<1xi32>
    %squeeze3A_1104 = vector.extract %slice3A_1103[0] : i32 from vector<1xi32>
    %multiple_of3A_1105 = tpu.assume_multiple %squeeze3A_1104, 8 : i32
    %add3A_1106 = arith.constant 59 : i32
    %add3A_1107 = arith.addi %mul3A_2, %add3A_1106 : i32
    %dma_start3A_1108 = arith.constant 59 : i32
    %dma_start3A_1109 = arith.constant 0 : i32
    %dma_start3A_1110 = tpu.memref_slice %arg14[%dma_start3A_1108, %dma_start3A_1109] : memref<64x112xf32, #tpu.memory_space<vmem>> -> memref<1x112xf32, #tpu.memory_space<vmem>>
    %dma_start3A_1111 = tpu.memref_squeeze %dma_start3A_1110 : memref<1x112xf32, #tpu.memory_space<vmem>> -> memref<112xf32, #tpu.memory_space<vmem>>
    %dma_start3A_1112 = tpu.memref_slice %arg2[%add3A_1107, %multiple_of3A_1105] : memref<2048x9999xf32, #tpu.memory_space<hbm>> -> memref<1x112xf32, #tpu.memory_space<hbm>>
    %dma_start3A_1113 = tpu.memref_squeeze %dma_start3A_1112 : memref<1x112xf32, #tpu.memory_space<hbm>> -> memref<112xf32, #tpu.memory_space<hbm>>
    %dma_start3A_1114 = arith.constant 0 : i32
    %dma_start3A_1115 = tpu.memref_slice %arg14[%dma_start3A_1108, %dma_start3A_1114] : memref<64x112xf32, #tpu.memory_space<vmem>> -> memref<1x112xf32, #tpu.memory_space<vmem>>
    %dma_start3A_1116 = tpu.memref_squeeze %dma_start3A_1115 : memref<1x112xf32, #tpu.memory_space<vmem>> -> memref<112xf32, #tpu.memory_space<vmem>>
    %dma_start3A_1117 = tpu.memref_slice %arg2[%add3A_1107, %multiple_of3A_1105] : memref<2048x9999xf32, #tpu.memory_space<hbm>> -> memref<1x112xf32, #tpu.memory_space<hbm>>
    %dma_start3A_1118 = tpu.memref_squeeze %dma_start3A_1117 : memref<1x112xf32, #tpu.memory_space<hbm>> -> memref<112xf32, #tpu.memory_space<hbm>>
    tpu.enqueue_dma source(%dma_start3A_1118 : memref<112xf32, #tpu.memory_space<hbm>>) target(%dma_start3A_1116 : memref<112xf32, #tpu.memory_space<vmem>>) target_semaphore(%arg18 : memref<!tpu.dma_semaphore, #tpu.memory_space<semaphore_mem>>)
    %slice3A_1119 = vector.extract_strided_slice %min3A_926 {offsets = [12], sizes = [1], strides = [1]} : vector<16xi32> to vector<1xi32>
    %squeeze3A_1120 = vector.extract %slice3A_1119[0] : i32 from vector<1xi32>
    %multiple_of3A_1121 = tpu.assume_multiple %squeeze3A_1120, 8 : i32
    %add3A_1122 = arith.constant 60 : i32
    %add3A_1123 = arith.addi %mul3A_2, %add3A_1122 : i32
    %dma_start3A_1124 = arith.constant 60 : i32
    %dma_start3A_1125 = arith.constant 0 : i32
    %dma_start3A_1126 = tpu.memref_slice %arg14[%dma_start3A_1124, %dma_start3A_1125] : memref<64x112xf32, #tpu.memory_space<vmem>> -> memref<1x112xf32, #tpu.memory_space<vmem>>
    %dma_start3A_1127 = tpu.memref_squeeze %dma_start3A_1126 : memref<1x112xf32, #tpu.memory_space<vmem>> -> memref<112xf32, #tpu.memory_space<vmem>>
    %dma_start3A_1128 = tpu.memref_slice %arg2[%add3A_1123, %multiple_of3A_1121] : memref<2048x9999xf32, #tpu.memory_space<hbm>> -> memref<1x112xf32, #tpu.memory_space<hbm>>
    %dma_start3A_1129 = tpu.memref_squeeze %dma_start3A_1128 : memref<1x112xf32, #tpu.memory_space<hbm>> -> memref<112xf32, #tpu.memory_space<hbm>>
    %dma_start3A_1130 = arith.constant 0 : i32
    %dma_start3A_1131 = tpu.memref_slice %arg14[%dma_start3A_1124, %dma_start3A_1130] : memref<64x112xf32, #tpu.memory_space<vmem>> -> memref<1x112xf32, #tpu.memory_space<vmem>>
    %dma_start3A_1132 = tpu.memref_squeeze %dma_start3A_1131 : memref<1x112xf32, #tpu.memory_space<vmem>> -> memref<112xf32, #tpu.memory_space<vmem>>
    %dma_start3A_1133 = tpu.memref_slice %arg2[%add3A_1123, %multiple_of3A_1121] : memref<2048x9999xf32, #tpu.memory_space<hbm>> -> memref<1x112xf32, #tpu.memory_space<hbm>>
    %dma_start3A_1134 = tpu.memref_squeeze %dma_start3A_1133 : memref<1x112xf32, #tpu.memory_space<hbm>> -> memref<112xf32, #tpu.memory_space<hbm>>
    tpu.enqueue_dma source(%dma_start3A_1134 : memref<112xf32, #tpu.memory_space<hbm>>) target(%dma_start3A_1132 : memref<112xf32, #tpu.memory_space<vmem>>) target_semaphore(%arg18 : memref<!tpu.dma_semaphore, #tpu.memory_space<semaphore_mem>>)
    %slice3A_1135 = vector.extract_strided_slice %min3A_926 {offsets = [13], sizes = [1], strides = [1]} : vector<16xi32> to vector<1xi32>
    %squeeze3A_1136 = vector.extract %slice3A_1135[0] : i32 from vector<1xi32>
    %multiple_of3A_1137 = tpu.assume_multiple %squeeze3A_1136, 8 : i32
    %add3A_1138 = arith.constant 61 : i32
    %add3A_1139 = arith.addi %mul3A_2, %add3A_1138 : i32
    %dma_start3A_1140 = arith.constant 61 : i32
    %dma_start3A_1141 = arith.constant 0 : i32
    %dma_start3A_1142 = tpu.memref_slice %arg14[%dma_start3A_1140, %dma_start3A_1141] : memref<64x112xf32, #tpu.memory_space<vmem>> -> memref<1x112xf32, #tpu.memory_space<vmem>>
    %dma_start3A_1143 = tpu.memref_squeeze %dma_start3A_1142 : memref<1x112xf32, #tpu.memory_space<vmem>> -> memref<112xf32, #tpu.memory_space<vmem>>
    %dma_start3A_1144 = tpu.memref_slice %arg2[%add3A_1139, %multiple_of3A_1137] : memref<2048x9999xf32, #tpu.memory_space<hbm>> -> memref<1x112xf32, #tpu.memory_space<hbm>>
    %dma_start3A_1145 = tpu.memref_squeeze %dma_start3A_1144 : memref<1x112xf32, #tpu.memory_space<hbm>> -> memref<112xf32, #tpu.memory_space<hbm>>
    %dma_start3A_1146 = arith.constant 0 : i32
    %dma_start3A_1147 = tpu.memref_slice %arg14[%dma_start3A_1140, %dma_start3A_1146] : memref<64x112xf32, #tpu.memory_space<vmem>> -> memref<1x112xf32, #tpu.memory_space<vmem>>
    %dma_start3A_1148 = tpu.memref_squeeze %dma_start3A_1147 : memref<1x112xf32, #tpu.memory_space<vmem>> -> memref<112xf32, #tpu.memory_space<vmem>>
    %dma_start3A_1149 = tpu.memref_slice %arg2[%add3A_1139, %multiple_of3A_1137] : memref<2048x9999xf32, #tpu.memory_space<hbm>> -> memref<1x112xf32, #tpu.memory_space<hbm>>
    %dma_start3A_1150 = tpu.memref_squeeze %dma_start3A_1149 : memref<1x112xf32, #tpu.memory_space<hbm>> -> memref<112xf32, #tpu.memory_space<hbm>>
    tpu.enqueue_dma source(%dma_start3A_1150 : memref<112xf32, #tpu.memory_space<hbm>>) target(%dma_start3A_1148 : memref<112xf32, #tpu.memory_space<vmem>>) target_semaphore(%arg18 : memref<!tpu.dma_semaphore, #tpu.memory_space<semaphore_mem>>)
    %slice3A_1151 = vector.extract_strided_slice %min3A_926 {offsets = [14], sizes = [1], strides = [1]} : vector<16xi32> to vector<1xi32>
    %squeeze3A_1152 = vector.extract %slice3A_1151[0] : i32 from vector<1xi32>
    %multiple_of3A_1153 = tpu.assume_multiple %squeeze3A_1152, 8 : i32
    %add3A_1154 = arith.constant 62 : i32
    %add3A_1155 = arith.addi %mul3A_2, %add3A_1154 : i32
    %dma_start3A_1156 = arith.constant 62 : i32
    %dma_start3A_1157 = arith.constant 0 : i32
    %dma_start3A_1158 = tpu.memref_slice %arg14[%dma_start3A_1156, %dma_start3A_1157] : memref<64x112xf32, #tpu.memory_space<vmem>> -> memref<1x112xf32, #tpu.memory_space<vmem>>
    %dma_start3A_1159 = tpu.memref_squeeze %dma_start3A_1158 : memref<1x112xf32, #tpu.memory_space<vmem>> -> memref<112xf32, #tpu.memory_space<vmem>>
    %dma_start3A_1160 = tpu.memref_slice %arg2[%add3A_1155, %multiple_of3A_1153] : memref<2048x9999xf32, #tpu.memory_space<hbm>> -> memref<1x112xf32, #tpu.memory_space<hbm>>
    %dma_start3A_1161 = tpu.memref_squeeze %dma_start3A_1160 : memref<1x112xf32, #tpu.memory_space<hbm>> -> memref<112xf32, #tpu.memory_space<hbm>>
    %dma_start3A_1162 = arith.constant 0 : i32
    %dma_start3A_1163 = tpu.memref_slice %arg14[%dma_start3A_1156, %dma_start3A_1162] : memref<64x112xf32, #tpu.memory_space<vmem>> -> memref<1x112xf32, #tpu.memory_space<vmem>>
    %dma_start3A_1164 = tpu.memref_squeeze %dma_start3A_1163 : memref<1x112xf32, #tpu.memory_space<vmem>> -> memref<112xf32, #tpu.memory_space<vmem>>
    %dma_start3A_1165 = tpu.memref_slice %arg2[%add3A_1155, %multiple_of3A_1153] : memref<2048x9999xf32, #tpu.memory_space<hbm>> -> memref<1x112xf32, #tpu.memory_space<hbm>>
    %dma_start3A_1166 = tpu.memref_squeeze %dma_start3A_1165 : memref<1x112xf32, #tpu.memory_space<hbm>> -> memref<112xf32, #tpu.memory_space<hbm>>
    tpu.enqueue_dma source(%dma_start3A_1166 : memref<112xf32, #tpu.memory_space<hbm>>) target(%dma_start3A_1164 : memref<112xf32, #tpu.memory_space<vmem>>) target_semaphore(%arg18 : memref<!tpu.dma_semaphore, #tpu.memory_space<semaphore_mem>>)
    %slice3A_1167 = vector.extract_strided_slice %min3A_926 {offsets = [15], sizes = [1], strides = [1]} : vector<16xi32> to vector<1xi32>
    %squeeze3A_1168 = vector.extract %slice3A_1167[0] : i32 from vector<1xi32>
    %multiple_of3A_1169 = tpu.assume_multiple %squeeze3A_1168, 8 : i32
    %add3A_1170 = arith.constant 63 : i32
    %add3A_1171 = arith.addi %mul3A_2, %add3A_1170 : i32
    %dma_start3A_1172 = arith.constant 63 : i32
    %dma_start3A_1173 = arith.constant 0 : i32
    %dma_start3A_1174 = tpu.memref_slice %arg14[%dma_start3A_1172, %dma_start3A_1173] : memref<64x112xf32, #tpu.memory_space<vmem>> -> memref<1x112xf32, #tpu.memory_space<vmem>>
    %dma_start3A_1175 = tpu.memref_squeeze %dma_start3A_1174 : memref<1x112xf32, #tpu.memory_space<vmem>> -> memref<112xf32, #tpu.memory_space<vmem>>
    %dma_start3A_1176 = tpu.memref_slice %arg2[%add3A_1171, %multiple_of3A_1169] : memref<2048x9999xf32, #tpu.memory_space<hbm>> -> memref<1x112xf32, #tpu.memory_space<hbm>>
    %dma_start3A_1177 = tpu.memref_squeeze %dma_start3A_1176 : memref<1x112xf32, #tpu.memory_space<hbm>> -> memref<112xf32, #tpu.memory_space<hbm>>
    %dma_start3A_1178 = arith.constant 0 : i32
    %dma_start3A_1179 = tpu.memref_slice %arg14[%dma_start3A_1172, %dma_start3A_1178] : memref<64x112xf32, #tpu.memory_space<vmem>> -> memref<1x112xf32, #tpu.memory_space<vmem>>
    %dma_start3A_1180 = tpu.memref_squeeze %dma_start3A_1179 : memref<1x112xf32, #tpu.memory_space<vmem>> -> memref<112xf32, #tpu.memory_space<vmem>>
    %dma_start3A_1181 = tpu.memref_slice %arg2[%add3A_1171, %multiple_of3A_1169] : memref<2048x9999xf32, #tpu.memory_space<hbm>> -> memref<1x112xf32, #tpu.memory_space<hbm>>
    %dma_start3A_1182 = tpu.memref_squeeze %dma_start3A_1181 : memref<1x112xf32, #tpu.memory_space<hbm>> -> memref<112xf32, #tpu.memory_space<hbm>>
    tpu.enqueue_dma source(%dma_start3A_1182 : memref<112xf32, #tpu.memory_space<hbm>>) target(%dma_start3A_1180 : memref<112xf32, #tpu.memory_space<vmem>>) target_semaphore(%arg18 : memref<!tpu.dma_semaphore, #tpu.memory_space<semaphore_mem>>)
    %dma_wait3A = arith.constant 0 : i32
    %dma_wait3A_1183 = tpu.memref_slice %arg2[%mul3A_2, %dma_wait3A] : memref<2048x9999xf32, #tpu.memory_space<hbm>> -> memref<64x112xf32, #tpu.memory_space<hbm>>
    %dma_wait3A_1184 = arith.constant 0 : i32
    %dma_wait3A_1185 = tpu.memref_slice %arg2[%mul3A_2, %dma_wait3A_1184] : memref<2048x9999xf32, #tpu.memory_space<hbm>> -> memref<64x112xf32, #tpu.memory_space<hbm>>
    tpu.wait_dma2 semaphore(%arg17 : memref<!tpu.dma_semaphore, #tpu.memory_space<semaphore_mem>>) src(%dma_wait3A_1185 : memref<64x112xf32, #tpu.memory_space<hbm>>) dst(%arg13 : memref<64x112xf32, #tpu.memory_space<vmem>>)
    %broadcast_in_dim3A_1186 = arith.constant 0.000000e+00 : f32
    %broadcast_in_dim3A_1187 = vector.broadcast %broadcast_in_dim3A_1186 : f32 to vector<16xf32>
    %broadcast_in_dim3A_1188 = arith.constant 0.000000e+00 : f32
    %broadcast_in_dim3A_1189 = vector.broadcast %broadcast_in_dim3A_1188 : f32 to vector<16xf32>
    %add3A_1190 = arith.constant 0 : i32
    %add3A_1191 = vector.broadcast %add3A_1190 : i32 to vector<16xi32>
    %add3A_1192 = arith.addi %add3A_1191, %iota3A : vector<16xi32>
    %get3A_1193 = arith.constant 0 : index
    %get3A_1194 = tpu.vector_load %arg11[%get3A_1193] {strides = array<i32>} : memref<64xi32, #tpu.memory_space<vmem>>, vector<16xi32>,
    %broadcast_in_dim3A_1195 = arith.constant 0xFF800000 : f32
    %broadcast_in_dim3A_1196 = vector.broadcast %broadcast_in_dim3A_1195 : f32 to vector<16xf32>
    %scan3A = arith.constant 0 : i32
    %scan3A_1197 = arith.constant 99 : i32
    %scan3A_1198 = arith.addi %scan3A, %scan3A_1197 : i32
    %scan3A_1199 = arith.constant 1 : i32
    %scan3A_1200 = scf.for %scan3A_2726 = %scan3A to %scan3A_1198 step %scan3A_1199 iter_args(%scan3A_2727 = %broadcast_in_dim3A_1196) -> (vector<16xf32>)  : i32 {
      %add3A_2728 = vector.broadcast %scan3A_2726 : i32 to vector<16xi32>
      %add3A_2729 = arith.addi %broadcast_in_dim3A_6, %add3A_2728 : vector<16xi32>
      %gather3A_2730 = tpu.vector_load_idx %arg13[%add3A_1192, %add3A_2729] : memref<64x112xf32, #tpu.memory_space<vmem>>[vector<16xi32>, vector<16xi32>], vector<16xf32>,
      %max3A_2731 = arith.maximumf %scan3A_2727, %gather3A_2730 : vector<16xf32>
      scf.yield %max3A_2731 : vector<16xf32>
    }
    %scan3A_1201 = arith.constant 99 : i32
    %max3A_1202 = arith.constant 0.000000e+00 : f32
    %max3A_1203 = vector.broadcast %max3A_1202 : f32 to vector<16xf32>
    %max3A_1204 = arith.maximumf %scan3A_1200, %max3A_1203 : vector<16xf32>
    %neg3A = arith.constant 0.000000e+00 : f32
    %neg3A_1205 = vector.broadcast %neg3A : f32 to vector<16xf32>
    %neg3A_1206 = arith.subf %neg3A_1205, %max3A_1204 : vector<16xf32>
    %exp3A = math.exp %neg3A_1206 : vector<16xf32>
    %scan3A_1207 = arith.constant 0 : i32
    %scan3A_1208 = arith.constant 99 : i32
    %scan3A_1209 = arith.addi %scan3A_1207, %scan3A_1208 : i32
    %scan3A_1210 = arith.constant 1 : i32
    %scan3A_1211 = scf.for %scan3A_2726 = %scan3A_1207 to %scan3A_1209 step %scan3A_1210 iter_args(%scan3A_2727 = %exp3A) -> (vector<16xf32>)  : i32 {
      %add3A_2728 = vector.broadcast %scan3A_2726 : i32 to vector<16xi32>
      %add3A_2729 = arith.addi %broadcast_in_dim3A_6, %add3A_2728 : vector<16xi32>
      %gather3A_2730 = tpu.vector_load_idx %arg13[%add3A_1192, %add3A_2729] : memref<64x112xf32, #tpu.memory_space<vmem>>[vector<16xi32>, vector<16xi32>], vector<16xf32>,
      %sub3A_2731 = arith.subf %gather3A_2730, %max3A_1204 : vector<16xf32>
      %exp3A_2732 = math.exp %sub3A_2731 : vector<16xf32>
      %add3A_2733 = arith.addf %scan3A_2727, %exp3A_2732 : vector<16xf32>
      scf.yield %add3A_2733 : vector<16xf32>
    }
    %scan3A_1212 = arith.constant 99 : i32
    %bitcast3A = vector.bitcast %scan3A_1211 : vector<16xf32> to vector<16xi32>
    %shift_right_logical3A = arith.constant 23 : i32
    %shift_right_logical3A_1213 = vector.broadcast %shift_right_logical3A : i32 to vector<16xi32>
    %shift_right_logical3A_1214 = arith.shrui %bitcast3A, %shift_right_logical3A_1213 : vector<16xi32>
    %sub3A = arith.constant 127 : i32
    %sub3A_1215 = vector.broadcast %sub3A : i32 to vector<16xi32>
    %sub3A_1216 = arith.subi %shift_right_logical3A_1214, %sub3A_1215 : vector<16xi32>
    %and3A_1217 = arith.constant 8388607 : i32
    %and3A_1218 = vector.broadcast %and3A_1217 : i32 to vector<16xi32>
    %and3A_1219 = arith.andi %bitcast3A, %and3A_1218 : vector<16xi32>
    %or3A = arith.constant 1065353216 : i32
    %or3A_1220 = vector.broadcast %or3A : i32 to vector<16xi32>
    %or3A_1221 = arith.ori %and3A_1219, %or3A_1220 : vector<16xi32>
    %bitcast3A_1222 = vector.bitcast %or3A_1221 : vector<16xi32> to vector<16xf32>
    %gt3A = arith.constant 1.41421354 : f32
    %gt3A_1223 = vector.broadcast %gt3A : f32 to vector<16xf32>
    %gt3A_1224 = arith.cmpf ogt, %bitcast3A_1222, %gt3A_1223 : vector<16xf32>
    %add3A_1225 = arith.constant 1 : i32
    %add3A_1226 = vector.broadcast %add3A_1225 : i32 to vector<16xi32>
    %add3A_1227 = arith.addi %sub3A_1216, %add3A_1226 : vector<16xi32>
    %select_n3A = arith.select %gt3A_1224, %add3A_1227, %sub3A_1216 : vector<16xi1>, vector<16xi32>
    %mul3A_1228 = arith.constant 5.000000e-01 : f32
    %mul3A_1229 = vector.broadcast %mul3A_1228 : f32 to vector<16xf32>
    %mul3A_1230 = arith.mulf %bitcast3A_1222, %mul3A_1229 : vector<16xf32>
    %select_n3A_1231 = arith.select %gt3A_1224, %mul3A_1230, %bitcast3A_1222 : vector<16xi1>, vector<16xf32>
    %sub3A_1232 = arith.constant 1.000000e+00 : f32
    %sub3A_1233 = vector.broadcast %sub3A_1232 : f32 to vector<16xf32>
    %sub3A_1234 = arith.subf %select_n3A_1231, %sub3A_1233 : vector<16xf32>
    %add3A_1235 = arith.constant 1.000000e+00 : f32
    %add3A_1236 = vector.broadcast %add3A_1235 : f32 to vector<16xf32>
    %add3A_1237 = arith.addf %select_n3A_1231, %add3A_1236 : vector<16xf32>
    %div3A = arith.divf %sub3A_1234, %add3A_1237 : vector<16xf32>
    %mul3A_1238 = arith.mulf %div3A, %div3A : vector<16xf32>
    %mul3A_1239 = arith.constant 0.285714298 : f32
    %mul3A_1240 = vector.broadcast %mul3A_1239 : f32 to vector<16xf32>
    %mul3A_1241 = arith.mulf %mul3A_1238, %mul3A_1240 : vector<16xf32>
    %add3A_1242 = arith.constant 4.000000e-01 : f32
    %add3A_1243 = vector.broadcast %add3A_1242 : f32 to vector<16xf32>
    %add3A_1244 = arith.addf %add3A_1243, %mul3A_1241 : vector<16xf32>
    %mul3A_1245 = arith.mulf %mul3A_1238, %add3A_1244 : vector<16xf32>
    %add3A_1246 = arith.constant 0.666666686 : f32
    %add3A_1247 = vector.broadcast %add3A_1246 : f32 to vector<16xf32>
    %add3A_1248 = arith.addf %add3A_1247, %mul3A_1245 : vector<16xf32>
    %mul3A_1249 = arith.mulf %mul3A_1238, %add3A_1248 : vector<16xf32>
    %add3A_1250 = arith.constant 2.000000e+00 : f32
    %add3A_1251 = vector.broadcast %add3A_1250 : f32 to vector<16xf32>
    %add3A_1252 = arith.addf %add3A_1251, %mul3A_1249 : vector<16xf32>
    %mul3A_1253 = arith.mulf %div3A, %add3A_1252 : vector<16xf32>
    %convert_element_type3A = arith.sitofp %select_n3A : vector<16xi32> to vector<16xf32>
    %mul3A_1254 = arith.constant 0.693147182 : f32
    %mul3A_1255 = vector.broadcast %mul3A_1254 : f32 to vector<16xf32>
    %mul3A_1256 = arith.mulf %convert_element_type3A, %mul3A_1255 : vector<16xf32>
    %add3A_1257 = arith.addf %mul3A_1256, %mul3A_1253 : vector<16xf32>
    %add3A_1258 = arith.addf %max3A_1204, %add3A_1257 : vector<16xf32>
    %lt3A = arith.constant 99 : i32
    %lt3A_1259 = vector.broadcast %lt3A : i32 to vector<16xi32>
    %lt3A_1260 = arith.cmpi slt, %get3A_1194, %lt3A_1259 : vector<16xi32>
    %jit3A_1261 = arith.constant 0 : i32
    %broadcast_in_dim3A_1262 = vector.broadcast %jit3A_1261 : i32 to vector<16xi32>
    %select_n3A_1263 = arith.select %lt3A_1260, %get3A_1194, %broadcast_in_dim3A_1262 : vector<16xi1>, vector<16xi32>
    %gather3A_1264 = tpu.vector_load_idx %arg13[%add3A_1192, %select_n3A_1263] : memref<64x112xf32, #tpu.memory_space<vmem>>[vector<16xi32>, vector<16xi32>], vector<16xf32>,
    %jit3A_1265 = arith.constant 0.000000e+00 : f32
    %broadcast_in_dim3A_1266 = vector.broadcast %jit3A_1265 : f32 to vector<16xf32>
    %select_n3A_1267 = arith.select %lt3A_1260, %gather3A_1264, %broadcast_in_dim3A_1266 : vector<16xi1>, vector<16xf32>
    %sub3A_1268 = arith.subf %add3A_1258, %select_n3A_1267 : vector<16xf32>
    %add3A_1269 = arith.constant 16 : i32
    %add3A_1270 = vector.broadcast %add3A_1269 : i32 to vector<16xi32>
    %add3A_1271 = arith.addi %add3A_1270, %iota3A : vector<16xi32>
    %get3A_1272 = arith.constant 16 : index
    %get3A_1273 = tpu.vector_load %arg11[%get3A_1272] {strides = array<i32>} : memref<64xi32, #tpu.memory_space<vmem>>, vector<16xi32>,
    %broadcast_in_dim3A_1274 = arith.constant 0xFF800000 : f32
    %broadcast_in_dim3A_1275 = vector.broadcast %broadcast_in_dim3A_1274 : f32 to vector<16xf32>
    %scan3A_1276 = arith.constant 0 : i32
    %scan3A_1277 = arith.constant 99 : i32
    %scan3A_1278 = arith.addi %scan3A_1276, %scan3A_1277 : i32
    %scan3A_1279 = arith.constant 1 : i32
    %scan3A_1280 = scf.for %scan3A_2726 = %scan3A_1276 to %scan3A_1278 step %scan3A_1279 iter_args(%scan3A_2727 = %broadcast_in_dim3A_1275) -> (vector<16xf32>)  : i32 {
      %add3A_2728 = vector.broadcast %scan3A_2726 : i32 to vector<16xi32>
      %add3A_2729 = arith.addi %broadcast_in_dim3A_6, %add3A_2728 : vector<16xi32>
      %gather3A_2730 = tpu.vector_load_idx %arg13[%add3A_1271, %add3A_2729] : memref<64x112xf32, #tpu.memory_space<vmem>>[vector<16xi32>, vector<16xi32>], vector<16xf32>,
      %max3A_2731 = arith.maximumf %scan3A_2727, %gather3A_2730 : vector<16xf32>
      scf.yield %max3A_2731 : vector<16xf32>
    }
    %scan3A_1281 = arith.constant 99 : i32
    %max3A_1282 = arith.constant 0.000000e+00 : f32
    %max3A_1283 = vector.broadcast %max3A_1282 : f32 to vector<16xf32>
    %max3A_1284 = arith.maximumf %scan3A_1280, %max3A_1283 : vector<16xf32>
    %neg3A_1285 = arith.constant 0.000000e+00 : f32
    %neg3A_1286 = vector.broadcast %neg3A_1285 : f32 to vector<16xf32>
    %neg3A_1287 = arith.subf %neg3A_1286, %max3A_1284 : vector<16xf32>
    %exp3A_1288 = math.exp %neg3A_1287 : vector<16xf32>
    %scan3A_1289 = arith.constant 0 : i32
    %scan3A_1290 = arith.constant 99 : i32
    %scan3A_1291 = arith.addi %scan3A_1289, %scan3A_1290 : i32
    %scan3A_1292 = arith.constant 1 : i32
    %scan3A_1293 = scf.for %scan3A_2726 = %scan3A_1289 to %scan3A_1291 step %scan3A_1292 iter_args(%scan3A_2727 = %exp3A_1288) -> (vector<16xf32>)  : i32 {
      %add3A_2728 = vector.broadcast %scan3A_2726 : i32 to vector<16xi32>
      %add3A_2729 = arith.addi %broadcast_in_dim3A_6, %add3A_2728 : vector<16xi32>
      %gather3A_2730 = tpu.vector_load_idx %arg13[%add3A_1271, %add3A_2729] : memref<64x112xf32, #tpu.memory_space<vmem>>[vector<16xi32>, vector<16xi32>], vector<16xf32>,
      %sub3A_2731 = arith.subf %gather3A_2730, %max3A_1284 : vector<16xf32>
      %exp3A_2732 = math.exp %sub3A_2731 : vector<16xf32>
      %add3A_2733 = arith.addf %scan3A_2727, %exp3A_2732 : vector<16xf32>
      scf.yield %add3A_2733 : vector<16xf32>
    }
    %scan3A_1294 = arith.constant 99 : i32
    %bitcast3A_1295 = vector.bitcast %scan3A_1293 : vector<16xf32> to vector<16xi32>
    %shift_right_logical3A_1296 = arith.constant 23 : i32
    %shift_right_logical3A_1297 = vector.broadcast %shift_right_logical3A_1296 : i32 to vector<16xi32>
    %shift_right_logical3A_1298 = arith.shrui %bitcast3A_1295, %shift_right_logical3A_1297 : vector<16xi32>
    %sub3A_1299 = arith.constant 127 : i32
    %sub3A_1300 = vector.broadcast %sub3A_1299 : i32 to vector<16xi32>
    %sub3A_1301 = arith.subi %shift_right_logical3A_1298, %sub3A_1300 : vector<16xi32>
    %and3A_1302 = arith.constant 8388607 : i32
    %and3A_1303 = vector.broadcast %and3A_1302 : i32 to vector<16xi32>
    %and3A_1304 = arith.andi %bitcast3A_1295, %and3A_1303 : vector<16xi32>
    %or3A_1305 = arith.constant 1065353216 : i32
    %or3A_1306 = vector.broadcast %or3A_1305 : i32 to vector<16xi32>
    %or3A_1307 = arith.ori %and3A_1304, %or3A_1306 : vector<16xi32>
    %bitcast3A_1308 = vector.bitcast %or3A_1307 : vector<16xi32> to vector<16xf32>
    %gt3A_1309 = arith.constant 1.41421354 : f32
    %gt3A_1310 = vector.broadcast %gt3A_1309 : f32 to vector<16xf32>
    %gt3A_1311 = arith.cmpf ogt, %bitcast3A_1308, %gt3A_1310 : vector<16xf32>
    %add3A_1312 = arith.constant 1 : i32
    %add3A_1313 = vector.broadcast %add3A_1312 : i32 to vector<16xi32>
    %add3A_1314 = arith.addi %sub3A_1301, %add3A_1313 : vector<16xi32>
    %select_n3A_1315 = arith.select %gt3A_1311, %add3A_1314, %sub3A_1301 : vector<16xi1>, vector<16xi32>
    %mul3A_1316 = arith.constant 5.000000e-01 : f32
    %mul3A_1317 = vector.broadcast %mul3A_1316 : f32 to vector<16xf32>
    %mul3A_1318 = arith.mulf %bitcast3A_1308, %mul3A_1317 : vector<16xf32>
    %select_n3A_1319 = arith.select %gt3A_1311, %mul3A_1318, %bitcast3A_1308 : vector<16xi1>, vector<16xf32>
    %sub3A_1320 = arith.constant 1.000000e+00 : f32
    %sub3A_1321 = vector.broadcast %sub3A_1320 : f32 to vector<16xf32>
    %sub3A_1322 = arith.subf %select_n3A_1319, %sub3A_1321 : vector<16xf32>
    %add3A_1323 = arith.constant 1.000000e+00 : f32
    %add3A_1324 = vector.broadcast %add3A_1323 : f32 to vector<16xf32>
    %add3A_1325 = arith.addf %select_n3A_1319, %add3A_1324 : vector<16xf32>
    %div3A_1326 = arith.divf %sub3A_1322, %add3A_1325 : vector<16xf32>
    %mul3A_1327 = arith.mulf %div3A_1326, %div3A_1326 : vector<16xf32>
    %mul3A_1328 = arith.constant 0.285714298 : f32
    %mul3A_1329 = vector.broadcast %mul3A_1328 : f32 to vector<16xf32>
    %mul3A_1330 = arith.mulf %mul3A_1327, %mul3A_1329 : vector<16xf32>
    %add3A_1331 = arith.constant 4.000000e-01 : f32
    %add3A_1332 = vector.broadcast %add3A_1331 : f32 to vector<16xf32>
    %add3A_1333 = arith.addf %add3A_1332, %mul3A_1330 : vector<16xf32>
    %mul3A_1334 = arith.mulf %mul3A_1327, %add3A_1333 : vector<16xf32>
    %add3A_1335 = arith.constant 0.666666686 : f32
    %add3A_1336 = vector.broadcast %add3A_1335 : f32 to vector<16xf32>
    %add3A_1337 = arith.addf %add3A_1336, %mul3A_1334 : vector<16xf32>
    %mul3A_1338 = arith.mulf %mul3A_1327, %add3A_1337 : vector<16xf32>
    %add3A_1339 = arith.constant 2.000000e+00 : f32
    %add3A_1340 = vector.broadcast %add3A_1339 : f32 to vector<16xf32>
    %add3A_1341 = arith.addf %add3A_1340, %mul3A_1338 : vector<16xf32>
    %mul3A_1342 = arith.mulf %div3A_1326, %add3A_1341 : vector<16xf32>
    %convert_element_type3A_1343 = arith.sitofp %select_n3A_1315 : vector<16xi32> to vector<16xf32>
    %mul3A_1344 = arith.constant 0.693147182 : f32
    %mul3A_1345 = vector.broadcast %mul3A_1344 : f32 to vector<16xf32>
    %mul3A_1346 = arith.mulf %convert_element_type3A_1343, %mul3A_1345 : vector<16xf32>
    %add3A_1347 = arith.addf %mul3A_1346, %mul3A_1342 : vector<16xf32>
    %add3A_1348 = arith.addf %max3A_1284, %add3A_1347 : vector<16xf32>
    %lt3A_1349 = arith.constant 99 : i32
    %lt3A_1350 = vector.broadcast %lt3A_1349 : i32 to vector<16xi32>
    %lt3A_1351 = arith.cmpi slt, %get3A_1273, %lt3A_1350 : vector<16xi32>
    %jit3A_1352 = arith.constant 0 : i32
    %broadcast_in_dim3A_1353 = vector.broadcast %jit3A_1352 : i32 to vector<16xi32>
    %select_n3A_1354 = arith.select %lt3A_1351, %get3A_1273, %broadcast_in_dim3A_1353 : vector<16xi1>, vector<16xi32>
    %gather3A_1355 = tpu.vector_load_idx %arg13[%add3A_1271, %select_n3A_1354] : memref<64x112xf32, #tpu.memory_space<vmem>>[vector<16xi32>, vector<16xi32>], vector<16xf32>,
    %jit3A_1356 = arith.constant 0.000000e+00 : f32
    %broadcast_in_dim3A_1357 = vector.broadcast %jit3A_1356 : f32 to vector<16xf32>
    %select_n3A_1358 = arith.select %lt3A_1351, %gather3A_1355, %broadcast_in_dim3A_1357 : vector<16xi1>, vector<16xf32>
    %sub3A_1359 = arith.subf %add3A_1348, %select_n3A_1358 : vector<16xf32>
    %add3A_1360 = arith.constant 32 : i32
    %add3A_1361 = vector.broadcast %add3A_1360 : i32 to vector<16xi32>
    %add3A_1362 = arith.addi %add3A_1361, %iota3A : vector<16xi32>
    %get3A_1363 = arith.constant 32 : index
    %get3A_1364 = tpu.vector_load %arg11[%get3A_1363] {strides = array<i32>} : memref<64xi32, #tpu.memory_space<vmem>>, vector<16xi32>,
    %broadcast_in_dim3A_1365 = arith.constant 0xFF800000 : f32
    %broadcast_in_dim3A_1366 = vector.broadcast %broadcast_in_dim3A_1365 : f32 to vector<16xf32>
    %scan3A_1367 = arith.constant 0 : i32
    %scan3A_1368 = arith.constant 99 : i32
    %scan3A_1369 = arith.addi %scan3A_1367, %scan3A_1368 : i32
    %scan3A_1370 = arith.constant 1 : i32
    %scan3A_1371 = scf.for %scan3A_2726 = %scan3A_1367 to %scan3A_1369 step %scan3A_1370 iter_args(%scan3A_2727 = %broadcast_in_dim3A_1366) -> (vector<16xf32>)  : i32 {
      %add3A_2728 = vector.broadcast %scan3A_2726 : i32 to vector<16xi32>
      %add3A_2729 = arith.addi %broadcast_in_dim3A_6, %add3A_2728 : vector<16xi32>
      %gather3A_2730 = tpu.vector_load_idx %arg13[%add3A_1362, %add3A_2729] : memref<64x112xf32, #tpu.memory_space<vmem>>[vector<16xi32>, vector<16xi32>], vector<16xf32>,
      %max3A_2731 = arith.maximumf %scan3A_2727, %gather3A_2730 : vector<16xf32>
      scf.yield %max3A_2731 : vector<16xf32>
    }
    %scan3A_1372 = arith.constant 99 : i32
    %max3A_1373 = arith.constant 0.000000e+00 : f32
    %max3A_1374 = vector.broadcast %max3A_1373 : f32 to vector<16xf32>
    %max3A_1375 = arith.maximumf %scan3A_1371, %max3A_1374 : vector<16xf32>
    %neg3A_1376 = arith.constant 0.000000e+00 : f32
    %neg3A_1377 = vector.broadcast %neg3A_1376 : f32 to vector<16xf32>
    %neg3A_1378 = arith.subf %neg3A_1377, %max3A_1375 : vector<16xf32>
    %exp3A_1379 = math.exp %neg3A_1378 : vector<16xf32>
    %scan3A_1380 = arith.constant 0 : i32
    %scan3A_1381 = arith.constant 99 : i32
    %scan3A_1382 = arith.addi %scan3A_1380, %scan3A_1381 : i32
    %scan3A_1383 = arith.constant 1 : i32
    %scan3A_1384 = scf.for %scan3A_2726 = %scan3A_1380 to %scan3A_1382 step %scan3A_1383 iter_args(%scan3A_2727 = %exp3A_1379) -> (vector<16xf32>)  : i32 {
      %add3A_2728 = vector.broadcast %scan3A_2726 : i32 to vector<16xi32>
      %add3A_2729 = arith.addi %broadcast_in_dim3A_6, %add3A_2728 : vector<16xi32>
      %gather3A_2730 = tpu.vector_load_idx %arg13[%add3A_1362, %add3A_2729] : memref<64x112xf32, #tpu.memory_space<vmem>>[vector<16xi32>, vector<16xi32>], vector<16xf32>,
      %sub3A_2731 = arith.subf %gather3A_2730, %max3A_1375 : vector<16xf32>
      %exp3A_2732 = math.exp %sub3A_2731 : vector<16xf32>
      %add3A_2733 = arith.addf %scan3A_2727, %exp3A_2732 : vector<16xf32>
      scf.yield %add3A_2733 : vector<16xf32>
    }
    %scan3A_1385 = arith.constant 99 : i32
    %bitcast3A_1386 = vector.bitcast %scan3A_1384 : vector<16xf32> to vector<16xi32>
    %shift_right_logical3A_1387 = arith.constant 23 : i32
    %shift_right_logical3A_1388 = vector.broadcast %shift_right_logical3A_1387 : i32 to vector<16xi32>
    %shift_right_logical3A_1389 = arith.shrui %bitcast3A_1386, %shift_right_logical3A_1388 : vector<16xi32>
    %sub3A_1390 = arith.constant 127 : i32
    %sub3A_1391 = vector.broadcast %sub3A_1390 : i32 to vector<16xi32>
    %sub3A_1392 = arith.subi %shift_right_logical3A_1389, %sub3A_1391 : vector<16xi32>
    %and3A_1393 = arith.constant 8388607 : i32
    %and3A_1394 = vector.broadcast %and3A_1393 : i32 to vector<16xi32>
    %and3A_1395 = arith.andi %bitcast3A_1386, %and3A_1394 : vector<16xi32>
    %or3A_1396 = arith.constant 1065353216 : i32
    %or3A_1397 = vector.broadcast %or3A_1396 : i32 to vector<16xi32>
    %or3A_1398 = arith.ori %and3A_1395, %or3A_1397 : vector<16xi32>
    %bitcast3A_1399 = vector.bitcast %or3A_1398 : vector<16xi32> to vector<16xf32>
    %gt3A_1400 = arith.constant 1.41421354 : f32
    %gt3A_1401 = vector.broadcast %gt3A_1400 : f32 to vector<16xf32>
    %gt3A_1402 = arith.cmpf ogt, %bitcast3A_1399, %gt3A_1401 : vector<16xf32>
    %add3A_1403 = arith.constant 1 : i32
    %add3A_1404 = vector.broadcast %add3A_1403 : i32 to vector<16xi32>
    %add3A_1405 = arith.addi %sub3A_1392, %add3A_1404 : vector<16xi32>
    %select_n3A_1406 = arith.select %gt3A_1402, %add3A_1405, %sub3A_1392 : vector<16xi1>, vector<16xi32>
    %mul3A_1407 = arith.constant 5.000000e-01 : f32
    %mul3A_1408 = vector.broadcast %mul3A_1407 : f32 to vector<16xf32>
    %mul3A_1409 = arith.mulf %bitcast3A_1399, %mul3A_1408 : vector<16xf32>
    %select_n3A_1410 = arith.select %gt3A_1402, %mul3A_1409, %bitcast3A_1399 : vector<16xi1>, vector<16xf32>
    %sub3A_1411 = arith.constant 1.000000e+00 : f32
    %sub3A_1412 = vector.broadcast %sub3A_1411 : f32 to vector<16xf32>
    %sub3A_1413 = arith.subf %select_n3A_1410, %sub3A_1412 : vector<16xf32>
    %add3A_1414 = arith.constant 1.000000e+00 : f32
    %add3A_1415 = vector.broadcast %add3A_1414 : f32 to vector<16xf32>
    %add3A_1416 = arith.addf %select_n3A_1410, %add3A_1415 : vector<16xf32>
    %div3A_1417 = arith.divf %sub3A_1413, %add3A_1416 : vector<16xf32>
    %mul3A_1418 = arith.mulf %div3A_1417, %div3A_1417 : vector<16xf32>
    %mul3A_1419 = arith.constant 0.285714298 : f32
    %mul3A_1420 = vector.broadcast %mul3A_1419 : f32 to vector<16xf32>
    %mul3A_1421 = arith.mulf %mul3A_1418, %mul3A_1420 : vector<16xf32>
    %add3A_1422 = arith.constant 4.000000e-01 : f32
    %add3A_1423 = vector.broadcast %add3A_1422 : f32 to vector<16xf32>
    %add3A_1424 = arith.addf %add3A_1423, %mul3A_1421 : vector<16xf32>
    %mul3A_1425 = arith.mulf %mul3A_1418, %add3A_1424 : vector<16xf32>
    %add3A_1426 = arith.constant 0.666666686 : f32
    %add3A_1427 = vector.broadcast %add3A_1426 : f32 to vector<16xf32>
    %add3A_1428 = arith.addf %add3A_1427, %mul3A_1425 : vector<16xf32>
    %mul3A_1429 = arith.mulf %mul3A_1418, %add3A_1428 : vector<16xf32>
    %add3A_1430 = arith.constant 2.000000e+00 : f32
    %add3A_1431 = vector.broadcast %add3A_1430 : f32 to vector<16xf32>
    %add3A_1432 = arith.addf %add3A_1431, %mul3A_1429 : vector<16xf32>
    %mul3A_1433 = arith.mulf %div3A_1417, %add3A_1432 : vector<16xf32>
    %convert_element_type3A_1434 = arith.sitofp %select_n3A_1406 : vector<16xi32> to vector<16xf32>
    %mul3A_1435 = arith.constant 0.693147182 : f32
    %mul3A_1436 = vector.broadcast %mul3A_1435 : f32 to vector<16xf32>
    %mul3A_1437 = arith.mulf %convert_element_type3A_1434, %mul3A_1436 : vector<16xf32>
    %add3A_1438 = arith.addf %mul3A_1437, %mul3A_1433 : vector<16xf32>
    %add3A_1439 = arith.addf %max3A_1375, %add3A_1438 : vector<16xf32>
    %lt3A_1440 = arith.constant 99 : i32
    %lt3A_1441 = vector.broadcast %lt3A_1440 : i32 to vector<16xi32>
    %lt3A_1442 = arith.cmpi slt, %get3A_1364, %lt3A_1441 : vector<16xi32>
    %jit3A_1443 = arith.constant 0 : i32
    %broadcast_in_dim3A_1444 = vector.broadcast %jit3A_1443 : i32 to vector<16xi32>
    %select_n3A_1445 = arith.select %lt3A_1442, %get3A_1364, %broadcast_in_dim3A_1444 : vector<16xi1>, vector<16xi32>
    %gather3A_1446 = tpu.vector_load_idx %arg13[%add3A_1362, %select_n3A_1445] : memref<64x112xf32, #tpu.memory_space<vmem>>[vector<16xi32>, vector<16xi32>], vector<16xf32>,
    %jit3A_1447 = arith.constant 0.000000e+00 : f32
    %broadcast_in_dim3A_1448 = vector.broadcast %jit3A_1447 : f32 to vector<16xf32>
    %select_n3A_1449 = arith.select %lt3A_1442, %gather3A_1446, %broadcast_in_dim3A_1448 : vector<16xi1>, vector<16xf32>
    %sub3A_1450 = arith.subf %add3A_1439, %select_n3A_1449 : vector<16xf32>
    %add3A_1451 = arith.constant 48 : i32
    %add3A_1452 = vector.broadcast %add3A_1451 : i32 to vector<16xi32>
    %add3A_1453 = arith.addi %add3A_1452, %iota3A : vector<16xi32>
    %get3A_1454 = arith.constant 48 : index
    %get3A_1455 = tpu.vector_load %arg11[%get3A_1454] {strides = array<i32>} : memref<64xi32, #tpu.memory_space<vmem>>, vector<16xi32>,
    %broadcast_in_dim3A_1456 = arith.constant 0xFF800000 : f32
    %broadcast_in_dim3A_1457 = vector.broadcast %broadcast_in_dim3A_1456 : f32 to vector<16xf32>
    %scan3A_1458 = arith.constant 0 : i32
    %scan3A_1459 = arith.constant 99 : i32
    %scan3A_1460 = arith.addi %scan3A_1458, %scan3A_1459 : i32
    %scan3A_1461 = arith.constant 1 : i32
    %scan3A_1462 = scf.for %scan3A_2726 = %scan3A_1458 to %scan3A_1460 step %scan3A_1461 iter_args(%scan3A_2727 = %broadcast_in_dim3A_1457) -> (vector<16xf32>)  : i32 {
      %add3A_2728 = vector.broadcast %scan3A_2726 : i32 to vector<16xi32>
      %add3A_2729 = arith.addi %broadcast_in_dim3A_6, %add3A_2728 : vector<16xi32>
      %gather3A_2730 = tpu.vector_load_idx %arg13[%add3A_1453, %add3A_2729] : memref<64x112xf32, #tpu.memory_space<vmem>>[vector<16xi32>, vector<16xi32>], vector<16xf32>,
      %max3A_2731 = arith.maximumf %scan3A_2727, %gather3A_2730 : vector<16xf32>
      scf.yield %max3A_2731 : vector<16xf32>
    }
    %scan3A_1463 = arith.constant 99 : i32
    %max3A_1464 = arith.constant 0.000000e+00 : f32
    %max3A_1465 = vector.broadcast %max3A_1464 : f32 to vector<16xf32>
    %max3A_1466 = arith.maximumf %scan3A_1462, %max3A_1465 : vector<16xf32>
    %neg3A_1467 = arith.constant 0.000000e+00 : f32
    %neg3A_1468 = vector.broadcast %neg3A_1467 : f32 to vector<16xf32>
    %neg3A_1469 = arith.subf %neg3A_1468, %max3A_1466 : vector<16xf32>
    %exp3A_1470 = math.exp %neg3A_1469 : vector<16xf32>
    %scan3A_1471 = arith.constant 0 : i32
    %scan3A_1472 = arith.constant 99 : i32
    %scan3A_1473 = arith.addi %scan3A_1471, %scan3A_1472 : i32
    %scan3A_1474 = arith.constant 1 : i32
    %scan3A_1475 = scf.for %scan3A_2726 = %scan3A_1471 to %scan3A_1473 step %scan3A_1474 iter_args(%scan3A_2727 = %exp3A_1470) -> (vector<16xf32>)  : i32 {
      %add3A_2728 = vector.broadcast %scan3A_2726 : i32 to vector<16xi32>
      %add3A_2729 = arith.addi %broadcast_in_dim3A_6, %add3A_2728 : vector<16xi32>
      %gather3A_2730 = tpu.vector_load_idx %arg13[%add3A_1453, %add3A_2729] : memref<64x112xf32, #tpu.memory_space<vmem>>[vector<16xi32>, vector<16xi32>], vector<16xf32>,
      %sub3A_2731 = arith.subf %gather3A_2730, %max3A_1466 : vector<16xf32>
      %exp3A_2732 = math.exp %sub3A_2731 : vector<16xf32>
      %add3A_2733 = arith.addf %scan3A_2727, %exp3A_2732 : vector<16xf32>
      scf.yield %add3A_2733 : vector<16xf32>
    }
    %scan3A_1476 = arith.constant 99 : i32
    %bitcast3A_1477 = vector.bitcast %scan3A_1475 : vector<16xf32> to vector<16xi32>
    %shift_right_logical3A_1478 = arith.constant 23 : i32
    %shift_right_logical3A_1479 = vector.broadcast %shift_right_logical3A_1478 : i32 to vector<16xi32>
    %shift_right_logical3A_1480 = arith.shrui %bitcast3A_1477, %shift_right_logical3A_1479 : vector<16xi32>
    %sub3A_1481 = arith.constant 127 : i32
    %sub3A_1482 = vector.broadcast %sub3A_1481 : i32 to vector<16xi32>
    %sub3A_1483 = arith.subi %shift_right_logical3A_1480, %sub3A_1482 : vector<16xi32>
    %and3A_1484 = arith.constant 8388607 : i32
    %and3A_1485 = vector.broadcast %and3A_1484 : i32 to vector<16xi32>
    %and3A_1486 = arith.andi %bitcast3A_1477, %and3A_1485 : vector<16xi32>
    %or3A_1487 = arith.constant 1065353216 : i32
    %or3A_1488 = vector.broadcast %or3A_1487 : i32 to vector<16xi32>
    %or3A_1489 = arith.ori %and3A_1486, %or3A_1488 : vector<16xi32>
    %bitcast3A_1490 = vector.bitcast %or3A_1489 : vector<16xi32> to vector<16xf32>
    %gt3A_1491 = arith.constant 1.41421354 : f32
    %gt3A_1492 = vector.broadcast %gt3A_1491 : f32 to vector<16xf32>
    %gt3A_1493 = arith.cmpf ogt, %bitcast3A_1490, %gt3A_1492 : vector<16xf32>
    %add3A_1494 = arith.constant 1 : i32
    %add3A_1495 = vector.broadcast %add3A_1494 : i32 to vector<16xi32>
    %add3A_1496 = arith.addi %sub3A_1483, %add3A_1495 : vector<16xi32>
    %select_n3A_1497 = arith.select %gt3A_1493, %add3A_1496, %sub3A_1483 : vector<16xi1>, vector<16xi32>
    %mul3A_1498 = arith.constant 5.000000e-01 : f32
    %mul3A_1499 = vector.broadcast %mul3A_1498 : f32 to vector<16xf32>
    %mul3A_1500 = arith.mulf %bitcast3A_1490, %mul3A_1499 : vector<16xf32>
    %select_n3A_1501 = arith.select %gt3A_1493, %mul3A_1500, %bitcast3A_1490 : vector<16xi1>, vector<16xf32>
    %sub3A_1502 = arith.constant 1.000000e+00 : f32
    %sub3A_1503 = vector.broadcast %sub3A_1502 : f32 to vector<16xf32>
    %sub3A_1504 = arith.subf %select_n3A_1501, %sub3A_1503 : vector<16xf32>
    %add3A_1505 = arith.constant 1.000000e+00 : f32
    %add3A_1506 = vector.broadcast %add3A_1505 : f32 to vector<16xf32>
    %add3A_1507 = arith.addf %select_n3A_1501, %add3A_1506 : vector<16xf32>
    %div3A_1508 = arith.divf %sub3A_1504, %add3A_1507 : vector<16xf32>
    %mul3A_1509 = arith.mulf %div3A_1508, %div3A_1508 : vector<16xf32>
    %mul3A_1510 = arith.constant 0.285714298 : f32
    %mul3A_1511 = vector.broadcast %mul3A_1510 : f32 to vector<16xf32>
    %mul3A_1512 = arith.mulf %mul3A_1509, %mul3A_1511 : vector<16xf32>
    %add3A_1513 = arith.constant 4.000000e-01 : f32
    %add3A_1514 = vector.broadcast %add3A_1513 : f32 to vector<16xf32>
    %add3A_1515 = arith.addf %add3A_1514, %mul3A_1512 : vector<16xf32>
    %mul3A_1516 = arith.mulf %mul3A_1509, %add3A_1515 : vector<16xf32>
    %add3A_1517 = arith.constant 0.666666686 : f32
    %add3A_1518 = vector.broadcast %add3A_1517 : f32 to vector<16xf32>
    %add3A_1519 = arith.addf %add3A_1518, %mul3A_1516 : vector<16xf32>
    %mul3A_1520 = arith.mulf %mul3A_1509, %add3A_1519 : vector<16xf32>
    %add3A_1521 = arith.constant 2.000000e+00 : f32
    %add3A_1522 = vector.broadcast %add3A_1521 : f32 to vector<16xf32>
    %add3A_1523 = arith.addf %add3A_1522, %mul3A_1520 : vector<16xf32>
    %mul3A_1524 = arith.mulf %div3A_1508, %add3A_1523 : vector<16xf32>
    %convert_element_type3A_1525 = arith.sitofp %select_n3A_1497 : vector<16xi32> to vector<16xf32>
    %mul3A_1526 = arith.constant 0.693147182 : f32
    %mul3A_1527 = vector.broadcast %mul3A_1526 : f32 to vector<16xf32>
    %mul3A_1528 = arith.mulf %convert_element_type3A_1525, %mul3A_1527 : vector<16xf32>
    %add3A_1529 = arith.addf %mul3A_1528, %mul3A_1524 : vector<16xf32>
    %add3A_1530 = arith.addf %max3A_1466, %add3A_1529 : vector<16xf32>
    %lt3A_1531 = arith.constant 99 : i32
    %lt3A_1532 = vector.broadcast %lt3A_1531 : i32 to vector<16xi32>
    %lt3A_1533 = arith.cmpi slt, %get3A_1455, %lt3A_1532 : vector<16xi32>
    %jit3A_1534 = arith.constant 0 : i32
    %broadcast_in_dim3A_1535 = vector.broadcast %jit3A_1534 : i32 to vector<16xi32>
    %select_n3A_1536 = arith.select %lt3A_1533, %get3A_1455, %broadcast_in_dim3A_1535 : vector<16xi1>, vector<16xi32>
    %gather3A_1537 = tpu.vector_load_idx %arg13[%add3A_1453, %select_n3A_1536] : memref<64x112xf32, #tpu.memory_space<vmem>>[vector<16xi32>, vector<16xi32>], vector<16xf32>,
    %jit3A_1538 = arith.constant 0.000000e+00 : f32
    %broadcast_in_dim3A_1539 = vector.broadcast %jit3A_1538 : f32 to vector<16xf32>
    %select_n3A_1540 = arith.select %lt3A_1533, %gather3A_1537, %broadcast_in_dim3A_1539 : vector<16xi1>, vector<16xf32>
    %sub3A_1541 = arith.subf %add3A_1530, %select_n3A_1540 : vector<16xf32>
    %dma_wait3A_1542 = arith.constant 0 : i32
    %dma_wait3A_1543 = arith.constant 0 : i32
    %dma_wait3A_1544 = tpu.memref_slice %arg14[%dma_wait3A_1542, %dma_wait3A_1543] : memref<64x112xf32, #tpu.memory_space<vmem>> -> memref<1x112xf32, #tpu.memory_space<vmem>>
    %dma_wait3A_1545 = tpu.memref_squeeze %dma_wait3A_1544 : memref<1x112xf32, #tpu.memory_space<vmem>> -> memref<112xf32, #tpu.memory_space<vmem>>
    %dma_wait3A_1546 = tpu.memref_slice %arg2[%add3A_121, %multiple_of3A] : memref<2048x9999xf32, #tpu.memory_space<hbm>> -> memref<1x112xf32, #tpu.memory_space<hbm>>
    %dma_wait3A_1547 = tpu.memref_squeeze %dma_wait3A_1546 : memref<1x112xf32, #tpu.memory_space<hbm>> -> memref<112xf32, #tpu.memory_space<hbm>>
    %dma_wait3A_1548 = arith.constant 0 : i32
    %dma_wait3A_1549 = tpu.memref_slice %arg14[%dma_wait3A_1542, %dma_wait3A_1548] : memref<64x112xf32, #tpu.memory_space<vmem>> -> memref<1x112xf32, #tpu.memory_space<vmem>>
    %dma_wait3A_1550 = tpu.memref_squeeze %dma_wait3A_1549 : memref<1x112xf32, #tpu.memory_space<vmem>> -> memref<112xf32, #tpu.memory_space<vmem>>
    %dma_wait3A_1551 = tpu.memref_slice %arg2[%add3A_121, %multiple_of3A] : memref<2048x9999xf32, #tpu.memory_space<hbm>> -> memref<1x112xf32, #tpu.memory_space<hbm>>
    %dma_wait3A_1552 = tpu.memref_squeeze %dma_wait3A_1551 : memref<1x112xf32, #tpu.memory_space<hbm>> -> memref<112xf32, #tpu.memory_space<hbm>>
    tpu.wait_dma2 semaphore(%arg18 : memref<!tpu.dma_semaphore, #tpu.memory_space<semaphore_mem>>) src(%dma_wait3A_1552 : memref<112xf32, #tpu.memory_space<hbm>>) dst(%dma_wait3A_1550 : memref<112xf32, #tpu.memory_space<vmem>>)
    %dma_wait3A_1553 = arith.constant 1 : i32
    %dma_wait3A_1554 = arith.constant 0 : i32
    %dma_wait3A_1555 = tpu.memref_slice %arg14[%dma_wait3A_1553, %dma_wait3A_1554] : memref<64x112xf32, #tpu.memory_space<vmem>> -> memref<1x112xf32, #tpu.memory_space<vmem>>
    %dma_wait3A_1556 = tpu.memref_squeeze %dma_wait3A_1555 : memref<1x112xf32, #tpu.memory_space<vmem>> -> memref<112xf32, #tpu.memory_space<vmem>>
    %dma_wait3A_1557 = tpu.memref_slice %arg2[%add3A_137, %multiple_of3A_135] : memref<2048x9999xf32, #tpu.memory_space<hbm>> -> memref<1x112xf32, #tpu.memory_space<hbm>>
    %dma_wait3A_1558 = tpu.memref_squeeze %dma_wait3A_1557 : memref<1x112xf32, #tpu.memory_space<hbm>> -> memref<112xf32, #tpu.memory_space<hbm>>
    %dma_wait3A_1559 = arith.constant 0 : i32
    %dma_wait3A_1560 = tpu.memref_slice %arg14[%dma_wait3A_1553, %dma_wait3A_1559] : memref<64x112xf32, #tpu.memory_space<vmem>> -> memref<1x112xf32, #tpu.memory_space<vmem>>
    %dma_wait3A_1561 = tpu.memref_squeeze %dma_wait3A_1560 : memref<1x112xf32, #tpu.memory_space<vmem>> -> memref<112xf32, #tpu.memory_space<vmem>>
    %dma_wait3A_1562 = tpu.memref_slice %arg2[%add3A_137, %multiple_of3A_135] : memref<2048x9999xf32, #tpu.memory_space<hbm>> -> memref<1x112xf32, #tpu.memory_space<hbm>>
    %dma_wait3A_1563 = tpu.memref_squeeze %dma_wait3A_1562 : memref<1x112xf32, #tpu.memory_space<hbm>> -> memref<112xf32, #tpu.memory_space<hbm>>
    tpu.wait_dma2 semaphore(%arg18 : memref<!tpu.dma_semaphore, #tpu.memory_space<semaphore_mem>>) src(%dma_wait3A_1563 : memref<112xf32, #tpu.memory_space<hbm>>) dst(%dma_wait3A_1561 : memref<112xf32, #tpu.memory_space<vmem>>)
    %dma_wait3A_1564 = arith.constant 2 : i32
    %dma_wait3A_1565 = arith.constant 0 : i32
    %dma_wait3A_1566 = tpu.memref_slice %arg14[%dma_wait3A_1564, %dma_wait3A_1565] : memref<64x112xf32, #tpu.memory_space<vmem>> -> memref<1x112xf32, #tpu.memory_space<vmem>>
    %dma_wait3A_1567 = tpu.memref_squeeze %dma_wait3A_1566 : memref<1x112xf32, #tpu.memory_space<vmem>> -> memref<112xf32, #tpu.memory_space<vmem>>
    %dma_wait3A_1568 = tpu.memref_slice %arg2[%add3A_153, %multiple_of3A_151] : memref<2048x9999xf32, #tpu.memory_space<hbm>> -> memref<1x112xf32, #tpu.memory_space<hbm>>
    %dma_wait3A_1569 = tpu.memref_squeeze %dma_wait3A_1568 : memref<1x112xf32, #tpu.memory_space<hbm>> -> memref<112xf32, #tpu.memory_space<hbm>>
    %dma_wait3A_1570 = arith.constant 0 : i32
    %dma_wait3A_1571 = tpu.memref_slice %arg14[%dma_wait3A_1564, %dma_wait3A_1570] : memref<64x112xf32, #tpu.memory_space<vmem>> -> memref<1x112xf32, #tpu.memory_space<vmem>>
    %dma_wait3A_1572 = tpu.memref_squeeze %dma_wait3A_1571 : memref<1x112xf32, #tpu.memory_space<vmem>> -> memref<112xf32, #tpu.memory_space<vmem>>
    %dma_wait3A_1573 = tpu.memref_slice %arg2[%add3A_153, %multiple_of3A_151] : memref<2048x9999xf32, #tpu.memory_space<hbm>> -> memref<1x112xf32, #tpu.memory_space<hbm>>
    %dma_wait3A_1574 = tpu.memref_squeeze %dma_wait3A_1573 : memref<1x112xf32, #tpu.memory_space<hbm>> -> memref<112xf32, #tpu.memory_space<hbm>>
    tpu.wait_dma2 semaphore(%arg18 : memref<!tpu.dma_semaphore, #tpu.memory_space<semaphore_mem>>) src(%dma_wait3A_1574 : memref<112xf32, #tpu.memory_space<hbm>>) dst(%dma_wait3A_1572 : memref<112xf32, #tpu.memory_space<vmem>>)
    %dma_wait3A_1575 = arith.constant 3 : i32
    %dma_wait3A_1576 = arith.constant 0 : i32
    %dma_wait3A_1577 = tpu.memref_slice %arg14[%dma_wait3A_1575, %dma_wait3A_1576] : memref<64x112xf32, #tpu.memory_space<vmem>> -> memref<1x112xf32, #tpu.memory_space<vmem>>
    %dma_wait3A_1578 = tpu.memref_squeeze %dma_wait3A_1577 : memref<1x112xf32, #tpu.memory_space<vmem>> -> memref<112xf32, #tpu.memory_space<vmem>>
    %dma_wait3A_1579 = tpu.memref_slice %arg2[%add3A_169, %multiple_of3A_167] : memref<2048x9999xf32, #tpu.memory_space<hbm>> -> memref<1x112xf32, #tpu.memory_space<hbm>>
    %dma_wait3A_1580 = tpu.memref_squeeze %dma_wait3A_1579 : memref<1x112xf32, #tpu.memory_space<hbm>> -> memref<112xf32, #tpu.memory_space<hbm>>
    %dma_wait3A_1581 = arith.constant 0 : i32
    %dma_wait3A_1582 = tpu.memref_slice %arg14[%dma_wait3A_1575, %dma_wait3A_1581] : memref<64x112xf32, #tpu.memory_space<vmem>> -> memref<1x112xf32, #tpu.memory_space<vmem>>
    %dma_wait3A_1583 = tpu.memref_squeeze %dma_wait3A_1582 : memref<1x112xf32, #tpu.memory_space<vmem>> -> memref<112xf32, #tpu.memory_space<vmem>>
    %dma_wait3A_1584 = tpu.memref_slice %arg2[%add3A_169, %multiple_of3A_167] : memref<2048x9999xf32, #tpu.memory_space<hbm>> -> memref<1x112xf32, #tpu.memory_space<hbm>>
    %dma_wait3A_1585 = tpu.memref_squeeze %dma_wait3A_1584 : memref<1x112xf32, #tpu.memory_space<hbm>> -> memref<112xf32, #tpu.memory_space<hbm>>
    tpu.wait_dma2 semaphore(%arg18 : memref<!tpu.dma_semaphore, #tpu.memory_space<semaphore_mem>>) src(%dma_wait3A_1585 : memref<112xf32, #tpu.memory_space<hbm>>) dst(%dma_wait3A_1583 : memref<112xf32, #tpu.memory_space<vmem>>)
    %dma_wait3A_1586 = arith.constant 4 : i32
    %dma_wait3A_1587 = arith.constant 0 : i32
    %dma_wait3A_1588 = tpu.memref_slice %arg14[%dma_wait3A_1586, %dma_wait3A_1587] : memref<64x112xf32, #tpu.memory_space<vmem>> -> memref<1x112xf32, #tpu.memory_space<vmem>>
    %dma_wait3A_1589 = tpu.memref_squeeze %dma_wait3A_1588 : memref<1x112xf32, #tpu.memory_space<vmem>> -> memref<112xf32, #tpu.memory_space<vmem>>
    %dma_wait3A_1590 = tpu.memref_slice %arg2[%add3A_185, %multiple_of3A_183] : memref<2048x9999xf32, #tpu.memory_space<hbm>> -> memref<1x112xf32, #tpu.memory_space<hbm>>
    %dma_wait3A_1591 = tpu.memref_squeeze %dma_wait3A_1590 : memref<1x112xf32, #tpu.memory_space<hbm>> -> memref<112xf32, #tpu.memory_space<hbm>>
    %dma_wait3A_1592 = arith.constant 0 : i32
    %dma_wait3A_1593 = tpu.memref_slice %arg14[%dma_wait3A_1586, %dma_wait3A_1592] : memref<64x112xf32, #tpu.memory_space<vmem>> -> memref<1x112xf32, #tpu.memory_space<vmem>>
    %dma_wait3A_1594 = tpu.memref_squeeze %dma_wait3A_1593 : memref<1x112xf32, #tpu.memory_space<vmem>> -> memref<112xf32, #tpu.memory_space<vmem>>
    %dma_wait3A_1595 = tpu.memref_slice %arg2[%add3A_185, %multiple_of3A_183] : memref<2048x9999xf32, #tpu.memory_space<hbm>> -> memref<1x112xf32, #tpu.memory_space<hbm>>
    %dma_wait3A_1596 = tpu.memref_squeeze %dma_wait3A_1595 : memref<1x112xf32, #tpu.memory_space<hbm>> -> memref<112xf32, #tpu.memory_space<hbm>>
    tpu.wait_dma2 semaphore(%arg18 : memref<!tpu.dma_semaphore, #tpu.memory_space<semaphore_mem>>) src(%dma_wait3A_1596 : memref<112xf32, #tpu.memory_space<hbm>>) dst(%dma_wait3A_1594 : memref<112xf32, #tpu.memory_space<vmem>>)
    %dma_wait3A_1597 = arith.constant 5 : i32
    %dma_wait3A_1598 = arith.constant 0 : i32
    %dma_wait3A_1599 = tpu.memref_slice %arg14[%dma_wait3A_1597, %dma_wait3A_1598] : memref<64x112xf32, #tpu.memory_space<vmem>> -> memref<1x112xf32, #tpu.memory_space<vmem>>
    %dma_wait3A_1600 = tpu.memref_squeeze %dma_wait3A_1599 : memref<1x112xf32, #tpu.memory_space<vmem>> -> memref<112xf32, #tpu.memory_space<vmem>>
    %dma_wait3A_1601 = tpu.memref_slice %arg2[%add3A_201, %multiple_of3A_199] : memref<2048x9999xf32, #tpu.memory_space<hbm>> -> memref<1x112xf32, #tpu.memory_space<hbm>>
    %dma_wait3A_1602 = tpu.memref_squeeze %dma_wait3A_1601 : memref<1x112xf32, #tpu.memory_space<hbm>> -> memref<112xf32, #tpu.memory_space<hbm>>
    %dma_wait3A_1603 = arith.constant 0 : i32
    %dma_wait3A_1604 = tpu.memref_slice %arg14[%dma_wait3A_1597, %dma_wait3A_1603] : memref<64x112xf32, #tpu.memory_space<vmem>> -> memref<1x112xf32, #tpu.memory_space<vmem>>
    %dma_wait3A_1605 = tpu.memref_squeeze %dma_wait3A_1604 : memref<1x112xf32, #tpu.memory_space<vmem>> -> memref<112xf32, #tpu.memory_space<vmem>>
    %dma_wait3A_1606 = tpu.memref_slice %arg2[%add3A_201, %multiple_of3A_199] : memref<2048x9999xf32, #tpu.memory_space<hbm>> -> memref<1x112xf32, #tpu.memory_space<hbm>>
    %dma_wait3A_1607 = tpu.memref_squeeze %dma_wait3A_1606 : memref<1x112xf32, #tpu.memory_space<hbm>> -> memref<112xf32, #tpu.memory_space<hbm>>
    tpu.wait_dma2 semaphore(%arg18 : memref<!tpu.dma_semaphore, #tpu.memory_space<semaphore_mem>>) src(%dma_wait3A_1607 : memref<112xf32, #tpu.memory_space<hbm>>) dst(%dma_wait3A_1605 : memref<112xf32, #tpu.memory_space<vmem>>)
    %dma_wait3A_1608 = arith.constant 6 : i32
    %dma_wait3A_1609 = arith.constant 0 : i32
    %dma_wait3A_1610 = tpu.memref_slice %arg14[%dma_wait3A_1608, %dma_wait3A_1609] : memref<64x112xf32, #tpu.memory_space<vmem>> -> memref<1x112xf32, #tpu.memory_space<vmem>>
    %dma_wait3A_1611 = tpu.memref_squeeze %dma_wait3A_1610 : memref<1x112xf32, #tpu.memory_space<vmem>> -> memref<112xf32, #tpu.memory_space<vmem>>
    %dma_wait3A_1612 = tpu.memref_slice %arg2[%add3A_217, %multiple_of3A_215] : memref<2048x9999xf32, #tpu.memory_space<hbm>> -> memref<1x112xf32, #tpu.memory_space<hbm>>
    %dma_wait3A_1613 = tpu.memref_squeeze %dma_wait3A_1612 : memref<1x112xf32, #tpu.memory_space<hbm>> -> memref<112xf32, #tpu.memory_space<hbm>>
    %dma_wait3A_1614 = arith.constant 0 : i32
    %dma_wait3A_1615 = tpu.memref_slice %arg14[%dma_wait3A_1608, %dma_wait3A_1614] : memref<64x112xf32, #tpu.memory_space<vmem>> -> memref<1x112xf32, #tpu.memory_space<vmem>>
    %dma_wait3A_1616 = tpu.memref_squeeze %dma_wait3A_1615 : memref<1x112xf32, #tpu.memory_space<vmem>> -> memref<112xf32, #tpu.memory_space<vmem>>
    %dma_wait3A_1617 = tpu.memref_slice %arg2[%add3A_217, %multiple_of3A_215] : memref<2048x9999xf32, #tpu.memory_space<hbm>> -> memref<1x112xf32, #tpu.memory_space<hbm>>
    %dma_wait3A_1618 = tpu.memref_squeeze %dma_wait3A_1617 : memref<1x112xf32, #tpu.memory_space<hbm>> -> memref<112xf32, #tpu.memory_space<hbm>>
    tpu.wait_dma2 semaphore(%arg18 : memref<!tpu.dma_semaphore, #tpu.memory_space<semaphore_mem>>) src(%dma_wait3A_1618 : memref<112xf32, #tpu.memory_space<hbm>>) dst(%dma_wait3A_1616 : memref<112xf32, #tpu.memory_space<vmem>>)
    %dma_wait3A_1619 = arith.constant 7 : i32
    %dma_wait3A_1620 = arith.constant 0 : i32
    %dma_wait3A_1621 = tpu.memref_slice %arg14[%dma_wait3A_1619, %dma_wait3A_1620] : memref<64x112xf32, #tpu.memory_space<vmem>> -> memref<1x112xf32, #tpu.memory_space<vmem>>
    %dma_wait3A_1622 = tpu.memref_squeeze %dma_wait3A_1621 : memref<1x112xf32, #tpu.memory_space<vmem>> -> memref<112xf32, #tpu.memory_space<vmem>>
    %dma_wait3A_1623 = tpu.memref_slice %arg2[%add3A_233, %multiple_of3A_231] : memref<2048x9999xf32, #tpu.memory_space<hbm>> -> memref<1x112xf32, #tpu.memory_space<hbm>>
    %dma_wait3A_1624 = tpu.memref_squeeze %dma_wait3A_1623 : memref<1x112xf32, #tpu.memory_space<hbm>> -> memref<112xf32, #tpu.memory_space<hbm>>
    %dma_wait3A_1625 = arith.constant 0 : i32
    %dma_wait3A_1626 = tpu.memref_slice %arg14[%dma_wait3A_1619, %dma_wait3A_1625] : memref<64x112xf32, #tpu.memory_space<vmem>> -> memref<1x112xf32, #tpu.memory_space<vmem>>
    %dma_wait3A_1627 = tpu.memref_squeeze %dma_wait3A_1626 : memref<1x112xf32, #tpu.memory_space<vmem>> -> memref<112xf32, #tpu.memory_space<vmem>>
    %dma_wait3A_1628 = tpu.memref_slice %arg2[%add3A_233, %multiple_of3A_231] : memref<2048x9999xf32, #tpu.memory_space<hbm>> -> memref<1x112xf32, #tpu.memory_space<hbm>>
    %dma_wait3A_1629 = tpu.memref_squeeze %dma_wait3A_1628 : memref<1x112xf32, #tpu.memory_space<hbm>> -> memref<112xf32, #tpu.memory_space<hbm>>
    tpu.wait_dma2 semaphore(%arg18 : memref<!tpu.dma_semaphore, #tpu.memory_space<semaphore_mem>>) src(%dma_wait3A_1629 : memref<112xf32, #tpu.memory_space<hbm>>) dst(%dma_wait3A_1627 : memref<112xf32, #tpu.memory_space<vmem>>)
    %dma_wait3A_1630 = arith.constant 8 : i32
    %dma_wait3A_1631 = arith.constant 0 : i32
    %dma_wait3A_1632 = tpu.memref_slice %arg14[%dma_wait3A_1630, %dma_wait3A_1631] : memref<64x112xf32, #tpu.memory_space<vmem>> -> memref<1x112xf32, #tpu.memory_space<vmem>>
    %dma_wait3A_1633 = tpu.memref_squeeze %dma_wait3A_1632 : memref<1x112xf32, #tpu.memory_space<vmem>> -> memref<112xf32, #tpu.memory_space<vmem>>
    %dma_wait3A_1634 = tpu.memref_slice %arg2[%add3A_249, %multiple_of3A_247] : memref<2048x9999xf32, #tpu.memory_space<hbm>> -> memref<1x112xf32, #tpu.memory_space<hbm>>
    %dma_wait3A_1635 = tpu.memref_squeeze %dma_wait3A_1634 : memref<1x112xf32, #tpu.memory_space<hbm>> -> memref<112xf32, #tpu.memory_space<hbm>>
    %dma_wait3A_1636 = arith.constant 0 : i32
    %dma_wait3A_1637 = tpu.memref_slice %arg14[%dma_wait3A_1630, %dma_wait3A_1636] : memref<64x112xf32, #tpu.memory_space<vmem>> -> memref<1x112xf32, #tpu.memory_space<vmem>>
    %dma_wait3A_1638 = tpu.memref_squeeze %dma_wait3A_1637 : memref<1x112xf32, #tpu.memory_space<vmem>> -> memref<112xf32, #tpu.memory_space<vmem>>
    %dma_wait3A_1639 = tpu.memref_slice %arg2[%add3A_249, %multiple_of3A_247] : memref<2048x9999xf32, #tpu.memory_space<hbm>> -> memref<1x112xf32, #tpu.memory_space<hbm>>
    %dma_wait3A_1640 = tpu.memref_squeeze %dma_wait3A_1639 : memref<1x112xf32, #tpu.memory_space<hbm>> -> memref<112xf32, #tpu.memory_space<hbm>>
    tpu.wait_dma2 semaphore(%arg18 : memref<!tpu.dma_semaphore, #tpu.memory_space<semaphore_mem>>) src(%dma_wait3A_1640 : memref<112xf32, #tpu.memory_space<hbm>>) dst(%dma_wait3A_1638 : memref<112xf32, #tpu.memory_space<vmem>>)
    %dma_wait3A_1641 = arith.constant 9 : i32
    %dma_wait3A_1642 = arith.constant 0 : i32
    %dma_wait3A_1643 = tpu.memref_slice %arg14[%dma_wait3A_1641, %dma_wait3A_1642] : memref<64x112xf32, #tpu.memory_space<vmem>> -> memref<1x112xf32, #tpu.memory_space<vmem>>
    %dma_wait3A_1644 = tpu.memref_squeeze %dma_wait3A_1643 : memref<1x112xf32, #tpu.memory_space<vmem>> -> memref<112xf32, #tpu.memory_space<vmem>>
    %dma_wait3A_1645 = tpu.memref_slice %arg2[%add3A_265, %multiple_of3A_263] : memref<2048x9999xf32, #tpu.memory_space<hbm>> -> memref<1x112xf32, #tpu.memory_space<hbm>>
    %dma_wait3A_1646 = tpu.memref_squeeze %dma_wait3A_1645 : memref<1x112xf32, #tpu.memory_space<hbm>> -> memref<112xf32, #tpu.memory_space<hbm>>
    %dma_wait3A_1647 = arith.constant 0 : i32
    %dma_wait3A_1648 = tpu.memref_slice %arg14[%dma_wait3A_1641, %dma_wait3A_1647] : memref<64x112xf32, #tpu.memory_space<vmem>> -> memref<1x112xf32, #tpu.memory_space<vmem>>
    %dma_wait3A_1649 = tpu.memref_squeeze %dma_wait3A_1648 : memref<1x112xf32, #tpu.memory_space<vmem>> -> memref<112xf32, #tpu.memory_space<vmem>>
    %dma_wait3A_1650 = tpu.memref_slice %arg2[%add3A_265, %multiple_of3A_263] : memref<2048x9999xf32, #tpu.memory_space<hbm>> -> memref<1x112xf32, #tpu.memory_space<hbm>>
    %dma_wait3A_1651 = tpu.memref_squeeze %dma_wait3A_1650 : memref<1x112xf32, #tpu.memory_space<hbm>> -> memref<112xf32, #tpu.memory_space<hbm>>
    tpu.wait_dma2 semaphore(%arg18 : memref<!tpu.dma_semaphore, #tpu.memory_space<semaphore_mem>>) src(%dma_wait3A_1651 : memref<112xf32, #tpu.memory_space<hbm>>) dst(%dma_wait3A_1649 : memref<112xf32, #tpu.memory_space<vmem>>)
    %dma_wait3A_1652 = arith.constant 10 : i32
    %dma_wait3A_1653 = arith.constant 0 : i32
    %dma_wait3A_1654 = tpu.memref_slice %arg14[%dma_wait3A_1652, %dma_wait3A_1653] : memref<64x112xf32, #tpu.memory_space<vmem>> -> memref<1x112xf32, #tpu.memory_space<vmem>>
    %dma_wait3A_1655 = tpu.memref_squeeze %dma_wait3A_1654 : memref<1x112xf32, #tpu.memory_space<vmem>> -> memref<112xf32, #tpu.memory_space<vmem>>
    %dma_wait3A_1656 = tpu.memref_slice %arg2[%add3A_281, %multiple_of3A_279] : memref<2048x9999xf32, #tpu.memory_space<hbm>> -> memref<1x112xf32, #tpu.memory_space<hbm>>
    %dma_wait3A_1657 = tpu.memref_squeeze %dma_wait3A_1656 : memref<1x112xf32, #tpu.memory_space<hbm>> -> memref<112xf32, #tpu.memory_space<hbm>>
    %dma_wait3A_1658 = arith.constant 0 : i32
    %dma_wait3A_1659 = tpu.memref_slice %arg14[%dma_wait3A_1652, %dma_wait3A_1658] : memref<64x112xf32, #tpu.memory_space<vmem>> -> memref<1x112xf32, #tpu.memory_space<vmem>>
    %dma_wait3A_1660 = tpu.memref_squeeze %dma_wait3A_1659 : memref<1x112xf32, #tpu.memory_space<vmem>> -> memref<112xf32, #tpu.memory_space<vmem>>
    %dma_wait3A_1661 = tpu.memref_slice %arg2[%add3A_281, %multiple_of3A_279] : memref<2048x9999xf32, #tpu.memory_space<hbm>> -> memref<1x112xf32, #tpu.memory_space<hbm>>
    %dma_wait3A_1662 = tpu.memref_squeeze %dma_wait3A_1661 : memref<1x112xf32, #tpu.memory_space<hbm>> -> memref<112xf32, #tpu.memory_space<hbm>>
    tpu.wait_dma2 semaphore(%arg18 : memref<!tpu.dma_semaphore, #tpu.memory_space<semaphore_mem>>) src(%dma_wait3A_1662 : memref<112xf32, #tpu.memory_space<hbm>>) dst(%dma_wait3A_1660 : memref<112xf32, #tpu.memory_space<vmem>>)
    %dma_wait3A_1663 = arith.constant 11 : i32
    %dma_wait3A_1664 = arith.constant 0 : i32
    %dma_wait3A_1665 = tpu.memref_slice %arg14[%dma_wait3A_1663, %dma_wait3A_1664] : memref<64x112xf32, #tpu.memory_space<vmem>> -> memref<1x112xf32, #tpu.memory_space<vmem>>
    %dma_wait3A_1666 = tpu.memref_squeeze %dma_wait3A_1665 : memref<1x112xf32, #tpu.memory_space<vmem>> -> memref<112xf32, #tpu.memory_space<vmem>>
    %dma_wait3A_1667 = tpu.memref_slice %arg2[%add3A_297, %multiple_of3A_295] : memref<2048x9999xf32, #tpu.memory_space<hbm>> -> memref<1x112xf32, #tpu.memory_space<hbm>>
    %dma_wait3A_1668 = tpu.memref_squeeze %dma_wait3A_1667 : memref<1x112xf32, #tpu.memory_space<hbm>> -> memref<112xf32, #tpu.memory_space<hbm>>
    %dma_wait3A_1669 = arith.constant 0 : i32
    %dma_wait3A_1670 = tpu.memref_slice %arg14[%dma_wait3A_1663, %dma_wait3A_1669] : memref<64x112xf32, #tpu.memory_space<vmem>> -> memref<1x112xf32, #tpu.memory_space<vmem>>
    %dma_wait3A_1671 = tpu.memref_squeeze %dma_wait3A_1670 : memref<1x112xf32, #tpu.memory_space<vmem>> -> memref<112xf32, #tpu.memory_space<vmem>>
    %dma_wait3A_1672 = tpu.memref_slice %arg2[%add3A_297, %multiple_of3A_295] : memref<2048x9999xf32, #tpu.memory_space<hbm>> -> memref<1x112xf32, #tpu.memory_space<hbm>>
    %dma_wait3A_1673 = tpu.memref_squeeze %dma_wait3A_1672 : memref<1x112xf32, #tpu.memory_space<hbm>> -> memref<112xf32, #tpu.memory_space<hbm>>
    tpu.wait_dma2 semaphore(%arg18 : memref<!tpu.dma_semaphore, #tpu.memory_space<semaphore_mem>>) src(%dma_wait3A_1673 : memref<112xf32, #tpu.memory_space<hbm>>) dst(%dma_wait3A_1671 : memref<112xf32, #tpu.memory_space<vmem>>)
    %dma_wait3A_1674 = arith.constant 12 : i32
    %dma_wait3A_1675 = arith.constant 0 : i32
    %dma_wait3A_1676 = tpu.memref_slice %arg14[%dma_wait3A_1674, %dma_wait3A_1675] : memref<64x112xf32, #tpu.memory_space<vmem>> -> memref<1x112xf32, #tpu.memory_space<vmem>>
    %dma_wait3A_1677 = tpu.memref_squeeze %dma_wait3A_1676 : memref<1x112xf32, #tpu.memory_space<vmem>> -> memref<112xf32, #tpu.memory_space<vmem>>
    %dma_wait3A_1678 = tpu.memref_slice %arg2[%add3A_313, %multiple_of3A_311] : memref<2048x9999xf32, #tpu.memory_space<hbm>> -> memref<1x112xf32, #tpu.memory_space<hbm>>
    %dma_wait3A_1679 = tpu.memref_squeeze %dma_wait3A_1678 : memref<1x112xf32, #tpu.memory_space<hbm>> -> memref<112xf32, #tpu.memory_space<hbm>>
    %dma_wait3A_1680 = arith.constant 0 : i32
    %dma_wait3A_1681 = tpu.memref_slice %arg14[%dma_wait3A_1674, %dma_wait3A_1680] : memref<64x112xf32, #tpu.memory_space<vmem>> -> memref<1x112xf32, #tpu.memory_space<vmem>>
    %dma_wait3A_1682 = tpu.memref_squeeze %dma_wait3A_1681 : memref<1x112xf32, #tpu.memory_space<vmem>> -> memref<112xf32, #tpu.memory_space<vmem>>
    %dma_wait3A_1683 = tpu.memref_slice %arg2[%add3A_313, %multiple_of3A_311] : memref<2048x9999xf32, #tpu.memory_space<hbm>> -> memref<1x112xf32, #tpu.memory_space<hbm>>
    %dma_wait3A_1684 = tpu.memref_squeeze %dma_wait3A_1683 : memref<1x112xf32, #tpu.memory_space<hbm>> -> memref<112xf32, #tpu.memory_space<hbm>>
    tpu.wait_dma2 semaphore(%arg18 : memref<!tpu.dma_semaphore, #tpu.memory_space<semaphore_mem>>) src(%dma_wait3A_1684 : memref<112xf32, #tpu.memory_space<hbm>>) dst(%dma_wait3A_1682 : memref<112xf32, #tpu.memory_space<vmem>>)
    %dma_wait3A_1685 = arith.constant 13 : i32
    %dma_wait3A_1686 = arith.constant 0 : i32
    %dma_wait3A_1687 = tpu.memref_slice %arg14[%dma_wait3A_1685, %dma_wait3A_1686] : memref<64x112xf32, #tpu.memory_space<vmem>> -> memref<1x112xf32, #tpu.memory_space<vmem>>
    %dma_wait3A_1688 = tpu.memref_squeeze %dma_wait3A_1687 : memref<1x112xf32, #tpu.memory_space<vmem>> -> memref<112xf32, #tpu.memory_space<vmem>>
    %dma_wait3A_1689 = tpu.memref_slice %arg2[%add3A_329, %multiple_of3A_327] : memref<2048x9999xf32, #tpu.memory_space<hbm>> -> memref<1x112xf32, #tpu.memory_space<hbm>>
    %dma_wait3A_1690 = tpu.memref_squeeze %dma_wait3A_1689 : memref<1x112xf32, #tpu.memory_space<hbm>> -> memref<112xf32, #tpu.memory_space<hbm>>
    %dma_wait3A_1691 = arith.constant 0 : i32
    %dma_wait3A_1692 = tpu.memref_slice %arg14[%dma_wait3A_1685, %dma_wait3A_1691] : memref<64x112xf32, #tpu.memory_space<vmem>> -> memref<1x112xf32, #tpu.memory_space<vmem>>
    %dma_wait3A_1693 = tpu.memref_squeeze %dma_wait3A_1692 : memref<1x112xf32, #tpu.memory_space<vmem>> -> memref<112xf32, #tpu.memory_space<vmem>>
    %dma_wait3A_1694 = tpu.memref_slice %arg2[%add3A_329, %multiple_of3A_327] : memref<2048x9999xf32, #tpu.memory_space<hbm>> -> memref<1x112xf32, #tpu.memory_space<hbm>>
    %dma_wait3A_1695 = tpu.memref_squeeze %dma_wait3A_1694 : memref<1x112xf32, #tpu.memory_space<hbm>> -> memref<112xf32, #tpu.memory_space<hbm>>
    tpu.wait_dma2 semaphore(%arg18 : memref<!tpu.dma_semaphore, #tpu.memory_space<semaphore_mem>>) src(%dma_wait3A_1695 : memref<112xf32, #tpu.memory_space<hbm>>) dst(%dma_wait3A_1693 : memref<112xf32, #tpu.memory_space<vmem>>)
    %dma_wait3A_1696 = arith.constant 14 : i32
    %dma_wait3A_1697 = arith.constant 0 : i32
    %dma_wait3A_1698 = tpu.memref_slice %arg14[%dma_wait3A_1696, %dma_wait3A_1697] : memref<64x112xf32, #tpu.memory_space<vmem>> -> memref<1x112xf32, #tpu.memory_space<vmem>>
    %dma_wait3A_1699 = tpu.memref_squeeze %dma_wait3A_1698 : memref<1x112xf32, #tpu.memory_space<vmem>> -> memref<112xf32, #tpu.memory_space<vmem>>
    %dma_wait3A_1700 = tpu.memref_slice %arg2[%add3A_345, %multiple_of3A_343] : memref<2048x9999xf32, #tpu.memory_space<hbm>> -> memref<1x112xf32, #tpu.memory_space<hbm>>
    %dma_wait3A_1701 = tpu.memref_squeeze %dma_wait3A_1700 : memref<1x112xf32, #tpu.memory_space<hbm>> -> memref<112xf32, #tpu.memory_space<hbm>>
    %dma_wait3A_1702 = arith.constant 0 : i32
    %dma_wait3A_1703 = tpu.memref_slice %arg14[%dma_wait3A_1696, %dma_wait3A_1702] : memref<64x112xf32, #tpu.memory_space<vmem>> -> memref<1x112xf32, #tpu.memory_space<vmem>>
    %dma_wait3A_1704 = tpu.memref_squeeze %dma_wait3A_1703 : memref<1x112xf32, #tpu.memory_space<vmem>> -> memref<112xf32, #tpu.memory_space<vmem>>
    %dma_wait3A_1705 = tpu.memref_slice %arg2[%add3A_345, %multiple_of3A_343] : memref<2048x9999xf32, #tpu.memory_space<hbm>> -> memref<1x112xf32, #tpu.memory_space<hbm>>
    %dma_wait3A_1706 = tpu.memref_squeeze %dma_wait3A_1705 : memref<1x112xf32, #tpu.memory_space<hbm>> -> memref<112xf32, #tpu.memory_space<hbm>>
    tpu.wait_dma2 semaphore(%arg18 : memref<!tpu.dma_semaphore, #tpu.memory_space<semaphore_mem>>) src(%dma_wait3A_1706 : memref<112xf32, #tpu.memory_space<hbm>>) dst(%dma_wait3A_1704 : memref<112xf32, #tpu.memory_space<vmem>>)
    %dma_wait3A_1707 = arith.constant 15 : i32
    %dma_wait3A_1708 = arith.constant 0 : i32
    %dma_wait3A_1709 = tpu.memref_slice %arg14[%dma_wait3A_1707, %dma_wait3A_1708] : memref<64x112xf32, #tpu.memory_space<vmem>> -> memref<1x112xf32, #tpu.memory_space<vmem>>
    %dma_wait3A_1710 = tpu.memref_squeeze %dma_wait3A_1709 : memref<1x112xf32, #tpu.memory_space<vmem>> -> memref<112xf32, #tpu.memory_space<vmem>>
    %dma_wait3A_1711 = tpu.memref_slice %arg2[%add3A_361, %multiple_of3A_359] : memref<2048x9999xf32, #tpu.memory_space<hbm>> -> memref<1x112xf32, #tpu.memory_space<hbm>>
    %dma_wait3A_1712 = tpu.memref_squeeze %dma_wait3A_1711 : memref<1x112xf32, #tpu.memory_space<hbm>> -> memref<112xf32, #tpu.memory_space<hbm>>
    %dma_wait3A_1713 = arith.constant 0 : i32
    %dma_wait3A_1714 = tpu.memref_slice %arg14[%dma_wait3A_1707, %dma_wait3A_1713] : memref<64x112xf32, #tpu.memory_space<vmem>> -> memref<1x112xf32, #tpu.memory_space<vmem>>
    %dma_wait3A_1715 = tpu.memref_squeeze %dma_wait3A_1714 : memref<1x112xf32, #tpu.memory_space<vmem>> -> memref<112xf32, #tpu.memory_space<vmem>>
    %dma_wait3A_1716 = tpu.memref_slice %arg2[%add3A_361, %multiple_of3A_359] : memref<2048x9999xf32, #tpu.memory_space<hbm>> -> memref<1x112xf32, #tpu.memory_space<hbm>>
    %dma_wait3A_1717 = tpu.memref_squeeze %dma_wait3A_1716 : memref<1x112xf32, #tpu.memory_space<hbm>> -> memref<112xf32, #tpu.memory_space<hbm>>
    tpu.wait_dma2 semaphore(%arg18 : memref<!tpu.dma_semaphore, #tpu.memory_space<semaphore_mem>>) src(%dma_wait3A_1717 : memref<112xf32, #tpu.memory_space<hbm>>) dst(%dma_wait3A_1715 : memref<112xf32, #tpu.memory_space<vmem>>)
    %dma_wait3A_1718 = arith.constant 16 : i32
    %dma_wait3A_1719 = arith.constant 0 : i32
    %dma_wait3A_1720 = tpu.memref_slice %arg14[%dma_wait3A_1718, %dma_wait3A_1719] : memref<64x112xf32, #tpu.memory_space<vmem>> -> memref<1x112xf32, #tpu.memory_space<vmem>>
    %dma_wait3A_1721 = tpu.memref_squeeze %dma_wait3A_1720 : memref<1x112xf32, #tpu.memory_space<vmem>> -> memref<112xf32, #tpu.memory_space<vmem>>
    %dma_wait3A_1722 = tpu.memref_slice %arg2[%add3A_391, %multiple_of3A_389] : memref<2048x9999xf32, #tpu.memory_space<hbm>> -> memref<1x112xf32, #tpu.memory_space<hbm>>
    %dma_wait3A_1723 = tpu.memref_squeeze %dma_wait3A_1722 : memref<1x112xf32, #tpu.memory_space<hbm>> -> memref<112xf32, #tpu.memory_space<hbm>>
    %dma_wait3A_1724 = arith.constant 0 : i32
    %dma_wait3A_1725 = tpu.memref_slice %arg14[%dma_wait3A_1718, %dma_wait3A_1724] : memref<64x112xf32, #tpu.memory_space<vmem>> -> memref<1x112xf32, #tpu.memory_space<vmem>>
    %dma_wait3A_1726 = tpu.memref_squeeze %dma_wait3A_1725 : memref<1x112xf32, #tpu.memory_space<vmem>> -> memref<112xf32, #tpu.memory_space<vmem>>
    %dma_wait3A_1727 = tpu.memref_slice %arg2[%add3A_391, %multiple_of3A_389] : memref<2048x9999xf32, #tpu.memory_space<hbm>> -> memref<1x112xf32, #tpu.memory_space<hbm>>
    %dma_wait3A_1728 = tpu.memref_squeeze %dma_wait3A_1727 : memref<1x112xf32, #tpu.memory_space<hbm>> -> memref<112xf32, #tpu.memory_space<hbm>>
    tpu.wait_dma2 semaphore(%arg18 : memref<!tpu.dma_semaphore, #tpu.memory_space<semaphore_mem>>) src(%dma_wait3A_1728 : memref<112xf32, #tpu.memory_space<hbm>>) dst(%dma_wait3A_1726 : memref<112xf32, #tpu.memory_space<vmem>>)
    %dma_wait3A_1729 = arith.constant 17 : i32
    %dma_wait3A_1730 = arith.constant 0 : i32
    %dma_wait3A_1731 = tpu.memref_slice %arg14[%dma_wait3A_1729, %dma_wait3A_1730] : memref<64x112xf32, #tpu.memory_space<vmem>> -> memref<1x112xf32, #tpu.memory_space<vmem>>
    %dma_wait3A_1732 = tpu.memref_squeeze %dma_wait3A_1731 : memref<1x112xf32, #tpu.memory_space<vmem>> -> memref<112xf32, #tpu.memory_space<vmem>>
    %dma_wait3A_1733 = tpu.memref_slice %arg2[%add3A_407, %multiple_of3A_405] : memref<2048x9999xf32, #tpu.memory_space<hbm>> -> memref<1x112xf32, #tpu.memory_space<hbm>>
    %dma_wait3A_1734 = tpu.memref_squeeze %dma_wait3A_1733 : memref<1x112xf32, #tpu.memory_space<hbm>> -> memref<112xf32, #tpu.memory_space<hbm>>
    %dma_wait3A_1735 = arith.constant 0 : i32
    %dma_wait3A_1736 = tpu.memref_slice %arg14[%dma_wait3A_1729, %dma_wait3A_1735] : memref<64x112xf32, #tpu.memory_space<vmem>> -> memref<1x112xf32, #tpu.memory_space<vmem>>
    %dma_wait3A_1737 = tpu.memref_squeeze %dma_wait3A_1736 : memref<1x112xf32, #tpu.memory_space<vmem>> -> memref<112xf32, #tpu.memory_space<vmem>>
    %dma_wait3A_1738 = tpu.memref_slice %arg2[%add3A_407, %multiple_of3A_405] : memref<2048x9999xf32, #tpu.memory_space<hbm>> -> memref<1x112xf32, #tpu.memory_space<hbm>>
    %dma_wait3A_1739 = tpu.memref_squeeze %dma_wait3A_1738 : memref<1x112xf32, #tpu.memory_space<hbm>> -> memref<112xf32, #tpu.memory_space<hbm>>
    tpu.wait_dma2 semaphore(%arg18 : memref<!tpu.dma_semaphore, #tpu.memory_space<semaphore_mem>>) src(%dma_wait3A_1739 : memref<112xf32, #tpu.memory_space<hbm>>) dst(%dma_wait3A_1737 : memref<112xf32, #tpu.memory_space<vmem>>)
    %dma_wait3A_1740 = arith.constant 18 : i32
    %dma_wait3A_1741 = arith.constant 0 : i32
    %dma_wait3A_1742 = tpu.memref_slice %arg14[%dma_wait3A_1740, %dma_wait3A_1741] : memref<64x112xf32, #tpu.memory_space<vmem>> -> memref<1x112xf32, #tpu.memory_space<vmem>>
    %dma_wait3A_1743 = tpu.memref_squeeze %dma_wait3A_1742 : memref<1x112xf32, #tpu.memory_space<vmem>> -> memref<112xf32, #tpu.memory_space<vmem>>
    %dma_wait3A_1744 = tpu.memref_slice %arg2[%add3A_423, %multiple_of3A_421] : memref<2048x9999xf32, #tpu.memory_space<hbm>> -> memref<1x112xf32, #tpu.memory_space<hbm>>
    %dma_wait3A_1745 = tpu.memref_squeeze %dma_wait3A_1744 : memref<1x112xf32, #tpu.memory_space<hbm>> -> memref<112xf32, #tpu.memory_space<hbm>>
    %dma_wait3A_1746 = arith.constant 0 : i32
    %dma_wait3A_1747 = tpu.memref_slice %arg14[%dma_wait3A_1740, %dma_wait3A_1746] : memref<64x112xf32, #tpu.memory_space<vmem>> -> memref<1x112xf32, #tpu.memory_space<vmem>>
    %dma_wait3A_1748 = tpu.memref_squeeze %dma_wait3A_1747 : memref<1x112xf32, #tpu.memory_space<vmem>> -> memref<112xf32, #tpu.memory_space<vmem>>
    %dma_wait3A_1749 = tpu.memref_slice %arg2[%add3A_423, %multiple_of3A_421] : memref<2048x9999xf32, #tpu.memory_space<hbm>> -> memref<1x112xf32, #tpu.memory_space<hbm>>
    %dma_wait3A_1750 = tpu.memref_squeeze %dma_wait3A_1749 : memref<1x112xf32, #tpu.memory_space<hbm>> -> memref<112xf32, #tpu.memory_space<hbm>>
    tpu.wait_dma2 semaphore(%arg18 : memref<!tpu.dma_semaphore, #tpu.memory_space<semaphore_mem>>) src(%dma_wait3A_1750 : memref<112xf32, #tpu.memory_space<hbm>>) dst(%dma_wait3A_1748 : memref<112xf32, #tpu.memory_space<vmem>>)
    %dma_wait3A_1751 = arith.constant 19 : i32
    %dma_wait3A_1752 = arith.constant 0 : i32
    %dma_wait3A_1753 = tpu.memref_slice %arg14[%dma_wait3A_1751, %dma_wait3A_1752] : memref<64x112xf32, #tpu.memory_space<vmem>> -> memref<1x112xf32, #tpu.memory_space<vmem>>
    %dma_wait3A_1754 = tpu.memref_squeeze %dma_wait3A_1753 : memref<1x112xf32, #tpu.memory_space<vmem>> -> memref<112xf32, #tpu.memory_space<vmem>>
    %dma_wait3A_1755 = tpu.memref_slice %arg2[%add3A_439, %multiple_of3A_437] : memref<2048x9999xf32, #tpu.memory_space<hbm>> -> memref<1x112xf32, #tpu.memory_space<hbm>>
    %dma_wait3A_1756 = tpu.memref_squeeze %dma_wait3A_1755 : memref<1x112xf32, #tpu.memory_space<hbm>> -> memref<112xf32, #tpu.memory_space<hbm>>
    %dma_wait3A_1757 = arith.constant 0 : i32
    %dma_wait3A_1758 = tpu.memref_slice %arg14[%dma_wait3A_1751, %dma_wait3A_1757] : memref<64x112xf32, #tpu.memory_space<vmem>> -> memref<1x112xf32, #tpu.memory_space<vmem>>
    %dma_wait3A_1759 = tpu.memref_squeeze %dma_wait3A_1758 : memref<1x112xf32, #tpu.memory_space<vmem>> -> memref<112xf32, #tpu.memory_space<vmem>>
    %dma_wait3A_1760 = tpu.memref_slice %arg2[%add3A_439, %multiple_of3A_437] : memref<2048x9999xf32, #tpu.memory_space<hbm>> -> memref<1x112xf32, #tpu.memory_space<hbm>>
    %dma_wait3A_1761 = tpu.memref_squeeze %dma_wait3A_1760 : memref<1x112xf32, #tpu.memory_space<hbm>> -> memref<112xf32, #tpu.memory_space<hbm>>
    tpu.wait_dma2 semaphore(%arg18 : memref<!tpu.dma_semaphore, #tpu.memory_space<semaphore_mem>>) src(%dma_wait3A_1761 : memref<112xf32, #tpu.memory_space<hbm>>) dst(%dma_wait3A_1759 : memref<112xf32, #tpu.memory_space<vmem>>)
    %dma_wait3A_1762 = arith.constant 20 : i32
    %dma_wait3A_1763 = arith.constant 0 : i32
    %dma_wait3A_1764 = tpu.memref_slice %arg14[%dma_wait3A_1762, %dma_wait3A_1763] : memref<64x112xf32, #tpu.memory_space<vmem>> -> memref<1x112xf32, #tpu.memory_space<vmem>>
    %dma_wait3A_1765 = tpu.memref_squeeze %dma_wait3A_1764 : memref<1x112xf32, #tpu.memory_space<vmem>> -> memref<112xf32, #tpu.memory_space<vmem>>
    %dma_wait3A_1766 = tpu.memref_slice %arg2[%add3A_455, %multiple_of3A_453] : memref<2048x9999xf32, #tpu.memory_space<hbm>> -> memref<1x112xf32, #tpu.memory_space<hbm>>
    %dma_wait3A_1767 = tpu.memref_squeeze %dma_wait3A_1766 : memref<1x112xf32, #tpu.memory_space<hbm>> -> memref<112xf32, #tpu.memory_space<hbm>>
    %dma_wait3A_1768 = arith.constant 0 : i32
    %dma_wait3A_1769 = tpu.memref_slice %arg14[%dma_wait3A_1762, %dma_wait3A_1768] : memref<64x112xf32, #tpu.memory_space<vmem>> -> memref<1x112xf32, #tpu.memory_space<vmem>>
    %dma_wait3A_1770 = tpu.memref_squeeze %dma_wait3A_1769 : memref<1x112xf32, #tpu.memory_space<vmem>> -> memref<112xf32, #tpu.memory_space<vmem>>
    %dma_wait3A_1771 = tpu.memref_slice %arg2[%add3A_455, %multiple_of3A_453] : memref<2048x9999xf32, #tpu.memory_space<hbm>> -> memref<1x112xf32, #tpu.memory_space<hbm>>
    %dma_wait3A_1772 = tpu.memref_squeeze %dma_wait3A_1771 : memref<1x112xf32, #tpu.memory_space<hbm>> -> memref<112xf32, #tpu.memory_space<hbm>>
    tpu.wait_dma2 semaphore(%arg18 : memref<!tpu.dma_semaphore, #tpu.memory_space<semaphore_mem>>) src(%dma_wait3A_1772 : memref<112xf32, #tpu.memory_space<hbm>>) dst(%dma_wait3A_1770 : memref<112xf32, #tpu.memory_space<vmem>>)
    %dma_wait3A_1773 = arith.constant 21 : i32
    %dma_wait3A_1774 = arith.constant 0 : i32
    %dma_wait3A_1775 = tpu.memref_slice %arg14[%dma_wait3A_1773, %dma_wait3A_1774] : memref<64x112xf32, #tpu.memory_space<vmem>> -> memref<1x112xf32, #tpu.memory_space<vmem>>
    %dma_wait3A_1776 = tpu.memref_squeeze %dma_wait3A_1775 : memref<1x112xf32, #tpu.memory_space<vmem>> -> memref<112xf32, #tpu.memory_space<vmem>>
    %dma_wait3A_1777 = tpu.memref_slice %arg2[%add3A_471, %multiple_of3A_469] : memref<2048x9999xf32, #tpu.memory_space<hbm>> -> memref<1x112xf32, #tpu.memory_space<hbm>>
    %dma_wait3A_1778 = tpu.memref_squeeze %dma_wait3A_1777 : memref<1x112xf32, #tpu.memory_space<hbm>> -> memref<112xf32, #tpu.memory_space<hbm>>
    %dma_wait3A_1779 = arith.constant 0 : i32
    %dma_wait3A_1780 = tpu.memref_slice %arg14[%dma_wait3A_1773, %dma_wait3A_1779] : memref<64x112xf32, #tpu.memory_space<vmem>> -> memref<1x112xf32, #tpu.memory_space<vmem>>
    %dma_wait3A_1781 = tpu.memref_squeeze %dma_wait3A_1780 : memref<1x112xf32, #tpu.memory_space<vmem>> -> memref<112xf32, #tpu.memory_space<vmem>>
    %dma_wait3A_1782 = tpu.memref_slice %arg2[%add3A_471, %multiple_of3A_469] : memref<2048x9999xf32, #tpu.memory_space<hbm>> -> memref<1x112xf32, #tpu.memory_space<hbm>>
    %dma_wait3A_1783 = tpu.memref_squeeze %dma_wait3A_1782 : memref<1x112xf32, #tpu.memory_space<hbm>> -> memref<112xf32, #tpu.memory_space<hbm>>
    tpu.wait_dma2 semaphore(%arg18 : memref<!tpu.dma_semaphore, #tpu.memory_space<semaphore_mem>>) src(%dma_wait3A_1783 : memref<112xf32, #tpu.memory_space<hbm>>) dst(%dma_wait3A_1781 : memref<112xf32, #tpu.memory_space<vmem>>)
    %dma_wait3A_1784 = arith.constant 22 : i32
    %dma_wait3A_1785 = arith.constant 0 : i32
    %dma_wait3A_1786 = tpu.memref_slice %arg14[%dma_wait3A_1784, %dma_wait3A_1785] : memref<64x112xf32, #tpu.memory_space<vmem>> -> memref<1x112xf32, #tpu.memory_space<vmem>>
    %dma_wait3A_1787 = tpu.memref_squeeze %dma_wait3A_1786 : memref<1x112xf32, #tpu.memory_space<vmem>> -> memref<112xf32, #tpu.memory_space<vmem>>
    %dma_wait3A_1788 = tpu.memref_slice %arg2[%add3A_487, %multiple_of3A_485] : memref<2048x9999xf32, #tpu.memory_space<hbm>> -> memref<1x112xf32, #tpu.memory_space<hbm>>
    %dma_wait3A_1789 = tpu.memref_squeeze %dma_wait3A_1788 : memref<1x112xf32, #tpu.memory_space<hbm>> -> memref<112xf32, #tpu.memory_space<hbm>>
    %dma_wait3A_1790 = arith.constant 0 : i32
    %dma_wait3A_1791 = tpu.memref_slice %arg14[%dma_wait3A_1784, %dma_wait3A_1790] : memref<64x112xf32, #tpu.memory_space<vmem>> -> memref<1x112xf32, #tpu.memory_space<vmem>>
    %dma_wait3A_1792 = tpu.memref_squeeze %dma_wait3A_1791 : memref<1x112xf32, #tpu.memory_space<vmem>> -> memref<112xf32, #tpu.memory_space<vmem>>
    %dma_wait3A_1793 = tpu.memref_slice %arg2[%add3A_487, %multiple_of3A_485] : memref<2048x9999xf32, #tpu.memory_space<hbm>> -> memref<1x112xf32, #tpu.memory_space<hbm>>
    %dma_wait3A_1794 = tpu.memref_squeeze %dma_wait3A_1793 : memref<1x112xf32, #tpu.memory_space<hbm>> -> memref<112xf32, #tpu.memory_space<hbm>>
    tpu.wait_dma2 semaphore(%arg18 : memref<!tpu.dma_semaphore, #tpu.memory_space<semaphore_mem>>) src(%dma_wait3A_1794 : memref<112xf32, #tpu.memory_space<hbm>>) dst(%dma_wait3A_1792 : memref<112xf32, #tpu.memory_space<vmem>>)
    %dma_wait3A_1795 = arith.constant 23 : i32
    %dma_wait3A_1796 = arith.constant 0 : i32
    %dma_wait3A_1797 = tpu.memref_slice %arg14[%dma_wait3A_1795, %dma_wait3A_1796] : memref<64x112xf32, #tpu.memory_space<vmem>> -> memref<1x112xf32, #tpu.memory_space<vmem>>
    %dma_wait3A_1798 = tpu.memref_squeeze %dma_wait3A_1797 : memref<1x112xf32, #tpu.memory_space<vmem>> -> memref<112xf32, #tpu.memory_space<vmem>>
    %dma_wait3A_1799 = tpu.memref_slice %arg2[%add3A_503, %multiple_of3A_501] : memref<2048x9999xf32, #tpu.memory_space<hbm>> -> memref<1x112xf32, #tpu.memory_space<hbm>>
    %dma_wait3A_1800 = tpu.memref_squeeze %dma_wait3A_1799 : memref<1x112xf32, #tpu.memory_space<hbm>> -> memref<112xf32, #tpu.memory_space<hbm>>
    %dma_wait3A_1801 = arith.constant 0 : i32
    %dma_wait3A_1802 = tpu.memref_slice %arg14[%dma_wait3A_1795, %dma_wait3A_1801] : memref<64x112xf32, #tpu.memory_space<vmem>> -> memref<1x112xf32, #tpu.memory_space<vmem>>
    %dma_wait3A_1803 = tpu.memref_squeeze %dma_wait3A_1802 : memref<1x112xf32, #tpu.memory_space<vmem>> -> memref<112xf32, #tpu.memory_space<vmem>>
    %dma_wait3A_1804 = tpu.memref_slice %arg2[%add3A_503, %multiple_of3A_501] : memref<2048x9999xf32, #tpu.memory_space<hbm>> -> memref<1x112xf32, #tpu.memory_space<hbm>>
    %dma_wait3A_1805 = tpu.memref_squeeze %dma_wait3A_1804 : memref<1x112xf32, #tpu.memory_space<hbm>> -> memref<112xf32, #tpu.memory_space<hbm>>
    tpu.wait_dma2 semaphore(%arg18 : memref<!tpu.dma_semaphore, #tpu.memory_space<semaphore_mem>>) src(%dma_wait3A_1805 : memref<112xf32, #tpu.memory_space<hbm>>) dst(%dma_wait3A_1803 : memref<112xf32, #tpu.memory_space<vmem>>)
    %dma_wait3A_1806 = arith.constant 24 : i32
    %dma_wait3A_1807 = arith.constant 0 : i32
    %dma_wait3A_1808 = tpu.memref_slice %arg14[%dma_wait3A_1806, %dma_wait3A_1807] : memref<64x112xf32, #tpu.memory_space<vmem>> -> memref<1x112xf32, #tpu.memory_space<vmem>>
    %dma_wait3A_1809 = tpu.memref_squeeze %dma_wait3A_1808 : memref<1x112xf32, #tpu.memory_space<vmem>> -> memref<112xf32, #tpu.memory_space<vmem>>
    %dma_wait3A_1810 = tpu.memref_slice %arg2[%add3A_519, %multiple_of3A_517] : memref<2048x9999xf32, #tpu.memory_space<hbm>> -> memref<1x112xf32, #tpu.memory_space<hbm>>
    %dma_wait3A_1811 = tpu.memref_squeeze %dma_wait3A_1810 : memref<1x112xf32, #tpu.memory_space<hbm>> -> memref<112xf32, #tpu.memory_space<hbm>>
    %dma_wait3A_1812 = arith.constant 0 : i32
    %dma_wait3A_1813 = tpu.memref_slice %arg14[%dma_wait3A_1806, %dma_wait3A_1812] : memref<64x112xf32, #tpu.memory_space<vmem>> -> memref<1x112xf32, #tpu.memory_space<vmem>>
    %dma_wait3A_1814 = tpu.memref_squeeze %dma_wait3A_1813 : memref<1x112xf32, #tpu.memory_space<vmem>> -> memref<112xf32, #tpu.memory_space<vmem>>
    %dma_wait3A_1815 = tpu.memref_slice %arg2[%add3A_519, %multiple_of3A_517] : memref<2048x9999xf32, #tpu.memory_space<hbm>> -> memref<1x112xf32, #tpu.memory_space<hbm>>
    %dma_wait3A_1816 = tpu.memref_squeeze %dma_wait3A_1815 : memref<1x112xf32, #tpu.memory_space<hbm>> -> memref<112xf32, #tpu.memory_space<hbm>>
    tpu.wait_dma2 semaphore(%arg18 : memref<!tpu.dma_semaphore, #tpu.memory_space<semaphore_mem>>) src(%dma_wait3A_1816 : memref<112xf32, #tpu.memory_space<hbm>>) dst(%dma_wait3A_1814 : memref<112xf32, #tpu.memory_space<vmem>>)
    %dma_wait3A_1817 = arith.constant 25 : i32
    %dma_wait3A_1818 = arith.constant 0 : i32
    %dma_wait3A_1819 = tpu.memref_slice %arg14[%dma_wait3A_1817, %dma_wait3A_1818] : memref<64x112xf32, #tpu.memory_space<vmem>> -> memref<1x112xf32, #tpu.memory_space<vmem>>
    %dma_wait3A_1820 = tpu.memref_squeeze %dma_wait3A_1819 : memref<1x112xf32, #tpu.memory_space<vmem>> -> memref<112xf32, #tpu.memory_space<vmem>>
    %dma_wait3A_1821 = tpu.memref_slice %arg2[%add3A_535, %multiple_of3A_533] : memref<2048x9999xf32, #tpu.memory_space<hbm>> -> memref<1x112xf32, #tpu.memory_space<hbm>>
    %dma_wait3A_1822 = tpu.memref_squeeze %dma_wait3A_1821 : memref<1x112xf32, #tpu.memory_space<hbm>> -> memref<112xf32, #tpu.memory_space<hbm>>
    %dma_wait3A_1823 = arith.constant 0 : i32
    %dma_wait3A_1824 = tpu.memref_slice %arg14[%dma_wait3A_1817, %dma_wait3A_1823] : memref<64x112xf32, #tpu.memory_space<vmem>> -> memref<1x112xf32, #tpu.memory_space<vmem>>
    %dma_wait3A_1825 = tpu.memref_squeeze %dma_wait3A_1824 : memref<1x112xf32, #tpu.memory_space<vmem>> -> memref<112xf32, #tpu.memory_space<vmem>>
    %dma_wait3A_1826 = tpu.memref_slice %arg2[%add3A_535, %multiple_of3A_533] : memref<2048x9999xf32, #tpu.memory_space<hbm>> -> memref<1x112xf32, #tpu.memory_space<hbm>>
    %dma_wait3A_1827 = tpu.memref_squeeze %dma_wait3A_1826 : memref<1x112xf32, #tpu.memory_space<hbm>> -> memref<112xf32, #tpu.memory_space<hbm>>
    tpu.wait_dma2 semaphore(%arg18 : memref<!tpu.dma_semaphore, #tpu.memory_space<semaphore_mem>>) src(%dma_wait3A_1827 : memref<112xf32, #tpu.memory_space<hbm>>) dst(%dma_wait3A_1825 : memref<112xf32, #tpu.memory_space<vmem>>)
    %dma_wait3A_1828 = arith.constant 26 : i32
    %dma_wait3A_1829 = arith.constant 0 : i32
    %dma_wait3A_1830 = tpu.memref_slice %arg14[%dma_wait3A_1828, %dma_wait3A_1829] : memref<64x112xf32, #tpu.memory_space<vmem>> -> memref<1x112xf32, #tpu.memory_space<vmem>>
    %dma_wait3A_1831 = tpu.memref_squeeze %dma_wait3A_1830 : memref<1x112xf32, #tpu.memory_space<vmem>> -> memref<112xf32, #tpu.memory_space<vmem>>
    %dma_wait3A_1832 = tpu.memref_slice %arg2[%add3A_551, %multiple_of3A_549] : memref<2048x9999xf32, #tpu.memory_space<hbm>> -> memref<1x112xf32, #tpu.memory_space<hbm>>
    %dma_wait3A_1833 = tpu.memref_squeeze %dma_wait3A_1832 : memref<1x112xf32, #tpu.memory_space<hbm>> -> memref<112xf32, #tpu.memory_space<hbm>>
    %dma_wait3A_1834 = arith.constant 0 : i32
    %dma_wait3A_1835 = tpu.memref_slice %arg14[%dma_wait3A_1828, %dma_wait3A_1834] : memref<64x112xf32, #tpu.memory_space<vmem>> -> memref<1x112xf32, #tpu.memory_space<vmem>>
    %dma_wait3A_1836 = tpu.memref_squeeze %dma_wait3A_1835 : memref<1x112xf32, #tpu.memory_space<vmem>> -> memref<112xf32, #tpu.memory_space<vmem>>
    %dma_wait3A_1837 = tpu.memref_slice %arg2[%add3A_551, %multiple_of3A_549] : memref<2048x9999xf32, #tpu.memory_space<hbm>> -> memref<1x112xf32, #tpu.memory_space<hbm>>
    %dma_wait3A_1838 = tpu.memref_squeeze %dma_wait3A_1837 : memref<1x112xf32, #tpu.memory_space<hbm>> -> memref<112xf32, #tpu.memory_space<hbm>>
    tpu.wait_dma2 semaphore(%arg18 : memref<!tpu.dma_semaphore, #tpu.memory_space<semaphore_mem>>) src(%dma_wait3A_1838 : memref<112xf32, #tpu.memory_space<hbm>>) dst(%dma_wait3A_1836 : memref<112xf32, #tpu.memory_space<vmem>>)
    %dma_wait3A_1839 = arith.constant 27 : i32
    %dma_wait3A_1840 = arith.constant 0 : i32
    %dma_wait3A_1841 = tpu.memref_slice %arg14[%dma_wait3A_1839, %dma_wait3A_1840] : memref<64x112xf32, #tpu.memory_space<vmem>> -> memref<1x112xf32, #tpu.memory_space<vmem>>
    %dma_wait3A_1842 = tpu.memref_squeeze %dma_wait3A_1841 : memref<1x112xf32, #tpu.memory_space<vmem>> -> memref<112xf32, #tpu.memory_space<vmem>>
    %dma_wait3A_1843 = tpu.memref_slice %arg2[%add3A_567, %multiple_of3A_565] : memref<2048x9999xf32, #tpu.memory_space<hbm>> -> memref<1x112xf32, #tpu.memory_space<hbm>>
    %dma_wait3A_1844 = tpu.memref_squeeze %dma_wait3A_1843 : memref<1x112xf32, #tpu.memory_space<hbm>> -> memref<112xf32, #tpu.memory_space<hbm>>
    %dma_wait3A_1845 = arith.constant 0 : i32
    %dma_wait3A_1846 = tpu.memref_slice %arg14[%dma_wait3A_1839, %dma_wait3A_1845] : memref<64x112xf32, #tpu.memory_space<vmem>> -> memref<1x112xf32, #tpu.memory_space<vmem>>
    %dma_wait3A_1847 = tpu.memref_squeeze %dma_wait3A_1846 : memref<1x112xf32, #tpu.memory_space<vmem>> -> memref<112xf32, #tpu.memory_space<vmem>>
    %dma_wait3A_1848 = tpu.memref_slice %arg2[%add3A_567, %multiple_of3A_565] : memref<2048x9999xf32, #tpu.memory_space<hbm>> -> memref<1x112xf32, #tpu.memory_space<hbm>>
    %dma_wait3A_1849 = tpu.memref_squeeze %dma_wait3A_1848 : memref<1x112xf32, #tpu.memory_space<hbm>> -> memref<112xf32, #tpu.memory_space<hbm>>
    tpu.wait_dma2 semaphore(%arg18 : memref<!tpu.dma_semaphore, #tpu.memory_space<semaphore_mem>>) src(%dma_wait3A_1849 : memref<112xf32, #tpu.memory_space<hbm>>) dst(%dma_wait3A_1847 : memref<112xf32, #tpu.memory_space<vmem>>)
    %dma_wait3A_1850 = arith.constant 28 : i32
    %dma_wait3A_1851 = arith.constant 0 : i32
    %dma_wait3A_1852 = tpu.memref_slice %arg14[%dma_wait3A_1850, %dma_wait3A_1851] : memref<64x112xf32, #tpu.memory_space<vmem>> -> memref<1x112xf32, #tpu.memory_space<vmem>>
    %dma_wait3A_1853 = tpu.memref_squeeze %dma_wait3A_1852 : memref<1x112xf32, #tpu.memory_space<vmem>> -> memref<112xf32, #tpu.memory_space<vmem>>
    %dma_wait3A_1854 = tpu.memref_slice %arg2[%add3A_583, %multiple_of3A_581] : memref<2048x9999xf32, #tpu.memory_space<hbm>> -> memref<1x112xf32, #tpu.memory_space<hbm>>
    %dma_wait3A_1855 = tpu.memref_squeeze %dma_wait3A_1854 : memref<1x112xf32, #tpu.memory_space<hbm>> -> memref<112xf32, #tpu.memory_space<hbm>>
    %dma_wait3A_1856 = arith.constant 0 : i32
    %dma_wait3A_1857 = tpu.memref_slice %arg14[%dma_wait3A_1850, %dma_wait3A_1856] : memref<64x112xf32, #tpu.memory_space<vmem>> -> memref<1x112xf32, #tpu.memory_space<vmem>>
    %dma_wait3A_1858 = tpu.memref_squeeze %dma_wait3A_1857 : memref<1x112xf32, #tpu.memory_space<vmem>> -> memref<112xf32, #tpu.memory_space<vmem>>
    %dma_wait3A_1859 = tpu.memref_slice %arg2[%add3A_583, %multiple_of3A_581] : memref<2048x9999xf32, #tpu.memory_space<hbm>> -> memref<1x112xf32, #tpu.memory_space<hbm>>
    %dma_wait3A_1860 = tpu.memref_squeeze %dma_wait3A_1859 : memref<1x112xf32, #tpu.memory_space<hbm>> -> memref<112xf32, #tpu.memory_space<hbm>>
    tpu.wait_dma2 semaphore(%arg18 : memref<!tpu.dma_semaphore, #tpu.memory_space<semaphore_mem>>) src(%dma_wait3A_1860 : memref<112xf32, #tpu.memory_space<hbm>>) dst(%dma_wait3A_1858 : memref<112xf32, #tpu.memory_space<vmem>>)
    %dma_wait3A_1861 = arith.constant 29 : i32
    %dma_wait3A_1862 = arith.constant 0 : i32
    %dma_wait3A_1863 = tpu.memref_slice %arg14[%dma_wait3A_1861, %dma_wait3A_1862] : memref<64x112xf32, #tpu.memory_space<vmem>> -> memref<1x112xf32, #tpu.memory_space<vmem>>
    %dma_wait3A_1864 = tpu.memref_squeeze %dma_wait3A_1863 : memref<1x112xf32, #tpu.memory_space<vmem>> -> memref<112xf32, #tpu.memory_space<vmem>>
    %dma_wait3A_1865 = tpu.memref_slice %arg2[%add3A_599, %multiple_of3A_597] : memref<2048x9999xf32, #tpu.memory_space<hbm>> -> memref<1x112xf32, #tpu.memory_space<hbm>>
    %dma_wait3A_1866 = tpu.memref_squeeze %dma_wait3A_1865 : memref<1x112xf32, #tpu.memory_space<hbm>> -> memref<112xf32, #tpu.memory_space<hbm>>
    %dma_wait3A_1867 = arith.constant 0 : i32
    %dma_wait3A_1868 = tpu.memref_slice %arg14[%dma_wait3A_1861, %dma_wait3A_1867] : memref<64x112xf32, #tpu.memory_space<vmem>> -> memref<1x112xf32, #tpu.memory_space<vmem>>
    %dma_wait3A_1869 = tpu.memref_squeeze %dma_wait3A_1868 : memref<1x112xf32, #tpu.memory_space<vmem>> -> memref<112xf32, #tpu.memory_space<vmem>>
    %dma_wait3A_1870 = tpu.memref_slice %arg2[%add3A_599, %multiple_of3A_597] : memref<2048x9999xf32, #tpu.memory_space<hbm>> -> memref<1x112xf32, #tpu.memory_space<hbm>>
    %dma_wait3A_1871 = tpu.memref_squeeze %dma_wait3A_1870 : memref<1x112xf32, #tpu.memory_space<hbm>> -> memref<112xf32, #tpu.memory_space<hbm>>
    tpu.wait_dma2 semaphore(%arg18 : memref<!tpu.dma_semaphore, #tpu.memory_space<semaphore_mem>>) src(%dma_wait3A_1871 : memref<112xf32, #tpu.memory_space<hbm>>) dst(%dma_wait3A_1869 : memref<112xf32, #tpu.memory_space<vmem>>)
    %dma_wait3A_1872 = arith.constant 30 : i32
    %dma_wait3A_1873 = arith.constant 0 : i32
    %dma_wait3A_1874 = tpu.memref_slice %arg14[%dma_wait3A_1872, %dma_wait3A_1873] : memref<64x112xf32, #tpu.memory_space<vmem>> -> memref<1x112xf32, #tpu.memory_space<vmem>>
    %dma_wait3A_1875 = tpu.memref_squeeze %dma_wait3A_1874 : memref<1x112xf32, #tpu.memory_space<vmem>> -> memref<112xf32, #tpu.memory_space<vmem>>
    %dma_wait3A_1876 = tpu.memref_slice %arg2[%add3A_615, %multiple_of3A_613] : memref<2048x9999xf32, #tpu.memory_space<hbm>> -> memref<1x112xf32, #tpu.memory_space<hbm>>
    %dma_wait3A_1877 = tpu.memref_squeeze %dma_wait3A_1876 : memref<1x112xf32, #tpu.memory_space<hbm>> -> memref<112xf32, #tpu.memory_space<hbm>>
    %dma_wait3A_1878 = arith.constant 0 : i32
    %dma_wait3A_1879 = tpu.memref_slice %arg14[%dma_wait3A_1872, %dma_wait3A_1878] : memref<64x112xf32, #tpu.memory_space<vmem>> -> memref<1x112xf32, #tpu.memory_space<vmem>>
    %dma_wait3A_1880 = tpu.memref_squeeze %dma_wait3A_1879 : memref<1x112xf32, #tpu.memory_space<vmem>> -> memref<112xf32, #tpu.memory_space<vmem>>
    %dma_wait3A_1881 = tpu.memref_slice %arg2[%add3A_615, %multiple_of3A_613] : memref<2048x9999xf32, #tpu.memory_space<hbm>> -> memref<1x112xf32, #tpu.memory_space<hbm>>
    %dma_wait3A_1882 = tpu.memref_squeeze %dma_wait3A_1881 : memref<1x112xf32, #tpu.memory_space<hbm>> -> memref<112xf32, #tpu.memory_space<hbm>>
    tpu.wait_dma2 semaphore(%arg18 : memref<!tpu.dma_semaphore, #tpu.memory_space<semaphore_mem>>) src(%dma_wait3A_1882 : memref<112xf32, #tpu.memory_space<hbm>>) dst(%dma_wait3A_1880 : memref<112xf32, #tpu.memory_space<vmem>>)
    %dma_wait3A_1883 = arith.constant 31 : i32
    %dma_wait3A_1884 = arith.constant 0 : i32
    %dma_wait3A_1885 = tpu.memref_slice %arg14[%dma_wait3A_1883, %dma_wait3A_1884] : memref<64x112xf32, #tpu.memory_space<vmem>> -> memref<1x112xf32, #tpu.memory_space<vmem>>
    %dma_wait3A_1886 = tpu.memref_squeeze %dma_wait3A_1885 : memref<1x112xf32, #tpu.memory_space<vmem>> -> memref<112xf32, #tpu.memory_space<vmem>>
    %dma_wait3A_1887 = tpu.memref_slice %arg2[%add3A_631, %multiple_of3A_629] : memref<2048x9999xf32, #tpu.memory_space<hbm>> -> memref<1x112xf32, #tpu.memory_space<hbm>>
    %dma_wait3A_1888 = tpu.memref_squeeze %dma_wait3A_1887 : memref<1x112xf32, #tpu.memory_space<hbm>> -> memref<112xf32, #tpu.memory_space<hbm>>
    %dma_wait3A_1889 = arith.constant 0 : i32
    %dma_wait3A_1890 = tpu.memref_slice %arg14[%dma_wait3A_1883, %dma_wait3A_1889] : memref<64x112xf32, #tpu.memory_space<vmem>> -> memref<1x112xf32, #tpu.memory_space<vmem>>
    %dma_wait3A_1891 = tpu.memref_squeeze %dma_wait3A_1890 : memref<1x112xf32, #tpu.memory_space<vmem>> -> memref<112xf32, #tpu.memory_space<vmem>>
    %dma_wait3A_1892 = tpu.memref_slice %arg2[%add3A_631, %multiple_of3A_629] : memref<2048x9999xf32, #tpu.memory_space<hbm>> -> memref<1x112xf32, #tpu.memory_space<hbm>>
    %dma_wait3A_1893 = tpu.memref_squeeze %dma_wait3A_1892 : memref<1x112xf32, #tpu.memory_space<hbm>> -> memref<112xf32, #tpu.memory_space<hbm>>
    tpu.wait_dma2 semaphore(%arg18 : memref<!tpu.dma_semaphore, #tpu.memory_space<semaphore_mem>>) src(%dma_wait3A_1893 : memref<112xf32, #tpu.memory_space<hbm>>) dst(%dma_wait3A_1891 : memref<112xf32, #tpu.memory_space<vmem>>)
    %dma_wait3A_1894 = arith.constant 32 : i32
    %dma_wait3A_1895 = arith.constant 0 : i32
    %dma_wait3A_1896 = tpu.memref_slice %arg14[%dma_wait3A_1894, %dma_wait3A_1895] : memref<64x112xf32, #tpu.memory_space<vmem>> -> memref<1x112xf32, #tpu.memory_space<vmem>>
    %dma_wait3A_1897 = tpu.memref_squeeze %dma_wait3A_1896 : memref<1x112xf32, #tpu.memory_space<vmem>> -> memref<112xf32, #tpu.memory_space<vmem>>
    %dma_wait3A_1898 = tpu.memref_slice %arg2[%add3A_661, %multiple_of3A_659] : memref<2048x9999xf32, #tpu.memory_space<hbm>> -> memref<1x112xf32, #tpu.memory_space<hbm>>
    %dma_wait3A_1899 = tpu.memref_squeeze %dma_wait3A_1898 : memref<1x112xf32, #tpu.memory_space<hbm>> -> memref<112xf32, #tpu.memory_space<hbm>>
    %dma_wait3A_1900 = arith.constant 0 : i32
    %dma_wait3A_1901 = tpu.memref_slice %arg14[%dma_wait3A_1894, %dma_wait3A_1900] : memref<64x112xf32, #tpu.memory_space<vmem>> -> memref<1x112xf32, #tpu.memory_space<vmem>>
    %dma_wait3A_1902 = tpu.memref_squeeze %dma_wait3A_1901 : memref<1x112xf32, #tpu.memory_space<vmem>> -> memref<112xf32, #tpu.memory_space<vmem>>
    %dma_wait3A_1903 = tpu.memref_slice %arg2[%add3A_661, %multiple_of3A_659] : memref<2048x9999xf32, #tpu.memory_space<hbm>> -> memref<1x112xf32, #tpu.memory_space<hbm>>
    %dma_wait3A_1904 = tpu.memref_squeeze %dma_wait3A_1903 : memref<1x112xf32, #tpu.memory_space<hbm>> -> memref<112xf32, #tpu.memory_space<hbm>>
    tpu.wait_dma2 semaphore(%arg18 : memref<!tpu.dma_semaphore, #tpu.memory_space<semaphore_mem>>) src(%dma_wait3A_1904 : memref<112xf32, #tpu.memory_space<hbm>>) dst(%dma_wait3A_1902 : memref<112xf32, #tpu.memory_space<vmem>>)
    %dma_wait3A_1905 = arith.constant 33 : i32
    %dma_wait3A_1906 = arith.constant 0 : i32
    %dma_wait3A_1907 = tpu.memref_slice %arg14[%dma_wait3A_1905, %dma_wait3A_1906] : memref<64x112xf32, #tpu.memory_space<vmem>> -> memref<1x112xf32, #tpu.memory_space<vmem>>
    %dma_wait3A_1908 = tpu.memref_squeeze %dma_wait3A_1907 : memref<1x112xf32, #tpu.memory_space<vmem>> -> memref<112xf32, #tpu.memory_space<vmem>>
    %dma_wait3A_1909 = tpu.memref_slice %arg2[%add3A_677, %multiple_of3A_675] : memref<2048x9999xf32, #tpu.memory_space<hbm>> -> memref<1x112xf32, #tpu.memory_space<hbm>>
    %dma_wait3A_1910 = tpu.memref_squeeze %dma_wait3A_1909 : memref<1x112xf32, #tpu.memory_space<hbm>> -> memref<112xf32, #tpu.memory_space<hbm>>
    %dma_wait3A_1911 = arith.constant 0 : i32
    %dma_wait3A_1912 = tpu.memref_slice %arg14[%dma_wait3A_1905, %dma_wait3A_1911] : memref<64x112xf32, #tpu.memory_space<vmem>> -> memref<1x112xf32, #tpu.memory_space<vmem>>
    %dma_wait3A_1913 = tpu.memref_squeeze %dma_wait3A_1912 : memref<1x112xf32, #tpu.memory_space<vmem>> -> memref<112xf32, #tpu.memory_space<vmem>>
    %dma_wait3A_1914 = tpu.memref_slice %arg2[%add3A_677, %multiple_of3A_675] : memref<2048x9999xf32, #tpu.memory_space<hbm>> -> memref<1x112xf32, #tpu.memory_space<hbm>>
    %dma_wait3A_1915 = tpu.memref_squeeze %dma_wait3A_1914 : memref<1x112xf32, #tpu.memory_space<hbm>> -> memref<112xf32, #tpu.memory_space<hbm>>
    tpu.wait_dma2 semaphore(%arg18 : memref<!tpu.dma_semaphore, #tpu.memory_space<semaphore_mem>>) src(%dma_wait3A_1915 : memref<112xf32, #tpu.memory_space<hbm>>) dst(%dma_wait3A_1913 : memref<112xf32, #tpu.memory_space<vmem>>)
    %dma_wait3A_1916 = arith.constant 34 : i32
    %dma_wait3A_1917 = arith.constant 0 : i32
    %dma_wait3A_1918 = tpu.memref_slice %arg14[%dma_wait3A_1916, %dma_wait3A_1917] : memref<64x112xf32, #tpu.memory_space<vmem>> -> memref<1x112xf32, #tpu.memory_space<vmem>>
    %dma_wait3A_1919 = tpu.memref_squeeze %dma_wait3A_1918 : memref<1x112xf32, #tpu.memory_space<vmem>> -> memref<112xf32, #tpu.memory_space<vmem>>
    %dma_wait3A_1920 = tpu.memref_slice %arg2[%add3A_693, %multiple_of3A_691] : memref<2048x9999xf32, #tpu.memory_space<hbm>> -> memref<1x112xf32, #tpu.memory_space<hbm>>
    %dma_wait3A_1921 = tpu.memref_squeeze %dma_wait3A_1920 : memref<1x112xf32, #tpu.memory_space<hbm>> -> memref<112xf32, #tpu.memory_space<hbm>>
    %dma_wait3A_1922 = arith.constant 0 : i32
    %dma_wait3A_1923 = tpu.memref_slice %arg14[%dma_wait3A_1916, %dma_wait3A_1922] : memref<64x112xf32, #tpu.memory_space<vmem>> -> memref<1x112xf32, #tpu.memory_space<vmem>>
    %dma_wait3A_1924 = tpu.memref_squeeze %dma_wait3A_1923 : memref<1x112xf32, #tpu.memory_space<vmem>> -> memref<112xf32, #tpu.memory_space<vmem>>
    %dma_wait3A_1925 = tpu.memref_slice %arg2[%add3A_693, %multiple_of3A_691] : memref<2048x9999xf32, #tpu.memory_space<hbm>> -> memref<1x112xf32, #tpu.memory_space<hbm>>
    %dma_wait3A_1926 = tpu.memref_squeeze %dma_wait3A_1925 : memref<1x112xf32, #tpu.memory_space<hbm>> -> memref<112xf32, #tpu.memory_space<hbm>>
    tpu.wait_dma2 semaphore(%arg18 : memref<!tpu.dma_semaphore, #tpu.memory_space<semaphore_mem>>) src(%dma_wait3A_1926 : memref<112xf32, #tpu.memory_space<hbm>>) dst(%dma_wait3A_1924 : memref<112xf32, #tpu.memory_space<vmem>>)
    %dma_wait3A_1927 = arith.constant 35 : i32
    %dma_wait3A_1928 = arith.constant 0 : i32
    %dma_wait3A_1929 = tpu.memref_slice %arg14[%dma_wait3A_1927, %dma_wait3A_1928] : memref<64x112xf32, #tpu.memory_space<vmem>> -> memref<1x112xf32, #tpu.memory_space<vmem>>
    %dma_wait3A_1930 = tpu.memref_squeeze %dma_wait3A_1929 : memref<1x112xf32, #tpu.memory_space<vmem>> -> memref<112xf32, #tpu.memory_space<vmem>>
    %dma_wait3A_1931 = tpu.memref_slice %arg2[%add3A_709, %multiple_of3A_707] : memref<2048x9999xf32, #tpu.memory_space<hbm>> -> memref<1x112xf32, #tpu.memory_space<hbm>>
    %dma_wait3A_1932 = tpu.memref_squeeze %dma_wait3A_1931 : memref<1x112xf32, #tpu.memory_space<hbm>> -> memref<112xf32, #tpu.memory_space<hbm>>
    %dma_wait3A_1933 = arith.constant 0 : i32
    %dma_wait3A_1934 = tpu.memref_slice %arg14[%dma_wait3A_1927, %dma_wait3A_1933] : memref<64x112xf32, #tpu.memory_space<vmem>> -> memref<1x112xf32, #tpu.memory_space<vmem>>
    %dma_wait3A_1935 = tpu.memref_squeeze %dma_wait3A_1934 : memref<1x112xf32, #tpu.memory_space<vmem>> -> memref<112xf32, #tpu.memory_space<vmem>>
    %dma_wait3A_1936 = tpu.memref_slice %arg2[%add3A_709, %multiple_of3A_707] : memref<2048x9999xf32, #tpu.memory_space<hbm>> -> memref<1x112xf32, #tpu.memory_space<hbm>>
    %dma_wait3A_1937 = tpu.memref_squeeze %dma_wait3A_1936 : memref<1x112xf32, #tpu.memory_space<hbm>> -> memref<112xf32, #tpu.memory_space<hbm>>
    tpu.wait_dma2 semaphore(%arg18 : memref<!tpu.dma_semaphore, #tpu.memory_space<semaphore_mem>>) src(%dma_wait3A_1937 : memref<112xf32, #tpu.memory_space<hbm>>) dst(%dma_wait3A_1935 : memref<112xf32, #tpu.memory_space<vmem>>)
    %dma_wait3A_1938 = arith.constant 36 : i32
    %dma_wait3A_1939 = arith.constant 0 : i32
    %dma_wait3A_1940 = tpu.memref_slice %arg14[%dma_wait3A_1938, %dma_wait3A_1939] : memref<64x112xf32, #tpu.memory_space<vmem>> -> memref<1x112xf32, #tpu.memory_space<vmem>>
    %dma_wait3A_1941 = tpu.memref_squeeze %dma_wait3A_1940 : memref<1x112xf32, #tpu.memory_space<vmem>> -> memref<112xf32, #tpu.memory_space<vmem>>
    %dma_wait3A_1942 = tpu.memref_slice %arg2[%add3A_725, %multiple_of3A_723] : memref<2048x9999xf32, #tpu.memory_space<hbm>> -> memref<1x112xf32, #tpu.memory_space<hbm>>
    %dma_wait3A_1943 = tpu.memref_squeeze %dma_wait3A_1942 : memref<1x112xf32, #tpu.memory_space<hbm>> -> memref<112xf32, #tpu.memory_space<hbm>>
    %dma_wait3A_1944 = arith.constant 0 : i32
    %dma_wait3A_1945 = tpu.memref_slice %arg14[%dma_wait3A_1938, %dma_wait3A_1944] : memref<64x112xf32, #tpu.memory_space<vmem>> -> memref<1x112xf32, #tpu.memory_space<vmem>>
    %dma_wait3A_1946 = tpu.memref_squeeze %dma_wait3A_1945 : memref<1x112xf32, #tpu.memory_space<vmem>> -> memref<112xf32, #tpu.memory_space<vmem>>
    %dma_wait3A_1947 = tpu.memref_slice %arg2[%add3A_725, %multiple_of3A_723] : memref<2048x9999xf32, #tpu.memory_space<hbm>> -> memref<1x112xf32, #tpu.memory_space<hbm>>
    %dma_wait3A_1948 = tpu.memref_squeeze %dma_wait3A_1947 : memref<1x112xf32, #tpu.memory_space<hbm>> -> memref<112xf32, #tpu.memory_space<hbm>>
    tpu.wait_dma2 semaphore(%arg18 : memref<!tpu.dma_semaphore, #tpu.memory_space<semaphore_mem>>) src(%dma_wait3A_1948 : memref<112xf32, #tpu.memory_space<hbm>>) dst(%dma_wait3A_1946 : memref<112xf32, #tpu.memory_space<vmem>>)
    %dma_wait3A_1949 = arith.constant 37 : i32
    %dma_wait3A_1950 = arith.constant 0 : i32
    %dma_wait3A_1951 = tpu.memref_slice %arg14[%dma_wait3A_1949, %dma_wait3A_1950] : memref<64x112xf32, #tpu.memory_space<vmem>> -> memref<1x112xf32, #tpu.memory_space<vmem>>
    %dma_wait3A_1952 = tpu.memref_squeeze %dma_wait3A_1951 : memref<1x112xf32, #tpu.memory_space<vmem>> -> memref<112xf32, #tpu.memory_space<vmem>>
    %dma_wait3A_1953 = tpu.memref_slice %arg2[%add3A_741, %multiple_of3A_739] : memref<2048x9999xf32, #tpu.memory_space<hbm>> -> memref<1x112xf32, #tpu.memory_space<hbm>>
    %dma_wait3A_1954 = tpu.memref_squeeze %dma_wait3A_1953 : memref<1x112xf32, #tpu.memory_space<hbm>> -> memref<112xf32, #tpu.memory_space<hbm>>
    %dma_wait3A_1955 = arith.constant 0 : i32
    %dma_wait3A_1956 = tpu.memref_slice %arg14[%dma_wait3A_1949, %dma_wait3A_1955] : memref<64x112xf32, #tpu.memory_space<vmem>> -> memref<1x112xf32, #tpu.memory_space<vmem>>
    %dma_wait3A_1957 = tpu.memref_squeeze %dma_wait3A_1956 : memref<1x112xf32, #tpu.memory_space<vmem>> -> memref<112xf32, #tpu.memory_space<vmem>>
    %dma_wait3A_1958 = tpu.memref_slice %arg2[%add3A_741, %multiple_of3A_739] : memref<2048x9999xf32, #tpu.memory_space<hbm>> -> memref<1x112xf32, #tpu.memory_space<hbm>>
    %dma_wait3A_1959 = tpu.memref_squeeze %dma_wait3A_1958 : memref<1x112xf32, #tpu.memory_space<hbm>> -> memref<112xf32, #tpu.memory_space<hbm>>
    tpu.wait_dma2 semaphore(%arg18 : memref<!tpu.dma_semaphore, #tpu.memory_space<semaphore_mem>>) src(%dma_wait3A_1959 : memref<112xf32, #tpu.memory_space<hbm>>) dst(%dma_wait3A_1957 : memref<112xf32, #tpu.memory_space<vmem>>)
    %dma_wait3A_1960 = arith.constant 38 : i32
    %dma_wait3A_1961 = arith.constant 0 : i32
    %dma_wait3A_1962 = tpu.memref_slice %arg14[%dma_wait3A_1960, %dma_wait3A_1961] : memref<64x112xf32, #tpu.memory_space<vmem>> -> memref<1x112xf32, #tpu.memory_space<vmem>>
    %dma_wait3A_1963 = tpu.memref_squeeze %dma_wait3A_1962 : memref<1x112xf32, #tpu.memory_space<vmem>> -> memref<112xf32, #tpu.memory_space<vmem>>
    %dma_wait3A_1964 = tpu.memref_slice %arg2[%add3A_757, %multiple_of3A_755] : memref<2048x9999xf32, #tpu.memory_space<hbm>> -> memref<1x112xf32, #tpu.memory_space<hbm>>
    %dma_wait3A_1965 = tpu.memref_squeeze %dma_wait3A_1964 : memref<1x112xf32, #tpu.memory_space<hbm>> -> memref<112xf32, #tpu.memory_space<hbm>>
    %dma_wait3A_1966 = arith.constant 0 : i32
    %dma_wait3A_1967 = tpu.memref_slice %arg14[%dma_wait3A_1960, %dma_wait3A_1966] : memref<64x112xf32, #tpu.memory_space<vmem>> -> memref<1x112xf32, #tpu.memory_space<vmem>>
    %dma_wait3A_1968 = tpu.memref_squeeze %dma_wait3A_1967 : memref<1x112xf32, #tpu.memory_space<vmem>> -> memref<112xf32, #tpu.memory_space<vmem>>
    %dma_wait3A_1969 = tpu.memref_slice %arg2[%add3A_757, %multiple_of3A_755] : memref<2048x9999xf32, #tpu.memory_space<hbm>> -> memref<1x112xf32, #tpu.memory_space<hbm>>
    %dma_wait3A_1970 = tpu.memref_squeeze %dma_wait3A_1969 : memref<1x112xf32, #tpu.memory_space<hbm>> -> memref<112xf32, #tpu.memory_space<hbm>>
    tpu.wait_dma2 semaphore(%arg18 : memref<!tpu.dma_semaphore, #tpu.memory_space<semaphore_mem>>) src(%dma_wait3A_1970 : memref<112xf32, #tpu.memory_space<hbm>>) dst(%dma_wait3A_1968 : memref<112xf32, #tpu.memory_space<vmem>>)
    %dma_wait3A_1971 = arith.constant 39 : i32
    %dma_wait3A_1972 = arith.constant 0 : i32
    %dma_wait3A_1973 = tpu.memref_slice %arg14[%dma_wait3A_1971, %dma_wait3A_1972] : memref<64x112xf32, #tpu.memory_space<vmem>> -> memref<1x112xf32, #tpu.memory_space<vmem>>
    %dma_wait3A_1974 = tpu.memref_squeeze %dma_wait3A_1973 : memref<1x112xf32, #tpu.memory_space<vmem>> -> memref<112xf32, #tpu.memory_space<vmem>>
    %dma_wait3A_1975 = tpu.memref_slice %arg2[%add3A_773, %multiple_of3A_771] : memref<2048x9999xf32, #tpu.memory_space<hbm>> -> memref<1x112xf32, #tpu.memory_space<hbm>>
    %dma_wait3A_1976 = tpu.memref_squeeze %dma_wait3A_1975 : memref<1x112xf32, #tpu.memory_space<hbm>> -> memref<112xf32, #tpu.memory_space<hbm>>
    %dma_wait3A_1977 = arith.constant 0 : i32
    %dma_wait3A_1978 = tpu.memref_slice %arg14[%dma_wait3A_1971, %dma_wait3A_1977] : memref<64x112xf32, #tpu.memory_space<vmem>> -> memref<1x112xf32, #tpu.memory_space<vmem>>
    %dma_wait3A_1979 = tpu.memref_squeeze %dma_wait3A_1978 : memref<1x112xf32, #tpu.memory_space<vmem>> -> memref<112xf32, #tpu.memory_space<vmem>>
    %dma_wait3A_1980 = tpu.memref_slice %arg2[%add3A_773, %multiple_of3A_771] : memref<2048x9999xf32, #tpu.memory_space<hbm>> -> memref<1x112xf32, #tpu.memory_space<hbm>>
    %dma_wait3A_1981 = tpu.memref_squeeze %dma_wait3A_1980 : memref<1x112xf32, #tpu.memory_space<hbm>> -> memref<112xf32, #tpu.memory_space<hbm>>
    tpu.wait_dma2 semaphore(%arg18 : memref<!tpu.dma_semaphore, #tpu.memory_space<semaphore_mem>>) src(%dma_wait3A_1981 : memref<112xf32, #tpu.memory_space<hbm>>) dst(%dma_wait3A_1979 : memref<112xf32, #tpu.memory_space<vmem>>)
    %dma_wait3A_1982 = arith.constant 40 : i32
    %dma_wait3A_1983 = arith.constant 0 : i32
    %dma_wait3A_1984 = tpu.memref_slice %arg14[%dma_wait3A_1982, %dma_wait3A_1983] : memref<64x112xf32, #tpu.memory_space<vmem>> -> memref<1x112xf32, #tpu.memory_space<vmem>>
    %dma_wait3A_1985 = tpu.memref_squeeze %dma_wait3A_1984 : memref<1x112xf32, #tpu.memory_space<vmem>> -> memref<112xf32, #tpu.memory_space<vmem>>
    %dma_wait3A_1986 = tpu.memref_slice %arg2[%add3A_789, %multiple_of3A_787] : memref<2048x9999xf32, #tpu.memory_space<hbm>> -> memref<1x112xf32, #tpu.memory_space<hbm>>
    %dma_wait3A_1987 = tpu.memref_squeeze %dma_wait3A_1986 : memref<1x112xf32, #tpu.memory_space<hbm>> -> memref<112xf32, #tpu.memory_space<hbm>>
    %dma_wait3A_1988 = arith.constant 0 : i32
    %dma_wait3A_1989 = tpu.memref_slice %arg14[%dma_wait3A_1982, %dma_wait3A_1988] : memref<64x112xf32, #tpu.memory_space<vmem>> -> memref<1x112xf32, #tpu.memory_space<vmem>>
    %dma_wait3A_1990 = tpu.memref_squeeze %dma_wait3A_1989 : memref<1x112xf32, #tpu.memory_space<vmem>> -> memref<112xf32, #tpu.memory_space<vmem>>
    %dma_wait3A_1991 = tpu.memref_slice %arg2[%add3A_789, %multiple_of3A_787] : memref<2048x9999xf32, #tpu.memory_space<hbm>> -> memref<1x112xf32, #tpu.memory_space<hbm>>
    %dma_wait3A_1992 = tpu.memref_squeeze %dma_wait3A_1991 : memref<1x112xf32, #tpu.memory_space<hbm>> -> memref<112xf32, #tpu.memory_space<hbm>>
    tpu.wait_dma2 semaphore(%arg18 : memref<!tpu.dma_semaphore, #tpu.memory_space<semaphore_mem>>) src(%dma_wait3A_1992 : memref<112xf32, #tpu.memory_space<hbm>>) dst(%dma_wait3A_1990 : memref<112xf32, #tpu.memory_space<vmem>>)
    %dma_wait3A_1993 = arith.constant 41 : i32
    %dma_wait3A_1994 = arith.constant 0 : i32
    %dma_wait3A_1995 = tpu.memref_slice %arg14[%dma_wait3A_1993, %dma_wait3A_1994] : memref<64x112xf32, #tpu.memory_space<vmem>> -> memref<1x112xf32, #tpu.memory_space<vmem>>
    %dma_wait3A_1996 = tpu.memref_squeeze %dma_wait3A_1995 : memref<1x112xf32, #tpu.memory_space<vmem>> -> memref<112xf32, #tpu.memory_space<vmem>>
    %dma_wait3A_1997 = tpu.memref_slice %arg2[%add3A_805, %multiple_of3A_803] : memref<2048x9999xf32, #tpu.memory_space<hbm>> -> memref<1x112xf32, #tpu.memory_space<hbm>>
    %dma_wait3A_1998 = tpu.memref_squeeze %dma_wait3A_1997 : memref<1x112xf32, #tpu.memory_space<hbm>> -> memref<112xf32, #tpu.memory_space<hbm>>
    %dma_wait3A_1999 = arith.constant 0 : i32
    %dma_wait3A_2000 = tpu.memref_slice %arg14[%dma_wait3A_1993, %dma_wait3A_1999] : memref<64x112xf32, #tpu.memory_space<vmem>> -> memref<1x112xf32, #tpu.memory_space<vmem>>
    %dma_wait3A_2001 = tpu.memref_squeeze %dma_wait3A_2000 : memref<1x112xf32, #tpu.memory_space<vmem>> -> memref<112xf32, #tpu.memory_space<vmem>>
    %dma_wait3A_2002 = tpu.memref_slice %arg2[%add3A_805, %multiple_of3A_803] : memref<2048x9999xf32, #tpu.memory_space<hbm>> -> memref<1x112xf32, #tpu.memory_space<hbm>>
    %dma_wait3A_2003 = tpu.memref_squeeze %dma_wait3A_2002 : memref<1x112xf32, #tpu.memory_space<hbm>> -> memref<112xf32, #tpu.memory_space<hbm>>
    tpu.wait_dma2 semaphore(%arg18 : memref<!tpu.dma_semaphore, #tpu.memory_space<semaphore_mem>>) src(%dma_wait3A_2003 : memref<112xf32, #tpu.memory_space<hbm>>) dst(%dma_wait3A_2001 : memref<112xf32, #tpu.memory_space<vmem>>)
    %dma_wait3A_2004 = arith.constant 42 : i32
    %dma_wait3A_2005 = arith.constant 0 : i32
    %dma_wait3A_2006 = tpu.memref_slice %arg14[%dma_wait3A_2004, %dma_wait3A_2005] : memref<64x112xf32, #tpu.memory_space<vmem>> -> memref<1x112xf32, #tpu.memory_space<vmem>>
    %dma_wait3A_2007 = tpu.memref_squeeze %dma_wait3A_2006 : memref<1x112xf32, #tpu.memory_space<vmem>> -> memref<112xf32, #tpu.memory_space<vmem>>
    %dma_wait3A_2008 = tpu.memref_slice %arg2[%add3A_821, %multiple_of3A_819] : memref<2048x9999xf32, #tpu.memory_space<hbm>> -> memref<1x112xf32, #tpu.memory_space<hbm>>
    %dma_wait3A_2009 = tpu.memref_squeeze %dma_wait3A_2008 : memref<1x112xf32, #tpu.memory_space<hbm>> -> memref<112xf32, #tpu.memory_space<hbm>>
    %dma_wait3A_2010 = arith.constant 0 : i32
    %dma_wait3A_2011 = tpu.memref_slice %arg14[%dma_wait3A_2004, %dma_wait3A_2010] : memref<64x112xf32, #tpu.memory_space<vmem>> -> memref<1x112xf32, #tpu.memory_space<vmem>>
    %dma_wait3A_2012 = tpu.memref_squeeze %dma_wait3A_2011 : memref<1x112xf32, #tpu.memory_space<vmem>> -> memref<112xf32, #tpu.memory_space<vmem>>
    %dma_wait3A_2013 = tpu.memref_slice %arg2[%add3A_821, %multiple_of3A_819] : memref<2048x9999xf32, #tpu.memory_space<hbm>> -> memref<1x112xf32, #tpu.memory_space<hbm>>
    %dma_wait3A_2014 = tpu.memref_squeeze %dma_wait3A_2013 : memref<1x112xf32, #tpu.memory_space<hbm>> -> memref<112xf32, #tpu.memory_space<hbm>>
    tpu.wait_dma2 semaphore(%arg18 : memref<!tpu.dma_semaphore, #tpu.memory_space<semaphore_mem>>) src(%dma_wait3A_2014 : memref<112xf32, #tpu.memory_space<hbm>>) dst(%dma_wait3A_2012 : memref<112xf32, #tpu.memory_space<vmem>>)
    %dma_wait3A_2015 = arith.constant 43 : i32
    %dma_wait3A_2016 = arith.constant 0 : i32
    %dma_wait3A_2017 = tpu.memref_slice %arg14[%dma_wait3A_2015, %dma_wait3A_2016] : memref<64x112xf32, #tpu.memory_space<vmem>> -> memref<1x112xf32, #tpu.memory_space<vmem>>
    %dma_wait3A_2018 = tpu.memref_squeeze %dma_wait3A_2017 : memref<1x112xf32, #tpu.memory_space<vmem>> -> memref<112xf32, #tpu.memory_space<vmem>>
    %dma_wait3A_2019 = tpu.memref_slice %arg2[%add3A_837, %multiple_of3A_835] : memref<2048x9999xf32, #tpu.memory_space<hbm>> -> memref<1x112xf32, #tpu.memory_space<hbm>>
    %dma_wait3A_2020 = tpu.memref_squeeze %dma_wait3A_2019 : memref<1x112xf32, #tpu.memory_space<hbm>> -> memref<112xf32, #tpu.memory_space<hbm>>
    %dma_wait3A_2021 = arith.constant 0 : i32
    %dma_wait3A_2022 = tpu.memref_slice %arg14[%dma_wait3A_2015, %dma_wait3A_2021] : memref<64x112xf32, #tpu.memory_space<vmem>> -> memref<1x112xf32, #tpu.memory_space<vmem>>
    %dma_wait3A_2023 = tpu.memref_squeeze %dma_wait3A_2022 : memref<1x112xf32, #tpu.memory_space<vmem>> -> memref<112xf32, #tpu.memory_space<vmem>>
    %dma_wait3A_2024 = tpu.memref_slice %arg2[%add3A_837, %multiple_of3A_835] : memref<2048x9999xf32, #tpu.memory_space<hbm>> -> memref<1x112xf32, #tpu.memory_space<hbm>>
    %dma_wait3A_2025 = tpu.memref_squeeze %dma_wait3A_2024 : memref<1x112xf32, #tpu.memory_space<hbm>> -> memref<112xf32, #tpu.memory_space<hbm>>
    tpu.wait_dma2 semaphore(%arg18 : memref<!tpu.dma_semaphore, #tpu.memory_space<semaphore_mem>>) src(%dma_wait3A_2025 : memref<112xf32, #tpu.memory_space<hbm>>) dst(%dma_wait3A_2023 : memref<112xf32, #tpu.memory_space<vmem>>)
    %dma_wait3A_2026 = arith.constant 44 : i32
    %dma_wait3A_2027 = arith.constant 0 : i32
    %dma_wait3A_2028 = tpu.memref_slice %arg14[%dma_wait3A_2026, %dma_wait3A_2027] : memref<64x112xf32, #tpu.memory_space<vmem>> -> memref<1x112xf32, #tpu.memory_space<vmem>>
    %dma_wait3A_2029 = tpu.memref_squeeze %dma_wait3A_2028 : memref<1x112xf32, #tpu.memory_space<vmem>> -> memref<112xf32, #tpu.memory_space<vmem>>
    %dma_wait3A_2030 = tpu.memref_slice %arg2[%add3A_853, %multiple_of3A_851] : memref<2048x9999xf32, #tpu.memory_space<hbm>> -> memref<1x112xf32, #tpu.memory_space<hbm>>
    %dma_wait3A_2031 = tpu.memref_squeeze %dma_wait3A_2030 : memref<1x112xf32, #tpu.memory_space<hbm>> -> memref<112xf32, #tpu.memory_space<hbm>>
    %dma_wait3A_2032 = arith.constant 0 : i32
    %dma_wait3A_2033 = tpu.memref_slice %arg14[%dma_wait3A_2026, %dma_wait3A_2032] : memref<64x112xf32, #tpu.memory_space<vmem>> -> memref<1x112xf32, #tpu.memory_space<vmem>>
    %dma_wait3A_2034 = tpu.memref_squeeze %dma_wait3A_2033 : memref<1x112xf32, #tpu.memory_space<vmem>> -> memref<112xf32, #tpu.memory_space<vmem>>
    %dma_wait3A_2035 = tpu.memref_slice %arg2[%add3A_853, %multiple_of3A_851] : memref<2048x9999xf32, #tpu.memory_space<hbm>> -> memref<1x112xf32, #tpu.memory_space<hbm>>
    %dma_wait3A_2036 = tpu.memref_squeeze %dma_wait3A_2035 : memref<1x112xf32, #tpu.memory_space<hbm>> -> memref<112xf32, #tpu.memory_space<hbm>>
    tpu.wait_dma2 semaphore(%arg18 : memref<!tpu.dma_semaphore, #tpu.memory_space<semaphore_mem>>) src(%dma_wait3A_2036 : memref<112xf32, #tpu.memory_space<hbm>>) dst(%dma_wait3A_2034 : memref<112xf32, #tpu.memory_space<vmem>>)
    %dma_wait3A_2037 = arith.constant 45 : i32
    %dma_wait3A_2038 = arith.constant 0 : i32
    %dma_wait3A_2039 = tpu.memref_slice %arg14[%dma_wait3A_2037, %dma_wait3A_2038] : memref<64x112xf32, #tpu.memory_space<vmem>> -> memref<1x112xf32, #tpu.memory_space<vmem>>
    %dma_wait3A_2040 = tpu.memref_squeeze %dma_wait3A_2039 : memref<1x112xf32, #tpu.memory_space<vmem>> -> memref<112xf32, #tpu.memory_space<vmem>>
    %dma_wait3A_2041 = tpu.memref_slice %arg2[%add3A_869, %multiple_of3A_867] : memref<2048x9999xf32, #tpu.memory_space<hbm>> -> memref<1x112xf32, #tpu.memory_space<hbm>>
    %dma_wait3A_2042 = tpu.memref_squeeze %dma_wait3A_2041 : memref<1x112xf32, #tpu.memory_space<hbm>> -> memref<112xf32, #tpu.memory_space<hbm>>
    %dma_wait3A_2043 = arith.constant 0 : i32
    %dma_wait3A_2044 = tpu.memref_slice %arg14[%dma_wait3A_2037, %dma_wait3A_2043] : memref<64x112xf32, #tpu.memory_space<vmem>> -> memref<1x112xf32, #tpu.memory_space<vmem>>
    %dma_wait3A_2045 = tpu.memref_squeeze %dma_wait3A_2044 : memref<1x112xf32, #tpu.memory_space<vmem>> -> memref<112xf32, #tpu.memory_space<vmem>>
    %dma_wait3A_2046 = tpu.memref_slice %arg2[%add3A_869, %multiple_of3A_867] : memref<2048x9999xf32, #tpu.memory_space<hbm>> -> memref<1x112xf32, #tpu.memory_space<hbm>>
    %dma_wait3A_2047 = tpu.memref_squeeze %dma_wait3A_2046 : memref<1x112xf32, #tpu.memory_space<hbm>> -> memref<112xf32, #tpu.memory_space<hbm>>
    tpu.wait_dma2 semaphore(%arg18 : memref<!tpu.dma_semaphore, #tpu.memory_space<semaphore_mem>>) src(%dma_wait3A_2047 : memref<112xf32, #tpu.memory_space<hbm>>) dst(%dma_wait3A_2045 : memref<112xf32, #tpu.memory_space<vmem>>)
    %dma_wait3A_2048 = arith.constant 46 : i32
    %dma_wait3A_2049 = arith.constant 0 : i32
    %dma_wait3A_2050 = tpu.memref_slice %arg14[%dma_wait3A_2048, %dma_wait3A_2049] : memref<64x112xf32, #tpu.memory_space<vmem>> -> memref<1x112xf32, #tpu.memory_space<vmem>>
    %dma_wait3A_2051 = tpu.memref_squeeze %dma_wait3A_2050 : memref<1x112xf32, #tpu.memory_space<vmem>> -> memref<112xf32, #tpu.memory_space<vmem>>
    %dma_wait3A_2052 = tpu.memref_slice %arg2[%add3A_885, %multiple_of3A_883] : memref<2048x9999xf32, #tpu.memory_space<hbm>> -> memref<1x112xf32, #tpu.memory_space<hbm>>
    %dma_wait3A_2053 = tpu.memref_squeeze %dma_wait3A_2052 : memref<1x112xf32, #tpu.memory_space<hbm>> -> memref<112xf32, #tpu.memory_space<hbm>>
    %dma_wait3A_2054 = arith.constant 0 : i32
    %dma_wait3A_2055 = tpu.memref_slice %arg14[%dma_wait3A_2048, %dma_wait3A_2054] : memref<64x112xf32, #tpu.memory_space<vmem>> -> memref<1x112xf32, #tpu.memory_space<vmem>>
    %dma_wait3A_2056 = tpu.memref_squeeze %dma_wait3A_2055 : memref<1x112xf32, #tpu.memory_space<vmem>> -> memref<112xf32, #tpu.memory_space<vmem>>
    %dma_wait3A_2057 = tpu.memref_slice %arg2[%add3A_885, %multiple_of3A_883] : memref<2048x9999xf32, #tpu.memory_space<hbm>> -> memref<1x112xf32, #tpu.memory_space<hbm>>
    %dma_wait3A_2058 = tpu.memref_squeeze %dma_wait3A_2057 : memref<1x112xf32, #tpu.memory_space<hbm>> -> memref<112xf32, #tpu.memory_space<hbm>>
    tpu.wait_dma2 semaphore(%arg18 : memref<!tpu.dma_semaphore, #tpu.memory_space<semaphore_mem>>) src(%dma_wait3A_2058 : memref<112xf32, #tpu.memory_space<hbm>>) dst(%dma_wait3A_2056 : memref<112xf32, #tpu.memory_space<vmem>>)
    %dma_wait3A_2059 = arith.constant 47 : i32
    %dma_wait3A_2060 = arith.constant 0 : i32
    %dma_wait3A_2061 = tpu.memref_slice %arg14[%dma_wait3A_2059, %dma_wait3A_2060] : memref<64x112xf32, #tpu.memory_space<vmem>> -> memref<1x112xf32, #tpu.memory_space<vmem>>
    %dma_wait3A_2062 = tpu.memref_squeeze %dma_wait3A_2061 : memref<1x112xf32, #tpu.memory_space<vmem>> -> memref<112xf32, #tpu.memory_space<vmem>>
    %dma_wait3A_2063 = tpu.memref_slice %arg2[%add3A_901, %multiple_of3A_899] : memref<2048x9999xf32, #tpu.memory_space<hbm>> -> memref<1x112xf32, #tpu.memory_space<hbm>>
    %dma_wait3A_2064 = tpu.memref_squeeze %dma_wait3A_2063 : memref<1x112xf32, #tpu.memory_space<hbm>> -> memref<112xf32, #tpu.memory_space<hbm>>
    %dma_wait3A_2065 = arith.constant 0 : i32
    %dma_wait3A_2066 = tpu.memref_slice %arg14[%dma_wait3A_2059, %dma_wait3A_2065] : memref<64x112xf32, #tpu.memory_space<vmem>> -> memref<1x112xf32, #tpu.memory_space<vmem>>
    %dma_wait3A_2067 = tpu.memref_squeeze %dma_wait3A_2066 : memref<1x112xf32, #tpu.memory_space<vmem>> -> memref<112xf32, #tpu.memory_space<vmem>>
    %dma_wait3A_2068 = tpu.memref_slice %arg2[%add3A_901, %multiple_of3A_899] : memref<2048x9999xf32, #tpu.memory_space<hbm>> -> memref<1x112xf32, #tpu.memory_space<hbm>>
    %dma_wait3A_2069 = tpu.memref_squeeze %dma_wait3A_2068 : memref<1x112xf32, #tpu.memory_space<hbm>> -> memref<112xf32, #tpu.memory_space<hbm>>
    tpu.wait_dma2 semaphore(%arg18 : memref<!tpu.dma_semaphore, #tpu.memory_space<semaphore_mem>>) src(%dma_wait3A_2069 : memref<112xf32, #tpu.memory_space<hbm>>) dst(%dma_wait3A_2067 : memref<112xf32, #tpu.memory_space<vmem>>)
    %dma_wait3A_2070 = arith.constant 48 : i32
    %dma_wait3A_2071 = arith.constant 0 : i32
    %dma_wait3A_2072 = tpu.memref_slice %arg14[%dma_wait3A_2070, %dma_wait3A_2071] : memref<64x112xf32, #tpu.memory_space<vmem>> -> memref<1x112xf32, #tpu.memory_space<vmem>>
    %dma_wait3A_2073 = tpu.memref_squeeze %dma_wait3A_2072 : memref<1x112xf32, #tpu.memory_space<vmem>> -> memref<112xf32, #tpu.memory_space<vmem>>
    %dma_wait3A_2074 = tpu.memref_slice %arg2[%add3A_931, %multiple_of3A_929] : memref<2048x9999xf32, #tpu.memory_space<hbm>> -> memref<1x112xf32, #tpu.memory_space<hbm>>
    %dma_wait3A_2075 = tpu.memref_squeeze %dma_wait3A_2074 : memref<1x112xf32, #tpu.memory_space<hbm>> -> memref<112xf32, #tpu.memory_space<hbm>>
    %dma_wait3A_2076 = arith.constant 0 : i32
    %dma_wait3A_2077 = tpu.memref_slice %arg14[%dma_wait3A_2070, %dma_wait3A_2076] : memref<64x112xf32, #tpu.memory_space<vmem>> -> memref<1x112xf32, #tpu.memory_space<vmem>>
    %dma_wait3A_2078 = tpu.memref_squeeze %dma_wait3A_2077 : memref<1x112xf32, #tpu.memory_space<vmem>> -> memref<112xf32, #tpu.memory_space<vmem>>
    %dma_wait3A_2079 = tpu.memref_slice %arg2[%add3A_931, %multiple_of3A_929] : memref<2048x9999xf32, #tpu.memory_space<hbm>> -> memref<1x112xf32, #tpu.memory_space<hbm>>
    %dma_wait3A_2080 = tpu.memref_squeeze %dma_wait3A_2079 : memref<1x112xf32, #tpu.memory_space<hbm>> -> memref<112xf32, #tpu.memory_space<hbm>>
    tpu.wait_dma2 semaphore(%arg18 : memref<!tpu.dma_semaphore, #tpu.memory_space<semaphore_mem>>) src(%dma_wait3A_2080 : memref<112xf32, #tpu.memory_space<hbm>>) dst(%dma_wait3A_2078 : memref<112xf32, #tpu.memory_space<vmem>>)
    %dma_wait3A_2081 = arith.constant 49 : i32
    %dma_wait3A_2082 = arith.constant 0 : i32
    %dma_wait3A_2083 = tpu.memref_slice %arg14[%dma_wait3A_2081, %dma_wait3A_2082] : memref<64x112xf32, #tpu.memory_space<vmem>> -> memref<1x112xf32, #tpu.memory_space<vmem>>
    %dma_wait3A_2084 = tpu.memref_squeeze %dma_wait3A_2083 : memref<1x112xf32, #tpu.memory_space<vmem>> -> memref<112xf32, #tpu.memory_space<vmem>>
    %dma_wait3A_2085 = tpu.memref_slice %arg2[%add3A_947, %multiple_of3A_945] : memref<2048x9999xf32, #tpu.memory_space<hbm>> -> memref<1x112xf32, #tpu.memory_space<hbm>>
    %dma_wait3A_2086 = tpu.memref_squeeze %dma_wait3A_2085 : memref<1x112xf32, #tpu.memory_space<hbm>> -> memref<112xf32, #tpu.memory_space<hbm>>
    %dma_wait3A_2087 = arith.constant 0 : i32
    %dma_wait3A_2088 = tpu.memref_slice %arg14[%dma_wait3A_2081, %dma_wait3A_2087] : memref<64x112xf32, #tpu.memory_space<vmem>> -> memref<1x112xf32, #tpu.memory_space<vmem>>
    %dma_wait3A_2089 = tpu.memref_squeeze %dma_wait3A_2088 : memref<1x112xf32, #tpu.memory_space<vmem>> -> memref<112xf32, #tpu.memory_space<vmem>>
    %dma_wait3A_2090 = tpu.memref_slice %arg2[%add3A_947, %multiple_of3A_945] : memref<2048x9999xf32, #tpu.memory_space<hbm>> -> memref<1x112xf32, #tpu.memory_space<hbm>>
    %dma_wait3A_2091 = tpu.memref_squeeze %dma_wait3A_2090 : memref<1x112xf32, #tpu.memory_space<hbm>> -> memref<112xf32, #tpu.memory_space<hbm>>
    tpu.wait_dma2 semaphore(%arg18 : memref<!tpu.dma_semaphore, #tpu.memory_space<semaphore_mem>>) src(%dma_wait3A_2091 : memref<112xf32, #tpu.memory_space<hbm>>) dst(%dma_wait3A_2089 : memref<112xf32, #tpu.memory_space<vmem>>)
    %dma_wait3A_2092 = arith.constant 50 : i32
    %dma_wait3A_2093 = arith.constant 0 : i32
    %dma_wait3A_2094 = tpu.memref_slice %arg14[%dma_wait3A_2092, %dma_wait3A_2093] : memref<64x112xf32, #tpu.memory_space<vmem>> -> memref<1x112xf32, #tpu.memory_space<vmem>>
    %dma_wait3A_2095 = tpu.memref_squeeze %dma_wait3A_2094 : memref<1x112xf32, #tpu.memory_space<vmem>> -> memref<112xf32, #tpu.memory_space<vmem>>
    %dma_wait3A_2096 = tpu.memref_slice %arg2[%add3A_963, %multiple_of3A_961] : memref<2048x9999xf32, #tpu.memory_space<hbm>> -> memref<1x112xf32, #tpu.memory_space<hbm>>
    %dma_wait3A_2097 = tpu.memref_squeeze %dma_wait3A_2096 : memref<1x112xf32, #tpu.memory_space<hbm>> -> memref<112xf32, #tpu.memory_space<hbm>>
    %dma_wait3A_2098 = arith.constant 0 : i32
    %dma_wait3A_2099 = tpu.memref_slice %arg14[%dma_wait3A_2092, %dma_wait3A_2098] : memref<64x112xf32, #tpu.memory_space<vmem>> -> memref<1x112xf32, #tpu.memory_space<vmem>>
    %dma_wait3A_2100 = tpu.memref_squeeze %dma_wait3A_2099 : memref<1x112xf32, #tpu.memory_space<vmem>> -> memref<112xf32, #tpu.memory_space<vmem>>
    %dma_wait3A_2101 = tpu.memref_slice %arg2[%add3A_963, %multiple_of3A_961] : memref<2048x9999xf32, #tpu.memory_space<hbm>> -> memref<1x112xf32, #tpu.memory_space<hbm>>
    %dma_wait3A_2102 = tpu.memref_squeeze %dma_wait3A_2101 : memref<1x112xf32, #tpu.memory_space<hbm>> -> memref<112xf32, #tpu.memory_space<hbm>>
    tpu.wait_dma2 semaphore(%arg18 : memref<!tpu.dma_semaphore, #tpu.memory_space<semaphore_mem>>) src(%dma_wait3A_2102 : memref<112xf32, #tpu.memory_space<hbm>>) dst(%dma_wait3A_2100 : memref<112xf32, #tpu.memory_space<vmem>>)
    %dma_wait3A_2103 = arith.constant 51 : i32
    %dma_wait3A_2104 = arith.constant 0 : i32
    %dma_wait3A_2105 = tpu.memref_slice %arg14[%dma_wait3A_2103, %dma_wait3A_2104] : memref<64x112xf32, #tpu.memory_space<vmem>> -> memref<1x112xf32, #tpu.memory_space<vmem>>
    %dma_wait3A_2106 = tpu.memref_squeeze %dma_wait3A_2105 : memref<1x112xf32, #tpu.memory_space<vmem>> -> memref<112xf32, #tpu.memory_space<vmem>>
    %dma_wait3A_2107 = tpu.memref_slice %arg2[%add3A_979, %multiple_of3A_977] : memref<2048x9999xf32, #tpu.memory_space<hbm>> -> memref<1x112xf32, #tpu.memory_space<hbm>>
    %dma_wait3A_2108 = tpu.memref_squeeze %dma_wait3A_2107 : memref<1x112xf32, #tpu.memory_space<hbm>> -> memref<112xf32, #tpu.memory_space<hbm>>
    %dma_wait3A_2109 = arith.constant 0 : i32
    %dma_wait3A_2110 = tpu.memref_slice %arg14[%dma_wait3A_2103, %dma_wait3A_2109] : memref<64x112xf32, #tpu.memory_space<vmem>> -> memref<1x112xf32, #tpu.memory_space<vmem>>
    %dma_wait3A_2111 = tpu.memref_squeeze %dma_wait3A_2110 : memref<1x112xf32, #tpu.memory_space<vmem>> -> memref<112xf32, #tpu.memory_space<vmem>>
    %dma_wait3A_2112 = tpu.memref_slice %arg2[%add3A_979, %multiple_of3A_977] : memref<2048x9999xf32, #tpu.memory_space<hbm>> -> memref<1x112xf32, #tpu.memory_space<hbm>>
    %dma_wait3A_2113 = tpu.memref_squeeze %dma_wait3A_2112 : memref<1x112xf32, #tpu.memory_space<hbm>> -> memref<112xf32, #tpu.memory_space<hbm>>
    tpu.wait_dma2 semaphore(%arg18 : memref<!tpu.dma_semaphore, #tpu.memory_space<semaphore_mem>>) src(%dma_wait3A_2113 : memref<112xf32, #tpu.memory_space<hbm>>) dst(%dma_wait3A_2111 : memref<112xf32, #tpu.memory_space<vmem>>)
    %dma_wait3A_2114 = arith.constant 52 : i32
    %dma_wait3A_2115 = arith.constant 0 : i32
    %dma_wait3A_2116 = tpu.memref_slice %arg14[%dma_wait3A_2114, %dma_wait3A_2115] : memref<64x112xf32, #tpu.memory_space<vmem>> -> memref<1x112xf32, #tpu.memory_space<vmem>>
    %dma_wait3A_2117 = tpu.memref_squeeze %dma_wait3A_2116 : memref<1x112xf32, #tpu.memory_space<vmem>> -> memref<112xf32, #tpu.memory_space<vmem>>
    %dma_wait3A_2118 = tpu.memref_slice %arg2[%add3A_995, %multiple_of3A_993] : memref<2048x9999xf32, #tpu.memory_space<hbm>> -> memref<1x112xf32, #tpu.memory_space<hbm>>
    %dma_wait3A_2119 = tpu.memref_squeeze %dma_wait3A_2118 : memref<1x112xf32, #tpu.memory_space<hbm>> -> memref<112xf32, #tpu.memory_space<hbm>>
    %dma_wait3A_2120 = arith.constant 0 : i32
    %dma_wait3A_2121 = tpu.memref_slice %arg14[%dma_wait3A_2114, %dma_wait3A_2120] : memref<64x112xf32, #tpu.memory_space<vmem>> -> memref<1x112xf32, #tpu.memory_space<vmem>>
    %dma_wait3A_2122 = tpu.memref_squeeze %dma_wait3A_2121 : memref<1x112xf32, #tpu.memory_space<vmem>> -> memref<112xf32, #tpu.memory_space<vmem>>
    %dma_wait3A_2123 = tpu.memref_slice %arg2[%add3A_995, %multiple_of3A_993] : memref<2048x9999xf32, #tpu.memory_space<hbm>> -> memref<1x112xf32, #tpu.memory_space<hbm>>
    %dma_wait3A_2124 = tpu.memref_squeeze %dma_wait3A_2123 : memref<1x112xf32, #tpu.memory_space<hbm>> -> memref<112xf32, #tpu.memory_space<hbm>>
    tpu.wait_dma2 semaphore(%arg18 : memref<!tpu.dma_semaphore, #tpu.memory_space<semaphore_mem>>) src(%dma_wait3A_2124 : memref<112xf32, #tpu.memory_space<hbm>>) dst(%dma_wait3A_2122 : memref<112xf32, #tpu.memory_space<vmem>>)
    %dma_wait3A_2125 = arith.constant 53 : i32
    %dma_wait3A_2126 = arith.constant 0 : i32
    %dma_wait3A_2127 = tpu.memref_slice %arg14[%dma_wait3A_2125, %dma_wait3A_2126] : memref<64x112xf32, #tpu.memory_space<vmem>> -> memref<1x112xf32, #tpu.memory_space<vmem>>
    %dma_wait3A_2128 = tpu.memref_squeeze %dma_wait3A_2127 : memref<1x112xf32, #tpu.memory_space<vmem>> -> memref<112xf32, #tpu.memory_space<vmem>>
    %dma_wait3A_2129 = tpu.memref_slice %arg2[%add3A_1011, %multiple_of3A_1009] : memref<2048x9999xf32, #tpu.memory_space<hbm>> -> memref<1x112xf32, #tpu.memory_space<hbm>>
    %dma_wait3A_2130 = tpu.memref_squeeze %dma_wait3A_2129 : memref<1x112xf32, #tpu.memory_space<hbm>> -> memref<112xf32, #tpu.memory_space<hbm>>
    %dma_wait3A_2131 = arith.constant 0 : i32
    %dma_wait3A_2132 = tpu.memref_slice %arg14[%dma_wait3A_2125, %dma_wait3A_2131] : memref<64x112xf32, #tpu.memory_space<vmem>> -> memref<1x112xf32, #tpu.memory_space<vmem>>
    %dma_wait3A_2133 = tpu.memref_squeeze %dma_wait3A_2132 : memref<1x112xf32, #tpu.memory_space<vmem>> -> memref<112xf32, #tpu.memory_space<vmem>>
    %dma_wait3A_2134 = tpu.memref_slice %arg2[%add3A_1011, %multiple_of3A_1009] : memref<2048x9999xf32, #tpu.memory_space<hbm>> -> memref<1x112xf32, #tpu.memory_space<hbm>>
    %dma_wait3A_2135 = tpu.memref_squeeze %dma_wait3A_2134 : memref<1x112xf32, #tpu.memory_space<hbm>> -> memref<112xf32, #tpu.memory_space<hbm>>
    tpu.wait_dma2 semaphore(%arg18 : memref<!tpu.dma_semaphore, #tpu.memory_space<semaphore_mem>>) src(%dma_wait3A_2135 : memref<112xf32, #tpu.memory_space<hbm>>) dst(%dma_wait3A_2133 : memref<112xf32, #tpu.memory_space<vmem>>)
    %dma_wait3A_2136 = arith.constant 54 : i32
    %dma_wait3A_2137 = arith.constant 0 : i32
    %dma_wait3A_2138 = tpu.memref_slice %arg14[%dma_wait3A_2136, %dma_wait3A_2137] : memref<64x112xf32, #tpu.memory_space<vmem>> -> memref<1x112xf32, #tpu.memory_space<vmem>>
    %dma_wait3A_2139 = tpu.memref_squeeze %dma_wait3A_2138 : memref<1x112xf32, #tpu.memory_space<vmem>> -> memref<112xf32, #tpu.memory_space<vmem>>
    %dma_wait3A_2140 = tpu.memref_slice %arg2[%add3A_1027, %multiple_of3A_1025] : memref<2048x9999xf32, #tpu.memory_space<hbm>> -> memref<1x112xf32, #tpu.memory_space<hbm>>
    %dma_wait3A_2141 = tpu.memref_squeeze %dma_wait3A_2140 : memref<1x112xf32, #tpu.memory_space<hbm>> -> memref<112xf32, #tpu.memory_space<hbm>>
    %dma_wait3A_2142 = arith.constant 0 : i32
    %dma_wait3A_2143 = tpu.memref_slice %arg14[%dma_wait3A_2136, %dma_wait3A_2142] : memref<64x112xf32, #tpu.memory_space<vmem>> -> memref<1x112xf32, #tpu.memory_space<vmem>>
    %dma_wait3A_2144 = tpu.memref_squeeze %dma_wait3A_2143 : memref<1x112xf32, #tpu.memory_space<vmem>> -> memref<112xf32, #tpu.memory_space<vmem>>
    %dma_wait3A_2145 = tpu.memref_slice %arg2[%add3A_1027, %multiple_of3A_1025] : memref<2048x9999xf32, #tpu.memory_space<hbm>> -> memref<1x112xf32, #tpu.memory_space<hbm>>
    %dma_wait3A_2146 = tpu.memref_squeeze %dma_wait3A_2145 : memref<1x112xf32, #tpu.memory_space<hbm>> -> memref<112xf32, #tpu.memory_space<hbm>>
    tpu.wait_dma2 semaphore(%arg18 : memref<!tpu.dma_semaphore, #tpu.memory_space<semaphore_mem>>) src(%dma_wait3A_2146 : memref<112xf32, #tpu.memory_space<hbm>>) dst(%dma_wait3A_2144 : memref<112xf32, #tpu.memory_space<vmem>>)
    %dma_wait3A_2147 = arith.constant 55 : i32
    %dma_wait3A_2148 = arith.constant 0 : i32
    %dma_wait3A_2149 = tpu.memref_slice %arg14[%dma_wait3A_2147, %dma_wait3A_2148] : memref<64x112xf32, #tpu.memory_space<vmem>> -> memref<1x112xf32, #tpu.memory_space<vmem>>
    %dma_wait3A_2150 = tpu.memref_squeeze %dma_wait3A_2149 : memref<1x112xf32, #tpu.memory_space<vmem>> -> memref<112xf32, #tpu.memory_space<vmem>>
    %dma_wait3A_2151 = tpu.memref_slice %arg2[%add3A_1043, %multiple_of3A_1041] : memref<2048x9999xf32, #tpu.memory_space<hbm>> -> memref<1x112xf32, #tpu.memory_space<hbm>>
    %dma_wait3A_2152 = tpu.memref_squeeze %dma_wait3A_2151 : memref<1x112xf32, #tpu.memory_space<hbm>> -> memref<112xf32, #tpu.memory_space<hbm>>
    %dma_wait3A_2153 = arith.constant 0 : i32
    %dma_wait3A_2154 = tpu.memref_slice %arg14[%dma_wait3A_2147, %dma_wait3A_2153] : memref<64x112xf32, #tpu.memory_space<vmem>> -> memref<1x112xf32, #tpu.memory_space<vmem>>
    %dma_wait3A_2155 = tpu.memref_squeeze %dma_wait3A_2154 : memref<1x112xf32, #tpu.memory_space<vmem>> -> memref<112xf32, #tpu.memory_space<vmem>>
    %dma_wait3A_2156 = tpu.memref_slice %arg2[%add3A_1043, %multiple_of3A_1041] : memref<2048x9999xf32, #tpu.memory_space<hbm>> -> memref<1x112xf32, #tpu.memory_space<hbm>>
    %dma_wait3A_2157 = tpu.memref_squeeze %dma_wait3A_2156 : memref<1x112xf32, #tpu.memory_space<hbm>> -> memref<112xf32, #tpu.memory_space<hbm>>
    tpu.wait_dma2 semaphore(%arg18 : memref<!tpu.dma_semaphore, #tpu.memory_space<semaphore_mem>>) src(%dma_wait3A_2157 : memref<112xf32, #tpu.memory_space<hbm>>) dst(%dma_wait3A_2155 : memref<112xf32, #tpu.memory_space<vmem>>)
    %dma_wait3A_2158 = arith.constant 56 : i32
    %dma_wait3A_2159 = arith.constant 0 : i32
    %dma_wait3A_2160 = tpu.memref_slice %arg14[%dma_wait3A_2158, %dma_wait3A_2159] : memref<64x112xf32, #tpu.memory_space<vmem>> -> memref<1x112xf32, #tpu.memory_space<vmem>>
    %dma_wait3A_2161 = tpu.memref_squeeze %dma_wait3A_2160 : memref<1x112xf32, #tpu.memory_space<vmem>> -> memref<112xf32, #tpu.memory_space<vmem>>
    %dma_wait3A_2162 = tpu.memref_slice %arg2[%add3A_1059, %multiple_of3A_1057] : memref<2048x9999xf32, #tpu.memory_space<hbm>> -> memref<1x112xf32, #tpu.memory_space<hbm>>
    %dma_wait3A_2163 = tpu.memref_squeeze %dma_wait3A_2162 : memref<1x112xf32, #tpu.memory_space<hbm>> -> memref<112xf32, #tpu.memory_space<hbm>>
    %dma_wait3A_2164 = arith.constant 0 : i32
    %dma_wait3A_2165 = tpu.memref_slice %arg14[%dma_wait3A_2158, %dma_wait3A_2164] : memref<64x112xf32, #tpu.memory_space<vmem>> -> memref<1x112xf32, #tpu.memory_space<vmem>>
    %dma_wait3A_2166 = tpu.memref_squeeze %dma_wait3A_2165 : memref<1x112xf32, #tpu.memory_space<vmem>> -> memref<112xf32, #tpu.memory_space<vmem>>
    %dma_wait3A_2167 = tpu.memref_slice %arg2[%add3A_1059, %multiple_of3A_1057] : memref<2048x9999xf32, #tpu.memory_space<hbm>> -> memref<1x112xf32, #tpu.memory_space<hbm>>
    %dma_wait3A_2168 = tpu.memref_squeeze %dma_wait3A_2167 : memref<1x112xf32, #tpu.memory_space<hbm>> -> memref<112xf32, #tpu.memory_space<hbm>>
    tpu.wait_dma2 semaphore(%arg18 : memref<!tpu.dma_semaphore, #tpu.memory_space<semaphore_mem>>) src(%dma_wait3A_2168 : memref<112xf32, #tpu.memory_space<hbm>>) dst(%dma_wait3A_2166 : memref<112xf32, #tpu.memory_space<vmem>>)
    %dma_wait3A_2169 = arith.constant 57 : i32
    %dma_wait3A_2170 = arith.constant 0 : i32
    %dma_wait3A_2171 = tpu.memref_slice %arg14[%dma_wait3A_2169, %dma_wait3A_2170] : memref<64x112xf32, #tpu.memory_space<vmem>> -> memref<1x112xf32, #tpu.memory_space<vmem>>
    %dma_wait3A_2172 = tpu.memref_squeeze %dma_wait3A_2171 : memref<1x112xf32, #tpu.memory_space<vmem>> -> memref<112xf32, #tpu.memory_space<vmem>>
    %dma_wait3A_2173 = tpu.memref_slice %arg2[%add3A_1075, %multiple_of3A_1073] : memref<2048x9999xf32, #tpu.memory_space<hbm>> -> memref<1x112xf32, #tpu.memory_space<hbm>>
    %dma_wait3A_2174 = tpu.memref_squeeze %dma_wait3A_2173 : memref<1x112xf32, #tpu.memory_space<hbm>> -> memref<112xf32, #tpu.memory_space<hbm>>
    %dma_wait3A_2175 = arith.constant 0 : i32
    %dma_wait3A_2176 = tpu.memref_slice %arg14[%dma_wait3A_2169, %dma_wait3A_2175] : memref<64x112xf32, #tpu.memory_space<vmem>> -> memref<1x112xf32, #tpu.memory_space<vmem>>
    %dma_wait3A_2177 = tpu.memref_squeeze %dma_wait3A_2176 : memref<1x112xf32, #tpu.memory_space<vmem>> -> memref<112xf32, #tpu.memory_space<vmem>>
    %dma_wait3A_2178 = tpu.memref_slice %arg2[%add3A_1075, %multiple_of3A_1073] : memref<2048x9999xf32, #tpu.memory_space<hbm>> -> memref<1x112xf32, #tpu.memory_space<hbm>>
    %dma_wait3A_2179 = tpu.memref_squeeze %dma_wait3A_2178 : memref<1x112xf32, #tpu.memory_space<hbm>> -> memref<112xf32, #tpu.memory_space<hbm>>
    tpu.wait_dma2 semaphore(%arg18 : memref<!tpu.dma_semaphore, #tpu.memory_space<semaphore_mem>>) src(%dma_wait3A_2179 : memref<112xf32, #tpu.memory_space<hbm>>) dst(%dma_wait3A_2177 : memref<112xf32, #tpu.memory_space<vmem>>)
    %dma_wait3A_2180 = arith.constant 58 : i32
    %dma_wait3A_2181 = arith.constant 0 : i32
    %dma_wait3A_2182 = tpu.memref_slice %arg14[%dma_wait3A_2180, %dma_wait3A_2181] : memref<64x112xf32, #tpu.memory_space<vmem>> -> memref<1x112xf32, #tpu.memory_space<vmem>>
    %dma_wait3A_2183 = tpu.memref_squeeze %dma_wait3A_2182 : memref<1x112xf32, #tpu.memory_space<vmem>> -> memref<112xf32, #tpu.memory_space<vmem>>
    %dma_wait3A_2184 = tpu.memref_slice %arg2[%add3A_1091, %multiple_of3A_1089] : memref<2048x9999xf32, #tpu.memory_space<hbm>> -> memref<1x112xf32, #tpu.memory_space<hbm>>
    %dma_wait3A_2185 = tpu.memref_squeeze %dma_wait3A_2184 : memref<1x112xf32, #tpu.memory_space<hbm>> -> memref<112xf32, #tpu.memory_space<hbm>>
    %dma_wait3A_2186 = arith.constant 0 : i32
    %dma_wait3A_2187 = tpu.memref_slice %arg14[%dma_wait3A_2180, %dma_wait3A_2186] : memref<64x112xf32, #tpu.memory_space<vmem>> -> memref<1x112xf32, #tpu.memory_space<vmem>>
    %dma_wait3A_2188 = tpu.memref_squeeze %dma_wait3A_2187 : memref<1x112xf32, #tpu.memory_space<vmem>> -> memref<112xf32, #tpu.memory_space<vmem>>
    %dma_wait3A_2189 = tpu.memref_slice %arg2[%add3A_1091, %multiple_of3A_1089] : memref<2048x9999xf32, #tpu.memory_space<hbm>> -> memref<1x112xf32, #tpu.memory_space<hbm>>
    %dma_wait3A_2190 = tpu.memref_squeeze %dma_wait3A_2189 : memref<1x112xf32, #tpu.memory_space<hbm>> -> memref<112xf32, #tpu.memory_space<hbm>>
    tpu.wait_dma2 semaphore(%arg18 : memref<!tpu.dma_semaphore, #tpu.memory_space<semaphore_mem>>) src(%dma_wait3A_2190 : memref<112xf32, #tpu.memory_space<hbm>>) dst(%dma_wait3A_2188 : memref<112xf32, #tpu.memory_space<vmem>>)
    %dma_wait3A_2191 = arith.constant 59 : i32
    %dma_wait3A_2192 = arith.constant 0 : i32
    %dma_wait3A_2193 = tpu.memref_slice %arg14[%dma_wait3A_2191, %dma_wait3A_2192] : memref<64x112xf32, #tpu.memory_space<vmem>> -> memref<1x112xf32, #tpu.memory_space<vmem>>
    %dma_wait3A_2194 = tpu.memref_squeeze %dma_wait3A_2193 : memref<1x112xf32, #tpu.memory_space<vmem>> -> memref<112xf32, #tpu.memory_space<vmem>>
    %dma_wait3A_2195 = tpu.memref_slice %arg2[%add3A_1107, %multiple_of3A_1105] : memref<2048x9999xf32, #tpu.memory_space<hbm>> -> memref<1x112xf32, #tpu.memory_space<hbm>>
    %dma_wait3A_2196 = tpu.memref_squeeze %dma_wait3A_2195 : memref<1x112xf32, #tpu.memory_space<hbm>> -> memref<112xf32, #tpu.memory_space<hbm>>
    %dma_wait3A_2197 = arith.constant 0 : i32
    %dma_wait3A_2198 = tpu.memref_slice %arg14[%dma_wait3A_2191, %dma_wait3A_2197] : memref<64x112xf32, #tpu.memory_space<vmem>> -> memref<1x112xf32, #tpu.memory_space<vmem>>
    %dma_wait3A_2199 = tpu.memref_squeeze %dma_wait3A_2198 : memref<1x112xf32, #tpu.memory_space<vmem>> -> memref<112xf32, #tpu.memory_space<vmem>>
    %dma_wait3A_2200 = tpu.memref_slice %arg2[%add3A_1107, %multiple_of3A_1105] : memref<2048x9999xf32, #tpu.memory_space<hbm>> -> memref<1x112xf32, #tpu.memory_space<hbm>>
    %dma_wait3A_2201 = tpu.memref_squeeze %dma_wait3A_2200 : memref<1x112xf32, #tpu.memory_space<hbm>> -> memref<112xf32, #tpu.memory_space<hbm>>
    tpu.wait_dma2 semaphore(%arg18 : memref<!tpu.dma_semaphore, #tpu.memory_space<semaphore_mem>>) src(%dma_wait3A_2201 : memref<112xf32, #tpu.memory_space<hbm>>) dst(%dma_wait3A_2199 : memref<112xf32, #tpu.memory_space<vmem>>)
    %dma_wait3A_2202 = arith.constant 60 : i32
    %dma_wait3A_2203 = arith.constant 0 : i32
    %dma_wait3A_2204 = tpu.memref_slice %arg14[%dma_wait3A_2202, %dma_wait3A_2203] : memref<64x112xf32, #tpu.memory_space<vmem>> -> memref<1x112xf32, #tpu.memory_space<vmem>>
    %dma_wait3A_2205 = tpu.memref_squeeze %dma_wait3A_2204 : memref<1x112xf32, #tpu.memory_space<vmem>> -> memref<112xf32, #tpu.memory_space<vmem>>
    %dma_wait3A_2206 = tpu.memref_slice %arg2[%add3A_1123, %multiple_of3A_1121] : memref<2048x9999xf32, #tpu.memory_space<hbm>> -> memref<1x112xf32, #tpu.memory_space<hbm>>
    %dma_wait3A_2207 = tpu.memref_squeeze %dma_wait3A_2206 : memref<1x112xf32, #tpu.memory_space<hbm>> -> memref<112xf32, #tpu.memory_space<hbm>>
    %dma_wait3A_2208 = arith.constant 0 : i32
    %dma_wait3A_2209 = tpu.memref_slice %arg14[%dma_wait3A_2202, %dma_wait3A_2208] : memref<64x112xf32, #tpu.memory_space<vmem>> -> memref<1x112xf32, #tpu.memory_space<vmem>>
    %dma_wait3A_2210 = tpu.memref_squeeze %dma_wait3A_2209 : memref<1x112xf32, #tpu.memory_space<vmem>> -> memref<112xf32, #tpu.memory_space<vmem>>
    %dma_wait3A_2211 = tpu.memref_slice %arg2[%add3A_1123, %multiple_of3A_1121] : memref<2048x9999xf32, #tpu.memory_space<hbm>> -> memref<1x112xf32, #tpu.memory_space<hbm>>
    %dma_wait3A_2212 = tpu.memref_squeeze %dma_wait3A_2211 : memref<1x112xf32, #tpu.memory_space<hbm>> -> memref<112xf32, #tpu.memory_space<hbm>>
    tpu.wait_dma2 semaphore(%arg18 : memref<!tpu.dma_semaphore, #tpu.memory_space<semaphore_mem>>) src(%dma_wait3A_2212 : memref<112xf32, #tpu.memory_space<hbm>>) dst(%dma_wait3A_2210 : memref<112xf32, #tpu.memory_space<vmem>>)
    %dma_wait3A_2213 = arith.constant 61 : i32
    %dma_wait3A_2214 = arith.constant 0 : i32
    %dma_wait3A_2215 = tpu.memref_slice %arg14[%dma_wait3A_2213, %dma_wait3A_2214] : memref<64x112xf32, #tpu.memory_space<vmem>> -> memref<1x112xf32, #tpu.memory_space<vmem>>
    %dma_wait3A_2216 = tpu.memref_squeeze %dma_wait3A_2215 : memref<1x112xf32, #tpu.memory_space<vmem>> -> memref<112xf32, #tpu.memory_space<vmem>>
    %dma_wait3A_2217 = tpu.memref_slice %arg2[%add3A_1139, %multiple_of3A_1137] : memref<2048x9999xf32, #tpu.memory_space<hbm>> -> memref<1x112xf32, #tpu.memory_space<hbm>>
    %dma_wait3A_2218 = tpu.memref_squeeze %dma_wait3A_2217 : memref<1x112xf32, #tpu.memory_space<hbm>> -> memref<112xf32, #tpu.memory_space<hbm>>
    %dma_wait3A_2219 = arith.constant 0 : i32
    %dma_wait3A_2220 = tpu.memref_slice %arg14[%dma_wait3A_2213, %dma_wait3A_2219] : memref<64x112xf32, #tpu.memory_space<vmem>> -> memref<1x112xf32, #tpu.memory_space<vmem>>
    %dma_wait3A_2221 = tpu.memref_squeeze %dma_wait3A_2220 : memref<1x112xf32, #tpu.memory_space<vmem>> -> memref<112xf32, #tpu.memory_space<vmem>>
    %dma_wait3A_2222 = tpu.memref_slice %arg2[%add3A_1139, %multiple_of3A_1137] : memref<2048x9999xf32, #tpu.memory_space<hbm>> -> memref<1x112xf32, #tpu.memory_space<hbm>>
    %dma_wait3A_2223 = tpu.memref_squeeze %dma_wait3A_2222 : memref<1x112xf32, #tpu.memory_space<hbm>> -> memref<112xf32, #tpu.memory_space<hbm>>
    tpu.wait_dma2 semaphore(%arg18 : memref<!tpu.dma_semaphore, #tpu.memory_space<semaphore_mem>>) src(%dma_wait3A_2223 : memref<112xf32, #tpu.memory_space<hbm>>) dst(%dma_wait3A_2221 : memref<112xf32, #tpu.memory_space<vmem>>)
    %dma_wait3A_2224 = arith.constant 62 : i32
    %dma_wait3A_2225 = arith.constant 0 : i32
    %dma_wait3A_2226 = tpu.memref_slice %arg14[%dma_wait3A_2224, %dma_wait3A_2225] : memref<64x112xf32, #tpu.memory_space<vmem>> -> memref<1x112xf32, #tpu.memory_space<vmem>>
    %dma_wait3A_2227 = tpu.memref_squeeze %dma_wait3A_2226 : memref<1x112xf32, #tpu.memory_space<vmem>> -> memref<112xf32, #tpu.memory_space<vmem>>
    %dma_wait3A_2228 = tpu.memref_slice %arg2[%add3A_1155, %multiple_of3A_1153] : memref<2048x9999xf32, #tpu.memory_space<hbm>> -> memref<1x112xf32, #tpu.memory_space<hbm>>
    %dma_wait3A_2229 = tpu.memref_squeeze %dma_wait3A_2228 : memref<1x112xf32, #tpu.memory_space<hbm>> -> memref<112xf32, #tpu.memory_space<hbm>>
    %dma_wait3A_2230 = arith.constant 0 : i32
    %dma_wait3A_2231 = tpu.memref_slice %arg14[%dma_wait3A_2224, %dma_wait3A_2230] : memref<64x112xf32, #tpu.memory_space<vmem>> -> memref<1x112xf32, #tpu.memory_space<vmem>>
    %dma_wait3A_2232 = tpu.memref_squeeze %dma_wait3A_2231 : memref<1x112xf32, #tpu.memory_space<vmem>> -> memref<112xf32, #tpu.memory_space<vmem>>
    %dma_wait3A_2233 = tpu.memref_slice %arg2[%add3A_1155, %multiple_of3A_1153] : memref<2048x9999xf32, #tpu.memory_space<hbm>> -> memref<1x112xf32, #tpu.memory_space<hbm>>
    %dma_wait3A_2234 = tpu.memref_squeeze %dma_wait3A_2233 : memref<1x112xf32, #tpu.memory_space<hbm>> -> memref<112xf32, #tpu.memory_space<hbm>>
    tpu.wait_dma2 semaphore(%arg18 : memref<!tpu.dma_semaphore, #tpu.memory_space<semaphore_mem>>) src(%dma_wait3A_2234 : memref<112xf32, #tpu.memory_space<hbm>>) dst(%dma_wait3A_2232 : memref<112xf32, #tpu.memory_space<vmem>>)
    %dma_wait3A_2235 = arith.constant 63 : i32
    %dma_wait3A_2236 = arith.constant 0 : i32
    %dma_wait3A_2237 = tpu.memref_slice %arg14[%dma_wait3A_2235, %dma_wait3A_2236] : memref<64x112xf32, #tpu.memory_space<vmem>> -> memref<1x112xf32, #tpu.memory_space<vmem>>
    %dma_wait3A_2238 = tpu.memref_squeeze %dma_wait3A_2237 : memref<1x112xf32, #tpu.memory_space<vmem>> -> memref<112xf32, #tpu.memory_space<vmem>>
    %dma_wait3A_2239 = tpu.memref_slice %arg2[%add3A_1171, %multiple_of3A_1169] : memref<2048x9999xf32, #tpu.memory_space<hbm>> -> memref<1x112xf32, #tpu.memory_space<hbm>>
    %dma_wait3A_2240 = tpu.memref_squeeze %dma_wait3A_2239 : memref<1x112xf32, #tpu.memory_space<hbm>> -> memref<112xf32, #tpu.memory_space<hbm>>
    %dma_wait3A_2241 = arith.constant 0 : i32
    %dma_wait3A_2242 = tpu.memref_slice %arg14[%dma_wait3A_2235, %dma_wait3A_2241] : memref<64x112xf32, #tpu.memory_space<vmem>> -> memref<1x112xf32, #tpu.memory_space<vmem>>
    %dma_wait3A_2243 = tpu.memref_squeeze %dma_wait3A_2242 : memref<1x112xf32, #tpu.memory_space<vmem>> -> memref<112xf32, #tpu.memory_space<vmem>>
    %dma_wait3A_2244 = tpu.memref_slice %arg2[%add3A_1171, %multiple_of3A_1169] : memref<2048x9999xf32, #tpu.memory_space<hbm>> -> memref<1x112xf32, #tpu.memory_space<hbm>>
    %dma_wait3A_2245 = tpu.memref_squeeze %dma_wait3A_2244 : memref<1x112xf32, #tpu.memory_space<hbm>> -> memref<112xf32, #tpu.memory_space<hbm>>
    tpu.wait_dma2 semaphore(%arg18 : memref<!tpu.dma_semaphore, #tpu.memory_space<semaphore_mem>>) src(%dma_wait3A_2245 : memref<112xf32, #tpu.memory_space<hbm>>) dst(%dma_wait3A_2243 : memref<112xf32, #tpu.memory_space<vmem>>)
    %add3A_2246 = arith.constant 0 : i32
    %add3A_2247 = vector.broadcast %add3A_2246 : i32 to vector<16xi32>
    %add3A_2248 = arith.addi %add3A_2247, %iota3A : vector<16xi32>
    %get3A_2249 = arith.constant 0 : index
    %get3A_2250 = tpu.vector_load %arg11[%get3A_2249] {strides = array<i32>} : memref<64xi32, #tpu.memory_space<vmem>>, vector<16xi32>,
    %get3A_2251 = arith.constant 0 : index
    %get3A_2252 = tpu.vector_load %arg12[%get3A_2251] {strides = array<i32>} : memref<64xi32, #tpu.memory_space<vmem>>, vector<16xi32>,
    %mul3A_2253 = arith.constant 99 : i32
    %mul3A_2254 = vector.broadcast %mul3A_2253 : i32 to vector<16xi32>
    %mul3A_2255 = arith.muli %mul3A_2254, %get3A_2250 : vector<16xi32>
    %add3A_2256 = arith.constant 99 : i32
    %add3A_2257 = vector.broadcast %add3A_2256 : i32 to vector<16xi32>
    %add3A_2258 = arith.addi %add3A_2257, %mul3A_2255 : vector<16xi32>
    %and3A_2259 = arith.constant -8 : i32
    %and3A_2260 = vector.broadcast %and3A_2259 : i32 to vector<16xi32>
    %and3A_2261 = arith.andi %add3A_2258, %and3A_2260 : vector<16xi32>
    %min3A_2262 = arith.constant 9888 : i32
    %min3A_2263 = vector.broadcast %min3A_2262 : i32 to vector<16xi32>
    %min3A_2264 = arith.minsi %and3A_2261, %min3A_2263 : vector<16xi32>
    %sub3A_2265 = arith.subi %add3A_2258, %min3A_2264 : vector<16xi32>
    %broadcast_in_dim3A_2266 = arith.constant 0xFF800000 : f32
    %broadcast_in_dim3A_2267 = vector.broadcast %broadcast_in_dim3A_2266 : f32 to vector<16xf32>
    %scan3A_2268 = arith.constant 0 : i32
    %scan3A_2269 = arith.constant 99 : i32
    %scan3A_2270 = arith.addi %scan3A_2268, %scan3A_2269 : i32
    %scan3A_2271 = arith.constant 1 : i32
    %scan3A_2272 = scf.for %scan3A_2726 = %scan3A_2268 to %scan3A_2270 step %scan3A_2271 iter_args(%scan3A_2727 = %broadcast_in_dim3A_2267) -> (vector<16xf32>)  : i32 {
      %add3A_2728 = vector.broadcast %scan3A_2726 : i32 to vector<16xi32>
      %add3A_2729 = arith.addi %sub3A_2265, %add3A_2728 : vector<16xi32>
      %gather3A_2730 = tpu.vector_load_idx %arg14[%add3A_2248, %add3A_2729] : memref<64x112xf32, #tpu.memory_space<vmem>>[vector<16xi32>, vector<16xi32>], vector<16xf32>,
      %max3A_2731 = arith.maximumf %scan3A_2727, %gather3A_2730 : vector<16xf32>
      scf.yield %max3A_2731 : vector<16xf32>
    }
    %scan3A_2273 = arith.constant 99 : i32
    %max3A_2274 = arith.constant 0.000000e+00 : f32
    %max3A_2275 = vector.broadcast %max3A_2274 : f32 to vector<16xf32>
    %max3A_2276 = arith.maximumf %scan3A_2272, %max3A_2275 : vector<16xf32>
    %neg3A_2277 = arith.constant 0.000000e+00 : f32
    %neg3A_2278 = vector.broadcast %neg3A_2277 : f32 to vector<16xf32>
    %neg3A_2279 = arith.subf %neg3A_2278, %max3A_2276 : vector<16xf32>
    %exp3A_2280 = math.exp %neg3A_2279 : vector<16xf32>
    %scan3A_2281 = arith.constant 0 : i32
    %scan3A_2282 = arith.constant 99 : i32
    %scan3A_2283 = arith.addi %scan3A_2281, %scan3A_2282 : i32
    %scan3A_2284 = arith.constant 1 : i32
    %scan3A_2285 = scf.for %scan3A_2726 = %scan3A_2281 to %scan3A_2283 step %scan3A_2284 iter_args(%scan3A_2727 = %exp3A_2280) -> (vector<16xf32>)  : i32 {
      %add3A_2728 = vector.broadcast %scan3A_2726 : i32 to vector<16xi32>
      %add3A_2729 = arith.addi %sub3A_2265, %add3A_2728 : vector<16xi32>
      %gather3A_2730 = tpu.vector_load_idx %arg14[%add3A_2248, %add3A_2729] : memref<64x112xf32, #tpu.memory_space<vmem>>[vector<16xi32>, vector<16xi32>], vector<16xf32>,
      %sub3A_2731 = arith.subf %gather3A_2730, %max3A_2276 : vector<16xf32>
      %exp3A_2732 = math.exp %sub3A_2731 : vector<16xf32>
      %add3A_2733 = arith.addf %scan3A_2727, %exp3A_2732 : vector<16xf32>
      scf.yield %add3A_2733 : vector<16xf32>
    }
    %scan3A_2286 = arith.constant 99 : i32
    %bitcast3A_2287 = vector.bitcast %scan3A_2285 : vector<16xf32> to vector<16xi32>
    %shift_right_logical3A_2288 = arith.constant 23 : i32
    %shift_right_logical3A_2289 = vector.broadcast %shift_right_logical3A_2288 : i32 to vector<16xi32>
    %shift_right_logical3A_2290 = arith.shrui %bitcast3A_2287, %shift_right_logical3A_2289 : vector<16xi32>
    %sub3A_2291 = arith.constant 127 : i32
    %sub3A_2292 = vector.broadcast %sub3A_2291 : i32 to vector<16xi32>
    %sub3A_2293 = arith.subi %shift_right_logical3A_2290, %sub3A_2292 : vector<16xi32>
    %and3A_2294 = arith.constant 8388607 : i32
    %and3A_2295 = vector.broadcast %and3A_2294 : i32 to vector<16xi32>
    %and3A_2296 = arith.andi %bitcast3A_2287, %and3A_2295 : vector<16xi32>
    %or3A_2297 = arith.constant 1065353216 : i32
    %or3A_2298 = vector.broadcast %or3A_2297 : i32 to vector<16xi32>
    %or3A_2299 = arith.ori %and3A_2296, %or3A_2298 : vector<16xi32>
    %bitcast3A_2300 = vector.bitcast %or3A_2299 : vector<16xi32> to vector<16xf32>
    %gt3A_2301 = arith.constant 1.41421354 : f32
    %gt3A_2302 = vector.broadcast %gt3A_2301 : f32 to vector<16xf32>
    %gt3A_2303 = arith.cmpf ogt, %bitcast3A_2300, %gt3A_2302 : vector<16xf32>
    %add3A_2304 = arith.constant 1 : i32
    %add3A_2305 = vector.broadcast %add3A_2304 : i32 to vector<16xi32>
    %add3A_2306 = arith.addi %sub3A_2293, %add3A_2305 : vector<16xi32>
    %select_n3A_2307 = arith.select %gt3A_2303, %add3A_2306, %sub3A_2293 : vector<16xi1>, vector<16xi32>
    %mul3A_2308 = arith.constant 5.000000e-01 : f32
    %mul3A_2309 = vector.broadcast %mul3A_2308 : f32 to vector<16xf32>
    %mul3A_2310 = arith.mulf %bitcast3A_2300, %mul3A_2309 : vector<16xf32>
    %select_n3A_2311 = arith.select %gt3A_2303, %mul3A_2310, %bitcast3A_2300 : vector<16xi1>, vector<16xf32>
    %sub3A_2312 = arith.constant 1.000000e+00 : f32
    %sub3A_2313 = vector.broadcast %sub3A_2312 : f32 to vector<16xf32>
    %sub3A_2314 = arith.subf %select_n3A_2311, %sub3A_2313 : vector<16xf32>
    %add3A_2315 = arith.constant 1.000000e+00 : f32
    %add3A_2316 = vector.broadcast %add3A_2315 : f32 to vector<16xf32>
    %add3A_2317 = arith.addf %select_n3A_2311, %add3A_2316 : vector<16xf32>
    %div3A_2318 = arith.divf %sub3A_2314, %add3A_2317 : vector<16xf32>
    %mul3A_2319 = arith.mulf %div3A_2318, %div3A_2318 : vector<16xf32>
    %mul3A_2320 = arith.constant 0.285714298 : f32
    %mul3A_2321 = vector.broadcast %mul3A_2320 : f32 to vector<16xf32>
    %mul3A_2322 = arith.mulf %mul3A_2319, %mul3A_2321 : vector<16xf32>
    %add3A_2323 = arith.constant 4.000000e-01 : f32
    %add3A_2324 = vector.broadcast %add3A_2323 : f32 to vector<16xf32>
    %add3A_2325 = arith.addf %add3A_2324, %mul3A_2322 : vector<16xf32>
    %mul3A_2326 = arith.mulf %mul3A_2319, %add3A_2325 : vector<16xf32>
    %add3A_2327 = arith.constant 0.666666686 : f32
    %add3A_2328 = vector.broadcast %add3A_2327 : f32 to vector<16xf32>
    %add3A_2329 = arith.addf %add3A_2328, %mul3A_2326 : vector<16xf32>
    %mul3A_2330 = arith.mulf %mul3A_2319, %add3A_2329 : vector<16xf32>
    %add3A_2331 = arith.constant 2.000000e+00 : f32
    %add3A_2332 = vector.broadcast %add3A_2331 : f32 to vector<16xf32>
    %add3A_2333 = arith.addf %add3A_2332, %mul3A_2330 : vector<16xf32>
    %mul3A_2334 = arith.mulf %div3A_2318, %add3A_2333 : vector<16xf32>
    %convert_element_type3A_2335 = arith.sitofp %select_n3A_2307 : vector<16xi32> to vector<16xf32>
    %mul3A_2336 = arith.constant 0.693147182 : f32
    %mul3A_2337 = vector.broadcast %mul3A_2336 : f32 to vector<16xf32>
    %mul3A_2338 = arith.mulf %convert_element_type3A_2335, %mul3A_2337 : vector<16xf32>
    %add3A_2339 = arith.addf %mul3A_2338, %mul3A_2334 : vector<16xf32>
    %add3A_2340 = arith.addf %max3A_2276, %add3A_2339 : vector<16xf32>
    %jit3A_2341 = arith.constant 0 : i32
    %jit3A_2342 = arith.constant 99 : i32
    %max3A_2343 = vector.broadcast %jit3A_2341 : i32 to vector<16xi32>
    %max3A_2344 = arith.maxsi %max3A_2343, %get3A_2252 : vector<16xi32>
    %min3A_2345 = vector.broadcast %jit3A_2342 : i32 to vector<16xi32>
    %min3A_2346 = arith.minsi %min3A_2345, %max3A_2344 : vector<16xi32>
    %lt3A_2347 = arith.constant 99 : i32
    %lt3A_2348 = vector.broadcast %lt3A_2347 : i32 to vector<16xi32>
    %lt3A_2349 = arith.cmpi slt, %min3A_2346, %lt3A_2348 : vector<16xi32>
    %jit3A_2350 = arith.constant 0 : i32
    %broadcast_in_dim3A_2351 = vector.broadcast %jit3A_2350 : i32 to vector<16xi32>
    %select_n3A_2352 = arith.select %lt3A_2349, %min3A_2346, %broadcast_in_dim3A_2351 : vector<16xi1>, vector<16xi32>
    %add3A_2353 = arith.addi %sub3A_2265, %select_n3A_2352 : vector<16xi32>
    %gather3A_2354 = tpu.vector_load_idx %arg14[%add3A_2248, %add3A_2353] : memref<64x112xf32, #tpu.memory_space<vmem>>[vector<16xi32>, vector<16xi32>], vector<16xf32>,
    %jit3A_2355 = arith.constant 0.000000e+00 : f32
    %broadcast_in_dim3A_2356 = vector.broadcast %jit3A_2355 : f32 to vector<16xf32>
    %select_n3A_2357 = arith.select %lt3A_2349, %gather3A_2354, %broadcast_in_dim3A_2356 : vector<16xi1>, vector<16xf32>
    %get3A_2358 = arith.constant 0 : index
    %get3A_2359 = tpu.vector_load %arg9[%get3A_2358] {strides = array<i32>} : memref<64xf32, #tpu.memory_space<vmem>>, vector<16xf32>,
    %add3A_2360 = arith.addf %sub3A_1268, %add3A_2340 : vector<16xf32>
    %sub3A_2361 = arith.subf %add3A_2360, %select_n3A_2357 : vector<16xf32>
    %mul3A_2362 = arith.mulf %get3A_2359, %sub3A_2361 : vector<16xf32>
    %add3A_2363 = arith.addf %broadcast_in_dim3A_1187, %mul3A_2362 : vector<16xf32>
    %add3A_2364 = arith.addf %broadcast_in_dim3A_1189, %get3A_2359 : vector<16xf32>
    %add3A_2365 = arith.constant 16 : i32
    %add3A_2366 = vector.broadcast %add3A_2365 : i32 to vector<16xi32>
    %add3A_2367 = arith.addi %add3A_2366, %iota3A : vector<16xi32>
    %get3A_2368 = arith.constant 16 : index
    %get3A_2369 = tpu.vector_load %arg11[%get3A_2368] {strides = array<i32>} : memref<64xi32, #tpu.memory_space<vmem>>, vector<16xi32>,
    %get3A_2370 = arith.constant 16 : index
    %get3A_2371 = tpu.vector_load %arg12[%get3A_2370] {strides = array<i32>} : memref<64xi32, #tpu.memory_space<vmem>>, vector<16xi32>,
    %mul3A_2372 = arith.constant 99 : i32
    %mul3A_2373 = vector.broadcast %mul3A_2372 : i32 to vector<16xi32>
    %mul3A_2374 = arith.muli %mul3A_2373, %get3A_2369 : vector<16xi32>
    %add3A_2375 = arith.constant 99 : i32
    %add3A_2376 = vector.broadcast %add3A_2375 : i32 to vector<16xi32>
    %add3A_2377 = arith.addi %add3A_2376, %mul3A_2374 : vector<16xi32>
    %and3A_2378 = arith.constant -8 : i32
    %and3A_2379 = vector.broadcast %and3A_2378 : i32 to vector<16xi32>
    %and3A_2380 = arith.andi %add3A_2377, %and3A_2379 : vector<16xi32>
    %min3A_2381 = arith.constant 9888 : i32
    %min3A_2382 = vector.broadcast %min3A_2381 : i32 to vector<16xi32>
    %min3A_2383 = arith.minsi %and3A_2380, %min3A_2382 : vector<16xi32>
    %sub3A_2384 = arith.subi %add3A_2377, %min3A_2383 : vector<16xi32>
    %broadcast_in_dim3A_2385 = arith.constant 0xFF800000 : f32
    %broadcast_in_dim3A_2386 = vector.broadcast %broadcast_in_dim3A_2385 : f32 to vector<16xf32>
    %scan3A_2387 = arith.constant 0 : i32
    %scan3A_2388 = arith.constant 99 : i32
    %scan3A_2389 = arith.addi %scan3A_2387, %scan3A_2388 : i32
    %scan3A_2390 = arith.constant 1 : i32
    %scan3A_2391 = scf.for %scan3A_2726 = %scan3A_2387 to %scan3A_2389 step %scan3A_2390 iter_args(%scan3A_2727 = %broadcast_in_dim3A_2386) -> (vector<16xf32>)  : i32 {
      %add3A_2728 = vector.broadcast %scan3A_2726 : i32 to vector<16xi32>
      %add3A_2729 = arith.addi %sub3A_2384, %add3A_2728 : vector<16xi32>
      %gather3A_2730 = tpu.vector_load_idx %arg14[%add3A_2367, %add3A_2729] : memref<64x112xf32, #tpu.memory_space<vmem>>[vector<16xi32>, vector<16xi32>], vector<16xf32>,
      %max3A_2731 = arith.maximumf %scan3A_2727, %gather3A_2730 : vector<16xf32>
      scf.yield %max3A_2731 : vector<16xf32>
    }
    %scan3A_2392 = arith.constant 99 : i32
    %max3A_2393 = arith.constant 0.000000e+00 : f32
    %max3A_2394 = vector.broadcast %max3A_2393 : f32 to vector<16xf32>
    %max3A_2395 = arith.maximumf %scan3A_2391, %max3A_2394 : vector<16xf32>
    %neg3A_2396 = arith.constant 0.000000e+00 : f32
    %neg3A_2397 = vector.broadcast %neg3A_2396 : f32 to vector<16xf32>
    %neg3A_2398 = arith.subf %neg3A_2397, %max3A_2395 : vector<16xf32>
    %exp3A_2399 = math.exp %neg3A_2398 : vector<16xf32>
    %scan3A_2400 = arith.constant 0 : i32
    %scan3A_2401 = arith.constant 99 : i32
    %scan3A_2402 = arith.addi %scan3A_2400, %scan3A_2401 : i32
    %scan3A_2403 = arith.constant 1 : i32
    %scan3A_2404 = scf.for %scan3A_2726 = %scan3A_2400 to %scan3A_2402 step %scan3A_2403 iter_args(%scan3A_2727 = %exp3A_2399) -> (vector<16xf32>)  : i32 {
      %add3A_2728 = vector.broadcast %scan3A_2726 : i32 to vector<16xi32>
      %add3A_2729 = arith.addi %sub3A_2384, %add3A_2728 : vector<16xi32>
      %gather3A_2730 = tpu.vector_load_idx %arg14[%add3A_2367, %add3A_2729] : memref<64x112xf32, #tpu.memory_space<vmem>>[vector<16xi32>, vector<16xi32>], vector<16xf32>,
      %sub3A_2731 = arith.subf %gather3A_2730, %max3A_2395 : vector<16xf32>
      %exp3A_2732 = math.exp %sub3A_2731 : vector<16xf32>
      %add3A_2733 = arith.addf %scan3A_2727, %exp3A_2732 : vector<16xf32>
      scf.yield %add3A_2733 : vector<16xf32>
    }
    %scan3A_2405 = arith.constant 99 : i32
    %bitcast3A_2406 = vector.bitcast %scan3A_2404 : vector<16xf32> to vector<16xi32>
    %shift_right_logical3A_2407 = arith.constant 23 : i32
    %shift_right_logical3A_2408 = vector.broadcast %shift_right_logical3A_2407 : i32 to vector<16xi32>
    %shift_right_logical3A_2409 = arith.shrui %bitcast3A_2406, %shift_right_logical3A_2408 : vector<16xi32>
    %sub3A_2410 = arith.constant 127 : i32
    %sub3A_2411 = vector.broadcast %sub3A_2410 : i32 to vector<16xi32>
    %sub3A_2412 = arith.subi %shift_right_logical3A_2409, %sub3A_2411 : vector<16xi32>
    %and3A_2413 = arith.constant 8388607 : i32
    %and3A_2414 = vector.broadcast %and3A_2413 : i32 to vector<16xi32>
    %and3A_2415 = arith.andi %bitcast3A_2406, %and3A_2414 : vector<16xi32>
    %or3A_2416 = arith.constant 1065353216 : i32
    %or3A_2417 = vector.broadcast %or3A_2416 : i32 to vector<16xi32>
    %or3A_2418 = arith.ori %and3A_2415, %or3A_2417 : vector<16xi32>
    %bitcast3A_2419 = vector.bitcast %or3A_2418 : vector<16xi32> to vector<16xf32>
    %gt3A_2420 = arith.constant 1.41421354 : f32
    %gt3A_2421 = vector.broadcast %gt3A_2420 : f32 to vector<16xf32>
    %gt3A_2422 = arith.cmpf ogt, %bitcast3A_2419, %gt3A_2421 : vector<16xf32>
    %add3A_2423 = arith.constant 1 : i32
    %add3A_2424 = vector.broadcast %add3A_2423 : i32 to vector<16xi32>
    %add3A_2425 = arith.addi %sub3A_2412, %add3A_2424 : vector<16xi32>
    %select_n3A_2426 = arith.select %gt3A_2422, %add3A_2425, %sub3A_2412 : vector<16xi1>, vector<16xi32>
    %mul3A_2427 = arith.constant 5.000000e-01 : f32
    %mul3A_2428 = vector.broadcast %mul3A_2427 : f32 to vector<16xf32>
    %mul3A_2429 = arith.mulf %bitcast3A_2419, %mul3A_2428 : vector<16xf32>
    %select_n3A_2430 = arith.select %gt3A_2422, %mul3A_2429, %bitcast3A_2419 : vector<16xi1>, vector<16xf32>
    %sub3A_2431 = arith.constant 1.000000e+00 : f32
    %sub3A_2432 = vector.broadcast %sub3A_2431 : f32 to vector<16xf32>
    %sub3A_2433 = arith.subf %select_n3A_2430, %sub3A_2432 : vector<16xf32>
    %add3A_2434 = arith.constant 1.000000e+00 : f32
    %add3A_2435 = vector.broadcast %add3A_2434 : f32 to vector<16xf32>
    %add3A_2436 = arith.addf %select_n3A_2430, %add3A_2435 : vector<16xf32>
    %div3A_2437 = arith.divf %sub3A_2433, %add3A_2436 : vector<16xf32>
    %mul3A_2438 = arith.mulf %div3A_2437, %div3A_2437 : vector<16xf32>
    %mul3A_2439 = arith.constant 0.285714298 : f32
    %mul3A_2440 = vector.broadcast %mul3A_2439 : f32 to vector<16xf32>
    %mul3A_2441 = arith.mulf %mul3A_2438, %mul3A_2440 : vector<16xf32>
    %add3A_2442 = arith.constant 4.000000e-01 : f32
    %add3A_2443 = vector.broadcast %add3A_2442 : f32 to vector<16xf32>
    %add3A_2444 = arith.addf %add3A_2443, %mul3A_2441 : vector<16xf32>
    %mul3A_2445 = arith.mulf %mul3A_2438, %add3A_2444 : vector<16xf32>
    %add3A_2446 = arith.constant 0.666666686 : f32
    %add3A_2447 = vector.broadcast %add3A_2446 : f32 to vector<16xf32>
    %add3A_2448 = arith.addf %add3A_2447, %mul3A_2445 : vector<16xf32>
    %mul3A_2449 = arith.mulf %mul3A_2438, %add3A_2448 : vector<16xf32>
    %add3A_2450 = arith.constant 2.000000e+00 : f32
    %add3A_2451 = vector.broadcast %add3A_2450 : f32 to vector<16xf32>
    %add3A_2452 = arith.addf %add3A_2451, %mul3A_2449 : vector<16xf32>
    %mul3A_2453 = arith.mulf %div3A_2437, %add3A_2452 : vector<16xf32>
    %convert_element_type3A_2454 = arith.sitofp %select_n3A_2426 : vector<16xi32> to vector<16xf32>
    %mul3A_2455 = arith.constant 0.693147182 : f32
    %mul3A_2456 = vector.broadcast %mul3A_2455 : f32 to vector<16xf32>
    %mul3A_2457 = arith.mulf %convert_element_type3A_2454, %mul3A_2456 : vector<16xf32>
    %add3A_2458 = arith.addf %mul3A_2457, %mul3A_2453 : vector<16xf32>
    %add3A_2459 = arith.addf %max3A_2395, %add3A_2458 : vector<16xf32>
    %jit3A_2460 = arith.constant 0 : i32
    %jit3A_2461 = arith.constant 99 : i32
    %max3A_2462 = vector.broadcast %jit3A_2460 : i32 to vector<16xi32>
    %max3A_2463 = arith.maxsi %max3A_2462, %get3A_2371 : vector<16xi32>
    %min3A_2464 = vector.broadcast %jit3A_2461 : i32 to vector<16xi32>
    %min3A_2465 = arith.minsi %min3A_2464, %max3A_2463 : vector<16xi32>
    %lt3A_2466 = arith.constant 99 : i32
    %lt3A_2467 = vector.broadcast %lt3A_2466 : i32 to vector<16xi32>
    %lt3A_2468 = arith.cmpi slt, %min3A_2465, %lt3A_2467 : vector<16xi32>
    %jit3A_2469 = arith.constant 0 : i32
    %broadcast_in_dim3A_2470 = vector.broadcast %jit3A_2469 : i32 to vector<16xi32>
    %select_n3A_2471 = arith.select %lt3A_2468, %min3A_2465, %broadcast_in_dim3A_2470 : vector<16xi1>, vector<16xi32>
    %add3A_2472 = arith.addi %sub3A_2384, %select_n3A_2471 : vector<16xi32>
    %gather3A_2473 = tpu.vector_load_idx %arg14[%add3A_2367, %add3A_2472] : memref<64x112xf32, #tpu.memory_space<vmem>>[vector<16xi32>, vector<16xi32>], vector<16xf32>,
    %jit3A_2474 = arith.constant 0.000000e+00 : f32
    %broadcast_in_dim3A_2475 = vector.broadcast %jit3A_2474 : f32 to vector<16xf32>
    %select_n3A_2476 = arith.select %lt3A_2468, %gather3A_2473, %broadcast_in_dim3A_2475 : vector<16xi1>, vector<16xf32>
    %get3A_2477 = arith.constant 16 : index
    %get3A_2478 = tpu.vector_load %arg9[%get3A_2477] {strides = array<i32>} : memref<64xf32, #tpu.memory_space<vmem>>, vector<16xf32>,
    %add3A_2479 = arith.addf %sub3A_1359, %add3A_2459 : vector<16xf32>
    %sub3A_2480 = arith.subf %add3A_2479, %select_n3A_2476 : vector<16xf32>
    %mul3A_2481 = arith.mulf %get3A_2478, %sub3A_2480 : vector<16xf32>
    %add3A_2482 = arith.addf %add3A_2363, %mul3A_2481 : vector<16xf32>
    %add3A_2483 = arith.addf %add3A_2364, %get3A_2478 : vector<16xf32>
    %add3A_2484 = arith.constant 32 : i32
    %add3A_2485 = vector.broadcast %add3A_2484 : i32 to vector<16xi32>
    %add3A_2486 = arith.addi %add3A_2485, %iota3A : vector<16xi32>
    %get3A_2487 = arith.constant 32 : index
    %get3A_2488 = tpu.vector_load %arg11[%get3A_2487] {strides = array<i32>} : memref<64xi32, #tpu.memory_space<vmem>>, vector<16xi32>,
    %get3A_2489 = arith.constant 32 : index
    %get3A_2490 = tpu.vector_load %arg12[%get3A_2489] {strides = array<i32>} : memref<64xi32, #tpu.memory_space<vmem>>, vector<16xi32>,
    %mul3A_2491 = arith.constant 99 : i32
    %mul3A_2492 = vector.broadcast %mul3A_2491 : i32 to vector<16xi32>
    %mul3A_2493 = arith.muli %mul3A_2492, %get3A_2488 : vector<16xi32>
    %add3A_2494 = arith.constant 99 : i32
    %add3A_2495 = vector.broadcast %add3A_2494 : i32 to vector<16xi32>
    %add3A_2496 = arith.addi %add3A_2495, %mul3A_2493 : vector<16xi32>
    %and3A_2497 = arith.constant -8 : i32
    %and3A_2498 = vector.broadcast %and3A_2497 : i32 to vector<16xi32>
    %and3A_2499 = arith.andi %add3A_2496, %and3A_2498 : vector<16xi32>
    %min3A_2500 = arith.constant 9888 : i32
    %min3A_2501 = vector.broadcast %min3A_2500 : i32 to vector<16xi32>
    %min3A_2502 = arith.minsi %and3A_2499, %min3A_2501 : vector<16xi32>
    %sub3A_2503 = arith.subi %add3A_2496, %min3A_2502 : vector<16xi32>
    %broadcast_in_dim3A_2504 = arith.constant 0xFF800000 : f32
    %broadcast_in_dim3A_2505 = vector.broadcast %broadcast_in_dim3A_2504 : f32 to vector<16xf32>
    %scan3A_2506 = arith.constant 0 : i32
    %scan3A_2507 = arith.constant 99 : i32
    %scan3A_2508 = arith.addi %scan3A_2506, %scan3A_2507 : i32
    %scan3A_2509 = arith.constant 1 : i32
    %scan3A_2510 = scf.for %scan3A_2726 = %scan3A_2506 to %scan3A_2508 step %scan3A_2509 iter_args(%scan3A_2727 = %broadcast_in_dim3A_2505) -> (vector<16xf32>)  : i32 {
      %add3A_2728 = vector.broadcast %scan3A_2726 : i32 to vector<16xi32>
      %add3A_2729 = arith.addi %sub3A_2503, %add3A_2728 : vector<16xi32>
      %gather3A_2730 = tpu.vector_load_idx %arg14[%add3A_2486, %add3A_2729] : memref<64x112xf32, #tpu.memory_space<vmem>>[vector<16xi32>, vector<16xi32>], vector<16xf32>,
      %max3A_2731 = arith.maximumf %scan3A_2727, %gather3A_2730 : vector<16xf32>
      scf.yield %max3A_2731 : vector<16xf32>
    }
    %scan3A_2511 = arith.constant 99 : i32
    %max3A_2512 = arith.constant 0.000000e+00 : f32
    %max3A_2513 = vector.broadcast %max3A_2512 : f32 to vector<16xf32>
    %max3A_2514 = arith.maximumf %scan3A_2510, %max3A_2513 : vector<16xf32>
    %neg3A_2515 = arith.constant 0.000000e+00 : f32
    %neg3A_2516 = vector.broadcast %neg3A_2515 : f32 to vector<16xf32>
    %neg3A_2517 = arith.subf %neg3A_2516, %max3A_2514 : vector<16xf32>
    %exp3A_2518 = math.exp %neg3A_2517 : vector<16xf32>
    %scan3A_2519 = arith.constant 0 : i32
    %scan3A_2520 = arith.constant 99 : i32
    %scan3A_2521 = arith.addi %scan3A_2519, %scan3A_2520 : i32
    %scan3A_2522 = arith.constant 1 : i32
    %scan3A_2523 = scf.for %scan3A_2726 = %scan3A_2519 to %scan3A_2521 step %scan3A_2522 iter_args(%scan3A_2727 = %exp3A_2518) -> (vector<16xf32>)  : i32 {
      %add3A_2728 = vector.broadcast %scan3A_2726 : i32 to vector<16xi32>
      %add3A_2729 = arith.addi %sub3A_2503, %add3A_2728 : vector<16xi32>
      %gather3A_2730 = tpu.vector_load_idx %arg14[%add3A_2486, %add3A_2729] : memref<64x112xf32, #tpu.memory_space<vmem>>[vector<16xi32>, vector<16xi32>], vector<16xf32>,
      %sub3A_2731 = arith.subf %gather3A_2730, %max3A_2514 : vector<16xf32>
      %exp3A_2732 = math.exp %sub3A_2731 : vector<16xf32>
      %add3A_2733 = arith.addf %scan3A_2727, %exp3A_2732 : vector<16xf32>
      scf.yield %add3A_2733 : vector<16xf32>
    }
    %scan3A_2524 = arith.constant 99 : i32
    %bitcast3A_2525 = vector.bitcast %scan3A_2523 : vector<16xf32> to vector<16xi32>
    %shift_right_logical3A_2526 = arith.constant 23 : i32
    %shift_right_logical3A_2527 = vector.broadcast %shift_right_logical3A_2526 : i32 to vector<16xi32>
    %shift_right_logical3A_2528 = arith.shrui %bitcast3A_2525, %shift_right_logical3A_2527 : vector<16xi32>
    %sub3A_2529 = arith.constant 127 : i32
    %sub3A_2530 = vector.broadcast %sub3A_2529 : i32 to vector<16xi32>
    %sub3A_2531 = arith.subi %shift_right_logical3A_2528, %sub3A_2530 : vector<16xi32>
    %and3A_2532 = arith.constant 8388607 : i32
    %and3A_2533 = vector.broadcast %and3A_2532 : i32 to vector<16xi32>
    %and3A_2534 = arith.andi %bitcast3A_2525, %and3A_2533 : vector<16xi32>
    %or3A_2535 = arith.constant 1065353216 : i32
    %or3A_2536 = vector.broadcast %or3A_2535 : i32 to vector<16xi32>
    %or3A_2537 = arith.ori %and3A_2534, %or3A_2536 : vector<16xi32>
    %bitcast3A_2538 = vector.bitcast %or3A_2537 : vector<16xi32> to vector<16xf32>
    %gt3A_2539 = arith.constant 1.41421354 : f32
    %gt3A_2540 = vector.broadcast %gt3A_2539 : f32 to vector<16xf32>
    %gt3A_2541 = arith.cmpf ogt, %bitcast3A_2538, %gt3A_2540 : vector<16xf32>
    %add3A_2542 = arith.constant 1 : i32
    %add3A_2543 = vector.broadcast %add3A_2542 : i32 to vector<16xi32>
    %add3A_2544 = arith.addi %sub3A_2531, %add3A_2543 : vector<16xi32>
    %select_n3A_2545 = arith.select %gt3A_2541, %add3A_2544, %sub3A_2531 : vector<16xi1>, vector<16xi32>
    %mul3A_2546 = arith.constant 5.000000e-01 : f32
    %mul3A_2547 = vector.broadcast %mul3A_2546 : f32 to vector<16xf32>
    %mul3A_2548 = arith.mulf %bitcast3A_2538, %mul3A_2547 : vector<16xf32>
    %select_n3A_2549 = arith.select %gt3A_2541, %mul3A_2548, %bitcast3A_2538 : vector<16xi1>, vector<16xf32>
    %sub3A_2550 = arith.constant 1.000000e+00 : f32
    %sub3A_2551 = vector.broadcast %sub3A_2550 : f32 to vector<16xf32>
    %sub3A_2552 = arith.subf %select_n3A_2549, %sub3A_2551 : vector<16xf32>
    %add3A_2553 = arith.constant 1.000000e+00 : f32
    %add3A_2554 = vector.broadcast %add3A_2553 : f32 to vector<16xf32>
    %add3A_2555 = arith.addf %select_n3A_2549, %add3A_2554 : vector<16xf32>
    %div3A_2556 = arith.divf %sub3A_2552, %add3A_2555 : vector<16xf32>
    %mul3A_2557 = arith.mulf %div3A_2556, %div3A_2556 : vector<16xf32>
    %mul3A_2558 = arith.constant 0.285714298 : f32
    %mul3A_2559 = vector.broadcast %mul3A_2558 : f32 to vector<16xf32>
    %mul3A_2560 = arith.mulf %mul3A_2557, %mul3A_2559 : vector<16xf32>
    %add3A_2561 = arith.constant 4.000000e-01 : f32
    %add3A_2562 = vector.broadcast %add3A_2561 : f32 to vector<16xf32>
    %add3A_2563 = arith.addf %add3A_2562, %mul3A_2560 : vector<16xf32>
    %mul3A_2564 = arith.mulf %mul3A_2557, %add3A_2563 : vector<16xf32>
    %add3A_2565 = arith.constant 0.666666686 : f32
    %add3A_2566 = vector.broadcast %add3A_2565 : f32 to vector<16xf32>
    %add3A_2567 = arith.addf %add3A_2566, %mul3A_2564 : vector<16xf32>
    %mul3A_2568 = arith.mulf %mul3A_2557, %add3A_2567 : vector<16xf32>
    %add3A_2569 = arith.constant 2.000000e+00 : f32
    %add3A_2570 = vector.broadcast %add3A_2569 : f32 to vector<16xf32>
    %add3A_2571 = arith.addf %add3A_2570, %mul3A_2568 : vector<16xf32>
    %mul3A_2572 = arith.mulf %div3A_2556, %add3A_2571 : vector<16xf32>
    %convert_element_type3A_2573 = arith.sitofp %select_n3A_2545 : vector<16xi32> to vector<16xf32>
    %mul3A_2574 = arith.constant 0.693147182 : f32
    %mul3A_2575 = vector.broadcast %mul3A_2574 : f32 to vector<16xf32>
    %mul3A_2576 = arith.mulf %convert_element_type3A_2573, %mul3A_2575 : vector<16xf32>
    %add3A_2577 = arith.addf %mul3A_2576, %mul3A_2572 : vector<16xf32>
    %add3A_2578 = arith.addf %max3A_2514, %add3A_2577 : vector<16xf32>
    %jit3A_2579 = arith.constant 0 : i32
    %jit3A_2580 = arith.constant 99 : i32
    %max3A_2581 = vector.broadcast %jit3A_2579 : i32 to vector<16xi32>
    %max3A_2582 = arith.maxsi %max3A_2581, %get3A_2490 : vector<16xi32>
    %min3A_2583 = vector.broadcast %jit3A_2580 : i32 to vector<16xi32>
    %min3A_2584 = arith.minsi %min3A_2583, %max3A_2582 : vector<16xi32>
    %lt3A_2585 = arith.constant 99 : i32
    %lt3A_2586 = vector.broadcast %lt3A_2585 : i32 to vector<16xi32>
    %lt3A_2587 = arith.cmpi slt, %min3A_2584, %lt3A_2586 : vector<16xi32>
    %jit3A_2588 = arith.constant 0 : i32
    %broadcast_in_dim3A_2589 = vector.broadcast %jit3A_2588 : i32 to vector<16xi32>
    %select_n3A_2590 = arith.select %lt3A_2587, %min3A_2584, %broadcast_in_dim3A_2589 : vector<16xi1>, vector<16xi32>
    %add3A_2591 = arith.addi %sub3A_2503, %select_n3A_2590 : vector<16xi32>
    %gather3A_2592 = tpu.vector_load_idx %arg14[%add3A_2486, %add3A_2591] : memref<64x112xf32, #tpu.memory_space<vmem>>[vector<16xi32>, vector<16xi32>], vector<16xf32>,
    %jit3A_2593 = arith.constant 0.000000e+00 : f32
    %broadcast_in_dim3A_2594 = vector.broadcast %jit3A_2593 : f32 to vector<16xf32>
    %select_n3A_2595 = arith.select %lt3A_2587, %gather3A_2592, %broadcast_in_dim3A_2594 : vector<16xi1>, vector<16xf32>
    %get3A_2596 = arith.constant 32 : index
    %get3A_2597 = tpu.vector_load %arg9[%get3A_2596] {strides = array<i32>} : memref<64xf32, #tpu.memory_space<vmem>>, vector<16xf32>,
    %add3A_2598 = arith.addf %sub3A_1450, %add3A_2578 : vector<16xf32>
    %sub3A_2599 = arith.subf %add3A_2598, %select_n3A_2595 : vector<16xf32>
    %mul3A_2600 = arith.mulf %get3A_2597, %sub3A_2599 : vector<16xf32>
    %add3A_2601 = arith.addf %add3A_2482, %mul3A_2600 : vector<16xf32>
    %add3A_2602 = arith.addf %add3A_2483, %get3A_2597 : vector<16xf32>
    %add3A_2603 = arith.constant 48 : i32
    %add3A_2604 = vector.broadcast %add3A_2603 : i32 to vector<16xi32>
    %add3A_2605 = arith.addi %add3A_2604, %iota3A : vector<16xi32>
    %get3A_2606 = arith.constant 48 : index
    %get3A_2607 = tpu.vector_load %arg11[%get3A_2606] {strides = array<i32>} : memref<64xi32, #tpu.memory_space<vmem>>, vector<16xi32>,
    %get3A_2608 = arith.constant 48 : index
    %get3A_2609 = tpu.vector_load %arg12[%get3A_2608] {strides = array<i32>} : memref<64xi32, #tpu.memory_space<vmem>>, vector<16xi32>,
    %mul3A_2610 = arith.constant 99 : i32
    %mul3A_2611 = vector.broadcast %mul3A_2610 : i32 to vector<16xi32>
    %mul3A_2612 = arith.muli %mul3A_2611, %get3A_2607 : vector<16xi32>
    %add3A_2613 = arith.constant 99 : i32
    %add3A_2614 = vector.broadcast %add3A_2613 : i32 to vector<16xi32>
    %add3A_2615 = arith.addi %add3A_2614, %mul3A_2612 : vector<16xi32>
    %and3A_2616 = arith.constant -8 : i32
    %and3A_2617 = vector.broadcast %and3A_2616 : i32 to vector<16xi32>
    %and3A_2618 = arith.andi %add3A_2615, %and3A_2617 : vector<16xi32>
    %min3A_2619 = arith.constant 9888 : i32
    %min3A_2620 = vector.broadcast %min3A_2619 : i32 to vector<16xi32>
    %min3A_2621 = arith.minsi %and3A_2618, %min3A_2620 : vector<16xi32>
    %sub3A_2622 = arith.subi %add3A_2615, %min3A_2621 : vector<16xi32>
    %broadcast_in_dim3A_2623 = arith.constant 0xFF800000 : f32
    %broadcast_in_dim3A_2624 = vector.broadcast %broadcast_in_dim3A_2623 : f32 to vector<16xf32>
    %scan3A_2625 = arith.constant 0 : i32
    %scan3A_2626 = arith.constant 99 : i32
    %scan3A_2627 = arith.addi %scan3A_2625, %scan3A_2626 : i32
    %scan3A_2628 = arith.constant 1 : i32
    %scan3A_2629 = scf.for %scan3A_2726 = %scan3A_2625 to %scan3A_2627 step %scan3A_2628 iter_args(%scan3A_2727 = %broadcast_in_dim3A_2624) -> (vector<16xf32>)  : i32 {
      %add3A_2728 = vector.broadcast %scan3A_2726 : i32 to vector<16xi32>
      %add3A_2729 = arith.addi %sub3A_2622, %add3A_2728 : vector<16xi32>
      %gather3A_2730 = tpu.vector_load_idx %arg14[%add3A_2605, %add3A_2729] : memref<64x112xf32, #tpu.memory_space<vmem>>[vector<16xi32>, vector<16xi32>], vector<16xf32>,
      %max3A_2731 = arith.maximumf %scan3A_2727, %gather3A_2730 : vector<16xf32>
      scf.yield %max3A_2731 : vector<16xf32>
    }
    %scan3A_2630 = arith.constant 99 : i32
    %max3A_2631 = arith.constant 0.000000e+00 : f32
    %max3A_2632 = vector.broadcast %max3A_2631 : f32 to vector<16xf32>
    %max3A_2633 = arith.maximumf %scan3A_2629, %max3A_2632 : vector<16xf32>
    %neg3A_2634 = arith.constant 0.000000e+00 : f32
    %neg3A_2635 = vector.broadcast %neg3A_2634 : f32 to vector<16xf32>
    %neg3A_2636 = arith.subf %neg3A_2635, %max3A_2633 : vector<16xf32>
    %exp3A_2637 = math.exp %neg3A_2636 : vector<16xf32>
    %scan3A_2638 = arith.constant 0 : i32
    %scan3A_2639 = arith.constant 99 : i32
    %scan3A_2640 = arith.addi %scan3A_2638, %scan3A_2639 : i32
    %scan3A_2641 = arith.constant 1 : i32
    %scan3A_2642 = scf.for %scan3A_2726 = %scan3A_2638 to %scan3A_2640 step %scan3A_2641 iter_args(%scan3A_2727 = %exp3A_2637) -> (vector<16xf32>)  : i32 {
      %add3A_2728 = vector.broadcast %scan3A_2726 : i32 to vector<16xi32>
      %add3A_2729 = arith.addi %sub3A_2622, %add3A_2728 : vector<16xi32>
      %gather3A_2730 = tpu.vector_load_idx %arg14[%add3A_2605, %add3A_2729] : memref<64x112xf32, #tpu.memory_space<vmem>>[vector<16xi32>, vector<16xi32>], vector<16xf32>,
      %sub3A_2731 = arith.subf %gather3A_2730, %max3A_2633 : vector<16xf32>
      %exp3A_2732 = math.exp %sub3A_2731 : vector<16xf32>
      %add3A_2733 = arith.addf %scan3A_2727, %exp3A_2732 : vector<16xf32>
      scf.yield %add3A_2733 : vector<16xf32>
    }
    %scan3A_2643 = arith.constant 99 : i32
    %bitcast3A_2644 = vector.bitcast %scan3A_2642 : vector<16xf32> to vector<16xi32>
    %shift_right_logical3A_2645 = arith.constant 23 : i32
    %shift_right_logical3A_2646 = vector.broadcast %shift_right_logical3A_2645 : i32 to vector<16xi32>
    %shift_right_logical3A_2647 = arith.shrui %bitcast3A_2644, %shift_right_logical3A_2646 : vector<16xi32>
    %sub3A_2648 = arith.constant 127 : i32
    %sub3A_2649 = vector.broadcast %sub3A_2648 : i32 to vector<16xi32>
    %sub3A_2650 = arith.subi %shift_right_logical3A_2647, %sub3A_2649 : vector<16xi32>
    %and3A_2651 = arith.constant 8388607 : i32
    %and3A_2652 = vector.broadcast %and3A_2651 : i32 to vector<16xi32>
    %and3A_2653 = arith.andi %bitcast3A_2644, %and3A_2652 : vector<16xi32>
    %or3A_2654 = arith.constant 1065353216 : i32
    %or3A_2655 = vector.broadcast %or3A_2654 : i32 to vector<16xi32>
    %or3A_2656 = arith.ori %and3A_2653, %or3A_2655 : vector<16xi32>
    %bitcast3A_2657 = vector.bitcast %or3A_2656 : vector<16xi32> to vector<16xf32>
    %gt3A_2658 = arith.constant 1.41421354 : f32
    %gt3A_2659 = vector.broadcast %gt3A_2658 : f32 to vector<16xf32>
    %gt3A_2660 = arith.cmpf ogt, %bitcast3A_2657, %gt3A_2659 : vector<16xf32>
    %add3A_2661 = arith.constant 1 : i32
    %add3A_2662 = vector.broadcast %add3A_2661 : i32 to vector<16xi32>
    %add3A_2663 = arith.addi %sub3A_2650, %add3A_2662 : vector<16xi32>
    %select_n3A_2664 = arith.select %gt3A_2660, %add3A_2663, %sub3A_2650 : vector<16xi1>, vector<16xi32>
    %mul3A_2665 = arith.constant 5.000000e-01 : f32
    %mul3A_2666 = vector.broadcast %mul3A_2665 : f32 to vector<16xf32>
    %mul3A_2667 = arith.mulf %bitcast3A_2657, %mul3A_2666 : vector<16xf32>
    %select_n3A_2668 = arith.select %gt3A_2660, %mul3A_2667, %bitcast3A_2657 : vector<16xi1>, vector<16xf32>
    %sub3A_2669 = arith.constant 1.000000e+00 : f32
    %sub3A_2670 = vector.broadcast %sub3A_2669 : f32 to vector<16xf32>
    %sub3A_2671 = arith.subf %select_n3A_2668, %sub3A_2670 : vector<16xf32>
    %add3A_2672 = arith.constant 1.000000e+00 : f32
    %add3A_2673 = vector.broadcast %add3A_2672 : f32 to vector<16xf32>
    %add3A_2674 = arith.addf %select_n3A_2668, %add3A_2673 : vector<16xf32>
    %div3A_2675 = arith.divf %sub3A_2671, %add3A_2674 : vector<16xf32>
    %mul3A_2676 = arith.mulf %div3A_2675, %div3A_2675 : vector<16xf32>
    %mul3A_2677 = arith.constant 0.285714298 : f32
    %mul3A_2678 = vector.broadcast %mul3A_2677 : f32 to vector<16xf32>
    %mul3A_2679 = arith.mulf %mul3A_2676, %mul3A_2678 : vector<16xf32>
    %add3A_2680 = arith.constant 4.000000e-01 : f32
    %add3A_2681 = vector.broadcast %add3A_2680 : f32 to vector<16xf32>
    %add3A_2682 = arith.addf %add3A_2681, %mul3A_2679 : vector<16xf32>
    %mul3A_2683 = arith.mulf %mul3A_2676, %add3A_2682 : vector<16xf32>
    %add3A_2684 = arith.constant 0.666666686 : f32
    %add3A_2685 = vector.broadcast %add3A_2684 : f32 to vector<16xf32>
    %add3A_2686 = arith.addf %add3A_2685, %mul3A_2683 : vector<16xf32>
    %mul3A_2687 = arith.mulf %mul3A_2676, %add3A_2686 : vector<16xf32>
    %add3A_2688 = arith.constant 2.000000e+00 : f32
    %add3A_2689 = vector.broadcast %add3A_2688 : f32 to vector<16xf32>
    %add3A_2690 = arith.addf %add3A_2689, %mul3A_2687 : vector<16xf32>
    %mul3A_2691 = arith.mulf %div3A_2675, %add3A_2690 : vector<16xf32>
    %convert_element_type3A_2692 = arith.sitofp %select_n3A_2664 : vector<16xi32> to vector<16xf32>
    %mul3A_2693 = arith.constant 0.693147182 : f32
    %mul3A_2694 = vector.broadcast %mul3A_2693 : f32 to vector<16xf32>
    %mul3A_2695 = arith.mulf %convert_element_type3A_2692, %mul3A_2694 : vector<16xf32>
    %add3A_2696 = arith.addf %mul3A_2695, %mul3A_2691 : vector<16xf32>
    %add3A_2697 = arith.addf %max3A_2633, %add3A_2696 : vector<16xf32>
    %jit3A_2698 = arith.constant 0 : i32
    %jit3A_2699 = arith.constant 99 : i32
    %max3A_2700 = vector.broadcast %jit3A_2698 : i32 to vector<16xi32>
    %max3A_2701 = arith.maxsi %max3A_2700, %get3A_2609 : vector<16xi32>
    %min3A_2702 = vector.broadcast %jit3A_2699 : i32 to vector<16xi32>
    %min3A_2703 = arith.minsi %min3A_2702, %max3A_2701 : vector<16xi32>
    %lt3A_2704 = arith.constant 99 : i32
    %lt3A_2705 = vector.broadcast %lt3A_2704 : i32 to vector<16xi32>
    %lt3A_2706 = arith.cmpi slt, %min3A_2703, %lt3A_2705 : vector<16xi32>
    %jit3A_2707 = arith.constant 0 : i32
    %broadcast_in_dim3A_2708 = vector.broadcast %jit3A_2707 : i32 to vector<16xi32>
    %select_n3A_2709 = arith.select %lt3A_2706, %min3A_2703, %broadcast_in_dim3A_2708 : vector<16xi1>, vector<16xi32>
    %add3A_2710 = arith.addi %sub3A_2622, %select_n3A_2709 : vector<16xi32>
    %gather3A_2711 = tpu.vector_load_idx %arg14[%add3A_2605, %add3A_2710] : memref<64x112xf32, #tpu.memory_space<vmem>>[vector<16xi32>, vector<16xi32>], vector<16xf32>,
    %jit3A_2712 = arith.constant 0.000000e+00 : f32
    %broadcast_in_dim3A_2713 = vector.broadcast %jit3A_2712 : f32 to vector<16xf32>
    %select_n3A_2714 = arith.select %lt3A_2706, %gather3A_2711, %broadcast_in_dim3A_2713 : vector<16xi1>, vector<16xf32>
    %get3A_2715 = arith.constant 48 : index
    %get3A_2716 = tpu.vector_load %arg9[%get3A_2715] {strides = array<i32>} : memref<64xf32, #tpu.memory_space<vmem>>, vector<16xf32>,
    %add3A_2717 = arith.addf %sub3A_1541, %add3A_2697 : vector<16xf32>
    %sub3A_2718 = arith.subf %add3A_2717, %select_n3A_2714 : vector<16xf32>
    %mul3A_2719 = arith.mulf %get3A_2716, %sub3A_2718 : vector<16xf32>
    %add3A_2720 = arith.addf %add3A_2601, %mul3A_2719 : vector<16xf32>
    %add3A_2721 = arith.addf %add3A_2602, %get3A_2716 : vector<16xf32>
    %swap3A_2722 = arith.constant 0 : index
    %swap3A_2723 = tpu.vector_load %arg15[%swap3A_2722] {strides = array<i32>} : memref<16xf32, #tpu.memory_space<vmem>>, vector<16xf32>,
    tpu.vector_store %arg15[%swap3A_2722], %add3A_2720 {strides = array<i32>} : memref<16xf32, #tpu.memory_space<vmem>>, vector<16xf32>,
    %swap3A_2724 = arith.constant 0 : index
    %swap3A_2725 = tpu.vector_load %arg16[%swap3A_2724] {strides = array<i32>} : memref<16xf32, #tpu.memory_space<vmem>>, vector<16xf32>,
    tpu.vector_store %arg16[%swap3A_2724], %add3A_2721 {strides = array<i32>} : memref<16xf32, #tpu.memory_space<vmem>>, vector<16xf32>,
    "tpu.region"() ({
      %run_scoped3A = tpu.sem_alloc : memref<!tpu.dma_semaphore, #tpu.memory_space<semaphore_mem>>
      %dma_start3A_2726 = arith.constant 0 : i32
      %dma_start3A_2727 = tpu.memref_slice %arg6[%add3A, %dma_start3A_2726] : memref<32x16xf32, #tpu.memory_space<hbm>> -> memref<1x16xf32, #tpu.memory_space<hbm>>
      %dma_start3A_2728 = tpu.memref_squeeze %dma_start3A_2727 : memref<1x16xf32, #tpu.memory_space<hbm>> -> memref<16xf32, #tpu.memory_space<hbm>>
      %dma_start3A_2729 = arith.constant 0 : i32
      %dma_start3A_2730 = tpu.memref_slice %arg6[%add3A, %dma_start3A_2729] : memref<32x16xf32, #tpu.memory_space<hbm>> -> memref<1x16xf32, #tpu.memory_space<hbm>>
      %dma_start3A_2731 = tpu.memref_squeeze %dma_start3A_2730 : memref<1x16xf32, #tpu.memory_space<hbm>> -> memref<16xf32, #tpu.memory_space<hbm>>
      tpu.enqueue_dma source(%arg15 : memref<16xf32, #tpu.memory_space<vmem>>) target(%dma_start3A_2731 : memref<16xf32, #tpu.memory_space<hbm>>) target_semaphore(%run_scoped3A : memref<!tpu.dma_semaphore, #tpu.memory_space<semaphore_mem>>)
      %dma_wait3A_2732 = arith.constant 0 : i32
      %dma_wait3A_2733 = tpu.memref_slice %arg6[%add3A, %dma_wait3A_2732] : memref<32x16xf32, #tpu.memory_space<hbm>> -> memref<1x16xf32, #tpu.memory_space<hbm>>
      %dma_wait3A_2734 = tpu.memref_squeeze %dma_wait3A_2733 : memref<1x16xf32, #tpu.memory_space<hbm>> -> memref<16xf32, #tpu.memory_space<hbm>>
      %dma_wait3A_2735 = arith.constant 0 : i32
      %dma_wait3A_2736 = tpu.memref_slice %arg6[%add3A, %dma_wait3A_2735] : memref<32x16xf32, #tpu.memory_space<hbm>> -> memref<1x16xf32, #tpu.memory_space<hbm>>
      %dma_wait3A_2737 = tpu.memref_squeeze %dma_wait3A_2736 : memref<1x16xf32, #tpu.memory_space<hbm>> -> memref<16xf32, #tpu.memory_space<hbm>>
      tpu.wait_dma2 semaphore(%run_scoped3A : memref<!tpu.dma_semaphore, #tpu.memory_space<semaphore_mem>>) src(%arg15 : memref<16xf32, #tpu.memory_space<vmem>>) dst(%dma_wait3A_2737 : memref<16xf32, #tpu.memory_space<hbm>>)
      tpu.yield
    }) : () -> ()
    "tpu.region"() ({
      %run_scoped3A = tpu.sem_alloc : memref<!tpu.dma_semaphore, #tpu.memory_space<semaphore_mem>>
      %dma_start3A_2726 = arith.constant 0 : i32
      %dma_start3A_2727 = tpu.memref_slice %arg7[%add3A, %dma_start3A_2726] : memref<32x16xf32, #tpu.memory_space<hbm>> -> memref<1x16xf32, #tpu.memory_space<hbm>>
      %dma_start3A_2728 = tpu.memref_squeeze %dma_start3A_2727 : memref<1x16xf32, #tpu.memory_space<hbm>> -> memref<16xf32, #tpu.memory_space<hbm>>
      %dma_start3A_2729 = arith.constant 0 : i32
      %dma_start3A_2730 = tpu.memref_slice %arg7[%add3A, %dma_start3A_2729] : memref<32x16xf32, #tpu.memory_space<hbm>> -> memref<1x16xf32, #tpu.memory_space<hbm>>
      %dma_start3A_2731 = tpu.memref_squeeze %dma_start3A_2730 : memref<1x16xf32, #tpu.memory_space<hbm>> -> memref<16xf32, #tpu.memory_space<hbm>>
      tpu.enqueue_dma source(%arg16 : memref<16xf32, #tpu.memory_space<vmem>>) target(%dma_start3A_2731 : memref<16xf32, #tpu.memory_space<hbm>>) target_semaphore(%run_scoped3A : memref<!tpu.dma_semaphore, #tpu.memory_space<semaphore_mem>>)
      %dma_wait3A_2732 = arith.constant 0 : i32
      %dma_wait3A_2733 = tpu.memref_slice %arg7[%add3A, %dma_wait3A_2732] : memref<32x16xf32, #tpu.memory_space<hbm>> -> memref<1x16xf32, #tpu.memory_space<hbm>>
      %dma_wait3A_2734 = tpu.memref_squeeze %dma_wait3A_2733 : memref<1x16xf32, #tpu.memory_space<hbm>> -> memref<16xf32, #tpu.memory_space<hbm>>
      %dma_wait3A_2735 = arith.constant 0 : i32
      %dma_wait3A_2736 = tpu.memref_slice %arg7[%add3A, %dma_wait3A_2735] : memref<32x16xf32, #tpu.memory_space<hbm>> -> memref<1x16xf32, #tpu.memory_space<hbm>>
      %dma_wait3A_2737 = tpu.memref_squeeze %dma_wait3A_2736 : memref<1x16xf32, #tpu.memory_space<hbm>> -> memref<16xf32, #tpu.memory_space<hbm>>
      tpu.wait_dma2 semaphore(%run_scoped3A : memref<!tpu.dma_semaphore, #tpu.memory_space<semaphore_mem>>) src(%arg16 : memref<16xf32, #tpu.memory_space<vmem>>) dst(%dma_wait3A_2737 : memref<16xf32, #tpu.memory_space<hbm>>)
      tpu.yield
    }) : () -> ()
    return
  }
}

</mosaic_0001>

<sc_bundles>
// kernel: kernel.3.cloned.1.call-start
scs
__scs_entry_jumppad:
0x0: {  	(pc) =	sbr.rel $0x88, $3  }
0x1: {  	(tag) =	ssettag $0x0;
	lr =	simm.s32 $0x1  }
0x2: {  	[smem:$0x3F9D] =	sst lr;
	_ =	strace $0xD0000000  }
0x3: {  	_ = 	snop  }
0x4: {  	_ = 	snop  }
0x5: {  	_ = 	snop  }
0x6: {  	_ = 	snop  }
0x7: {  	_ = 	snop  }
__scs_overlays_trampoline_lowered:
0x8: {  	[smem:$0x3FAC] =	sst s0  }
0x9: {  	[smem:$0x3FAD] =	sst s1  }
0xa: {  	[smem:$0x3FAE] =	sst s2  }
0xb: {  	[smem:$0x3FAF] =	sst s3  }
0xc: {  	[smem:$0x3FB0] =	sst s4  }
0xd: {  	[smem:$0x3FB1] =	sst s5  }
0xe: {  	[smem:$0x3FB2] =	sst s6  }
0xf: {  	[smem:$0x3FB3] =	sst s7  }
0x10: {  	[smem:$0x3FB4] =	sst s8  }
0x11: {  	[smem:$0x3FB5] =	sst s9;
	s0 =	simm.s32 @!p0 $0x0  }
0x12: {  	s1 =	sld [smem:$0x3F9B];
	s0 =	simm.s32 @p0 $0x1  }
0x13: {  	[smem:$0x3FB6] =	sst s0;
	s0 =	simm.s32 @!p1 $0x0  }
0x14: {  	s2 =	sld [smem:$0x3F9A];
	s0 =	simm.s32 @p1 $0x1  }
0x15: {  	[smem:$0x3FB7] =	sst s0;
	s0 =	simm.s32 @!p2 $0x0  }
0x16: {  	s3 =	sld [smem:$0x3FDB];
	s0 =	simm.s32 @p2 $0x1  }
0x17: {  	s4 =	simm.s32 $0x1BF5;
	[smem:$0x3FB9] =	sst s0  }
0x18: {  	s0 =	sld [smem:$0x3F9C];
	_ =	swait.ge [sflag:s4], $0x0  }
0x19: {  	s7 =	sld [smem:$0x3F9D]  }
0x1a: {  	s8 =	sadd.s32 $0xFFFFE003, lr  }
0x1b: {  	s9 =	sadd.s32 $0xFFFFFEF7, lr;
	s5 =	simm.s32 $0xFFFFFFFF;
	p2 =	slt.u32 s8, $0xFFFFF086  }
0x1c: {  	p1 =	slt.u32 s9, $0xF7A;
	s5 =	simm.s32 @!p2 $0x0  }
0x1d: {  	s5 =	simm.s32 @p1 $0x1;
	p0 =	seq.s32 s7, s2  }
0x1e: {  	s7 =	smul.u32 @!p0 $0xF7A, s2;
	p2 =	seq.s32 @!p0 s5, $0x0  }
0x1f: {  	s9 =	smul.u32 $0xF7A, s1;
	s8 =	simm.s32 @!p0 $0x1BF5;
	p2 =	por !p2, p0  }
0x20: {  	[sflag:s8] =	ssyncset.s32 @!p0 $0xFFFFF086;
	s6 =	sadd.s32 @!p0 s3, s7;
	s7 =	simm.s32 @!p0 $0x108  }
0x21: {  	s3 =	sadd.s32 s3, s9;
	s6 =	sadd.s32 @!p0 $0x88, s6;
	s7 =	simm.s32 @p2 $0x1082  }
0x22: {  	[simem:s7], [sflag:s8] =	dma.local @!p0 [hbm:s6], $0xF7A  }
0x23: {  	s9 =	sor.u32 $0xD0000000, s2;
	s6 =	simm.s32 $0x108;
	_ =	swait.ge @!p0 [sflag:s8], $0x0  }
0x24: {  	s3 =	sadd.s32 $0x88, s3;
	s6 =	simm.s32 @!p1 $0x1082;
	[sflag:s4] =	ssyncset.s32 $0xFFFFF086  }
0x25: {  	[simem:s6], [sflag:s4] =	dma.local [hbm:s3], $0xF7A  }
0x26: {  	[smem:$0x3F9D] =	sst s1;
	(tag) =	ssettag s2;
	_ =	strace s9  }
0x27: {  	s1 =	sld [smem:$0x3FAD]  }
0x28: {  	s2 =	sld [smem:$0x3FAE]  }
0x29: {  	s4 =	sld [smem:$0x3FB0]  }
0x2a: {  	p0 =	seq.s32 s5, $0x0;
	s5 =	sld [smem:$0x3FB1]  }
0x2b: {  	s6 =	sld [smem:$0x3FB2]  }
0x2c: {  	s7 =	sld [smem:$0x3FB3]  }
0x2d: {  	s3 =	simm.s32 $0x108;
	s8 =	sld [smem:$0x3FB4]  }
0x2e: {  	s3 =	simm.s32 @!p0 $0x1082;
	s9 =	sld [smem:$0x3FB5]  }
0x2f: {  	lr =	sadd.s32 s0, s3;
	s0 =	sld [smem:$0x3FAC]  }
0x30: {  	s3 =	sld [smem:$0x3FAF]  }
0x31: {  	[smem:$0x3FB8] =	sst s10  }
0x32: {  	s10 =	sld [smem:$0x3FB6];
	_ =	sdelay $0x3  }
0x33: {  	p0 =	seq.s32 s10, $0x1;
	s10 =	sld [smem:$0x3FB8];
	_ =	sdelay $0x3  }
0x34: {  	[smem:$0x3FB8] =	sst s10  }
0x35: {  	s10 =	sld [smem:$0x3FB7];
	_ =	sdelay $0x3  }
0x36: {  	p1 =	seq.s32 s10, $0x1;
	s10 =	sld [smem:$0x3FB8];
	_ =	sdelay $0x3  }
0x37: {  	[smem:$0x3FB8] =	sst s10  }
0x38: {  	s10 =	sld [smem:$0x3FB9]  }
0x39: {  	_ = 	snop;
	(pc) =	sbr.ind lr, $3  }
0x3a: {  	_ = 	snop  }
0x3b: {  	_ = 	snop  }
0x3c: {  	p2 =	seq.s32 s10, $0x1;
	s10 =	sld [smem:$0x3FB8]  }
0x3d: {  	_ =	shalt  }
0x3e: {  	_ =	shalt  }
0x3f: {  	_ =	shalt  }
0x40: {  	_ =	shalt  }
0x41: {  	_ =	shalt  }
0x42: {  	_ =	shalt  }
0x43: {  	_ =	shalt  }
0x44: {  	_ =	shalt  }
0x45: {  	_ =	shalt  }
0x46: {  	_ =	shalt  }
0x47: {  	_ =	shalt  }
0x48: {  	_ =	shalt  }
0x49: {  	_ =	shalt  }
0x4a: {  	_ =	shalt  }
0x4b: {  	_ =	shalt  }
0x4c: {  	_ =	shalt  }
0x4d: {  	_ =	shalt  }
0x4e: {  	_ =	shalt  }
0x4f: {  	_ =	shalt  }
0x50: {  	_ =	shalt  }
0x51: {  	_ =	shalt  }
0x52: {  	_ =	shalt  }
0x53: {  	_ =	shalt  }
0x54: {  	_ =	shalt  }
0x55: {  	_ =	shalt  }
0x56: {  	_ =	shalt  }
0x57: {  	_ =	shalt  }
0x58: {  	_ =	shalt  }
0x59: {  	_ =	shalt  }
0x5a: {  	_ =	shalt  }
0x5b: {  	_ =	shalt  }
0x5c: {  	_ =	shalt  }
0x5d: {  	_ =	shalt  }
0x5e: {  	_ =	shalt  }
0x5f: {  	_ =	shalt  }
0x60: {  	_ =	shalt  }
0x61: {  	_ =	shalt  }
0x62: {  	_ =	shalt  }
0x63: {  	_ =	shalt  }
0x64: {  	_ =	shalt  }
0x65: {  	_ =	shalt  }
0x66: {  	_ =	shalt  }
0x67: {  	_ =	shalt  }
0x68: {  	_ =	shalt  }
0x69: {  	_ =	shalt  }
0x6a: {  	_ =	shalt  }
0x6b: {  	_ =	shalt  }
0x6c: {  	_ =	shalt  }
0x6d: {  	_ =	shalt  }
0x6e: {  	_ =	shalt  }
0x6f: {  	_ =	shalt  }
0x70: {  	_ =	shalt  }
0x71: {  	_ =	shalt  }
0x72: {  	_ =	shalt  }
0x73: {  	_ =	shalt  }
0x74: {  	_ =	shalt  }
0x75: {  	_ =	shalt  }
0x76: {  	_ =	shalt  }
0x77: {  	_ =	shalt  }
0x78: {  	_ =	shalt  }
0x79: {  	_ =	shalt  }
0x7a: {  	_ =	shalt  }
0x7b: {  	_ =	shalt  }
0x7c: {  	_ =	shalt  }
0x7d: {  	_ =	shalt  }
0x7e: {  	_ =	shalt  }
0x7f: {  	_ =	shalt  }
0x80: {  	_ =	shalt  }
0x81: {  	_ =	shalt  }
0x82: {  	_ =	shalt  }
0x83: {  	_ =	shalt  }
0x84: {  	_ =	shalt  }
0x85: {  	_ =	shalt  }
0x86: {  	_ =	shalt  }
0x87: {  	_ =	shalt  }
.Lfunc_end0:
.L_simem_size_0:
called_computation_lowered:
.L_overlay_start_0:
0x88: {  	s2 =	sld [smem:$0x3FD9]  }
0x89: {  	s3 =	sld [smem:$0x3FFE];
	_ =	sdelay $0x1  }
0x8a: {  	s1 =	srdreg.scid  }
0x8b: {  	s0 =	sand.u32 $0x1, s1  }
0x8c: {  	s16 =	sshll.u32 s0, $0xA;
	s2 =	sadd.s32 s3, s2  }
0x8d: {  	s2 =	sadd.s32 s2, s16  }
0x8e: {  	[smem:$0x3FC4] =	sst s2  }
0x8f: {  	_ = 	snop  }
0x90: {  	(tm) =	ssettm $0x1  }
0x91: {  	s17 =	sld [smem:$0x3FFB];
	_ =	sdelay $0x3  }
0x92: {  	_ =	strace s17  }
0x93: {  	s2 =	sld [smem:$0x3FFC];
	_ =	sdelay $0x3  }
0x94: {  	_ =	strace s2  }
0x95: {  	s2 =	sld [smem:$0x3FFD];
	_ =	sdelay $0x3  }
0x96: {  	_ =	strace s2  }
0x97: {  	_ =	strace $0x8FFFFFFF  }
0x98: {  	s18 =	sld [smem:$0x3FDB];
	_ =	sdelay $0x1  }
0x99: {  	s19 =	simm.s32 $_scs_section_size  }
0x9a: {  	s4 =	simm.s32 $_size__tile_overlayer_lowered;
	s5 =	simm.s32 $_tile_overlayer_lowered  }
0x9b: {  	s22 =	simm.s32 $0x1BFF;
	s21 =	sshll.u32 s5, $0x1;
	s2 =	sadd.s32 s19, s18  }
0x9c: {  	s6 =	simm.s32 $0x0;
	s20 =	sshll.u32 s4, $0x1;
	s4 =	sadd.s32 s21, s2  }
0x9d: {  	[timem:s6], [sflag:s22] =	dma.local [hbm:s4], s20  }
0x9e: {  	_ =	swait.ge [sflag:s22], s20  }
0x9f: {  	s3 =	ssub.s32 $0x0, s20;
	[sflag:s22] =	ssyncset.done $0x0  }
0xa0: {  	[sflag:s22] =	ssyncadd.s32 s3;
	_ =	sdelay $0x1  }
0xa1: {  	s23 =	simm.s32 $0x1B8B  }
0xa2: {  	_ =	swait.ge [sflag:s23], $0x1  }
0xa3: {  	[sflag:s23] =	ssyncset.done $0x0  }
0xa4: {  	s25 =	simm.s32 $0x1B8E;
	s24 =	sld [smem:$0x3FFE];
	[sflag:s23] =	ssyncadd.s32 $0xFFFFFFFF  }
0xa5: {  	s26 =	simm.s32 $execute0_lowered;
	[smem:$0x3FD2] =	sst s25  }
0xa6: {  	s4 =	sshll.u32 s26, $0x1;
	_ =	strace $0x80000046;
	[dreg:$0x1] =	wrdreg $0xFFFFFFFF  }
0xa7: {  	s28 =	simm.s32 $_size_execute0_lowered;
	s2 =	sadd.s32 s2, s4;
	[dreg:$0x0] =	wrdreg $0x0  }
0xa8: {  	s4 =	sshll.u32 s28, $0x1;
	[dreg:$0x2] =	wrdreg s2  }
0xa9: {  	[dreg:$0x3] =	wrdreg s4  }
0xaa: {  	[dreg:$0x4] =	wrdreg $0xC0  }
0xab: {  	_ =	task [dreg:s6], $0x5FFFF  }
0xac: {  	[dreg:$0x1] =	wrdreg $0xFFFFFFFF  }
0xad: {  	[dreg:$0x0] =	wrdreg $0x60  }
0xae: {  	[dreg:$0x2] =	wrdreg s24  }
0xaf: {  	[dreg:$0x3] =	wrdreg $0x9  }
0xb0: {  	_ =	task.clear_ibuf [dreg:s6], $0x4FFFF;
	_ =	strace $0x90000046  }
0xb1: {  	s29 =	simm.s32 $0x9;
	_ =	strace $0x80000048  }
0xb2: {  	_ =	swait.ge [sflag:s29], $0x1  }
0xb3: {  	[sflag:s29] =	ssyncadd.s32 $0xFFFFFFFF  }
0xb4: {  	_ =	strace $0x90000048  }
0xb5: {  	_ =	sfence  }
0xb6: {  	s30 =	sld [smem:$0x0];
	_ =	sdelay $0x2  }
0xb7: {  	s31 =	sshll.u32 s1, $0xD;
	s1 =	sshrl.u32 s1, $0x2  }
0xb8: {  	s3 =	sand.u32 $0x4000, s31;
	s1 =	sadd.s32 s1, s30  }
0xb9: {  	s0 =	sor.u32 s3, s0;
	s1 =	sshll.u32 s1, $0x11  }
0xba: {  	s0 =	sor.u32 s1, s0  }
0xbb: {  	s0 =	sadd.s32 $0x8F2B, s0  }
0xbc: {  	[sflag:s0] =	ssyncadd.remote.s32 $0x1  }
0xbd: {  	_ =	sfence.sel $0xFFFF  }
0xbe: {  	[dreg:$0x0] =	wrdreg $0xFFFFFFFF;
	(pc) =	sbr.abs _section_cstart, $3  }
0xbf: {  	[dreg:$0x1] =	wrdreg $0xFFFFFFFF  }
0xc0: {  	_ =	task.clear_ibuf [dreg:s6], $0x2FFFF;
	_ =	strace $0x9FFFFFFF  }
0xc1: {  	(tm) =	ssettm $0x7FFFFFFF  }
tec
execute0_lowered:
.L_overlay_start_1:
0x0: {  	(tag) =	ssettag $0x1  }
0x1: {  	s1 =	srdreg.scid;
	s3 =	stileid.u32  }
0x2: {  	s1 =	sand.u32 $0x1, s1;
	s4 =	sshll.u32 s3, $0x1  }
0x3: {  	s0 =	rddreg [dreg:$0x0];
	s2 =	simm.s32 $0x0;
	s4 =	sor.u32 s1, s4  }
0x4: {  	[smem:$0x7FF] =	sst s2;
	s6 =	sshll.u32 s4, $0x3  }
0x5: {  	s5 =	sadd.s32 $0x400, s0;
	_ =	strace $0x80000047;
	s6 =	sadd.s32 s6, s0  }
0x6: {  	[dreg:$0x2] =	wrdreg s5;
	s5 =	smul.u32 $0x9C400, s4;
	s25 =	sadd.s32 $0x1000, s6  }
0x7: {  	s26 =	sadd.s32 $0xE00, s6;
	[dreg:$0x4] =	wrdreg s25  }
0x8: {  	s1 =	ssub.s32 $0x2, s1;
	s28 =	sadd.s32 $0x2710, s5;
	[dreg:$0x5] =	wrdreg s26  }
0x9: {  	s7 =	sshrl.u32 s1, $0x1;
	s6 =	sadd.s32 $0x4E20, s5;
	[dreg:$0x6] =	wrdreg s28  }
0xa: {  	s1 =	ssub.s32 s1, s7;
	s7 =	sadd.s32 $0x7530, s5;
	[dreg:$0x7] =	wrdreg s6  }
0xb: {  	s8 =	sadd.s32 $0x9C40, s5;
	[dreg:$0x8] =	wrdreg s7  }
0xc: {  	s9 =	sadd.s32 $0xC350, s5;
	[dreg:$0x9] =	wrdreg s8  }
0xd: {  	s10 =	sadd.s32 $0xEA60, s5;
	[dreg:$0xa] =	wrdreg s9  }
0xe: {  	s11 =	sadd.s32 $0x11170, s5;
	[dreg:$0xb] =	wrdreg s10  }
0xf: {  	s12 =	sadd.s32 $0x13880, s5;
	[dreg:$0xc] =	wrdreg s11  }
0x10: {  	s13 =	sadd.s32 $0x15F90, s5;
	[dreg:$0xd] =	wrdreg s12  }
0x11: {  	s14 =	sadd.s32 $0x186A0, s5;
	[dreg:$0xe] =	wrdreg s13  }
0x12: {  	s15 =	sadd.s32 $0x1ADB0, s5;
	[dreg:$0xf] =	wrdreg s14  }
0x13: {  	s3 =	sadd.s32 $0x278400, s0;
	s16 =	sadd.s32 $0x1D4C0, s5;
	[dreg:$0x10] =	wrdreg s15  }
0x14: {  	s4 =	sshll.u32 s4, $0x1;
	s17 =	sadd.s32 $0x1FBD0, s5;
	[dreg:$0x11] =	wrdreg s16  }
0x15: {  	s0 =	sadd.s32 s4, s0;
	s18 =	sadd.s32 $0x222E0, s5;
	[dreg:$0x12] =	wrdreg s17  }
0x16: {  	s19 =	sadd.s32 $0x1200, s0;
	[dreg:$0x13] =	wrdreg s18  }
0x17: {  	s0 =	sadd.s32 $0x1400, s0;
	[dreg:$0x14] =	wrdreg s19  }
0x18: {  	s20 =	smax.u32 s1, $0x1;
	[dreg:$0x15] =	wrdreg s0  }
0x19: {  	s21 =	sadd.s32 $0x249F0, s5;
	[dreg:$0x16] =	wrdreg s20  }
0x1a: {  	s22 =	sadd.s32 $0x27100, s5;
	[dreg:$0x17] =	wrdreg s21  }
0x1b: {  	s23 =	sadd.s32 $0x29810, s5;
	[dreg:$0x18] =	wrdreg s22  }
0x1c: {  	s24 =	sshrl.u32 s5, $0x3;
	s1 =	sadd.s32 $0x35B60, s5;
	[dreg:$0x19] =	wrdreg s23  }
0x1d: {  	s4 =	sadd.s32 s3, s24;
	[dreg:$0x1e] =	wrdreg s1  }
0x1e: {  	s24 =	sadd.s32 $0x2BF20, s5;
	[dreg:$0x3] =	wrdreg s4  }
0x1f: {  	s25 =	sadd.s32 $0x2E630, s5;
	[dreg:$0x1a] =	wrdreg s24  }
0x20: {  	s26 =	sadd.s32 $0x30D40, s5;
	[dreg:$0x1b] =	wrdreg s25  }
0x21: {  	s28 =	sadd.s32 $0x33450, s5;
	[dreg:$0x1c] =	wrdreg s26  }
0x22: {  	s6 =	sadd.s32 $0x3A980, s5;
	[dreg:$0x1d] =	wrdreg s28  }
0x23: {  	s7 =	sadd.s32 $0x3D090, s5;
	[smem:$0x7E8] =	sst s6  }
0x24: {  	s8 =	sadd.s32 $0x3F7A0, s5;
	[smem:$0x7E9] =	sst s7  }
0x25: {  	s9 =	sadd.s32 $0x41EB0, s5;
	[smem:$0x7EA] =	sst s8  }
0x26: {  	s10 =	sadd.s32 $0x445C0, s5;
	[smem:$0x7EB] =	sst s9  }
0x27: {  	s11 =	sadd.s32 $0x46CD0, s5;
	[smem:$0x7EC] =	sst s10  }
0x28: {  	s12 =	sadd.s32 $0x493E0, s5;
	[smem:$0x7ED] =	sst s11  }
0x29: {  	s13 =	sadd.s32 $0x4BAF0, s5;
	[smem:$0x7EE] =	sst s12  }
0x2a: {  	s14 =	sadd.s32 $0x4E200, s5;
	[smem:$0x7EF] =	sst s13  }
0x2b: {  	s15 =	sadd.s32 $0x50910, s5;
	[smem:$0x7F0] =	sst s14  }
0x2c: {  	s16 =	sadd.s32 $0x53020, s5;
	[smem:$0x7F1] =	sst s15  }
0x2d: {  	s17 =	sadd.s32 $0x55730, s5;
	[smem:$0x7F2] =	sst s16  }
0x2e: {  	s18 =	sadd.s32 $0x57E40, s5;
	[smem:$0x7F3] =	sst s17  }
0x2f: {  	s19 =	sadd.s32 $0x5A550, s5;
	[smem:$0x7F4] =	sst s18  }
0x30: {  	s29 =	simm.s32 $0x2710;
	s20 =	sadd.s32 $0x5CC60, s5;
	[smem:$0x7F5] =	sst s19  }
0x31: {  	s30 =	sadd.s32 $0x704E0, s5;
	s21 =	sadd.s32 $0x5F370, s5;
	[smem:$0x7F6] =	sst s20  }
0x32: {  	s31 =	sadd.s32 $0x72BF0, s5;
	s22 =	sadd.s32 $0x61A80, s5;
	[smem:$0x7F7] =	sst s21  }
0x33: {  	s23 =	sadd.s32 $0x64190, s5;
	s0 =	sadd.s32 $0x75300, s5;
	[smem:$0x7F8] =	sst s22  }
0x34: {  	s1 =	sadd.s32 $0x77A10, s5;
	s4 =	sadd.s32 $0x38270, s5;
	[smem:$0x7F9] =	sst s23  }
0x35: {  	s24 =	sadd.s32 $0x668A0, s5;
	s25 =	sadd.s32 $0x68FB0, s5;
	s26 =	sadd.s32 $0x6B6C0, s5  }
0x36: {  	s28 =	sadd.s32 $0x6DDD0, s5;
	s6 =	sadd.s32 $0x7C830, s5;
	s7 =	sadd.s32 $0x7EF40, s5  }
0x37: {  	s8 =	sadd.s32 $0x81650, s5;
	s9 =	sadd.s32 $0x83D60, s5;
	s10 =	sadd.s32 $0x86470, s5  }
0x38: {  	s11 =	sadd.s32 $0x88B80, s5;
	s12 =	sadd.s32 $0x8B290, s5;
	s13 =	sadd.s32 $0x8D9A0, s5  }
0x39: {  	s14 =	sadd.s32 $0x900B0, s5;
	s15 =	sadd.s32 $0x927C0, s5;
	[dreg:$0x1f] =	wrdreg s4  }
0x3a: {  	s16 =	sadd.s32 $0x94ED0, s5;
	s17 =	sadd.s32 $0x975E0, s5;
	[smem:$0x7FA] =	sst s24  }
0x3b: {  	v0 =	vlaneseq.u32;
	s18 =	sadd.s32 $0x99CF0, s5;
	s19 =	simm.s32 $0x4F20;
	[smem:$0x7FB] =	sst s25  }
0x3c: {  	v0 =	vmul.u32 $0x70, v0;
	s20 =	simm.s32 $0x3;
	s21 =	simm.s32 $0x80;
	[smem:$0x7FC] =	sst s26  }
0x3d: {  	v4 =	vimm.s32 $0xFFFFFF81;
	s22 =	simm.s32 $0x6B20;
	s23 =	simm.s32 $0x1;
	[smem:$0x7FD] =	sst s28  }
0x3e: {  	v1 =	vadd.s32 $0x700, v0;
	v2 =	vadd.s32 $0xE00, v0;
	v3 =	vadd.s32 $0x1500, v0;
	s4 =	sadd.s32 $0x7A120, s5;
	s24 =	simm.s32 $0x2;
	s25 =	simm.s32 $0x0  }
.LBB2_1:
0x3f: {  	s26 =	rddreg [dreg:$0x3];
	s28 =	simm.s32 $0x70  }
0x40: {  	[tilespmem:s19], [sflag:$0x1] =	stream.strided.gather [hbm4b:s26+s28], $0x1C00, s29, s28, $0x38;
	[tilespmem:$0x8740] =	vst v63  }
0x41: {  	s28 =	rddreg [dreg:$0x4]  }
0x42: {  	[tilespmem:s2], [sflag:$0x3] =	stream.linear.gather [hbm4b:s28+s2], $0x40, $0x38;
	[tilespmem:$0x8740] =	vst v63  }
0x43: {  	_ =	swait.ge [sflag:s20], $0x40  }
0x44: {  	[sflag:s20] =	ssyncset.done $0x0  }
0x45: {  	s28 =	simm.s32 $0x40;
	s26 =	rddreg [dreg:$0x5];
	[sflag:s20] =	ssyncadd.s32 $0xFFFFFFC0  }
0x46: {  	[tilespmem:s28], [sflag:$0x3] =	stream.linear.gather [hbm4b:s26+s2], $0x40, $0x38;
	[tilespmem:$0x8740] =	vst v63  }
0x47: {  	_ =	swait.ge [sflag:s20], $0x40  }
0x48: {  	[sflag:s20] =	ssyncset.done $0x0  }
0x49: {  	s28 =	rddreg [dreg:$0x2];
	[sflag:s20] =	ssyncadd.s32 $0xFFFFFFC0  }
0x4a: {  	[tilespmem:s21], [sflag:$0x3] =	stream.linear.gather [hbm4b:s28+s2], $0x4E20, $0x38;
	[tilespmem:$0x8740] =	vst v63  }
0x4b: {  	_ =	swait.ge [sflag:s20], $0x4E20  }
0x4c: {  	[sflag:s20] =	ssyncset.done $0x0  }
0x4d: {  	[sflag:s20] =	ssyncadd.s32 $0xFFFFB1E0  }
0x4e: {  	v5 =	vld [tilespmem:$0x0];
	_ =	sdelay $0x4  }
0x4f: {  	vm0 =	vgt.s32 v5, $0x0  }
0x50: {  	v5 =	vnsel vm0, $0x0, v5  }
0x51: {  	v5 =	vmin.u32 v5, $0x270F  }
0x52: {  	v5 =	vshll.u32 v5, $0x1;
	_ =	sdelay $0x1  }
0x53: {  	v6 =	vld [tilespmem:$0x10];
	_ =	sdelay $0x1  }
0x54: {  	v7 =	vor.u32 $0x1, v5  }
0x55: {  	v5 =	vld.idx.msk [tilespmem:v5+s21+$0x0], $0xffff;
	_ =	sdelay $0x1  }
0x56: {  	vm5 =	vgt.s32 v6, $0x0  }
0x57: {  	v6 =	vnsel vm5, $0x0, v6  }
0x58: {  	v6 =	vmin.u32 v6, $0x270F;
	v7 =	vld.idx.msk [tilespmem:v7+s21+$0x0], $0xffff  }
0x59: {  	v6 =	vshll.u32 v6, $0x1;
	vm6 =	vgt.s32 v5, $0x0  }
0x5a: {  	v5 =	vnsel vm6, $0x0, v5  }
0x5b: {  	v5 =	vmin.u32 v5, $0x63  }
0x5c: {  	[tilespmem:$0x4EA0] =	vst v5;
	v5 =	vld [tilespmem:$0x20]  }
0x5d: {  	[tilespmem:$0x4EE0] =	vst v7  }
0x5e: {  	v7 =	vld.idx.msk [tilespmem:v6+s21+$0x0], $0xffff;
	v6 =	vor.u32 $0x1, v6  }
0x5f: {  	v8 =	vld [tilespmem:$0x4EA0];
	_ =	sdelay $0x1  }
0x60: {  	vm7 =	vgt.s32 v5, $0x0  }
0x61: {  	v5 =	vnsel vm7, $0x0, v5  }
0x62: {  	v6 =	vld.idx.msk [tilespmem:v6+s21+$0x0], $0xffff;
	v5 =	vmin.u32 v5, $0x270F  }
0x63: {  	vm8 =	vgt.s32 v7, $0x0;
	v8 =	vmul.u32 $0x63, v8;
	v5 =	vshll.u32 v5, $0x1  }
0x64: {  	v7 =	vnsel vm8, $0x0, v7  }
0x65: {  	v9 =	vld [tilespmem:$0x30];
	v7 =	vmin.u32 v7, $0x63;
	v8 =	vadd.s32 $0x63, v8  }
0x66: {  	[tilespmem:$0x4EB0] =	vst v7;
	v7 =	vand.u32 $0xFFFFFFF8, v8  }
0x67: {  	vm9 =	vlt.s32 v7, $0x26A0;
	[tilespmem:$0x4EF0] =	vst v6;
	v6 =	vor.u32 $0x1, v5  }
0x68: {  	v7 =	vnsel vm9, $0x26A0, v7;
	v5 =	vld.idx.msk [tilespmem:v5+s21+$0x0], $0xffff  }
0x69: {  	(v2sf) =	vpush v7, $0x0  }
0x6a: {  	vm10 =	vgt.s32 v9, $0x0  }
0x6b: {  	v8 =	vnsel vm10, $0x0, v9  }
0x6c: {  	v8 =	vmin.u32 v8, $0x270F;
	v6 =	vld.idx.msk [tilespmem:v6+s21+$0x0], $0xffff  }
0x6d: {  	v8 =	vshll.u32 v8, $0x1;
	vm11 =	vgt.s32 v5, $0x0  }
0x6e: {  	(v2sf) =	vpush v7, $0x1;
	v5 =	vnsel vm11, $0x0, v5  }
0x6f: {  	v5 =	vmin.u32 v5, $0x63  }
0x70: {  	[tilespmem:$0x4EC0] =	vst v5  }
0x71: {  	[tilespmem:$0x4F00] =	vst v6;
	v5 =	vor.u32 $0x1, v8  }
0x72: {  	v6 =	vld.idx.msk [tilespmem:v8+s21+$0x0], $0xffff  }
0x73: {  	(v2sf) =	vpush v7, $0x2;
	_ =	sdelay $0x2  }
0x74: {  	v5 =	vld.idx.msk [tilespmem:v5+s21+$0x0], $0xffff  }
0x75: {  	vm12 =	vgt.s32 v6, $0x0  }
0x76: {  	s28 =	spop (v2sf);
	(v2sf) =	vpush v7, $0x3;
	v6 =	vnsel vm12, $0x0, v6  }
0x77: {  	s26 =	sadd.s32 s5, s28;
	v6 =	vmin.u32 v6, $0x63  }
0x78: {  	s26 =	sshrl.u32 s26, $0x3;
	[tilespmem:$0x4ED0] =	vst v6  }
0x79: {  	s26 =	sadd.s32 s3, s26;
	[tilespmem:$0x4F10] =	vst v5  }
0x7a: {  	[tilespmem:s22], [sflag:$0x2] =	stream.linear.gather [hbm4b:s26+s2], $0x70, $0x38;
	[tilespmem:$0x8740] =	vst v63  }
0x7b: {  	s28 =	rddreg [dreg:$0x6];
	s26 =	spop (v2sf);
	(v2sf) =	vpush v7, $0x4  }
0x7c: {  	s26 =	sadd.s32 s26, s28  }
0x7d: {  	s26 =	sshrl.u32 s26, $0x3  }
0x7e: {  	s28 =	simm.s32 $0x6B90;
	s26 =	sadd.s32 s3, s26  }
0x7f: {  	[tilespmem:s28], [sflag:$0x2] =	stream.linear.gather [hbm4b:s26+s2], $0x70, $0x38;
	[tilespmem:$0x8740] =	vst v63  }
0x80: {  	s26 =	spop (v2sf);
	(v2sf) =	vpush v7, $0x5;
	s28 =	rddreg [dreg:$0x7]  }
0x81: {  	s26 =	sadd.s32 s26, s28  }
0x82: {  	s26 =	sshrl.u32 s26, $0x3  }
0x83: {  	s28 =	simm.s32 $0x6C00;
	s26 =	sadd.s32 s3, s26  }
0x84: {  	[tilespmem:s28], [sflag:$0x2] =	stream.linear.gather [hbm4b:s26+s2], $0x70, $0x38;
	[tilespmem:$0x8740] =	vst v63  }
0x85: {  	s28 =	rddreg [dreg:$0x8];
	s26 =	spop (v2sf);
	(v2sf) =	vpush v7, $0x6  }
0x86: {  	s26 =	sadd.s32 s26, s28  }
0x87: {  	s26 =	sshrl.u32 s26, $0x3  }
0x88: {  	s28 =	simm.s32 $0x6C70;
	s26 =	sadd.s32 s3, s26  }
0x89: {  	[tilespmem:s28], [sflag:$0x2] =	stream.linear.gather [hbm4b:s26+s2], $0x70, $0x38;
	[tilespmem:$0x8740] =	vst v63  }
0x8a: {  	s28 =	rddreg [dreg:$0x9];
	s26 =	spop (v2sf);
	(v2sf) =	vpush v7, $0x7  }
0x8b: {  	s26 =	sadd.s32 s26, s28  }
0x8c: {  	s26 =	sshrl.u32 s26, $0x3  }
0x8d: {  	s28 =	simm.s32 $0x6CE0;
	s26 =	sadd.s32 s3, s26  }
0x8e: {  	[tilespmem:s28], [sflag:$0x2] =	stream.linear.gather [hbm4b:s26+s2], $0x70, $0x38;
	[tilespmem:$0x8740] =	vst v63  }
0x8f: {  	s26 =	spop (v2sf);
	(v2sf) =	vpush v7, $0x8;
	s28 =	rddreg [dreg:$0xa]  }
0x90: {  	s26 =	sadd.s32 s26, s28  }
0x91: {  	s26 =	sshrl.u32 s26, $0x3  }
0x92: {  	s28 =	simm.s32 $0x6D50;
	s26 =	sadd.s32 s3, s26  }
0x93: {  	[tilespmem:s28], [sflag:$0x2] =	stream.linear.gather [hbm4b:s26+s2], $0x70, $0x38;
	[tilespmem:$0x8740] =	vst v63  }
0x94: {  	s28 =	rddreg [dreg:$0xb];
	s26 =	spop (v2sf);
	(v2sf) =	vpush v7, $0x9  }
0x95: {  	s26 =	sadd.s32 s26, s28  }
0x96: {  	s26 =	sshrl.u32 s26, $0x3  }
0x97: {  	s28 =	simm.s32 $0x6DC0;
	s26 =	sadd.s32 s3, s26  }
0x98: {  	[tilespmem:s28], [sflag:$0x2] =	stream.linear.gather [hbm4b:s26+s2], $0x70, $0x38;
	[tilespmem:$0x8740] =	vst v63  }
0x99: {  	s28 =	rddreg [dreg:$0xc];
	s26 =	spop (v2sf);
	(v2sf) =	vpush v7, $0xA  }
0x9a: {  	s26 =	sadd.s32 s26, s28  }
0x9b: {  	s26 =	sshrl.u32 s26, $0x3  }
0x9c: {  	s28 =	simm.s32 $0x6E30;
	s26 =	sadd.s32 s3, s26  }
0x9d: {  	[tilespmem:s28], [sflag:$0x2] =	stream.linear.gather [hbm4b:s26+s2], $0x70, $0x38;
	[tilespmem:$0x8740] =	vst v63  }
0x9e: {  	s26 =	spop (v2sf);
	(v2sf) =	vpush v7, $0xB;
	s28 =	rddreg [dreg:$0xd]  }
0x9f: {  	s26 =	sadd.s32 s26, s28  }
0xa0: {  	s26 =	sshrl.u32 s26, $0x3  }
0xa1: {  	s28 =	simm.s32 $0x6EA0;
	s26 =	sadd.s32 s3, s26  }
0xa2: {  	[tilespmem:s28], [sflag:$0x2] =	stream.linear.gather [hbm4b:s26+s2], $0x70, $0x38;
	[tilespmem:$0x8740] =	vst v63  }
0xa3: {  	s28 =	rddreg [dreg:$0xe];
	s26 =	spop (v2sf);
	(v2sf) =	vpush v7, $0xC  }
0xa4: {  	s26 =	sadd.s32 s26, s28  }
0xa5: {  	s26 =	sshrl.u32 s26, $0x3  }
0xa6: {  	s28 =	simm.s32 $0x6F10;
	s26 =	sadd.s32 s3, s26  }
0xa7: {  	[tilespmem:s28], [sflag:$0x2] =	stream.linear.gather [hbm4b:s26+s2], $0x70, $0x38;
	[tilespmem:$0x8740] =	vst v63  }
0xa8: {  	s28 =	rddreg [dreg:$0xf];
	s26 =	spop (v2sf);
	(v2sf) =	vpush v7, $0xD  }
0xa9: {  	s26 =	sadd.s32 s26, s28  }
0xaa: {  	s26 =	sshrl.u32 s26, $0x3  }
0xab: {  	s28 =	simm.s32 $0x6F80;
	s26 =	sadd.s32 s3, s26  }
0xac: {  	[tilespmem:s28], [sflag:$0x2] =	stream.linear.gather [hbm4b:s26+s2], $0x70, $0x38;
	[tilespmem:$0x8740] =	vst v63  }
0xad: {  	s26 =	spop (v2sf);
	(v2sf) =	vpush v7, $0xE;
	s28 =	rddreg [dreg:$0x10]  }
0xae: {  	s26 =	sadd.s32 s26, s28  }
0xaf: {  	s26 =	sshrl.u32 s26, $0x3  }
0xb0: {  	s28 =	simm.s32 $0x6FF0;
	s26 =	sadd.s32 s3, s26  }
0xb1: {  	[tilespmem:s28], [sflag:$0x2] =	stream.linear.gather [hbm4b:s26+s2], $0x70, $0x38;
	[tilespmem:$0x8740] =	vst v63  }
0xb2: {  	s28 =	rddreg [dreg:$0x11];
	s26 =	spop (v2sf);
	(v2sf) =	vpush v7, $0xF  }
0xb3: {  	s26 =	sadd.s32 s26, s28  }
0xb4: {  	s26 =	sshrl.u32 s26, $0x3  }
0xb5: {  	s28 =	simm.s32 $0x7060;
	s26 =	sadd.s32 s3, s26  }
0xb6: {  	[tilespmem:s28], [sflag:$0x2] =	stream.linear.gather [hbm4b:s26+s2], $0x70, $0x38;
	[tilespmem:$0x8740] =	vst v63  }
0xb7: {  	s28 =	rddreg [dreg:$0x12];
	s26 =	spop (v2sf)  }
0xb8: {  	s26 =	sadd.s32 s26, s28  }
0xb9: {  	s26 =	sshrl.u32 s26, $0x3  }
0xba: {  	s28 =	simm.s32 $0x70D0;
	s26 =	sadd.s32 s3, s26  }
0xbb: {  	[tilespmem:s28], [sflag:$0x2] =	stream.linear.gather [hbm4b:s26+s2], $0x70, $0x38;
	[tilespmem:$0x8740] =	vst v63  }
0xbc: {  	s26 =	spop (v2sf);
	s28 =	rddreg [dreg:$0x13]  }
0xbd: {  	s26 =	sadd.s32 s26, s28  }
0xbe: {  	s26 =	sshrl.u32 s26, $0x3  }
0xbf: {  	s28 =	simm.s32 $0x7140;
	s26 =	sadd.s32 s3, s26  }
0xc0: {  	[tilespmem:s28], [sflag:$0x2] =	stream.linear.gather [hbm4b:s26+s2], $0x70, $0x38;
	[tilespmem:$0x8740] =	vst v63  }
0xc1: {  	s28 =	rddreg [dreg:$0x17];
	s26 =	spop (v2sf)  }
0xc2: {  	s26 =	sadd.s32 s26, s28  }
0xc3: {  	s26 =	sshrl.u32 s26, $0x3  }
0xc4: {  	s28 =	simm.s32 $0x71B0;
	s26 =	sadd.s32 s3, s26  }
0xc5: {  	[tilespmem:s28], [sflag:$0x2] =	stream.linear.gather [hbm4b:s26+s2], $0x70, $0x38;
	[tilespmem:$0x8740] =	vst v63  }
0xc6: {  	v5 =	vld [tilespmem:$0x4EB0];
	_ =	sdelay $0x4  }
0xc7: {  	v5 =	vmul.u32 $0x63, v5;
	_ =	sdelay $0x1  }
0xc8: {  	v5 =	vadd.s32 $0x63, v5  }
0xc9: {  	v5 =	vand.u32 $0xFFFFFFF8, v5  }
0xca: {  	vm13 =	vlt.s32 v5, $0x26A0  }
0xcb: {  	v5 =	vnsel vm13, $0x26A0, v5  }
0xcc: {  	(v2sf) =	vpush v5, $0x0;
	_ =	sdelay $0x4  }
0xcd: {  	(v2sf) =	vpush v5, $0x1;
	_ =	sdelay $0x4  }
0xce: {  	(v2sf) =	vpush v5, $0x2;
	_ =	sdelay $0x4  }
0xcf: {  	s28 =	rddreg [dreg:$0x18];
	s26 =	spop (v2sf);
	(v2sf) =	vpush v5, $0x3  }
0xd0: {  	s26 =	sadd.s32 s26, s28  }
0xd1: {  	s26 =	sshrl.u32 s26, $0x3  }
0xd2: {  	s28 =	simm.s32 $0x7220;
	s26 =	sadd.s32 s3, s26  }
0xd3: {  	[tilespmem:s28], [sflag:$0x2] =	stream.linear.gather [hbm4b:s26+s2], $0x70, $0x38;
	[tilespmem:$0x8740] =	vst v63  }
0xd4: {  	s26 =	spop (v2sf);
	(v2sf) =	vpush v5, $0x4;
	s28 =	rddreg [dreg:$0x19]  }
0xd5: {  	s26 =	sadd.s32 s26, s28  }
0xd6: {  	s26 =	sshrl.u32 s26, $0x3  }
0xd7: {  	s28 =	simm.s32 $0x7290;
	s26 =	sadd.s32 s3, s26  }
0xd8: {  	[tilespmem:s28], [sflag:$0x2] =	stream.linear.gather [hbm4b:s26+s2], $0x70, $0x38;
	[tilespmem:$0x8740] =	vst v63  }
0xd9: {  	s26 =	spop (v2sf);
	(v2sf) =	vpush v5, $0x5;
	s28 =	rddreg [dreg:$0x1a]  }
0xda: {  	s26 =	sadd.s32 s26, s28  }
0xdb: {  	s26 =	sshrl.u32 s26, $0x3  }
0xdc: {  	s28 =	simm.s32 $0x7300;
	s26 =	sadd.s32 s3, s26  }
0xdd: {  	[tilespmem:s28], [sflag:$0x2] =	stream.linear.gather [hbm4b:s26+s2], $0x70, $0x38;
	[tilespmem:$0x8740] =	vst v63  }
0xde: {  	s28 =	rddreg [dreg:$0x1b];
	s26 =	spop (v2sf);
	(v2sf) =	vpush v5, $0x6  }
0xdf: {  	s26 =	sadd.s32 s26, s28  }
0xe0: {  	s26 =	sshrl.u32 s26, $0x3  }
0xe1: {  	s28 =	simm.s32 $0x7370;
	s26 =	sadd.s32 s3, s26  }
0xe2: {  	[tilespmem:s28], [sflag:$0x2] =	stream.linear.gather [hbm4b:s26+s2], $0x70, $0x38;
	[tilespmem:$0x8740] =	vst v63  }
0xe3: {  	s26 =	spop (v2sf);
	(v2sf) =	vpush v5, $0x7;
	s28 =	rddreg [dreg:$0x1c]  }
0xe4: {  	s26 =	sadd.s32 s26, s28  }
0xe5: {  	s26 =	sshrl.u32 s26, $0x3  }
0xe6: {  	s28 =	simm.s32 $0x73E0;
	s26 =	sadd.s32 s3, s26  }
0xe7: {  	[tilespmem:s28], [sflag:$0x2] =	stream.linear.gather [hbm4b:s26+s2], $0x70, $0x38;
	[tilespmem:$0x8740] =	vst v63  }
0xe8: {  	s26 =	spop (v2sf);
	s28 =	rddreg [dreg:$0x1d]  }
0xe9: {  	s26 =	sadd.s32 s26, s28  }
0xea: {  	(v2sf) =	vpush v5, $0x8;
	s26 =	sshrl.u32 s26, $0x3  }
0xeb: {  	s28 =	simm.s32 $0x7450;
	s26 =	sadd.s32 s3, s26  }
0xec: {  	[tilespmem:s28], [sflag:$0x2] =	stream.linear.gather [hbm4b:s26+s2], $0x70, $0x38;
	[tilespmem:$0x8740] =	vst v63  }
0xed: {  	s28 =	rddreg [dreg:$0x1e];
	s26 =	spop (v2sf)  }
0xee: {  	s26 =	sadd.s32 s26, s28  }
0xef: {  	s26 =	sshrl.u32 s26, $0x3  }
0xf0: {  	s28 =	simm.s32 $0x74C0;
	s26 =	sadd.s32 s3, s26  }
0xf1: {  	(v2sf) =	vpush v5, $0x9;
	[tilespmem:s28], [sflag:$0x2] =	stream.linear.gather [hbm4b:s26+s2], $0x70, $0x38;
	[tilespmem:$0x8740] =	vst v63  }
0xf2: {  	s26 =	spop (v2sf);
	s28 =	rddreg [dreg:$0x1f]  }
0xf3: {  	s26 =	sadd.s32 s26, s28  }
0xf4: {  	s26 =	sshrl.u32 s26, $0x3  }
0xf5: {  	s28 =	simm.s32 $0x7530;
	s26 =	sadd.s32 s3, s26  }
0xf6: {  	[tilespmem:s28], [sflag:$0x2] =	stream.linear.gather [hbm4b:s26+s2], $0x70, $0x38;
	[tilespmem:$0x8740] =	vst v63  }
0xf7: {  	s28 =	sld [smem:$0x7E8]  }
0xf8: {  	(v2sf) =	vpush v5, $0xA  }
0xf9: {  	s26 =	spop (v2sf)  }
0xfa: {  	s26 =	sadd.s32 s26, s28  }
0xfb: {  	s26 =	sshrl.u32 s26, $0x3  }
0xfc: {  	s28 =	simm.s32 $0x75A0;
	s26 =	sadd.s32 s3, s26  }
0xfd: {  	[tilespmem:s28], [sflag:$0x2] =	stream.linear.gather [hbm4b:s26+s2], $0x70, $0x38;
	[tilespmem:$0x8740] =	vst v63  }
0xfe: {  	s28 =	sld [smem:$0x7E9]  }
0xff: {  	(v2sf) =	vpush v5, $0xB  }
0x100: {  	s26 =	spop (v2sf)  }
0x101: {  	s26 =	sadd.s32 s26, s28  }
0x102: {  	s26 =	sshrl.u32 s26, $0x3  }
0x103: {  	s28 =	simm.s32 $0x7610;
	s26 =	sadd.s32 s3, s26  }
0x104: {  	[tilespmem:s28], [sflag:$0x2] =	stream.linear.gather [hbm4b:s26+s2], $0x70, $0x38;
	[tilespmem:$0x8740] =	vst v63  }
0x105: {  	s28 =	sld [smem:$0x7EA]  }
0x106: {  	(v2sf) =	vpush v5, $0xC  }
0x107: {  	s26 =	spop (v2sf)  }
0x108: {  	s26 =	sadd.s32 s26, s28  }
0x109: {  	s26 =	sshrl.u32 s26, $0x3  }
0x10a: {  	s28 =	simm.s32 $0x7680;
	s26 =	sadd.s32 s3, s26  }
0x10b: {  	[tilespmem:s28], [sflag:$0x2] =	stream.linear.gather [hbm4b:s26+s2], $0x70, $0x38;
	[tilespmem:$0x8740] =	vst v63  }
0x10c: {  	s28 =	sld [smem:$0x7EB]  }
0x10d: {  	(v2sf) =	vpush v5, $0xD  }
0x10e: {  	s26 =	spop (v2sf)  }
0x10f: {  	s26 =	sadd.s32 s26, s28  }
0x110: {  	s26 =	sshrl.u32 s26, $0x3  }
0x111: {  	s28 =	simm.s32 $0x76F0;
	s26 =	sadd.s32 s3, s26  }
0x112: {  	[tilespmem:s28], [sflag:$0x2] =	stream.linear.gather [hbm4b:s26+s2], $0x70, $0x38;
	[tilespmem:$0x8740] =	vst v63  }
0x113: {  	s28 =	sld [smem:$0x7EC]  }
0x114: {  	(v2sf) =	vpush v5, $0xE  }
0x115: {  	s26 =	spop (v2sf)  }
0x116: {  	s26 =	sadd.s32 s26, s28  }
0x117: {  	s26 =	sshrl.u32 s26, $0x3  }
0x118: {  	s28 =	simm.s32 $0x7760;
	s26 =	sadd.s32 s3, s26  }
0x119: {  	[tilespmem:s28], [sflag:$0x2] =	stream.linear.gather [hbm4b:s26+s2], $0x70, $0x38;
	[tilespmem:$0x8740] =	vst v63  }
0x11a: {  	s28 =	sld [smem:$0x7ED]  }
0x11b: {  	(v2sf) =	vpush v5, $0xF  }
0x11c: {  	s26 =	spop (v2sf)  }
0x11d: {  	s26 =	sadd.s32 s26, s28  }
0x11e: {  	s26 =	sshrl.u32 s26, $0x3  }
0x11f: {  	s28 =	simm.s32 $0x77D0;
	s26 =	sadd.s32 s3, s26  }
0x120: {  	[tilespmem:s28], [sflag:$0x2] =	stream.linear.gather [hbm4b:s26+s2], $0x70, $0x38;
	[tilespmem:$0x8740] =	vst v63  }
0x121: {  	s28 =	sld [smem:$0x7EE];
	_ =	sdelay $0x1  }
0x122: {  	s26 =	spop (v2sf)  }
0x123: {  	s26 =	sadd.s32 s26, s28  }
0x124: {  	s26 =	sshrl.u32 s26, $0x3  }
0x125: {  	s28 =	simm.s32 $0x7840;
	s26 =	sadd.s32 s3, s26  }
0x126: {  	[tilespmem:s28], [sflag:$0x2] =	stream.linear.gather [hbm4b:s26+s2], $0x70, $0x38;
	[tilespmem:$0x8740] =	vst v63  }
0x127: {  	s28 =	sld [smem:$0x7EF];
	_ =	sdelay $0x1  }
0x128: {  	s26 =	spop (v2sf)  }
0x129: {  	s26 =	sadd.s32 s26, s28  }
0x12a: {  	s26 =	sshrl.u32 s26, $0x3  }
0x12b: {  	s28 =	simm.s32 $0x78B0;
	s26 =	sadd.s32 s3, s26  }
0x12c: {  	[tilespmem:s28], [sflag:$0x2] =	stream.linear.gather [hbm4b:s26+s2], $0x70, $0x38;
	[tilespmem:$0x8740] =	vst v63  }
0x12d: {  	v5 =	vld [tilespmem:$0x4EC0];
	_ =	sdelay $0x4  }
0x12e: {  	v5 =	vmul.u32 $0x63, v5;
	_ =	sdelay $0x1  }
0x12f: {  	v5 =	vadd.s32 $0x63, v5  }
0x130: {  	v5 =	vand.u32 $0xFFFFFFF8, v5  }
0x131: {  	vm14 =	vlt.s32 v5, $0x26A0  }
0x132: {  	v5 =	vnsel vm14, $0x26A0, v5  }
0x133: {  	(v2sf) =	vpush v5, $0x0;
	_ =	sdelay $0x6  }
0x134: {  	(v2sf) =	vpush v5, $0x1;
	_ =	sdelay $0x5  }
0x135: {  	s28 =	sld [smem:$0x7F0]  }
0x136: {  	(v2sf) =	vpush v5, $0x2  }
0x137: {  	s26 =	spop (v2sf)  }
0x138: {  	s26 =	sadd.s32 s26, s28  }
0x139: {  	s26 =	sshrl.u32 s26, $0x3  }
0x13a: {  	s28 =	simm.s32 $0x7920;
	s26 =	sadd.s32 s3, s26  }
0x13b: {  	[tilespmem:s28], [sflag:$0x2] =	stream.linear.gather [hbm4b:s26+s2], $0x70, $0x38;
	[tilespmem:$0x8740] =	vst v63  }
0x13c: {  	s28 =	sld [smem:$0x7F1]  }
0x13d: {  	(v2sf) =	vpush v5, $0x3  }
0x13e: {  	s26 =	spop (v2sf)  }
0x13f: {  	s26 =	sadd.s32 s26, s28  }
0x140: {  	s26 =	sshrl.u32 s26, $0x3  }
0x141: {  	s28 =	simm.s32 $0x7990;
	s26 =	sadd.s32 s3, s26  }
0x142: {  	[tilespmem:s28], [sflag:$0x2] =	stream.linear.gather [hbm4b:s26+s2], $0x70, $0x38;
	[tilespmem:$0x8740] =	vst v63  }
0x143: {  	s28 =	sld [smem:$0x7F2]  }
0x144: {  	(v2sf) =	vpush v5, $0x4  }
0x145: {  	s26 =	spop (v2sf)  }
0x146: {  	s26 =	sadd.s32 s26, s28  }
0x147: {  	s26 =	sshrl.u32 s26, $0x3  }
0x148: {  	s28 =	simm.s32 $0x7A00;
	s26 =	sadd.s32 s3, s26  }
0x149: {  	[tilespmem:s28], [sflag:$0x2] =	stream.linear.gather [hbm4b:s26+s2], $0x70, $0x38;
	[tilespmem:$0x8740] =	vst v63  }
0x14a: {  	s28 =	sld [smem:$0x7F3]  }
0x14b: {  	(v2sf) =	vpush v5, $0x5  }
0x14c: {  	s26 =	spop (v2sf)  }
0x14d: {  	s26 =	sadd.s32 s26, s28  }
0x14e: {  	s26 =	sshrl.u32 s26, $0x3  }
0x14f: {  	s28 =	simm.s32 $0x7A70;
	s26 =	sadd.s32 s3, s26  }
0x150: {  	[tilespmem:s28], [sflag:$0x2] =	stream.linear.gather [hbm4b:s26+s2], $0x70, $0x38;
	[tilespmem:$0x8740] =	vst v63  }
0x151: {  	s28 =	sld [smem:$0x7F4]  }
0x152: {  	(v2sf) =	vpush v5, $0x6  }
0x153: {  	s26 =	spop (v2sf)  }
0x154: {  	s26 =	sadd.s32 s26, s28  }
0x155: {  	s26 =	sshrl.u32 s26, $0x3  }
0x156: {  	s28 =	simm.s32 $0x7AE0;
	s26 =	sadd.s32 s3, s26  }
0x157: {  	[tilespmem:s28], [sflag:$0x2] =	stream.linear.gather [hbm4b:s26+s2], $0x70, $0x38;
	[tilespmem:$0x8740] =	vst v63  }
0x158: {  	s28 =	sld [smem:$0x7F5]  }
0x159: {  	(v2sf) =	vpush v5, $0x7  }
0x15a: {  	s26 =	spop (v2sf)  }
0x15b: {  	s26 =	sadd.s32 s26, s28  }
0x15c: {  	s26 =	sshrl.u32 s26, $0x3  }
0x15d: {  	s28 =	simm.s32 $0x7B50;
	s26 =	sadd.s32 s3, s26  }
0x15e: {  	[tilespmem:s28], [sflag:$0x2] =	stream.linear.gather [hbm4b:s26+s2], $0x70, $0x38;
	[tilespmem:$0x8740] =	vst v63  }
0x15f: {  	s28 =	sld [smem:$0x7F6]  }
0x160: {  	(v2sf) =	vpush v5, $0x8  }
0x161: {  	s26 =	spop (v2sf)  }
0x162: {  	s26 =	sadd.s32 s26, s28  }
0x163: {  	s26 =	sshrl.u32 s26, $0x3  }
0x164: {  	s28 =	simm.s32 $0x7BC0;
	s26 =	sadd.s32 s3, s26  }
0x165: {  	[tilespmem:s28], [sflag:$0x2] =	stream.linear.gather [hbm4b:s26+s2], $0x70, $0x38;
	[tilespmem:$0x8740] =	vst v63  }
0x166: {  	s28 =	sld [smem:$0x7F7]  }
0x167: {  	(v2sf) =	vpush v5, $0x9  }
0x168: {  	s26 =	spop (v2sf)  }
0x169: {  	s26 =	sadd.s32 s26, s28  }
0x16a: {  	s26 =	sshrl.u32 s26, $0x3  }
0x16b: {  	s28 =	simm.s32 $0x7C30;
	s26 =	sadd.s32 s3, s26  }
0x16c: {  	[tilespmem:s28], [sflag:$0x2] =	stream.linear.gather [hbm4b:s26+s2], $0x70, $0x38;
	[tilespmem:$0x8740] =	vst v63  }
0x16d: {  	s28 =	sld [smem:$0x7F8]  }
0x16e: {  	(v2sf) =	vpush v5, $0xA  }
0x16f: {  	s26 =	spop (v2sf)  }
0x170: {  	s26 =	sadd.s32 s26, s28  }
0x171: {  	s26 =	sshrl.u32 s26, $0x3  }
0x172: {  	s28 =	simm.s32 $0x7CA0;
	s26 =	sadd.s32 s3, s26  }
0x173: {  	[tilespmem:s28], [sflag:$0x2] =	stream.linear.gather [hbm4b:s26+s2], $0x70, $0x38;
	[tilespmem:$0x8740] =	vst v63  }
0x174: {  	s28 =	sld [smem:$0x7F9]  }
0x175: {  	(v2sf) =	vpush v5, $0xB  }
0x176: {  	s26 =	spop (v2sf)  }
0x177: {  	s26 =	sadd.s32 s26, s28  }
0x178: {  	s26 =	sshrl.u32 s26, $0x3  }
0x179: {  	s28 =	simm.s32 $0x7D10;
	s26 =	sadd.s32 s3, s26  }
0x17a: {  	[tilespmem:s28], [sflag:$0x2] =	stream.linear.gather [hbm4b:s26+s2], $0x70, $0x38;
	[tilespmem:$0x8740] =	vst v63  }
0x17b: {  	s28 =	sld [smem:$0x7FA]  }
0x17c: {  	(v2sf) =	vpush v5, $0xC  }
0x17d: {  	s26 =	spop (v2sf)  }
0x17e: {  	s26 =	sadd.s32 s26, s28  }
0x17f: {  	s26 =	sshrl.u32 s26, $0x3  }
0x180: {  	s28 =	simm.s32 $0x7D80;
	s26 =	sadd.s32 s3, s26  }
0x181: {  	[tilespmem:s28], [sflag:$0x2] =	stream.linear.gather [hbm4b:s26+s2], $0x70, $0x38;
	[tilespmem:$0x8740] =	vst v63  }
0x182: {  	s28 =	sld [smem:$0x7FB]  }
0x183: {  	(v2sf) =	vpush v5, $0xD  }
0x184: {  	s26 =	spop (v2sf)  }
0x185: {  	s26 =	sadd.s32 s26, s28  }
0x186: {  	s26 =	sshrl.u32 s26, $0x3  }
0x187: {  	s28 =	simm.s32 $0x7DF0;
	s26 =	sadd.s32 s3, s26  }
0x188: {  	(v2sf) =	vpush v5, $0xE;
	[tilespmem:s28], [sflag:$0x2] =	stream.linear.gather [hbm4b:s26+s2], $0x70, $0x38;
	[tilespmem:$0x8740] =	vst v63  }
0x189: {  	s28 =	sld [smem:$0x7FC];
	_ =	sdelay $0x1  }
0x18a: {  	s26 =	spop (v2sf)  }
0x18b: {  	s26 =	sadd.s32 s26, s28  }
0x18c: {  	(v2sf) =	vpush v5, $0xF;
	s26 =	sshrl.u32 s26, $0x3  }
0x18d: {  	s28 =	simm.s32 $0x7E60;
	s26 =	sadd.s32 s3, s26  }
0x18e: {  	[tilespmem:s28], [sflag:$0x2] =	stream.linear.gather [hbm4b:s26+s2], $0x70, $0x38;
	[tilespmem:$0x8740] =	vst v63  }
0x18f: {  	s28 =	sld [smem:$0x7FD];
	_ =	sdelay $0x1  }
0x190: {  	s26 =	spop (v2sf)  }
0x191: {  	s26 =	sadd.s32 s26, s28  }
0x192: {  	s26 =	sshrl.u32 s26, $0x3  }
0x193: {  	s28 =	simm.s32 $0x7ED0;
	s26 =	sadd.s32 s3, s26  }
0x194: {  	[tilespmem:s28], [sflag:$0x2] =	stream.linear.gather [hbm4b:s26+s2], $0x70, $0x38;
	[tilespmem:$0x8740] =	vst v63  }
0x195: {  	s28 =	spop (v2sf)  }
0x196: {  	s26 =	sadd.s32 s28, s30  }
0x197: {  	s26 =	sshrl.u32 s26, $0x3  }
0x198: {  	s28 =	simm.s32 $0x7F40;
	s26 =	sadd.s32 s3, s26  }
0x199: {  	[tilespmem:s28], [sflag:$0x2] =	stream.linear.gather [hbm4b:s26+s2], $0x70, $0x38;
	[tilespmem:$0x8740] =	vst v63  }
0x19a: {  	s28 =	spop (v2sf)  }
0x19b: {  	s26 =	sadd.s32 s28, s31  }
0x19c: {  	s26 =	sshrl.u32 s26, $0x3  }
0x19d: {  	s28 =	simm.s32 $0x7FB0;
	s26 =	sadd.s32 s3, s26  }
0x19e: {  	[tilespmem:s28], [sflag:$0x2] =	stream.linear.gather [hbm4b:s26+s2], $0x70, $0x38;
	[tilespmem:$0x8740] =	vst v63  }
0x19f: {  	v5 =	vld [tilespmem:$0x4ED0];
	_ =	sdelay $0x4  }
0x1a0: {  	v5 =	vmul.u32 $0x63, v5;
	_ =	sdelay $0x1  }
0x1a1: {  	v5 =	vadd.s32 $0x63, v5  }
0x1a2: {  	v5 =	vand.u32 $0xFFFFFFF8, v5  }
0x1a3: {  	vm15 =	vlt.s32 v5, $0x26A0  }
0x1a4: {  	v5 =	vnsel vm15, $0x26A0, v5  }
0x1a5: {  	(v2sf) =	vpush v5, $0x0;
	_ =	sdelay $0x4  }
0x1a6: {  	(v2sf) =	vpush v5, $0x1;
	_ =	sdelay $0x4  }
0x1a7: {  	(v2sf) =	vpush v5, $0x2;
	_ =	sdelay $0x4  }
0x1a8: {  	s28 =	spop (v2sf);
	(v2sf) =	vpush v5, $0x3  }
0x1a9: {  	s26 =	sadd.s32 s28, s0  }
0x1aa: {  	s26 =	sshrl.u32 s26, $0x3  }
0x1ab: {  	s28 =	simm.s32 $0x8020;
	s26 =	sadd.s32 s3, s26  }
0x1ac: {  	[tilespmem:s28], [sflag:$0x2] =	stream.linear.gather [hbm4b:s26+s2], $0x70, $0x38;
	[tilespmem:$0x8740] =	vst v63  }
0x1ad: {  	s28 =	spop (v2sf);
	(v2sf) =	vpush v5, $0x4  }
0x1ae: {  	s26 =	sadd.s32 s28, s1  }
0x1af: {  	s26 =	sshrl.u32 s26, $0x3  }
0x1b0: {  	s28 =	simm.s32 $0x8090;
	s26 =	sadd.s32 s3, s26  }
0x1b1: {  	[tilespmem:s28], [sflag:$0x2] =	stream.linear.gather [hbm4b:s26+s2], $0x70, $0x38;
	[tilespmem:$0x8740] =	vst v63  }
0x1b2: {  	s28 =	spop (v2sf);
	(v2sf) =	vpush v5, $0x5  }
0x1b3: {  	s26 =	sadd.s32 s28, s4  }
0x1b4: {  	s26 =	sshrl.u32 s26, $0x3  }
0x1b5: {  	s28 =	simm.s32 $0x8100;
	s26 =	sadd.s32 s3, s26  }
0x1b6: {  	[tilespmem:s28], [sflag:$0x2] =	stream.linear.gather [hbm4b:s26+s2], $0x70, $0x38;
	[tilespmem:$0x8740] =	vst v63  }
0x1b7: {  	s28 =	spop (v2sf);
	(v2sf) =	vpush v5, $0x6  }
0x1b8: {  	s26 =	sadd.s32 s28, s6  }
0x1b9: {  	s26 =	sshrl.u32 s26, $0x3  }
0x1ba: {  	s28 =	simm.s32 $0x8170;
	s26 =	sadd.s32 s3, s26  }
0x1bb: {  	[tilespmem:s28], [sflag:$0x2] =	stream.linear.gather [hbm4b:s26+s2], $0x70, $0x38;
	[tilespmem:$0x8740] =	vst v63  }
0x1bc: {  	s28 =	spop (v2sf);
	(v2sf) =	vpush v5, $0x7  }
0x1bd: {  	s26 =	sadd.s32 s28, s7  }
0x1be: {  	s26 =	sshrl.u32 s26, $0x3  }
0x1bf: {  	s28 =	simm.s32 $0x81E0;
	s26 =	sadd.s32 s3, s26  }
0x1c0: {  	[tilespmem:s28], [sflag:$0x2] =	stream.linear.gather [hbm4b:s26+s2], $0x70, $0x38;
	[tilespmem:$0x8740] =	vst v63  }
0x1c1: {  	s28 =	spop (v2sf);
	(v2sf) =	vpush v5, $0x8  }
0x1c2: {  	s26 =	sadd.s32 s28, s8  }
0x1c3: {  	s26 =	sshrl.u32 s26, $0x3  }
0x1c4: {  	s28 =	simm.s32 $0x8250;
	s26 =	sadd.s32 s3, s26  }
0x1c5: {  	[tilespmem:s28], [sflag:$0x2] =	stream.linear.gather [hbm4b:s26+s2], $0x70, $0x38;
	[tilespmem:$0x8740] =	vst v63  }
0x1c6: {  	s28 =	spop (v2sf);
	(v2sf) =	vpush v5, $0x9  }
0x1c7: {  	s26 =	sadd.s32 s28, s9  }
0x1c8: {  	s26 =	sshrl.u32 s26, $0x3  }
0x1c9: {  	s28 =	simm.s32 $0x82C0;
	s26 =	sadd.s32 s3, s26  }
0x1ca: {  	[tilespmem:s28], [sflag:$0x2] =	stream.linear.gather [hbm4b:s26+s2], $0x70, $0x38;
	[tilespmem:$0x8740] =	vst v63  }
0x1cb: {  	s28 =	spop (v2sf);
	(v2sf) =	vpush v5, $0xA  }
0x1cc: {  	s26 =	sadd.s32 s28, s10  }
0x1cd: {  	s26 =	sshrl.u32 s26, $0x3  }
0x1ce: {  	s28 =	simm.s32 $0x8330;
	s26 =	sadd.s32 s3, s26  }
0x1cf: {  	[tilespmem:s28], [sflag:$0x2] =	stream.linear.gather [hbm4b:s26+s2], $0x70, $0x38;
	[tilespmem:$0x8740] =	vst v63  }
0x1d0: {  	s28 =	spop (v2sf);
	(v2sf) =	vpush v5, $0xB  }
0x1d1: {  	s26 =	sadd.s32 s28, s11  }
0x1d2: {  	s26 =	sshrl.u32 s26, $0x3  }
0x1d3: {  	s28 =	simm.s32 $0x83A0;
	s26 =	sadd.s32 s3, s26  }
0x1d4: {  	[tilespmem:s28], [sflag:$0x2] =	stream.linear.gather [hbm4b:s26+s2], $0x70, $0x38;
	[tilespmem:$0x8740] =	vst v63  }
0x1d5: {  	s28 =	spop (v2sf);
	(v2sf) =	vpush v5, $0xC  }
0x1d6: {  	s26 =	sadd.s32 s28, s12  }
0x1d7: {  	s26 =	sshrl.u32 s26, $0x3  }
0x1d8: {  	s28 =	simm.s32 $0x8410;
	s26 =	sadd.s32 s3, s26  }
0x1d9: {  	[tilespmem:s28], [sflag:$0x2] =	stream.linear.gather [hbm4b:s26+s2], $0x70, $0x38;
	[tilespmem:$0x8740] =	vst v63  }
0x1da: {  	s28 =	spop (v2sf);
	(v2sf) =	vpush v5, $0xD  }
0x1db: {  	s26 =	sadd.s32 s28, s13  }
0x1dc: {  	s26 =	sshrl.u32 s26, $0x3  }
0x1dd: {  	s28 =	simm.s32 $0x8480;
	s26 =	sadd.s32 s3, s26  }
0x1de: {  	[tilespmem:s28], [sflag:$0x2] =	stream.linear.gather [hbm4b:s26+s2], $0x70, $0x38;
	[tilespmem:$0x8740] =	vst v63  }
0x1df: {  	s28 =	spop (v2sf);
	(v2sf) =	vpush v5, $0xE  }
0x1e0: {  	s26 =	sadd.s32 s28, s14  }
0x1e1: {  	s26 =	sshrl.u32 s26, $0x3  }
0x1e2: {  	s28 =	simm.s32 $0x84F0;
	s26 =	sadd.s32 s3, s26  }
0x1e3: {  	[tilespmem:s28], [sflag:$0x2] =	stream.linear.gather [hbm4b:s26+s2], $0x70, $0x38;
	[tilespmem:$0x8740] =	vst v63  }
0x1e4: {  	s28 =	spop (v2sf);
	(v2sf) =	vpush v5, $0xF  }
0x1e5: {  	s26 =	sadd.s32 s28, s15  }
0x1e6: {  	s26 =	sshrl.u32 s26, $0x3  }
0x1e7: {  	s28 =	simm.s32 $0x8560;
	s26 =	sadd.s32 s3, s26  }
0x1e8: {  	[tilespmem:s28], [sflag:$0x2] =	stream.linear.gather [hbm4b:s26+s2], $0x70, $0x38;
	[tilespmem:$0x8740] =	vst v63  }
0x1e9: {  	s28 =	spop (v2sf)  }
0x1ea: {  	s26 =	sadd.s32 s28, s16  }
0x1eb: {  	s26 =	sshrl.u32 s26, $0x3  }
0x1ec: {  	s28 =	simm.s32 $0x85D0;
	s26 =	sadd.s32 s3, s26  }
0x1ed: {  	[tilespmem:s28], [sflag:$0x2] =	stream.linear.gather [hbm4b:s26+s2], $0x70, $0x38;
	[tilespmem:$0x8740] =	vst v63  }
0x1ee: {  	s28 =	spop (v2sf)  }
0x1ef: {  	s26 =	sadd.s32 s28, s17  }
0x1f0: {  	s26 =	sshrl.u32 s26, $0x3  }
0x1f1: {  	s28 =	simm.s32 $0x8640;
	s26 =	sadd.s32 s3, s26  }
0x1f2: {  	[tilespmem:s28], [sflag:$0x2] =	stream.linear.gather [hbm4b:s26+s2], $0x70, $0x38;
	[tilespmem:$0x8740] =	vst v63  }
0x1f3: {  	s28 =	spop (v2sf)  }
0x1f4: {  	s26 =	sadd.s32 s28, s18  }
0x1f5: {  	v5 =	vmov s2;
	s26 =	sshrl.u32 s26, $0x3  }
0x1f6: {  	v5 =	vand.u32 $0x7F, v5;
	s28 =	simm.s32 $0x86B0;
	s26 =	sadd.s32 s3, s26  }
0x1f7: {  	v7 =	vadd.s32 v0, v5;
	[tilespmem:s28], [sflag:$0x2] =	stream.linear.gather [hbm4b:s26+s2], $0x70, $0x38;
	[tilespmem:$0x8740] =	vst v63  }
0x1f8: {  	_ =	swait.ge [sflag:s23], $0x1C00  }
0x1f9: {  	s28 =	simm.s32 $0x1;
	[sflag:s23] =	ssyncset.done $0x0  }
0x1fa: {  	v5 =	vmov s28;
	[sflag:s23] =	ssyncadd.s32 $0xFFFFE400  }
0x1fb: {  	v8 =	vand.u32 $0x7F, v5;
	v6 =	vld [tilespmem:$0x4EA0]  }
0x1fc: {  	s26 =	simm.s32 $0x2;
	v5 =	vimm.f32 $-Inf;
	v8 =	vadd.s32 v0, v8;
	v7 =	vld.idx.msk [tilespmem:v7+s19+$0x0], $0xffff  }
.LBB2_2:
0x1fd: {  	p0 =	sne.s32 s26, $0x62  }
.Ltmp0:
0x1fe: {  	_ = 	snop;
	(pc) =	sbr.rel @p0 .LBB2_2-.Ltmp0, $4  }
0x1ff: {  	_ = 	snop  }
0x200: {  	v9 =	vmov s26;
	s26 =	sadd.s32 $0x1, s26  }
0x201: {  	v9 =	vand.u32 $0x7F, v9;
	v5 =	vmax.f32 v5, v7;
	v7 =	vld.idx.msk [tilespmem:v8+s19+$0x0], $0xffff  }
0x202: {  	v8 =	vadd.s32 v0, v9  }
0x203: {  	_ =	sdelay $0x3  }
0x204: {  	v8 =	vld.idx.msk [tilespmem:v8+s19+$0x0], $0xffff;
	s26 =	simm.s32 $0x0  }
0x205: {  	v9 =	vmov s26  }
0x206: {  	v5 =	vmax.f32 v5, v7;
	v7 =	vand.u32 $0x7F, v9  }
0x207: {  	s28 =	simm.s32 $0x1;
	v7 =	vadd.s32 v0, v7  }
0x208: {  	v9 =	vmov s28  }
0x209: {  	v5 =	vmax.f32 v5, v8;
	v8 =	vand.u32 $0x7F, v9  }
0x20a: {  	v5 =	vmax.f32 v5, $0.0e+00;
	v8 =	vadd.s32 v0, v8  }
0x20b: {  	v9 =	vsub.f32 $0.0e+00, v5  }
0x20c: {  	v7 =	vld.idx.msk [tilespmem:v7+s19+$0x0], $0xffff  }
0x20d: {  	v9 =	vmul.f32 $1.442695020e+00, v9;
	_ =	sdelay $0x1  }
0x20e: {  	(erf) = vpow2.f32 v9;
	v8 =	vld.idx.msk [tilespmem:v8+s19+$0x0], $0xffff  }
0x20f: {  	s28 =	simm.s32 $0x2  }
0x210: {  	v9 =	vmov s28;
	v7 =	vsub.f32 v7, v5  }
0x211: {  	v9 =	vand.u32 $0x7F, v9  }
0x212: {  	v9 =	vadd.s32 v0, v9;
	v7 =	vmul.f32 $1.442695020e+00, v7  }
0x213: {  	v8 =	vsub.f32 v8, v5  }
0x214: {  	s28 =	simm.s32 $0x3;
	(erf) = vpow2.f32 v7  }
0x215: {  	v10 =	vmov s28;
	v11 =	vmul.f32 $1.442695020e+00, v8  }
0x216: {  	v10 =	vand.u32 $0x7F, v10  }
0x217: {  	v8 =	vld.idx.msk [tilespmem:v9+s19+$0x0], $0xffff;
	v9 =	vadd.s32 v0, v10;
	v7 =	vpop (erf);
	(erf) = vpow2.f32 v11;
	_ =	sdelay $0x2  }
0x218: {  	s26 =	simm.s32 $0x4  }
.LBB2_4:
0x219: {  	v13 =	vmov s26;
	p0 =	sne.s32 s26, $0x62;
	s26 =	sadd.s32 $0x1, s26  }
.Ltmp1:
0x21a: {  	v11 =	vsub.f32 v8, v5;
	v12 =	vand.u32 $0x7F, v13;
	v8 =	vld.idx.msk [tilespmem:v9+s19+$0x0], $0xffff;
	(pc) =	sbr.rel @p0 .LBB2_4-.Ltmp1, $3  }
0x21b: {  	v9 =	vadd.s32 v0, v12;
	v10 =	vpop (erf)  }
0x21c: {  	v11 =	vmul.f32 $1.442695020e+00, v11;
	v7 =	vadd.f32 v10, v7;
	_ =	sdelay $0x1  }
0x21d: {  	(erf) = vpow2.f32 v11  }
0x21e: {  	_ =	sdelay $0x3  }
0x21f: {  	v9 =	vld.idx.msk [tilespmem:v9+s19+$0x0], $0xffff;
	_ =	sdelay $0x2  }
0x220: {  	v8 =	vsub.f32 v8, v5;
	_ =	sdelay $0x1  }
0x221: {  	v8 =	vmul.f32 $1.442695020e+00, v8;
	v9 =	vsub.f32 v9, v5;
	_ =	sdelay $0x1  }
0x222: {  	(erf) = vpow2.f32 v8;
	v8 =	vmul.f32 $1.442695020e+00, v9;
	_ =	sdelay $0x1  }
0x223: {  	(erf) = vpow2.f32 v8  }
0x224: {  	vm0 =	vlt.s32 v6, $0x63;
	s26 =	simm.s32 $0x0  }
0x225: {  	v6 =	vnsel vm0, $0x0, v6;
	v9 =	vmov s26  }
0x226: {  	v6 =	vadd.s32 v0, v6;
	v8 =	vpop (erf)  }
0x227: {  	v7 =	vadd.f32 v8, v7;
	v8 =	vand.u32 $0x7F, v9  }
0x228: {  	v9 =	vpop (erf);
	v10 =	vadd.s32 v1, v8  }
0x229: {  	v7 =	vadd.f32 v9, v7  }
0x22a: {  	s28 =	simm.s32 $0x1;
	v8 =	vpop (erf)  }
0x22b: {  	v8 =	vadd.f32 v8, v7;
	v7 =	vld.idx.msk [tilespmem:v6+s19+$0x0], $0xffff;
	v6 =	vmov s28  }
0x22c: {  	v9 =	vld [tilespmem:$0x4EB0];
	v12 =	vand.u32 $0x7F, v6;
	v11 =	vpop (erf)  }
0x22d: {  	s26 =	simm.s32 $0x2;
	v6 =	vimm.f32 $-Inf;
	v10 =	vld.idx.msk [tilespmem:v10+s19+$0x0], $0xffff;
	v8 =	vadd.f32 v11, v8;
	v11 =	vadd.s32 v1, v12  }
.LBB2_6:
0x22e: {  	p0 =	sne.s32 s26, $0x62  }
.Ltmp2:
0x22f: {  	_ = 	snop;
	(pc) =	sbr.rel @p0 .LBB2_6-.Ltmp2, $4  }
0x230: {  	_ = 	snop  }
0x231: {  	v12 =	vmov s26;
	s26 =	sadd.s32 $0x1, s26  }
0x232: {  	v12 =	vand.u32 $0x7F, v12;
	v6 =	vmax.f32 v6, v10;
	v10 =	vld.idx.msk [tilespmem:v11+s19+$0x0], $0xffff  }
0x233: {  	v11 =	vadd.s32 v1, v12  }
0x234: {  	_ =	sdelay $0x3  }
0x235: {  	v11 =	vld.idx.msk [tilespmem:v11+s19+$0x0], $0xffff;
	s26 =	simm.s32 $0x0  }
0x236: {  	v12 =	vmov s26  }
0x237: {  	v6 =	vmax.f32 v6, v10;
	v10 =	vand.u32 $0x7F, v12  }
0x238: {  	s28 =	simm.s32 $0x1;
	v10 =	vadd.s32 v1, v10  }
0x239: {  	v12 =	vmov s28  }
0x23a: {  	v6 =	vmax.f32 v6, v11;
	v11 =	vand.u32 $0x7F, v12  }
0x23b: {  	v6 =	vmax.f32 v6, $0.0e+00;
	v11 =	vadd.s32 v1, v11  }
0x23c: {  	v12 =	vsub.f32 $0.0e+00, v6  }
0x23d: {  	v10 =	vld.idx.msk [tilespmem:v10+s19+$0x0], $0xffff  }
0x23e: {  	v12 =	vmul.f32 $1.442695020e+00, v12;
	_ =	sdelay $0x1  }
0x23f: {  	(erf) = vpow2.f32 v12;
	v11 =	vld.idx.msk [tilespmem:v11+s19+$0x0], $0xffff  }
0x240: {  	s28 =	simm.s32 $0x2  }
0x241: {  	v12 =	vmov s28;
	v10 =	vsub.f32 v10, v6  }
0x242: {  	v12 =	vand.u32 $0x7F, v12  }
0x243: {  	v12 =	vadd.s32 v1, v12;
	v10 =	vmul.f32 $1.442695020e+00, v10  }
0x244: {  	v11 =	vsub.f32 v11, v6  }
0x245: {  	s28 =	simm.s32 $0x3;
	(erf) = vpow2.f32 v10  }
0x246: {  	v13 =	vmov s28;
	v14 =	vmul.f32 $1.442695020e+00, v11  }
0x247: {  	v13 =	vand.u32 $0x7F, v13  }
0x248: {  	v11 =	vld.idx.msk [tilespmem:v12+s19+$0x0], $0xffff;
	v12 =	vadd.s32 v1, v13;
	v10 =	vpop (erf);
	(erf) = vpow2.f32 v14;
	_ =	sdelay $0x2  }
0x249: {  	s26 =	simm.s32 $0x4  }
.LBB2_8:
0x24a: {  	v16 =	vmov s26;
	p0 =	sne.s32 s26, $0x62;
	s26 =	sadd.s32 $0x1, s26  }
.Ltmp3:
0x24b: {  	v14 =	vsub.f32 v11, v6;
	v15 =	vand.u32 $0x7F, v16;
	v11 =	vld.idx.msk [tilespmem:v12+s19+$0x0], $0xffff;
	(pc) =	sbr.rel @p0 .LBB2_8-.Ltmp3, $3  }
0x24c: {  	v12 =	vadd.s32 v1, v15;
	v13 =	vpop (erf)  }
0x24d: {  	v14 =	vmul.f32 $1.442695020e+00, v14;
	v10 =	vadd.f32 v13, v10;
	_ =	sdelay $0x1  }
0x24e: {  	(erf) = vpow2.f32 v14  }
0x24f: {  	_ =	sdelay $0x3  }
0x250: {  	v12 =	vld.idx.msk [tilespmem:v12+s19+$0x0], $0xffff;
	_ =	sdelay $0x2  }
0x251: {  	v11 =	vsub.f32 v11, v6;
	_ =	sdelay $0x1  }
0x252: {  	v11 =	vmul.f32 $1.442695020e+00, v11;
	v12 =	vsub.f32 v12, v6;
	_ =	sdelay $0x1  }
0x253: {  	(erf) = vpow2.f32 v11;
	v11 =	vmul.f32 $1.442695020e+00, v12;
	_ =	sdelay $0x1  }
0x254: {  	(erf) = vpow2.f32 v11  }
0x255: {  	vm1 =	vlt.s32 v9, $0x63;
	s26 =	simm.s32 $0x0  }
0x256: {  	v9 =	vnsel vm1, $0x0, v9;
	v12 =	vmov s26  }
0x257: {  	v9 =	vadd.s32 v1, v9;
	v11 =	vpop (erf)  }
0x258: {  	v10 =	vadd.f32 v11, v10;
	v11 =	vand.u32 $0x7F, v12  }
0x259: {  	v12 =	vpop (erf);
	v13 =	vadd.s32 v2, v11  }
0x25a: {  	v10 =	vadd.f32 v12, v10  }
0x25b: {  	s28 =	simm.s32 $0x1;
	v11 =	vpop (erf)  }
0x25c: {  	v10 =	vadd.f32 v11, v10;
	v11 =	vld.idx.msk [tilespmem:v9+s19+$0x0], $0xffff;
	v9 =	vmov s28  }
0x25d: {  	v12 =	vld [tilespmem:$0x4EC0];
	v15 =	vand.u32 $0x7F, v9;
	v14 =	vpop (erf)  }
0x25e: {  	s26 =	simm.s32 $0x2;
	v9 =	vimm.f32 $-Inf;
	v13 =	vld.idx.msk [tilespmem:v13+s19+$0x0], $0xffff;
	v10 =	vadd.f32 v14, v10;
	v14 =	vadd.s32 v2, v15  }
.LBB2_10:
0x25f: {  	p0 =	sne.s32 s26, $0x62  }
.Ltmp4:
0x260: {  	_ = 	snop;
	(pc) =	sbr.rel @p0 .LBB2_10-.Ltmp4, $4  }
0x261: {  	_ = 	snop  }
0x262: {  	v15 =	vmov s26;
	s26 =	sadd.s32 $0x1, s26  }
0x263: {  	v15 =	vand.u32 $0x7F, v15;
	v9 =	vmax.f32 v9, v13;
	v13 =	vld.idx.msk [tilespmem:v14+s19+$0x0], $0xffff  }
0x264: {  	v14 =	vadd.s32 v2, v15  }
0x265: {  	_ =	sdelay $0x3  }
0x266: {  	v14 =	vld.idx.msk [tilespmem:v14+s19+$0x0], $0xffff;
	s26 =	simm.s32 $0x0  }
0x267: {  	v15 =	vmov s26  }
0x268: {  	v9 =	vmax.f32 v9, v13;
	v13 =	vand.u32 $0x7F, v15  }
0x269: {  	s28 =	simm.s32 $0x1;
	v13 =	vadd.s32 v2, v13  }
0x26a: {  	v15 =	vmov s28  }
0x26b: {  	v9 =	vmax.f32 v9, v14;
	v14 =	vand.u32 $0x7F, v15  }
0x26c: {  	v9 =	vmax.f32 v9, $0.0e+00;
	v14 =	vadd.s32 v2, v14  }
0x26d: {  	v15 =	vsub.f32 $0.0e+00, v9  }
0x26e: {  	v13 =	vld.idx.msk [tilespmem:v13+s19+$0x0], $0xffff  }
0x26f: {  	v15 =	vmul.f32 $1.442695020e+00, v15;
	_ =	sdelay $0x1  }
0x270: {  	(erf) = vpow2.f32 v15;
	v14 =	vld.idx.msk [tilespmem:v14+s19+$0x0], $0xffff  }
0x271: {  	s28 =	simm.s32 $0x2  }
0x272: {  	v15 =	vmov s28;
	v13 =	vsub.f32 v13, v9  }
0x273: {  	v15 =	vand.u32 $0x7F, v15  }
0x274: {  	v15 =	vadd.s32 v2, v15;
	v13 =	vmul.f32 $1.442695020e+00, v13  }
0x275: {  	v14 =	vsub.f32 v14, v9  }
0x276: {  	s28 =	simm.s32 $0x3;
	(erf) = vpow2.f32 v13  }
0x277: {  	v16 =	vmov s28;
	v17 =	vmul.f32 $1.442695020e+00, v14  }
0x278: {  	v16 =	vand.u32 $0x7F, v16  }
0x279: {  	v14 =	vld.idx.msk [tilespmem:v15+s19+$0x0], $0xffff;
	v15 =	vadd.s32 v2, v16;
	v13 =	vpop (erf);
	(erf) = vpow2.f32 v17;
	_ =	sdelay $0x2  }
0x27a: {  	s26 =	simm.s32 $0x4  }
.LBB2_12:
0x27b: {  	v19 =	vmov s26;
	p0 =	sne.s32 s26, $0x62;
	s26 =	sadd.s32 $0x1, s26  }
.Ltmp5:
0x27c: {  	v17 =	vsub.f32 v14, v9;
	v18 =	vand.u32 $0x7F, v19;
	v14 =	vld.idx.msk [tilespmem:v15+s19+$0x0], $0xffff;
	(pc) =	sbr.rel @p0 .LBB2_12-.Ltmp5, $3  }
0x27d: {  	v15 =	vadd.s32 v2, v18;
	v16 =	vpop (erf)  }
0x27e: {  	v17 =	vmul.f32 $1.442695020e+00, v17;
	v13 =	vadd.f32 v16, v13;
	_ =	sdelay $0x1  }
0x27f: {  	(erf) = vpow2.f32 v17  }
0x280: {  	_ =	sdelay $0x3  }
0x281: {  	v15 =	vld.idx.msk [tilespmem:v15+s19+$0x0], $0xffff;
	_ =	sdelay $0x2  }
0x282: {  	v14 =	vsub.f32 v14, v9;
	_ =	sdelay $0x1  }
0x283: {  	v14 =	vmul.f32 $1.442695020e+00, v14;
	v15 =	vsub.f32 v15, v9;
	_ =	sdelay $0x1  }
0x284: {  	(erf) = vpow2.f32 v14;
	v14 =	vmul.f32 $1.442695020e+00, v15;
	_ =	sdelay $0x1  }
0x285: {  	(erf) = vpow2.f32 v14  }
0x286: {  	vm3 =	vlt.s32 v12, $0x63;
	s26 =	simm.s32 $0x0  }
0x287: {  	v12 =	vnsel vm3, $0x0, v12;
	v15 =	vmov s26  }
0x288: {  	v12 =	vadd.s32 v2, v12;
	v14 =	vpop (erf)  }
0x289: {  	v13 =	vadd.f32 v14, v13;
	v14 =	vand.u32 $0x7F, v15  }
0x28a: {  	v15 =	vpop (erf);
	v16 =	vadd.s32 v3, v14  }
0x28b: {  	v13 =	vadd.f32 v15, v13  }
0x28c: {  	s28 =	simm.s32 $0x1;
	v14 =	vpop (erf)  }
0x28d: {  	v15 =	vadd.f32 v14, v13;
	v14 =	vld.idx.msk [tilespmem:v12+s19+$0x0], $0xffff;
	v12 =	vmov s28  }
0x28e: {  	v13 =	vld [tilespmem:$0x4ED0];
	v18 =	vand.u32 $0x7F, v12;
	v17 =	vpop (erf)  }
0x28f: {  	s26 =	simm.s32 $0x2;
	v12 =	vimm.f32 $-Inf;
	v16 =	vld.idx.msk [tilespmem:v16+s19+$0x0], $0xffff;
	v15 =	vadd.f32 v17, v15;
	v17 =	vadd.s32 v3, v18  }
.LBB2_14:
0x290: {  	p0 =	sne.s32 s26, $0x62  }
.Ltmp6:
0x291: {  	_ = 	snop;
	(pc) =	sbr.rel @p0 .LBB2_14-.Ltmp6, $4  }
0x292: {  	_ = 	snop  }
0x293: {  	v18 =	vmov s26;
	s26 =	sadd.s32 $0x1, s26  }
0x294: {  	v18 =	vand.u32 $0x7F, v18;
	v12 =	vmax.f32 v12, v16;
	v16 =	vld.idx.msk [tilespmem:v17+s19+$0x0], $0xffff  }
0x295: {  	v17 =	vadd.s32 v3, v18  }
0x296: {  	_ =	sdelay $0x3  }
0x297: {  	v17 =	vld.idx.msk [tilespmem:v17+s19+$0x0], $0xffff;
	s26 =	simm.s32 $0x0  }
0x298: {  	v18 =	vmov s26  }
0x299: {  	v12 =	vmax.f32 v12, v16;
	v16 =	vand.u32 $0x7F, v18  }
0x29a: {  	s28 =	simm.s32 $0x1;
	v16 =	vadd.s32 v3, v16  }
0x29b: {  	v18 =	vmov s28  }
0x29c: {  	v12 =	vmax.f32 v12, v17;
	v17 =	vand.u32 $0x7F, v18  }
0x29d: {  	v12 =	vmax.f32 v12, $0.0e+00;
	v17 =	vadd.s32 v3, v17  }
0x29e: {  	v18 =	vsub.f32 $0.0e+00, v12  }
0x29f: {  	v16 =	vld.idx.msk [tilespmem:v16+s19+$0x0], $0xffff  }
0x2a0: {  	v18 =	vmul.f32 $1.442695020e+00, v18;
	_ =	sdelay $0x1  }
0x2a1: {  	(erf) = vpow2.f32 v18;
	v17 =	vld.idx.msk [tilespmem:v17+s19+$0x0], $0xffff  }
0x2a2: {  	s28 =	simm.s32 $0x2  }
0x2a3: {  	v18 =	vmov s28;
	v16 =	vsub.f32 v16, v12  }
0x2a4: {  	v18 =	vand.u32 $0x7F, v18  }
0x2a5: {  	v18 =	vadd.s32 v3, v18;
	v16 =	vmul.f32 $1.442695020e+00, v16  }
0x2a6: {  	v17 =	vsub.f32 v17, v12  }
0x2a7: {  	s28 =	simm.s32 $0x3;
	(erf) = vpow2.f32 v16  }
0x2a8: {  	v19 =	vmov s28;
	v20 =	vmul.f32 $1.442695020e+00, v17  }
0x2a9: {  	v19 =	vand.u32 $0x7F, v19  }
0x2aa: {  	v17 =	vld.idx.msk [tilespmem:v18+s19+$0x0], $0xffff;
	v18 =	vadd.s32 v3, v19;
	v16 =	vpop (erf);
	(erf) = vpow2.f32 v20;
	_ =	sdelay $0x2  }
0x2ab: {  	s26 =	simm.s32 $0x4  }
.LBB2_16:
0x2ac: {  	v22 =	vmov s26;
	p0 =	sne.s32 s26, $0x62;
	s26 =	sadd.s32 $0x1, s26  }
.Ltmp7:
0x2ad: {  	v20 =	vsub.f32 v17, v12;
	v21 =	vand.u32 $0x7F, v22;
	v17 =	vld.idx.msk [tilespmem:v18+s19+$0x0], $0xffff;
	(pc) =	sbr.rel @p0 .LBB2_16-.Ltmp7, $3  }
0x2ae: {  	v18 =	vadd.s32 v3, v21;
	v19 =	vpop (erf)  }
0x2af: {  	v20 =	vmul.f32 $1.442695020e+00, v20;
	v16 =	vadd.f32 v19, v16;
	_ =	sdelay $0x1  }
0x2b0: {  	(erf) = vpow2.f32 v20  }
0x2b1: {  	_ =	sdelay $0x3  }
0x2b2: {  	v18 =	vld.idx.msk [tilespmem:v18+s19+$0x0], $0xffff;
	_ =	sdelay $0x3  }
0x2b3: {  	v17 =	vsub.f32 v17, v12  }
0x2b4: {  	v18 =	vsub.f32 v18, v12  }
0x2b5: {  	v17 =	vmul.f32 $1.442695020e+00, v17  }
0x2b6: {  	v18 =	vmul.f32 $1.442695020e+00, v18  }
0x2b7: {  	(erf) = vpow2.f32 v17  }
0x2b8: {  	(erf) = vpow2.f32 v18;
	_ =	sdelay $0x2  }
0x2b9: {  	vm2 =	vlt.s32 v13, $0x63  }
0x2ba: {  	v13 =	vnsel vm2, $0x0, v13  }
0x2bb: {  	v13 =	vadd.s32 v3, v13  }
0x2bc: {  	v20 =	vpop (erf)  }
0x2bd: {  	v19 =	vpop (erf)  }
0x2be: {  	v18 =	vpop (erf)  }
0x2bf: {  	v17 =	vpop (erf)  }
0x2c0: {  	v13 =	vld.idx.msk [tilespmem:v13+s19+$0x0], $0xffff;
	_ =	swait.ge [sflag:s24], $0x70  }
0x2c1: {  	[sflag:s24] =	ssyncset.done $0x0  }
0x2c2: {  	[sflag:s24] =	ssyncadd.s32 $0xFFFFFF90  }
0x2c3: {  	_ =	swait.ge [sflag:s24], $0x70  }
0x2c4: {  	[sflag:s24] =	ssyncset.done $0x0  }
0x2c5: {  	[sflag:s24] =	ssyncadd.s32 $0xFFFFFF90  }
0x2c6: {  	_ =	swait.ge [sflag:s24], $0x70  }
0x2c7: {  	[sflag:s24] =	ssyncset.done $0x0  }
0x2c8: {  	[sflag:s24] =	ssyncadd.s32 $0xFFFFFF90  }
0x2c9: {  	_ =	swait.ge [sflag:s24], $0x70  }
0x2ca: {  	[sflag:s24] =	ssyncset.done $0x0  }
0x2cb: {  	[sflag:s24] =	ssyncadd.s32 $0xFFFFFF90  }
0x2cc: {  	_ =	swait.ge [sflag:s24], $0x70  }
0x2cd: {  	[sflag:s24] =	ssyncset.done $0x0  }
0x2ce: {  	[sflag:s24] =	ssyncadd.s32 $0xFFFFFF90  }
0x2cf: {  	_ =	swait.ge [sflag:s24], $0x70  }
0x2d0: {  	[sflag:s24] =	ssyncset.done $0x0  }
0x2d1: {  	[sflag:s24] =	ssyncadd.s32 $0xFFFFFF90  }
0x2d2: {  	_ =	swait.ge [sflag:s24], $0x70  }
0x2d3: {  	[sflag:s24] =	ssyncset.done $0x0  }
0x2d4: {  	[sflag:s24] =	ssyncadd.s32 $0xFFFFFF90  }
0x2d5: {  	_ =	swait.ge [sflag:s24], $0x70  }
0x2d6: {  	[sflag:s24] =	ssyncset.done $0x0  }
0x2d7: {  	[sflag:s24] =	ssyncadd.s32 $0xFFFFFF90  }
0x2d8: {  	_ =	swait.ge [sflag:s24], $0x70  }
0x2d9: {  	[sflag:s24] =	ssyncset.done $0x0  }
0x2da: {  	[sflag:s24] =	ssyncadd.s32 $0xFFFFFF90  }
0x2db: {  	_ =	swait.ge [sflag:s24], $0x70  }
0x2dc: {  	[sflag:s24] =	ssyncset.done $0x0  }
0x2dd: {  	[sflag:s24] =	ssyncadd.s32 $0xFFFFFF90  }
0x2de: {  	_ =	swait.ge [sflag:s24], $0x70  }
0x2df: {  	[sflag:s24] =	ssyncset.done $0x0  }
0x2e0: {  	[sflag:s24] =	ssyncadd.s32 $0xFFFFFF90  }
0x2e1: {  	_ =	swait.ge [sflag:s24], $0x70  }
0x2e2: {  	[sflag:s24] =	ssyncset.done $0x0  }
0x2e3: {  	[sflag:s24] =	ssyncadd.s32 $0xFFFFFF90  }
0x2e4: {  	_ =	swait.ge [sflag:s24], $0x70  }
0x2e5: {  	[sflag:s24] =	ssyncset.done $0x0  }
0x2e6: {  	[sflag:s24] =	ssyncadd.s32 $0xFFFFFF90  }
0x2e7: {  	_ =	swait.ge [sflag:s24], $0x70  }
0x2e8: {  	[sflag:s24] =	ssyncset.done $0x0  }
0x2e9: {  	[sflag:s24] =	ssyncadd.s32 $0xFFFFFF90  }
0x2ea: {  	_ =	swait.ge [sflag:s24], $0x70  }
0x2eb: {  	[sflag:s24] =	ssyncset.done $0x0  }
0x2ec: {  	[sflag:s24] =	ssyncadd.s32 $0xFFFFFF90  }
0x2ed: {  	_ =	swait.ge [sflag:s24], $0x70  }
0x2ee: {  	[sflag:s24] =	ssyncset.done $0x0  }
0x2ef: {  	[sflag:s24] =	ssyncadd.s32 $0xFFFFFF90  }
0x2f0: {  	_ =	swait.ge [sflag:s24], $0x70  }
0x2f1: {  	[sflag:s24] =	ssyncset.done $0x0  }
0x2f2: {  	[sflag:s24] =	ssyncadd.s32 $0xFFFFFF90  }
0x2f3: {  	_ =	swait.ge [sflag:s24], $0x70  }
0x2f4: {  	[sflag:s24] =	ssyncset.done $0x0  }
0x2f5: {  	[sflag:s24] =	ssyncadd.s32 $0xFFFFFF90  }
0x2f6: {  	_ =	swait.ge [sflag:s24], $0x70  }
0x2f7: {  	[sflag:s24] =	ssyncset.done $0x0  }
0x2f8: {  	[sflag:s24] =	ssyncadd.s32 $0xFFFFFF90  }
0x2f9: {  	_ =	swait.ge [sflag:s24], $0x70  }
0x2fa: {  	[sflag:s24] =	ssyncset.done $0x0  }
0x2fb: {  	[sflag:s24] =	ssyncadd.s32 $0xFFFFFF90  }
0x2fc: {  	_ =	swait.ge [sflag:s24], $0x70  }
0x2fd: {  	[sflag:s24] =	ssyncset.done $0x0  }
0x2fe: {  	[sflag:s24] =	ssyncadd.s32 $0xFFFFFF90  }
0x2ff: {  	_ =	swait.ge [sflag:s24], $0x70  }
0x300: {  	[sflag:s24] =	ssyncset.done $0x0  }
0x301: {  	[sflag:s24] =	ssyncadd.s32 $0xFFFFFF90  }
0x302: {  	_ =	swait.ge [sflag:s24], $0x70  }
0x303: {  	[sflag:s24] =	ssyncset.done $0x0  }
0x304: {  	[sflag:s24] =	ssyncadd.s32 $0xFFFFFF90  }
0x305: {  	_ =	swait.ge [sflag:s24], $0x70  }
0x306: {  	[sflag:s24] =	ssyncset.done $0x0  }
0x307: {  	[sflag:s24] =	ssyncadd.s32 $0xFFFFFF90  }
0x308: {  	_ =	swait.ge [sflag:s24], $0x70  }
0x309: {  	[sflag:s24] =	ssyncset.done $0x0  }
0x30a: {  	[sflag:s24] =	ssyncadd.s32 $0xFFFFFF90  }
0x30b: {  	_ =	swait.ge [sflag:s24], $0x70  }
0x30c: {  	[sflag:s24] =	ssyncset.done $0x0  }
0x30d: {  	[sflag:s24] =	ssyncadd.s32 $0xFFFFFF90  }
0x30e: {  	_ =	swait.ge [sflag:s24], $0x70  }
0x30f: {  	[sflag:s24] =	ssyncset.done $0x0  }
0x310: {  	[sflag:s24] =	ssyncadd.s32 $0xFFFFFF90  }
0x311: {  	_ =	swait.ge [sflag:s24], $0x70  }
0x312: {  	[sflag:s24] =	ssyncset.done $0x0  }
0x313: {  	[sflag:s24] =	ssyncadd.s32 $0xFFFFFF90  }
0x314: {  	_ =	swait.ge [sflag:s24], $0x70  }
0x315: {  	[sflag:s24] =	ssyncset.done $0x0  }
0x316: {  	[sflag:s24] =	ssyncadd.s32 $0xFFFFFF90  }
0x317: {  	_ =	swait.ge [sflag:s24], $0x70  }
0x318: {  	[sflag:s24] =	ssyncset.done $0x0  }
0x319: {  	[sflag:s24] =	ssyncadd.s32 $0xFFFFFF90  }
0x31a: {  	_ =	swait.ge [sflag:s24], $0x70  }
0x31b: {  	[sflag:s24] =	ssyncset.done $0x0  }
0x31c: {  	[sflag:s24] =	ssyncadd.s32 $0xFFFFFF90  }
0x31d: {  	_ =	swait.ge [sflag:s24], $0x70  }
0x31e: {  	[sflag:s24] =	ssyncset.done $0x0  }
0x31f: {  	[sflag:s24] =	ssyncadd.s32 $0xFFFFFF90  }
0x320: {  	_ =	swait.ge [sflag:s24], $0x70  }
0x321: {  	[sflag:s24] =	ssyncset.done $0x0  }
0x322: {  	[sflag:s24] =	ssyncadd.s32 $0xFFFFFF90  }
0x323: {  	_ =	swait.ge [sflag:s24], $0x70  }
0x324: {  	[sflag:s24] =	ssyncset.done $0x0  }
0x325: {  	[sflag:s24] =	ssyncadd.s32 $0xFFFFFF90  }
0x326: {  	_ =	swait.ge [sflag:s24], $0x70  }
0x327: {  	[sflag:s24] =	ssyncset.done $0x0  }
0x328: {  	[sflag:s24] =	ssyncadd.s32 $0xFFFFFF90  }
0x329: {  	_ =	swait.ge [sflag:s24], $0x70  }
0x32a: {  	[sflag:s24] =	ssyncset.done $0x0  }
0x32b: {  	[sflag:s24] =	ssyncadd.s32 $0xFFFFFF90  }
0x32c: {  	_ =	swait.ge [sflag:s24], $0x70  }
0x32d: {  	[sflag:s24] =	ssyncset.done $0x0  }
0x32e: {  	[sflag:s24] =	ssyncadd.s32 $0xFFFFFF90  }
0x32f: {  	_ =	swait.ge [sflag:s24], $0x70  }
0x330: {  	[sflag:s24] =	ssyncset.done $0x0  }
0x331: {  	[sflag:s24] =	ssyncadd.s32 $0xFFFFFF90  }
0x332: {  	_ =	swait.ge [sflag:s24], $0x70  }
0x333: {  	[sflag:s24] =	ssyncset.done $0x0  }
0x334: {  	[sflag:s24] =	ssyncadd.s32 $0xFFFFFF90  }
0x335: {  	_ =	swait.ge [sflag:s24], $0x70  }
0x336: {  	[sflag:s24] =	ssyncset.done $0x0  }
0x337: {  	[sflag:s24] =	ssyncadd.s32 $0xFFFFFF90  }
0x338: {  	_ =	swait.ge [sflag:s24], $0x70  }
0x339: {  	[sflag:s24] =	ssyncset.done $0x0  }
0x33a: {  	[sflag:s24] =	ssyncadd.s32 $0xFFFFFF90  }
0x33b: {  	_ =	swait.ge [sflag:s24], $0x70  }
0x33c: {  	[sflag:s24] =	ssyncset.done $0x0  }
0x33d: {  	[sflag:s24] =	ssyncadd.s32 $0xFFFFFF90  }
0x33e: {  	_ =	swait.ge [sflag:s24], $0x70  }
0x33f: {  	[sflag:s24] =	ssyncset.done $0x0  }
0x340: {  	[sflag:s24] =	ssyncadd.s32 $0xFFFFFF90  }
0x341: {  	_ =	swait.ge [sflag:s24], $0x70  }
0x342: {  	[sflag:s24] =	ssyncset.done $0x0  }
0x343: {  	[sflag:s24] =	ssyncadd.s32 $0xFFFFFF90  }
0x344: {  	_ =	swait.ge [sflag:s24], $0x70  }
0x345: {  	[sflag:s24] =	ssyncset.done $0x0  }
0x346: {  	[sflag:s24] =	ssyncadd.s32 $0xFFFFFF90  }
0x347: {  	_ =	swait.ge [sflag:s24], $0x70  }
0x348: {  	[sflag:s24] =	ssyncset.done $0x0  }
0x349: {  	[sflag:s24] =	ssyncadd.s32 $0xFFFFFF90  }
0x34a: {  	_ =	swait.ge [sflag:s24], $0x70  }
0x34b: {  	[sflag:s24] =	ssyncset.done $0x0  }
0x34c: {  	[sflag:s24] =	ssyncadd.s32 $0xFFFFFF90  }
0x34d: {  	_ =	swait.ge [sflag:s24], $0x70  }
0x34e: {  	[sflag:s24] =	ssyncset.done $0x0  }
0x34f: {  	[sflag:s24] =	ssyncadd.s32 $0xFFFFFF90  }
0x350: {  	_ =	swait.ge [sflag:s24], $0x70  }
0x351: {  	[sflag:s24] =	ssyncset.done $0x0  }
0x352: {  	[sflag:s24] =	ssyncadd.s32 $0xFFFFFF90  }
0x353: {  	_ =	swait.ge [sflag:s24], $0x70  }
0x354: {  	[sflag:s24] =	ssyncset.done $0x0  }
0x355: {  	[sflag:s24] =	ssyncadd.s32 $0xFFFFFF90  }
0x356: {  	_ =	swait.ge [sflag:s24], $0x70  }
0x357: {  	[sflag:s24] =	ssyncset.done $0x0  }
0x358: {  	[sflag:s24] =	ssyncadd.s32 $0xFFFFFF90  }
0x359: {  	_ =	swait.ge [sflag:s24], $0x70  }
0x35a: {  	[sflag:s24] =	ssyncset.done $0x0  }
0x35b: {  	[sflag:s24] =	ssyncadd.s32 $0xFFFFFF90  }
0x35c: {  	_ =	swait.ge [sflag:s24], $0x70  }
0x35d: {  	[sflag:s24] =	ssyncset.done $0x0  }
0x35e: {  	[sflag:s24] =	ssyncadd.s32 $0xFFFFFF90  }
0x35f: {  	_ =	swait.ge [sflag:s24], $0x70  }
0x360: {  	[sflag:s24] =	ssyncset.done $0x0  }
0x361: {  	[sflag:s24] =	ssyncadd.s32 $0xFFFFFF90  }
0x362: {  	_ =	swait.ge [sflag:s24], $0x70  }
0x363: {  	[sflag:s24] =	ssyncset.done $0x0  }
0x364: {  	[sflag:s24] =	ssyncadd.s32 $0xFFFFFF90  }
0x365: {  	_ =	swait.ge [sflag:s24], $0x70  }
0x366: {  	[sflag:s24] =	ssyncset.done $0x0  }
0x367: {  	[sflag:s24] =	ssyncadd.s32 $0xFFFFFF90  }
0x368: {  	_ =	swait.ge [sflag:s24], $0x70  }
0x369: {  	[sflag:s24] =	ssyncset.done $0x0  }
0x36a: {  	[sflag:s24] =	ssyncadd.s32 $0xFFFFFF90  }
0x36b: {  	_ =	swait.ge [sflag:s24], $0x70  }
0x36c: {  	[sflag:s24] =	ssyncset.done $0x0  }
0x36d: {  	[sflag:s24] =	ssyncadd.s32 $0xFFFFFF90  }
0x36e: {  	_ =	swait.ge [sflag:s24], $0x70  }
0x36f: {  	[sflag:s24] =	ssyncset.done $0x0  }
0x370: {  	[sflag:s24] =	ssyncadd.s32 $0xFFFFFF90  }
0x371: {  	_ =	swait.ge [sflag:s24], $0x70  }
0x372: {  	[sflag:s24] =	ssyncset.done $0x0  }
0x373: {  	[sflag:s24] =	ssyncadd.s32 $0xFFFFFF90  }
0x374: {  	_ =	swait.ge [sflag:s24], $0x70  }
0x375: {  	[sflag:s24] =	ssyncset.done $0x0  }
0x376: {  	[sflag:s24] =	ssyncadd.s32 $0xFFFFFF90  }
0x377: {  	_ =	swait.ge [sflag:s24], $0x70  }
0x378: {  	[sflag:s24] =	ssyncset.done $0x0  }
0x379: {  	[sflag:s24] =	ssyncadd.s32 $0xFFFFFF90  }
0x37a: {  	_ =	swait.ge [sflag:s24], $0x70  }
0x37b: {  	[sflag:s24] =	ssyncset.done $0x0  }
0x37c: {  	[sflag:s24] =	ssyncadd.s32 $0xFFFFFF90  }
0x37d: {  	_ =	swait.ge [sflag:s24], $0x70  }
0x37e: {  	[sflag:s24] =	ssyncset.done $0x0  }
0x37f: {  	[sflag:s24] =	ssyncadd.s32 $0xFFFFFF90  }
0x380: {  	v21 =	vld [tilespmem:$0x4EA0];
	_ =	sdelay $0x4  }
0x381: {  	v21 =	vmul.u32 $0x63, v21;
	_ =	sdelay $0x1  }
0x382: {  	v21 =	vadd.s32 $0x63, v21  }
0x383: {  	v22 =	vand.u32 $0xFFFFFFF8, v21  }
0x384: {  	vm4 =	vlt.s32 v22, $0x26A0  }
0x385: {  	v22 =	vnsel vm4, $0x26A0, v22  }
0x386: {  	s26 =	simm.s32 $0x0;
	v21 =	vsub.s32 v21, v22  }
0x387: {  	v16 =	vadd.f32 v20, v16;
	v20 =	vadd.s32 s26, v21  }
0x388: {  	v20 =	vadd.s32 v0, v20  }
0x389: {  	v16 =	vadd.f32 v19, v16;
	_ =	sdelay $0x1  }
0x38a: {  	s28 =	simm.s32 $0x1;
	v16 =	vadd.f32 v18, v16  }
0x38b: {  	v18 =	vld [tilespmem:$0x4EE0];
	v22 =	vadd.s32 s28, v21  }
0x38c: {  	v17 =	vadd.f32 v17, v16;
	v16 =	vimm.f32 $-Inf;
	s26 =	simm.s32 $0x2;
	v19 =	vld.idx.msk [tilespmem:v20+s22+$0x0], $0xffff;
	v20 =	vadd.s32 v0, v22  }
.LBB2_18:
0x38d: {  	p0 =	sne.s32 s26, $0x62  }
.Ltmp8:
0x38e: {  	_ = 	snop;
	(pc) =	sbr.rel @p0 .LBB2_18-.Ltmp8, $3  }
0x38f: {  	_ =	sdelay $0x1  }
0x390: {  	v22 =	vadd.s32 s26, v21;
	s26 =	sadd.s32 $0x1, s26;
	v16 =	vmax.f32 v16, v19;
	v19 =	vld.idx.msk [tilespmem:v20+s22+$0x0], $0xffff  }
0x391: {  	v20 =	vadd.s32 v0, v22  }
0x392: {  	_ =	sdelay $0x3  }
0x393: {  	v20 =	vld.idx.msk [tilespmem:v20+s22+$0x0], $0xffff  }
0x394: {  	s26 =	simm.s32 $0x0  }
0x395: {  	v16 =	vmax.f32 v16, v19;
	v19 =	vadd.s32 s26, v21  }
0x396: {  	v19 =	vadd.s32 v0, v19  }
0x397: {  	s28 =	simm.s32 $0x1  }
0x398: {  	v16 =	vmax.f32 v16, v20;
	v20 =	vadd.s32 s28, v21  }
0x399: {  	v16 =	vmax.f32 v16, $0.0e+00;
	v20 =	vadd.s32 v0, v20  }
0x39a: {  	v22 =	vsub.f32 $0.0e+00, v16  }
0x39b: {  	v19 =	vld.idx.msk [tilespmem:v19+s22+$0x0], $0xffff  }
0x39c: {  	v22 =	vmul.f32 $1.442695020e+00, v22;
	_ =	sdelay $0x1  }
0x39d: {  	(erf) = vpow2.f32 v22;
	v20 =	vld.idx.msk [tilespmem:v20+s22+$0x0], $0xffff;
	_ =	sdelay $0x1  }
0x39e: {  	s28 =	simm.s32 $0x2;
	v19 =	vsub.f32 v19, v16  }
0x39f: {  	v22 =	vadd.s32 s28, v21  }
0x3a0: {  	v22 =	vadd.s32 v0, v22;
	v19 =	vmul.f32 $1.442695020e+00, v19  }
0x3a1: {  	v20 =	vsub.f32 v20, v16  }
0x3a2: {  	(erf) = vpow2.f32 v19  }
0x3a3: {  	s28 =	simm.s32 $0x3;
	v23 =	vmul.f32 $1.442695020e+00, v20  }
0x3a4: {  	v24 =	vadd.s32 s28, v21  }
0x3a5: {  	v20 =	vld.idx.msk [tilespmem:v22+s22+$0x0], $0xffff;
	v22 =	vadd.s32 v0, v24;
	v19 =	vpop (erf);
	(erf) = vpow2.f32 v23;
	_ =	sdelay $0x2  }
0x3a6: {  	s26 =	simm.s32 $0x4  }
.LBB2_20:
0x3a7: {  	p0 =	sne.s32 s26, $0x62  }
.Ltmp9:
0x3a8: {  	v25 =	vadd.s32 s26, v21;
	s26 =	sadd.s32 $0x1, s26;
	v24 =	vsub.f32 v20, v16;
	v20 =	vld.idx.msk [tilespmem:v22+s22+$0x0], $0xffff;
	(pc) =	sbr.rel @p0 .LBB2_20-.Ltmp9, $3  }
0x3a9: {  	v22 =	vadd.s32 v0, v25;
	v23 =	vpop (erf)  }
0x3aa: {  	v24 =	vmul.f32 $1.442695020e+00, v24;
	v19 =	vadd.f32 v23, v19;
	_ =	sdelay $0x1  }
0x3ab: {  	(erf) = vpow2.f32 v24  }
0x3ac: {  	_ =	sdelay $0x3  }
0x3ad: {  	v22 =	vld.idx.msk [tilespmem:v22+s22+$0x0], $0xffff  }
0x3ae: {  	v23 =	vld [tilespmem:$0x4EB0];
	_ =	sdelay $0x1  }
0x3af: {  	v20 =	vsub.f32 v20, v16;
	_ =	sdelay $0x1  }
0x3b0: {  	v20 =	vmul.f32 $1.442695020e+00, v20;
	v22 =	vsub.f32 v22, v16  }
0x3b1: {  	vm4 =	vgt.s32 v18, $0x0;
	v23 =	vmul.u32 $0x63, v23  }
0x3b2: {  	(erf) = vpow2.f32 v20;
	v20 =	vmul.f32 $1.442695020e+00, v22;
	v22 =	vnsel vm4, $0x0, v18  }
0x3b3: {  	vm4 =	vlt.s32 v18, $0x63;
	v18 =	vadd.s32 $0x63, v23;
	v22 =	vmin.u32 v22, $0x63  }
0x3b4: {  	(erf) = vpow2.f32 v20;
	v20 =	vnsel vm4, $0x0, v22;
	v22 =	vand.u32 $0xFFFFFFF8, v18  }
0x3b5: {  	vm5 =	vlt.s32 v22, $0x26A0  }
0x3b6: {  	v20 =	vadd.s32 v20, v21;
	v21 =	vnsel vm5, $0x26A0, v22  }
0x3b7: {  	s26 =	simm.s32 $0x0;
	v23 =	vpop (erf);
	v20 =	vadd.s32 v0, v20;
	v22 =	vsub.s32 v18, v21  }
0x3b8: {  	v18 =	vadd.f32 v23, v19;
	v19 =	vadd.s32 s26, v22  }
0x3b9: {  	v21 =	vpop (erf);
	v24 =	vadd.s32 v1, v19  }
0x3ba: {  	v18 =	vadd.f32 v21, v18  }
0x3bb: {  	v23 =	vld [tilespmem:$0x4EF0];
	v21 =	vpop (erf)  }
0x3bc: {  	s28 =	simm.s32 $0x1;
	v19 =	vld.idx.msk [tilespmem:v20+s22+$0x0], $0xffff;
	v20 =	vadd.f32 v21, v18  }
0x3bd: {  	v25 =	vadd.s32 s28, v22;
	v18 =	vld [tilespmem:$0x40];
	v21 =	vpop (erf)  }
0x3be: {  	s26 =	simm.s32 $0x2;
	v25 =	vadd.s32 v1, v25;
	v21 =	vadd.f32 v21, v20;
	v20 =	vimm.f32 $-Inf;
	v24 =	vld.idx.msk [tilespmem:v24+s22+$0x0], $0xffff  }
.LBB2_22:
0x3bf: {  	p0 =	sne.s32 s26, $0x62  }
.Ltmp10:
0x3c0: {  	_ = 	snop;
	(pc) =	sbr.rel @p0 .LBB2_22-.Ltmp10, $3  }
0x3c1: {  	_ =	sdelay $0x1  }
0x3c2: {  	v26 =	vadd.s32 s26, v22;
	s26 =	sadd.s32 $0x1, s26;
	v20 =	vmax.f32 v20, v24;
	v24 =	vld.idx.msk [tilespmem:v25+s22+$0x0], $0xffff  }
0x3c3: {  	v25 =	vadd.s32 v1, v26  }
0x3c4: {  	_ =	sdelay $0x3  }
0x3c5: {  	v25 =	vld.idx.msk [tilespmem:v25+s22+$0x0], $0xffff  }
0x3c6: {  	s26 =	simm.s32 $0x0  }
0x3c7: {  	v20 =	vmax.f32 v20, v24;
	v24 =	vadd.s32 s26, v22  }
0x3c8: {  	v24 =	vadd.s32 v1, v24  }
0x3c9: {  	s28 =	simm.s32 $0x1  }
0x3ca: {  	v20 =	vmax.f32 v20, v25;
	v25 =	vadd.s32 s28, v22  }
0x3cb: {  	v20 =	vmax.f32 v20, $0.0e+00;
	v25 =	vadd.s32 v1, v25  }
0x3cc: {  	v26 =	vsub.f32 $0.0e+00, v20  }
0x3cd: {  	v24 =	vld.idx.msk [tilespmem:v24+s22+$0x0], $0xffff  }
0x3ce: {  	v26 =	vmul.f32 $1.442695020e+00, v26;
	_ =	sdelay $0x1  }
0x3cf: {  	(erf) = vpow2.f32 v26;
	v25 =	vld.idx.msk [tilespmem:v25+s22+$0x0], $0xffff;
	_ =	sdelay $0x1  }
0x3d0: {  	s28 =	simm.s32 $0x2;
	v24 =	vsub.f32 v24, v20  }
0x3d1: {  	v26 =	vadd.s32 s28, v22  }
0x3d2: {  	v26 =	vadd.s32 v1, v26;
	v24 =	vmul.f32 $1.442695020e+00, v24  }
0x3d3: {  	v25 =	vsub.f32 v25, v20  }
0x3d4: {  	(erf) = vpow2.f32 v24  }
0x3d5: {  	s28 =	simm.s32 $0x3;
	v27 =	vmul.f32 $1.442695020e+00, v25  }
0x3d6: {  	v28 =	vadd.s32 s28, v22  }
0x3d7: {  	v25 =	vld.idx.msk [tilespmem:v26+s22+$0x0], $0xffff;
	v26 =	vadd.s32 v1, v28;
	v24 =	vpop (erf);
	(erf) = vpow2.f32 v27;
	_ =	sdelay $0x2  }
0x3d8: {  	s26 =	simm.s32 $0x4  }
.LBB2_24:
0x3d9: {  	p0 =	sne.s32 s26, $0x62  }
.Ltmp11:
0x3da: {  	v29 =	vadd.s32 s26, v22;
	s26 =	sadd.s32 $0x1, s26;
	v28 =	vsub.f32 v25, v20;
	v25 =	vld.idx.msk [tilespmem:v26+s22+$0x0], $0xffff;
	(pc) =	sbr.rel @p0 .LBB2_24-.Ltmp11, $3  }
0x3db: {  	v26 =	vadd.s32 v1, v29;
	v27 =	vpop (erf)  }
0x3dc: {  	v28 =	vmul.f32 $1.442695020e+00, v28;
	v24 =	vadd.f32 v27, v24;
	_ =	sdelay $0x1  }
0x3dd: {  	(erf) = vpow2.f32 v28  }
0x3de: {  	_ =	sdelay $0x3  }
0x3df: {  	v26 =	vld.idx.msk [tilespmem:v26+s22+$0x0], $0xffff  }
0x3e0: {  	v27 =	vld [tilespmem:$0x4EC0];
	_ =	sdelay $0x1  }
0x3e1: {  	v25 =	vsub.f32 v25, v20;
	_ =	sdelay $0x1  }
0x3e2: {  	v25 =	vmul.f32 $1.442695020e+00, v25;
	v26 =	vsub.f32 v26, v20  }
0x3e3: {  	vm5 =	vgt.s32 v23, $0x0;
	v27 =	vmul.u32 $0x63, v27  }
0x3e4: {  	(erf) = vpow2.f32 v25;
	v25 =	vmul.f32 $1.442695020e+00, v26;
	v26 =	vnsel vm5, $0x0, v23  }
0x3e5: {  	vm5 =	vlt.s32 v23, $0x63;
	v23 =	vadd.s32 $0x63, v27;
	v26 =	vmin.u32 v26, $0x63  }
0x3e6: {  	(erf) = vpow2.f32 v25;
	v25 =	vnsel vm5, $0x0, v26;
	v26 =	vand.u32 $0xFFFFFFF8, v23  }
0x3e7: {  	vm6 =	vlt.s32 v26, $0x26A0  }
0x3e8: {  	v22 =	vadd.s32 v25, v22;
	v25 =	vnsel vm6, $0x26A0, v26  }
0x3e9: {  	s26 =	simm.s32 $0x0;
	v27 =	vpop (erf);
	v22 =	vadd.s32 v1, v22;
	v26 =	vsub.s32 v23, v25  }
0x3ea: {  	v23 =	vadd.f32 v27, v24;
	v24 =	vadd.s32 s26, v26  }
0x3eb: {  	v25 =	vpop (erf);
	v28 =	vadd.s32 v2, v24  }
0x3ec: {  	v24 =	vadd.f32 v25, v23  }
0x3ed: {  	v27 =	vld [tilespmem:$0x4F00];
	v25 =	vpop (erf)  }
0x3ee: {  	s28 =	simm.s32 $0x1;
	v23 =	vld.idx.msk [tilespmem:v22+s22+$0x0], $0xffff;
	v24 =	vadd.f32 v25, v24  }
0x3ef: {  	v29 =	vadd.s32 s28, v26;
	v22 =	vld [tilespmem:$0x50];
	v25 =	vpop (erf)  }
0x3f0: {  	s26 =	simm.s32 $0x2;
	v29 =	vadd.s32 v2, v29;
	v25 =	vadd.f32 v25, v24;
	v24 =	vimm.f32 $-Inf;
	v28 =	vld.idx.msk [tilespmem:v28+s22+$0x0], $0xffff  }
.LBB2_26:
0x3f1: {  	p0 =	sne.s32 s26, $0x62  }
.Ltmp12:
0x3f2: {  	_ = 	snop;
	(pc) =	sbr.rel @p0 .LBB2_26-.Ltmp12, $3  }
0x3f3: {  	_ =	sdelay $0x1  }
0x3f4: {  	v30 =	vadd.s32 s26, v26;
	s26 =	sadd.s32 $0x1, s26;
	v24 =	vmax.f32 v24, v28;
	v28 =	vld.idx.msk [tilespmem:v29+s22+$0x0], $0xffff  }
0x3f5: {  	v29 =	vadd.s32 v2, v30  }
0x3f6: {  	_ =	sdelay $0x3  }
0x3f7: {  	v29 =	vld.idx.msk [tilespmem:v29+s22+$0x0], $0xffff  }
0x3f8: {  	s26 =	simm.s32 $0x0  }
0x3f9: {  	v24 =	vmax.f32 v24, v28;
	v28 =	vadd.s32 s26, v26  }
0x3fa: {  	v28 =	vadd.s32 v2, v28  }
0x3fb: {  	s28 =	simm.s32 $0x1  }
0x3fc: {  	v24 =	vmax.f32 v24, v29;
	v29 =	vadd.s32 s28, v26  }
0x3fd: {  	v24 =	vmax.f32 v24, $0.0e+00;
	v29 =	vadd.s32 v2, v29  }
0x3fe: {  	v30 =	vsub.f32 $0.0e+00, v24  }
0x3ff: {  	v28 =	vld.idx.msk [tilespmem:v28+s22+$0x0], $0xffff  }
0x400: {  	v30 =	vmul.f32 $1.442695020e+00, v30;
	_ =	sdelay $0x1  }
0x401: {  	(erf) = vpow2.f32 v30;
	v29 =	vld.idx.msk [tilespmem:v29+s22+$0x0], $0xffff;
	_ =	sdelay $0x1  }
0x402: {  	s28 =	simm.s32 $0x2;
	v28 =	vsub.f32 v28, v24  }
0x403: {  	v30 =	vadd.s32 s28, v26  }
0x404: {  	v30 =	vadd.s32 v2, v30;
	v28 =	vmul.f32 $1.442695020e+00, v28  }
0x405: {  	v29 =	vsub.f32 v29, v24  }
0x406: {  	(erf) = vpow2.f32 v28  }
0x407: {  	s28 =	simm.s32 $0x3;
	v31 =	vmul.f32 $1.442695020e+00, v29  }
0x408: {  	v32 =	vadd.s32 s28, v26  }
0x409: {  	v28 =	vld.idx.msk [tilespmem:v30+s22+$0x0], $0xffff;
	v30 =	vadd.s32 v2, v32;
	v29 =	vpop (erf);
	(erf) = vpow2.f32 v31;
	_ =	sdelay $0x2  }
0x40a: {  	s26 =	simm.s32 $0x4  }
.LBB2_28:
0x40b: {  	p0 =	sne.s32 s26, $0x62  }
.Ltmp13:
0x40c: {  	v33 =	vadd.s32 s26, v26;
	s26 =	sadd.s32 $0x1, s26;
	v32 =	vsub.f32 v28, v24;
	v28 =	vld.idx.msk [tilespmem:v30+s22+$0x0], $0xffff;
	(pc) =	sbr.rel @p0 .LBB2_28-.Ltmp13, $3  }
0x40d: {  	v30 =	vadd.s32 v2, v33;
	v31 =	vpop (erf)  }
0x40e: {  	v32 =	vmul.f32 $1.442695020e+00, v32;
	v29 =	vadd.f32 v31, v29;
	_ =	sdelay $0x1  }
0x40f: {  	(erf) = vpow2.f32 v32  }
0x410: {  	_ =	sdelay $0x3  }
0x411: {  	v30 =	vld.idx.msk [tilespmem:v30+s22+$0x0], $0xffff  }
0x412: {  	v31 =	vld [tilespmem:$0x4ED0];
	_ =	sdelay $0x1  }
0x413: {  	v28 =	vsub.f32 v28, v24;
	_ =	sdelay $0x1  }
0x414: {  	v28 =	vmul.f32 $1.442695020e+00, v28;
	v30 =	vsub.f32 v30, v24  }
0x415: {  	vm6 =	vgt.s32 v27, $0x0;
	v31 =	vmul.u32 $0x63, v31  }
0x416: {  	(erf) = vpow2.f32 v28;
	v28 =	vmul.f32 $1.442695020e+00, v30;
	v30 =	vnsel vm6, $0x0, v27  }
0x417: {  	vm6 =	vlt.s32 v27, $0x63;
	v27 =	vadd.s32 $0x63, v31;
	v30 =	vmin.u32 v30, $0x63  }
0x418: {  	(erf) = vpow2.f32 v28;
	v28 =	vnsel vm6, $0x0, v30;
	v30 =	vand.u32 $0xFFFFFFF8, v27  }
0x419: {  	v26 =	vadd.s32 v28, v26;
	vm7 =	vlt.s32 v30, $0x26A0  }
0x41a: {  	v26 =	vadd.s32 v2, v26;
	v28 =	vnsel vm7, $0x26A0, v30  }
0x41b: {  	s26 =	simm.s32 $0x0;
	v30 =	vpop (erf);
	v28 =	vsub.s32 v27, v28  }
0x41c: {  	v27 =	vadd.f32 v30, v29;
	v29 =	vadd.s32 s26, v28  }
0x41d: {  	v30 =	vpop (erf);
	v32 =	vadd.s32 v3, v29  }
0x41e: {  	v29 =	vadd.f32 v30, v27  }
0x41f: {  	v30 =	vpop (erf);
	v27 =	vld.idx.msk [tilespmem:v26+s22+$0x0], $0xffff  }
0x420: {  	s28 =	simm.s32 $0x1;
	v26 =	vld [tilespmem:$0x60];
	v29 =	vadd.f32 v30, v29  }
0x421: {  	v33 =	vadd.s32 s28, v28;
	v30 =	vld [tilespmem:$0x4F10];
	v31 =	vpop (erf)  }
0x422: {  	s26 =	simm.s32 $0x2;
	v33 =	vadd.s32 v3, v33;
	v31 =	vadd.f32 v31, v29;
	v29 =	vimm.f32 $-Inf;
	v32 =	vld.idx.msk [tilespmem:v32+s22+$0x0], $0xffff  }
.LBB2_30:
0x423: {  	p0 =	sne.s32 s26, $0x62  }
.Ltmp14:
0x424: {  	_ = 	snop;
	(pc) =	sbr.rel @p0 .LBB2_30-.Ltmp14, $3  }
0x425: {  	_ =	sdelay $0x1  }
0x426: {  	v34 =	vadd.s32 s26, v28;
	s26 =	sadd.s32 $0x1, s26;
	v29 =	vmax.f32 v29, v32;
	v32 =	vld.idx.msk [tilespmem:v33+s22+$0x0], $0xffff  }
0x427: {  	v33 =	vadd.s32 v3, v34  }
0x428: {  	_ =	sdelay $0x3  }
0x429: {  	v33 =	vld.idx.msk [tilespmem:v33+s22+$0x0], $0xffff  }
0x42a: {  	s26 =	simm.s32 $0x0  }
0x42b: {  	v61 =	vadd.s32 s26, v28  }
0x42c: {  	v29 =	vmax.f32 v29, v32;
	v32 =	vadd.s32 v3, v61  }
0x42d: {  	s28 =	simm.s32 $0x1  }
0x42e: {  	v62 =	vadd.s32 s28, v28;
	v29 =	vmax.f32 v29, v33  }
0x42f: {  	v33 =	vadd.s32 v3, v62;
	v29 =	vmax.f32 v29, $0.0e+00  }
0x430: {  	v34 =	vsub.f32 $0.0e+00, v29  }
0x431: {  	v32 =	vld.idx.msk [tilespmem:v32+s22+$0x0], $0xffff  }
0x432: {  	v34 =	vmul.f32 $1.442695020e+00, v34;
	_ =	sdelay $0x1  }
0x433: {  	v33 =	vld.idx.msk [tilespmem:v33+s22+$0x0], $0xffff;
	(erf) = vpow2.f32 v34;
	_ =	sdelay $0x1  }
0x434: {  	s28 =	simm.s32 $0x2;
	v32 =	vsub.f32 v32, v29  }
0x435: {  	v63 =	vadd.s32 s28, v28  }
0x436: {  	v34 =	vadd.s32 v3, v63;
	v32 =	vmul.f32 $1.442695020e+00, v32  }
0x437: {  	v33 =	vsub.f32 v33, v29  }
0x438: {  	(erf) = vpow2.f32 v32  }
0x439: {  	s28 =	simm.s32 $0x3;
	v35 =	vmul.f32 $1.442695020e+00, v33  }
0x43a: {  	v36 =	vadd.s32 s28, v28  }
0x43b: {  	v33 =	vld.idx.msk [tilespmem:v34+s22+$0x0], $0xffff;
	v34 =	vadd.s32 v3, v36;
	v32 =	vpop (erf);
	(erf) = vpow2.f32 v35;
	_ =	sdelay $0x2  }
0x43c: {  	s26 =	simm.s32 $0x4  }
.LBB2_32:
0x43d: {  	p0 =	sne.s32 s26, $0x62  }
.Ltmp15:
0x43e: {  	v37 =	vadd.s32 s26, v28;
	s26 =	sadd.s32 $0x1, s26;
	v36 =	vsub.f32 v33, v29;
	v33 =	vld.idx.msk [tilespmem:v34+s22+$0x0], $0xffff;
	(pc) =	sbr.rel @p0 .LBB2_32-.Ltmp15, $3  }
0x43f: {  	v34 =	vadd.s32 v3, v37;
	v35 =	vpop (erf)  }
0x440: {  	v36 =	vmul.f32 $1.442695020e+00, v36;
	v32 =	vadd.f32 v35, v32;
	_ =	sdelay $0x1  }
0x441: {  	(erf) = vpow2.f32 v36  }
0x442: {  	_ =	sdelay $0x3  }
0x443: {  	v34 =	vld.idx.msk [tilespmem:v34+s22+$0x0], $0xffff;
	_ =	sdelay $0x2  }
0x444: {  	v35 =	vand.u32 $0x7FFFFF, v8  }
0x445: {  	v33 =	vsub.f32 v33, v29;
	v35 =	vor.u32 $0x3F800000, v35  }
0x446: {  	v36 =	vmul.f32 $5.000000000e-01, v35;
	v34 =	vsub.f32 v34, v29  }
0x447: {  	v33 =	vmul.f32 $1.442695020e+00, v33;
	vm9 =	vgt.f32 v35, $1.414213540e+00  }
0x448: {  	v35 =	vsel vm9, v36, v35;
	v34 =	vmul.f32 $1.442695020e+00, v34  }
0x449: {  	(erf) = vpow2.f32 v33;
	v46 =	vadd.f32 $1.000000000e+00, v35  }
0x44a: {  	(erf) = vpow2.f32 v34  }
0x44b: {  	(erf) = vrcp.f32 v46;
	_ =	sdelay $0x1  }
0x44c: {  	v47 =	vand.u32 $0x7FFFFF, v10  }
0x44d: {  	v33 =	vor.u32 $0x3F800000, v47  }
0x44e: {  	v49 =	vmul.f32 $5.000000000e-01, v33  }
0x44f: {  	v48 =	vpop (erf);
	vm7 =	vgt.f32 v33, $1.414213540e+00  }
0x450: {  	v33 =	vsel vm7, v49, v33;
	v37 =	vpop (erf)  }
0x451: {  	v39 =	vadd.f32 $1.000000000e+00, v33;
	v38 =	vpop (erf)  }
0x452: {  	v35 =	vadd.f32 $-1.000000000e+00, v35;
	v50 =	vpop (erf)  }
0x453: {  	v52 =	vand.u32 $0x7FFFFF, v15;
	(erf) = vrcp.f32 v39;
	v40 =	vpop (erf)  }
0x454: {  	v57 =	vnsel vm0, $0x0, v7;
	v58 =	vshrl.u32 v8, $0x17;
	v35 =	vmul.f32 v40, v35  }
0x455: {  	v61 =	vand.u32 $0x7FFFFF, v17;
	v11 =	vnsel vm1, $0x0, v11;
	v40 =	vor.u32 $0x3F800000, v52  }
0x456: {  	v14 =	vnsel vm3, $0x0, v14;
	v42 =	vmul.f32 $5.000000000e-01, v40;
	v51 =	vmul.f32 v35, v35  }
0x457: {  	vm14 =	vgt.s32 v30, $0x0;
	vm15 =	vlt.s32 v30, $0x63;
	vm8 =	vgt.f32 v40, $1.414213540e+00  }
0x458: {  	v32 =	vadd.f32 v48, v32;
	v40 =	vsel vm8, v42, v40;
	v41 =	vmul.f32 $2.857142980e-01, v51  }
0x459: {  	v62 =	vor.u32 $0x3F800000, v61;
	v55 =	vsel vm9, $0xFFFFFF82, v4;
	v42 =	vadd.f32 $1.000000000e+00, v40  }
0x45a: {  	v44 =	vmul.f32 $5.000000000e-01, v62;
	v8 =	vadd.s32 v58, v55;
	v41 =	vadd.f32 $4.000000060e-01, v41  }
0x45b: {  	vm9 =	vgt.f32 v62, $1.414213540e+00;
	v33 =	vadd.f32 $-1.000000000e+00, v33;
	(erf) = vrcp.f32 v42  }
0x45c: {  	v47 =	vand.u32 $0x7FFFFF, v21;
	v8 =	vcvt.s32.f32 v8;
	v53 =	vpop (erf);
	v41 =	vmul.f32 v41, v51  }
0x45d: {  	v32 =	vadd.f32 v37, v32;
	v37 =	vor.u32 $0x3F800000, v47;
	v33 =	vmul.f32 v53, v33  }
0x45e: {  	v45 =	vsel vm7, $0xFFFFFF82, v4;
	v49 =	vmul.f32 $5.000000000e-01, v37;
	v54 =	vadd.f32 $6.666666860e-01, v41  }
0x45f: {  	vm10 =	vgt.f32 v37, $1.414213540e+00;
	v7 =	vadd.f32 v38, v32;
	v56 =	vmul.f32 v33, v33  }
0x460: {  	v8 =	vmul.f32 $6.931471820e-01, v8;
	v37 =	vsel vm10, v49, v37;
	v34 =	vmul.f32 v54, v51  }
0x461: {  	v7 =	vadd.f32 v50, v7;
	v53 =	vadd.f32 $1.000000000e+00, v37;
	v60 =	vmul.f32 $2.857142980e-01, v56  }
0x462: {  	v52 =	vshrl.u32 v10, $0x17;
	v37 =	vadd.f32 $-1.000000000e+00, v37;
	v59 =	vadd.f32 $2.000000000e+00, v34  }
0x463: {  	v63 =	vadd.f32 $-1.000000000e+00, v40;
	v54 =	vand.u32 $0x7FFFFF, v25;
	v34 =	vadd.f32 $4.000000060e-01, v60  }
0x464: {  	v10 =	vor.u32 $0x3F800000, v54;
	v46 =	vpop (erf);
	v32 =	vmul.f32 v59, v35;
	v35 =	vsel vm9, v44, v62  }
0x465: {  	v34 =	vmul.f32 v34, v56;
	v36 =	vmul.f32 v46, v63;
	v48 =	vadd.f32 $1.000000000e+00, v35  }
0x466: {  	vm11 =	vgt.f32 v10, $1.414213540e+00;
	v59 =	vshrl.u32 v15, $0x17;
	v62 =	vand.u32 $0x7FFFFF, v31  }
0x467: {  	v34 =	vadd.f32 $6.666666860e-01, v34;
	v40 =	vmul.f32 v36, v36;
	(erf) = vrcp.f32 v48  }
0x468: {  	v58 =	vadd.f32 $-1.000000000e+00, v35;
	v8 =	vadd.f32 v32, v8;
	v48 =	vand.u32 $0x7FFFFF, v7  }
0x469: {  	v7 =	vshrl.u32 v7, $0x17;
	v50 =	vmul.f32 v34, v56;
	v51 =	vmul.f32 $2.857142980e-01, v40  }
0x46a: {  	v5 =	vadd.f32 v8, v5;
	v8 =	vadd.s32 v52, v45;
	(erf) = vrcp.f32 v53  }
0x46b: {  	v56 =	vmul.f32 $5.000000000e-01, v10;
	v38 =	vor.u32 $0x3F800000, v48;
	v8 =	vcvt.s32.f32 v8  }
0x46c: {  	vm13 =	vgt.f32 v38, $1.414213540e+00;
	v32 =	vadd.f32 $2.000000000e+00, v50;
	v34 =	vadd.f32 $4.000000060e-01, v51  }
0x46d: {  	v5 =	vsub.f32 v5, v57;
	v57 =	vsel vm8, $0xFFFFFF82, v4;
	v10 =	vsel vm11, v56, v10  }
0x46e: {  	v50 =	vmul.f32 $5.000000000e-01, v38;
	v51 =	vsel vm9, $0xFFFFFF82, v4;
	v61 =	vadd.f32 $1.000000000e+00, v10  }
0x46f: {  	v8 =	vmul.f32 $6.931471820e-01, v8;
	v15 =	vadd.s32 v59, v57;
	v55 =	vmul.f32 v34, v40  }
0x470: {  	v32 =	vmul.f32 v32, v33;
	v34 =	vor.u32 $0x3F800000, v62;
	v60 =	vpop (erf);
	(erf) = vrcp.f32 v61  }
0x471: {  	v15 =	vcvt.s32.f32 v15;
	v44 =	vmul.f32 $5.000000000e-01, v34;
	v33 =	vadd.f32 $6.666666860e-01, v55  }
0x472: {  	v10 =	vadd.f32 $-1.000000000e+00, v10;
	vm12 =	vgt.f32 v34, $1.414213540e+00;
	v8 =	vadd.f32 v32, v8  }
0x473: {  	v15 =	vmul.f32 $6.931471820e-01, v15;
	v34 =	vsel vm12, v44, v34;
	v33 =	vmul.f32 v33, v40  }
0x474: {  	v47 =	vadd.f32 $1.000000000e+00, v34;
	v6 =	vadd.f32 v8, v6;
	v32 =	vmul.f32 v60, v58  }
0x475: {  	v8 =	vsel vm13, v50, v38;
	v34 =	vadd.f32 $-1.000000000e+00, v34;
	v33 =	vadd.f32 $2.000000000e+00, v33  }
0x476: {  	v40 =	vsel vm10, $0xFFFFFF82, v4;
	v45 =	vpop (erf);
	(erf) = vrcp.f32 v47;
	v63 =	vmul.f32 v32, v32  }
0x477: {  	v55 =	vadd.f32 $1.000000000e+00, v8;
	v33 =	vmul.f32 v33, v36;
	v36 =	vmul.f32 v45, v37  }
0x478: {  	v58 =	vshrl.u32 v17, $0x17;
	v8 =	vadd.f32 $-1.000000000e+00, v8;
	v46 =	vmul.f32 $2.857142980e-01, v63  }
0x479: {  	v6 =	vsub.f32 v6, v11;
	v49 =	vmul.f32 v36, v36;
	v54 =	vpop (erf);
	(erf) = vrcp.f32 v55  }
0x47a: {  	v60 =	vadd.s32 v58, v51;
	v51 =	vshrl.u32 v31, $0x17;
	v39 =	vadd.f32 $4.000000060e-01, v46  }
0x47b: {  	v45 =	vshrl.u32 v25, $0x17;
	v15 =	vadd.f32 v33, v15;
	v52 =	vmul.f32 $2.857142980e-01, v49  }
0x47c: {  	v46 =	vsel vm11, $0xFFFFFF82, v4;
	v39 =	vmul.f32 v39, v63;
	v10 =	vmul.f32 v54, v10  }
0x47d: {  	v9 =	vadd.f32 v15, v9;
	v15 =	vcvt.s32.f32 v60;
	v25 =	vadd.s32 v45, v46  }
0x47e: {  	v25 =	vcvt.s32.f32 v25;
	v53 =	vadd.f32 $6.666666860e-01, v39;
	v59 =	vmul.f32 v10, v10  }
0x47f: {  	v55 =	vsel vm13, $0xFFFFFF82, v4;
	v56 =	vadd.f32 $4.000000060e-01, v52;
	v15 =	vmul.f32 $6.931471820e-01, v15  }
0x480: {  	v9 =	vsub.f32 v9, v14;
	v37 =	vpop (erf);
	v57 =	vmul.f32 v53, v63;
	v62 =	vmul.f32 $2.857142980e-01, v59  }
0x481: {  	v54 =	vnsel vm14, $0x0, v30;
	v7 =	vadd.s32 v7, v55;
	v17 =	vmul.f32 v37, v34  }
0x482: {  	v11 =	vmul.f32 v56, v49;
	v61 =	vadd.f32 $2.000000000e+00, v57;
	v38 =	vadd.f32 $4.000000060e-01, v62;
	v44 =	vpop (erf)  }
0x483: {  	v39 =	vshrl.u32 v21, $0x17;
	v34 =	vmul.f32 v17, v17;
	v8 =	vmul.f32 v44, v8  }
0x484: {  	v11 =	vadd.f32 $6.666666860e-01, v11;
	v63 =	vmul.f32 v61, v32;
	v32 =	vmul.f32 v38, v59  }
0x485: {  	v41 =	vadd.s32 v39, v40;
	v43 =	vmul.f32 $2.857142980e-01, v34;
	v47 =	vmul.f32 v8, v8  }
0x486: {  	v53 =	vsel vm12, $0xFFFFFF82, v4;
	v11 =	vmul.f32 v11, v49;
	v42 =	vadd.f32 $6.666666860e-01, v32  }
0x487: {  	v14 =	vadd.f32 v63, v15;
	v32 =	vadd.f32 $4.000000060e-01, v43;
	v48 =	vmul.f32 $2.857142980e-01, v47  }
0x488: {  	v11 =	vadd.f32 $2.000000000e+00, v11;
	v15 =	vcvt.s32.f32 v41;
	v21 =	vmul.f32 v42, v59  }
0x489: {  	v12 =	vadd.f32 v14, v12;
	v32 =	vmul.f32 v32, v34;
	v14 =	vadd.f32 $4.000000060e-01, v48  }
0x48a: {  	v11 =	vmul.f32 v11, v36;
	v15 =	vmul.f32 $6.931471820e-01, v15;
	v21 =	vadd.f32 $2.000000000e+00, v21  }
0x48b: {  	v49 =	vmul.f32 $6.931471820e-01, v25;
	v50 =	vadd.f32 $6.666666860e-01, v32;
	v14 =	vmul.f32 v14, v47  }
0x48c: {  	v11 =	vadd.f32 v11, v15;
	v15 =	vadd.s32 v51, v53;
	v10 =	vmul.f32 v21, v10  }
0x48d: {  	v52 =	vmul.f32 v50, v34;
	v21 =	vmin.u32 v54, $0x63;
	v14 =	vadd.f32 $6.666666860e-01, v14  }
0x48e: {  	v15 =	vcvt.s32.f32 v15;
	v11 =	vadd.f32 v11, v16;
	v21 =	vnsel vm15, $0x0, v21  }
0x48f: {  	v16 =	vadd.f32 $2.000000000e+00, v52;
	v21 =	vadd.s32 v21, v28;
	v14 =	vmul.f32 v14, v47  }
0x490: {  	v7 =	vcvt.s32.f32 v7;
	v10 =	vadd.f32 v10, v49;
	v56 =	vadd.s32 v3, v21  }
0x491: {  	v15 =	vmul.f32 $6.931471820e-01, v15;
	v16 =	vmul.f32 v16, v17;
	v14 =	vadd.f32 $2.000000000e+00, v14  }
0x492: {  	v19 =	vnsel vm4, $0x0, v19;
	v5 =	vadd.f32 v11, v5;
	v10 =	vadd.f32 v10, v20  }
0x493: {  	v7 =	vmul.f32 $6.931471820e-01, v7;
	v57 =	vadd.f32 v16, v15;
	v8 =	vmul.f32 v14, v8  }
0x494: {  	v13 =	vnsel vm2, $0x0, v13;
	v5 =	vsub.f32 v5, v19;
	v6 =	vadd.f32 v10, v6  }
0x495: {  	v58 =	vnsel vm5, $0x0, v23;
	v11 =	vadd.f32 v57, v24;
	v59 =	vld.idx.msk [tilespmem:v56+s22+$0x0], $0xffff;
	v7 =	vadd.f32 v8, v7  }
0x496: {  	v12 =	vsub.f32 v12, v13;
	v5 =	vmul.f32 v5, v18;
	v6 =	vsub.f32 v6, v58  }
0x497: {  	v9 =	vadd.f32 v11, v9;
	v7 =	vadd.f32 v7, v29  }
0x498: {  	v60 =	vnsel vm6, $0x0, v27;
	v61 =	vld [tilespmem:$0x70];
	v5 =	vadd.f32 $0.0e+00, v5  }
0x499: {  	v6 =	vmul.f32 v6, v22;
	v9 =	vsub.f32 v9, v60;
	v7 =	vadd.f32 v7, v12  }
0x49a: {  	v62 =	vadd.f32 $0.0e+00, v18;
	v8 =	vnsel vm15, $0x0, v59  }
0x49b: {  	v5 =	vadd.f32 v6, v5;
	v6 =	vmul.f32 v9, v26;
	v7 =	vsub.f32 v7, v8  }
0x49c: {  	v63 =	vadd.f32 v22, v62  }
0x49d: {  	v5 =	vadd.f32 v6, v5;
	v6 =	vmul.f32 v7, v61  }
0x49e: {  	v7 =	vadd.f32 v26, v63  }
0x49f: {  	v5 =	vadd.f32 v6, v5  }
0x4a0: {  	v6 =	vadd.f32 v61, v7  }
0x4a1: {  	[tilespmem:$0x8720] =	vst v5  }
0x4a2: {  	s26 =	rddreg [dreg:$0x14];
	s28 =	simm.s32 $0x8720;
	[tilespmem:$0x8730] =	vst v6  }
0x4a3: {  	[hbm4b:s26+s2] =	stream.linear.scatter [tilespmem:s28], [sflag:$0x3], $0x10, $0x38;
	[tilespmem:$0x8740] =	vst v63  }
0x4a4: {  	_ =	swait.ge [sflag:s20], $0x10  }
0x4a5: {  	[sflag:s20] =	ssyncset.done $0x0  }
0x4a6: {  	s28 =	simm.s32 $0x8730;
	s26 =	rddreg [dreg:$0x15];
	[sflag:s20] =	ssyncadd.s32 $0xFFFFFFF0  }
0x4a7: {  	[hbm4b:s26+s2] =	stream.linear.scatter [tilespmem:s28], [sflag:$0x3], $0x10, $0x38;
	[tilespmem:$0x8740] =	vst v63  }
0x4a8: {  	_ =	swait.ge [sflag:s20], $0x10  }
0x4a9: {  	s25 =	sadd.s32 $0x1, s25;
	s28 =	rddreg [dreg:$0x16]  }
0x4aa: {  	p0 =	sne.s32 s25, s28  }
.Ltmp16:
0x4ab: {  	_ = 	snop;
	(pc) =	sbr.rel @p0 .LBB2_1-.Ltmp16, $3  }
0x4ac: {  	_ =	sdelay $0x1  }
0x4ad: {  	[sflag:s20] =	ssyncset.done $0x0  }
0x4ae: {  	[sflag:s20] =	ssyncadd.s32 $0xFFFFFFF0  }
0x4af: {  	_ =	sfence.sel $0x180000  }
0x4b0: {  	[bflag:$0x0] =	sbarrier.arrive $0xFFFF  }
0x4b1: {  	_ =	strace $0x90000047  }
0x4b2: {  	s0 =	stileid.u32;
	[bflag:$0x2] =	sbarrier.arrive $0xFFFF  }
0x4b3: {  	p0 =	sne.s32 s0, $0x0;
	s0 =	rddreg [dreg:$0x1]  }
0x4b4: {  	s0 =	sadd.s32 @!p0 $0x100000, s0  }
0x4b5: {  	[sflag:s0] =	ssyncadd.tile.s32 @!p0 $0x1;
	_ =	shalt  }
.Lfunc_end2:
_tile_overlayer_lowered:
.L_overlay_start_2:
0x4b6: {  	(tag) =	ssettag $0x2  }
0x4b7: {  	s0 =	rddreg [dreg:$0x0];
	s2 =	stileid.u32  }
0x4b8: {  	s1 =	rddreg [dreg:$0x1];
	p0 =	sne.s32 s2, $0x0  }
0x4b9: {  	s3 =	rddreg [dreg:$0x2];
	[bflag:$0x3] =	sbarrier.arrive $0xFFFF;
	s2 =	simm.s32 @!p0 $0x1C03  }
0x4ba: {  	[timem:s3], [sflag:s2] =	dma.local @!p0 [hbm:s0], s1  }
0x4bb: {  	s0 =	simm.s32 @!p0 $0x3  }
0x4bc: {  	_ =	swait.ge @!p0 [sflag:s0], s1  }
0x4bd: {  	s1 =	ssub.s32 @!p0 $0x0, s1;
	[sflag:s0] =	ssyncset.done @!p0 $0x0  }
0x4be: {  	[sflag:s0] =	ssyncadd.s32 @!p0 s1  }
0x4bf: {  	[bflag:$0x3] =	sbarrier.arrive $0xFFFF  }
0x4c0: {  	_ =	shalt  }

</sc_bundles>
